<compile_context>
chip_gen: v7x
topology: tpu7x:2x2x1
jax: 0.10.2.dev20260603
libtpu: 0.0.44.dev20260713+nightly
codegen_flags: <defaults>
</compile_context>

<pallas_src>
import jax
import jax.numpy as jnp
from jax import lax
from jax.experimental import pallas as pl
from jax.experimental.pallas import tpu as pltpu
from jax.experimental.pallas import tpu_sc as plsc

VOCAB = 100000
DIM = 128
B = 4096
CTX = 20
NEG = 20

NC = 2
NS = 16
NW = NC * NS
EPW = B // NW
NCH = DIM // 16
BB = 4
NBLK = EPW // BB


NSC = NEG + 1


def _sc_scores_body(ctx_idx_h, neg_idx_h, pos_idx_h, in_emb_h, out_emb_h,
                    scores_h,
                    ctx_idx_v, neg_idx_v, pos_idx_v,
                    pos_rows_v, ctx_rows_v, neg_rows_v,
                    scores_v,
                    sem_pos, sem_c0, sem_c1, sem_n0, sem_n1):
    wid = lax.axis_index("s") * NC + lax.axis_index("c")
    base = wid * EPW

    pltpu.sync_copy(ctx_idx_h.at[pl.ds(base * CTX, EPW * CTX)], ctx_idx_v)
    pltpu.sync_copy(neg_idx_h.at[pl.ds(base * NEG, EPW * NEG)], neg_idx_v)
    pltpu.sync_copy(pos_idx_h.at[pl.ds(base, EPW)], pos_idx_v)

    pos_cp = pltpu.async_copy(out_emb_h.at[pos_idx_v], pos_rows_v, sem_pos)

    sems_c = (sem_c0, sem_c1)
    sems_n = (sem_n0, sem_n1)

    def issue(blk, b):
        pltpu.async_copy(
            in_emb_h.at[ctx_idx_v.at[pl.ds(blk * BB * CTX, BB * CTX)]],
            ctx_rows_v.at[b], sems_c[b])
        pltpu.async_copy(
            out_emb_h.at[neg_idx_v.at[pl.ds(blk * BB * NEG, BB * NEG)]],
            neg_rows_v.at[b], sems_n[b])

    issue(0, 0)
    issue(1, 1)
    pos_cp.wait()

    def step(blk, b):
        pltpu.make_async_copy(
            in_emb_h.at[ctx_idx_v.at[pl.ds(blk * BB * CTX, BB * CTX)]],
            ctx_rows_v.at[b], sems_c[b]).wait()

        pltpu.make_async_copy(
            out_emb_h.at[neg_idx_v.at[pl.ds(blk * BB * NEG, BB * NEG)]],
            neg_rows_v.at[b], sems_n[b]).wait()

        def tree_dot(ctx_vec, prods):
            prods = [ctx_vec[c] * prods[c] for c in range(NCH)]
            while len(prods) > 1:
                prods = [prods[i] + prods[i + 1]
                         for i in range(0, len(prods), 2)]
            return prods[0]

        for le in range(BB):
            e = blk * BB + le
            r0 = le * CTX
            s0 = e * (NEG + 1)

            def ctx_acc(j, acc):
                return tuple(acc[c] + ctx_rows_v[b, r0 + j, pl.ds(c * 16, 16)]
                             for c in range(NCH))

            zeros = tuple(jnp.zeros((16,), jnp.float32) for _ in range(NCH))
            ctx_vec = lax.fori_loop(0, CTX, ctx_acc, zeros, unroll=5)

            scores_v[s0, :] = tree_dot(
                ctx_vec,
                [pos_rows_v[e, pl.ds(c * 16, 16)] for c in range(NCH)])

            ctx_neg = tuple(-a for a in ctx_vec)

            def score(j, prev):
                row = tuple(neg_rows_v[b, r0 + j, pl.ds(c * 16, 16)]
                            for c in range(NCH))
                scores_v[s0 + j, :] = tree_dot(ctx_neg, prev)
                return row

            row0 = tuple(neg_rows_v[b, r0, pl.ds(c * 16, 16)]
                         for c in range(NCH))
            last = lax.fori_loop(1, NEG, score, row0)
            scores_v[s0 + NEG, :] = tree_dot(ctx_neg, last)

        @pl.when(blk + 2 < NBLK)
        def _():
            issue(blk + 2, b)

    def outer(g, carry):
        step(2 * g, 0)
        step(2 * g + 1, 1)
        return carry

    lax.fori_loop(0, NBLK // 2, outer, 0)

    pltpu.sync_copy(scores_v, scores_h.at[pl.ds(base * NSC, EPW * NSC), :])


def _sc_scores(ctx_idx, neg_idx, pos_idx, in_emb, out_emb):
    mesh = plsc.VectorSubcoreMesh(core_axis_name="c", subcore_axis_name="s",
                                  num_cores=NC, num_subcores=NS)
    return pl.kernel(
        _sc_scores_body,
        out_type=jax.ShapeDtypeStruct((B * NSC, 16), jnp.float32),
        mesh=mesh,
        compiler_params=pltpu.CompilerParams(needs_layout_passes=False,
                                             use_tc_tiling_on_sc=False),
        scratch_types=[
            pltpu.VMEM((EPW * CTX,), jnp.int32),
            pltpu.VMEM((EPW * NEG,), jnp.int32),
            pltpu.VMEM((EPW,), jnp.int32),
            pltpu.VMEM((EPW, DIM), jnp.float32),
            pltpu.VMEM((2, BB * CTX, DIM), jnp.float32),
            pltpu.VMEM((2, BB * NEG, DIM), jnp.float32),
            pltpu.VMEM((EPW * NSC, 16), jnp.float32),
            pltpu.SemaphoreType.DMA,
            pltpu.SemaphoreType.DMA,
            pltpu.SemaphoreType.DMA,
            pltpu.SemaphoreType.DMA,
            pltpu.SemaphoreType.DMA,
        ],
    )(ctx_idx, neg_idx, pos_idx, in_emb, out_emb)


def _loss_body(part_ref, out_ref):
    rows = lax.broadcasted_iota(jnp.int32, (DIM, 8), 0)
    cols = lax.broadcasted_iota(jnp.int32, (DIM, 8), 1)
    sel = jnp.where(rows // 16 == cols, jnp.float32(1.0 / CTX),
                    jnp.float32(0.0))
    dots = lax.dot_general(part_ref[:], sel, (((1,), (0,)), ((), ())),
                           preferred_element_type=jnp.float32)
    ls = jnp.minimum(dots, 0.0) - jnp.log1p(jnp.exp(-jnp.abs(dots)))
    out_ref[0, 0] = -jnp.sum(ls) * jnp.float32(1.0 / B)


def _loss_tc(score_part):
    out = pl.pallas_call(
        _loss_body,
        out_shape=jax.ShapeDtypeStruct((1, 1), jnp.float32),
        out_specs=pl.BlockSpec(memory_space=pltpu.SMEM),
    )(score_part.reshape(B * NSC * 16 // DIM, DIM))
    return out[0, 0]


def kernel(input_ids, context_ids, negative_ids, in_emb, out_emb):
    ctx_idx = context_ids.astype(jnp.int32).reshape(B * CTX)
    neg_idx = negative_ids.astype(jnp.int32).reshape(B * NEG)
    pos_idx = input_ids.astype(jnp.int32)
    score_part = _sc_scores(ctx_idx, neg_idx, pos_idx, in_emb, out_emb)
    return _loss_tc(score_part)

# --- scband reference (transcript-rebuilt; emitter-appended) ---
"""Pipeline reference for scband-word2-vec-model-80006650790240 (READ-ONLY COPY).

The authoritative reference and input builder live on the scoring server;
editing this copy changes nothing except your own understanding.
"""

import jax, jax.numpy as jnp
import numpy as np

VOCAB = 100000
DIM = 128
B = 4096
CTX = 20
NEG = 20


def setup_inputs(seed: int = 0) -> dict:
    key = jax.random.key(seed)
    k1, k2, k3, k4, k5 = jax.random.split(key, 5)
    input_ids = jax.random.randint(k1, (B,), 0, VOCAB, dtype=jnp.int64 if jax.config.jax_enable_x64 else jnp.int32)
    context_ids = jax.random.randint(k2, (B, CTX), 0, VOCAB, dtype=jnp.int64 if jax.config.jax_enable_x64 else jnp.int32)
    negative_ids = jax.random.randint(k3, (B, NEG), 0, VOCAB, dtype=jnp.int64 if jax.config.jax_enable_x64 else jnp.int32)
    initrange = 0.5 / DIM
    in_emb = jax.random.uniform(k4, (VOCAB, DIM), dtype=jnp.float32, minval=-initrange, maxval=initrange)
    # torch init sets out_embeddings to zeros; use small random values so gradients/scores are nontrivial
    out_emb = jax.random.uniform(k5, (VOCAB, DIM), dtype=jnp.float32, minval=-initrange, maxval=initrange)
    return {"input_ids": input_ids, "context_ids": context_ids, "negative_ids": negative_ids, "in_emb": in_emb, "out_emb": out_emb}


def reference(input_ids, context_ids, negative_ids, in_emb, out_emb):
    # CBOW context embedding: gather + mean over context window
    context_embeds = jnp.take(in_emb, context_ids, axis=0)  # [B, CTX, D]
    context_embeds = jnp.mean(context_embeds, axis=1)       # [B, D]
    # positive score
    pos_output = jnp.take(out_emb, input_ids, axis=0)        # [B, D]
    pos_score = jnp.sum(context_embeds * pos_output, axis=1)  # [B]
    pos_score = jax.nn.log_sigmoid(pos_score)
    # negative sampling score
    neg_output = jnp.take(out_emb, negative_ids, axis=0)      # [B, NEG, D]
    neg_score = jnp.einsum('bnd,bd->bn', neg_output, context_embeds)  # [B, NEG]
    neg_score = jnp.sum(jax.nn.log_sigmoid(-neg_score), axis=1)        # [B]
    return -jnp.mean(pos_score + neg_score)

if __name__ == "__main__":
    import jax
    _d = setup_inputs()
    print(jax.jit(kernel)(*tuple(_d.values())))

</pallas_src>

<mosaic_0001>
#map = affine_map<(d0, d1) -> (0)>
#map1 = affine_map<(d0, d1) -> (0, 0)>
module attributes {stable_mosaic.version = 14 : i64} {
  func.func @_sc_scores_body(%arg0: i32, %arg1: i32, %arg2: memref<81920xi32, #tpu.memory_space<hbm>>, %arg3: memref<81920xi32, #tpu.memory_space<hbm>>, %arg4: memref<4096xi32, #tpu.memory_space<hbm>>, %arg5: memref<100000x128xf32, #tpu.memory_space<hbm>>, %arg6: memref<100000x128xf32, #tpu.memory_space<hbm>>, %arg7: memref<86016x16xf32, #tpu.memory_space<hbm>>, %arg8: memref<2560xi32, #tpu.memory_space<vmem>>, %arg9: memref<2560xi32, #tpu.memory_space<vmem>>, %arg10: memref<128xi32, #tpu.memory_space<vmem>>, %arg11: memref<128x128xf32, #tpu.memory_space<vmem>>, %arg12: memref<2x80x128xf32, #tpu.memory_space<vmem>>, %arg13: memref<2x80x128xf32, #tpu.memory_space<vmem>>, %arg14: memref<2688x16xf32, #tpu.memory_space<vmem>>, %arg15: memref<!tpu.dma_semaphore, #tpu.memory_space<semaphore_mem>>, %arg16: memref<!tpu.dma_semaphore, #tpu.memory_space<semaphore_mem>>, %arg17: memref<!tpu.dma_semaphore, #tpu.memory_space<semaphore_mem>>, %arg18: memref<!tpu.dma_semaphore, #tpu.memory_space<semaphore_mem>>, %arg19: memref<!tpu.dma_semaphore, #tpu.memory_space<semaphore_mem>>) attributes {dimension_semantics = [#tpu.dimension_semantics<core_parallel>, #tpu.dimension_semantics<subcore_parallel>], iteration_bounds = array<i64: 2, 16>, scalar_prefetch = 0 : i64, scratch_operands = 12 : i64, tpu.core_type = #tpu.core_type<sc_vector_subcore>, window_params = [{transform_indices = #map}, {transform_indices = #map}, {transform_indices = #map}, {transform_indices = #map1}, {transform_indices = #map1}, {transform_indices = #map1}]} {
    %mul3A = arith.constant 2 : i32
    %mul3A_0 = arith.muli %arg1, %mul3A : i32
    %add3A = arith.addi %mul3A_0, %arg0 : i32
    %mul3A_1 = arith.constant 128 : i32
    %mul3A_2 = arith.muli %add3A, %mul3A_1 : i32
    %mul3A_3 = arith.constant 20 : i32
    %mul3A_4 = arith.muli %mul3A_2, %mul3A_3 : i32
    "tpu.region"() ({
      %run_scoped3A = tpu.sem_alloc : memref<!tpu.dma_semaphore, #tpu.memory_space<semaphore_mem>>
      %dma_start3A_58 = tpu.memref_slice %arg2[%mul3A_4] : memref<81920xi32, #tpu.memory_space<hbm>> -> memref<2560xi32, #tpu.memory_space<hbm>>
      %dma_start3A_59 = tpu.memref_slice %arg2[%mul3A_4] : memref<81920xi32, #tpu.memory_space<hbm>> -> memref<2560xi32, #tpu.memory_space<hbm>>
      tpu.enqueue_dma source(%dma_start3A_59 : memref<2560xi32, #tpu.memory_space<hbm>>) target(%arg8 : memref<2560xi32, #tpu.memory_space<vmem>>) target_semaphore(%run_scoped3A : memref<!tpu.dma_semaphore, #tpu.memory_space<semaphore_mem>>)
      %dma_wait3A_60 = tpu.memref_slice %arg2[%mul3A_4] : memref<81920xi32, #tpu.memory_space<hbm>> -> memref<2560xi32, #tpu.memory_space<hbm>>
      %dma_wait3A_61 = tpu.memref_slice %arg2[%mul3A_4] : memref<81920xi32, #tpu.memory_space<hbm>> -> memref<2560xi32, #tpu.memory_space<hbm>>
      tpu.wait_dma2 semaphore(%run_scoped3A : memref<!tpu.dma_semaphore, #tpu.memory_space<semaphore_mem>>) src(%dma_wait3A_61 : memref<2560xi32, #tpu.memory_space<hbm>>) dst(%arg8 : memref<2560xi32, #tpu.memory_space<vmem>>)
      tpu.yield
    }) : () -> ()
    %mul3A_5 = arith.constant 20 : i32
    %mul3A_6 = arith.muli %mul3A_2, %mul3A_5 : i32
    "tpu.region"() ({
      %run_scoped3A = tpu.sem_alloc : memref<!tpu.dma_semaphore, #tpu.memory_space<semaphore_mem>>
      %dma_start3A_58 = tpu.memref_slice %arg3[%mul3A_6] : memref<81920xi32, #tpu.memory_space<hbm>> -> memref<2560xi32, #tpu.memory_space<hbm>>
      %dma_start3A_59 = tpu.memref_slice %arg3[%mul3A_6] : memref<81920xi32, #tpu.memory_space<hbm>> -> memref<2560xi32, #tpu.memory_space<hbm>>
      tpu.enqueue_dma source(%dma_start3A_59 : memref<2560xi32, #tpu.memory_space<hbm>>) target(%arg9 : memref<2560xi32, #tpu.memory_space<vmem>>) target_semaphore(%run_scoped3A : memref<!tpu.dma_semaphore, #tpu.memory_space<semaphore_mem>>)
      %dma_wait3A_60 = tpu.memref_slice %arg3[%mul3A_6] : memref<81920xi32, #tpu.memory_space<hbm>> -> memref<2560xi32, #tpu.memory_space<hbm>>
      %dma_wait3A_61 = tpu.memref_slice %arg3[%mul3A_6] : memref<81920xi32, #tpu.memory_space<hbm>> -> memref<2560xi32, #tpu.memory_space<hbm>>
      tpu.wait_dma2 semaphore(%run_scoped3A : memref<!tpu.dma_semaphore, #tpu.memory_space<semaphore_mem>>) src(%dma_wait3A_61 : memref<2560xi32, #tpu.memory_space<hbm>>) dst(%arg9 : memref<2560xi32, #tpu.memory_space<vmem>>)
      tpu.yield
    }) : () -> ()
    "tpu.region"() ({
      %run_scoped3A = tpu.sem_alloc : memref<!tpu.dma_semaphore, #tpu.memory_space<semaphore_mem>>
      %dma_start3A_58 = tpu.memref_slice %arg4[%mul3A_2] : memref<4096xi32, #tpu.memory_space<hbm>> -> memref<128xi32, #tpu.memory_space<hbm>>
      %dma_start3A_59 = tpu.memref_slice %arg4[%mul3A_2] : memref<4096xi32, #tpu.memory_space<hbm>> -> memref<128xi32, #tpu.memory_space<hbm>>
      tpu.enqueue_dma source(%dma_start3A_59 : memref<128xi32, #tpu.memory_space<hbm>>) target(%arg10 : memref<128xi32, #tpu.memory_space<vmem>>) target_semaphore(%run_scoped3A : memref<!tpu.dma_semaphore, #tpu.memory_space<semaphore_mem>>)
      %dma_wait3A_60 = tpu.memref_slice %arg4[%mul3A_2] : memref<4096xi32, #tpu.memory_space<hbm>> -> memref<128xi32, #tpu.memory_space<hbm>>
      %dma_wait3A_61 = tpu.memref_slice %arg4[%mul3A_2] : memref<4096xi32, #tpu.memory_space<hbm>> -> memref<128xi32, #tpu.memory_space<hbm>>
      tpu.wait_dma2 semaphore(%run_scoped3A : memref<!tpu.dma_semaphore, #tpu.memory_space<semaphore_mem>>) src(%dma_wait3A_61 : memref<128xi32, #tpu.memory_space<hbm>>) dst(%arg10 : memref<128xi32, #tpu.memory_space<vmem>>)
      tpu.yield
    }) : () -> ()
    %dma_start3A = arith.constant 0 : i32
    %dma_start3A_7 = arith.constant 0 : i32
    %dma_start3A_8 = tpu.memref_slice %arg6[%dma_start3A, %dma_start3A_7] : memref<100000x128xf32, #tpu.memory_space<hbm>> -> memref<100000x128xf32, #tpu.memory_space<hbm>>
    tpu.enqueue_indirect_dma source(%dma_start3A_8 : memref<100000x128xf32, #tpu.memory_space<hbm>>) target(%arg11 : memref<128x128xf32, #tpu.memory_space<vmem>>) offsets(%arg10 : memref<128xi32, #tpu.memory_space<vmem>>) semaphore(%arg15 : memref<!tpu.dma_semaphore, #tpu.memory_space<semaphore_mem>>)
    %dma_start3A_9 = arith.constant 0 : i32
    %dma_start3A_10 = arith.constant 0 : i32
    %dma_start3A_11 = arith.constant 0 : i32
    %dma_start3A_12 = tpu.memref_slice %arg12[%dma_start3A_9, %dma_start3A_10, %dma_start3A_11] : memref<2x80x128xf32, #tpu.memory_space<vmem>> -> memref<1x80x128xf32, #tpu.memory_space<vmem>>
    %dma_start3A_13 = tpu.memref_squeeze %dma_start3A_12 : memref<1x80x128xf32, #tpu.memory_space<vmem>> -> memref<80x128xf32, #tpu.memory_space<vmem>>
    %dma_start3A_14 = arith.constant 0 : i32
    %dma_start3A_15 = tpu.memref_slice %arg8[%dma_start3A_14] : memref<2560xi32, #tpu.memory_space<vmem>> -> memref<80xi32, #tpu.memory_space<vmem>>
    %dma_start3A_16 = arith.constant 0 : i32
    %dma_start3A_17 = arith.constant 0 : i32
    %dma_start3A_18 = tpu.memref_slice %arg5[%dma_start3A_16, %dma_start3A_17] : memref<100000x128xf32, #tpu.memory_space<hbm>> -> memref<100000x128xf32, #tpu.memory_space<hbm>>
    tpu.enqueue_indirect_dma source(%dma_start3A_18 : memref<100000x128xf32, #tpu.memory_space<hbm>>) target(%dma_start3A_13 : memref<80x128xf32, #tpu.memory_space<vmem>>) offsets(%dma_start3A_15 : memref<80xi32, #tpu.memory_space<vmem>>) semaphore(%arg16 : memref<!tpu.dma_semaphore, #tpu.memory_space<semaphore_mem>>)
    %dma_start3A_19 = arith.constant 0 : i32
    %dma_start3A_20 = arith.constant 0 : i32
    %dma_start3A_21 = arith.constant 0 : i32
    %dma_start3A_22 = tpu.memref_slice %arg13[%dma_start3A_19, %dma_start3A_20, %dma_start3A_21] : memref<2x80x128xf32, #tpu.memory_space<vmem>> -> memref<1x80x128xf32, #tpu.memory_space<vmem>>
    %dma_start3A_23 = tpu.memref_squeeze %dma_start3A_22 : memref<1x80x128xf32, #tpu.memory_space<vmem>> -> memref<80x128xf32, #tpu.memory_space<vmem>>
    %dma_start3A_24 = arith.constant 0 : i32
    %dma_start3A_25 = tpu.memref_slice %arg9[%dma_start3A_24] : memref<2560xi32, #tpu.memory_space<vmem>> -> memref<80xi32, #tpu.memory_space<vmem>>
    %dma_start3A_26 = arith.constant 0 : i32
    %dma_start3A_27 = arith.constant 0 : i32
    %dma_start3A_28 = tpu.memref_slice %arg6[%dma_start3A_26, %dma_start3A_27] : memref<100000x128xf32, #tpu.memory_space<hbm>> -> memref<100000x128xf32, #tpu.memory_space<hbm>>
    tpu.enqueue_indirect_dma source(%dma_start3A_28 : memref<100000x128xf32, #tpu.memory_space<hbm>>) target(%dma_start3A_23 : memref<80x128xf32, #tpu.memory_space<vmem>>) offsets(%dma_start3A_25 : memref<80xi32, #tpu.memory_space<vmem>>) semaphore(%arg18 : memref<!tpu.dma_semaphore, #tpu.memory_space<semaphore_mem>>)
    %dma_start3A_29 = arith.constant 1 : i32
    %dma_start3A_30 = arith.constant 0 : i32
    %dma_start3A_31 = arith.constant 0 : i32
    %dma_start3A_32 = tpu.memref_slice %arg12[%dma_start3A_29, %dma_start3A_30, %dma_start3A_31] : memref<2x80x128xf32, #tpu.memory_space<vmem>> -> memref<1x80x128xf32, #tpu.memory_space<vmem>>
    %dma_start3A_33 = tpu.memref_squeeze %dma_start3A_32 : memref<1x80x128xf32, #tpu.memory_space<vmem>> -> memref<80x128xf32, #tpu.memory_space<vmem>>
    %dma_start3A_34 = arith.constant 80 : i32
    %dma_start3A_35 = tpu.memref_slice %arg8[%dma_start3A_34] : memref<2560xi32, #tpu.memory_space<vmem>> -> memref<80xi32, #tpu.memory_space<vmem>>
    %dma_start3A_36 = arith.constant 0 : i32
    %dma_start3A_37 = arith.constant 0 : i32
    %dma_start3A_38 = tpu.memref_slice %arg5[%dma_start3A_36, %dma_start3A_37] : memref<100000x128xf32, #tpu.memory_space<hbm>> -> memref<100000x128xf32, #tpu.memory_space<hbm>>
    tpu.enqueue_indirect_dma source(%dma_start3A_38 : memref<100000x128xf32, #tpu.memory_space<hbm>>) target(%dma_start3A_33 : memref<80x128xf32, #tpu.memory_space<vmem>>) offsets(%dma_start3A_35 : memref<80xi32, #tpu.memory_space<vmem>>) semaphore(%arg17 : memref<!tpu.dma_semaphore, #tpu.memory_space<semaphore_mem>>)
    %dma_start3A_39 = arith.constant 1 : i32
    %dma_start3A_40 = arith.constant 0 : i32
    %dma_start3A_41 = arith.constant 0 : i32
    %dma_start3A_42 = tpu.memref_slice %arg13[%dma_start3A_39, %dma_start3A_40, %dma_start3A_41] : memref<2x80x128xf32, #tpu.memory_space<vmem>> -> memref<1x80x128xf32, #tpu.memory_space<vmem>>
    %dma_start3A_43 = tpu.memref_squeeze %dma_start3A_42 : memref<1x80x128xf32, #tpu.memory_space<vmem>> -> memref<80x128xf32, #tpu.memory_space<vmem>>
    %dma_start3A_44 = arith.constant 80 : i32
    %dma_start3A_45 = tpu.memref_slice %arg9[%dma_start3A_44] : memref<2560xi32, #tpu.memory_space<vmem>> -> memref<80xi32, #tpu.memory_space<vmem>>
    %dma_start3A_46 = arith.constant 0 : i32
    %dma_start3A_47 = arith.constant 0 : i32
    %dma_start3A_48 = tpu.memref_slice %arg6[%dma_start3A_46, %dma_start3A_47] : memref<100000x128xf32, #tpu.memory_space<hbm>> -> memref<100000x128xf32, #tpu.memory_space<hbm>>
    tpu.enqueue_indirect_dma source(%dma_start3A_48 : memref<100000x128xf32, #tpu.memory_space<hbm>>) target(%dma_start3A_43 : memref<80x128xf32, #tpu.memory_space<vmem>>) offsets(%dma_start3A_45 : memref<80xi32, #tpu.memory_space<vmem>>) semaphore(%arg19 : memref<!tpu.dma_semaphore, #tpu.memory_space<semaphore_mem>>)
    %dma_wait3A = arith.constant 0 : i32
    %dma_wait3A_49 = arith.constant 0 : i32
    %dma_wait3A_50 = tpu.memref_slice %arg6[%dma_wait3A, %dma_wait3A_49] : memref<100000x128xf32, #tpu.memory_space<hbm>> -> memref<100000x128xf32, #tpu.memory_space<hbm>>
    tpu.wait_indirect_dma semaphore(%arg15 : memref<!tpu.dma_semaphore, #tpu.memory_space<semaphore_mem>>) src(%dma_wait3A_50 : memref<100000x128xf32, #tpu.memory_space<hbm>>) dst(%arg11 : memref<128x128xf32, #tpu.memory_space<vmem>>)
    %scan3A = arith.constant 0 : i32
    %scan3A_51 = arith.constant 0 : i32
    %scan3A_52 = arith.constant 16 : i32
    %scan3A_53 = arith.addi %scan3A_51, %scan3A_52 : i32
    %scan3A_54 = arith.constant 1 : i32
    scf.for %scan3A_58 = %scan3A_51 to %scan3A_53 step %scan3A_54  : i32 {
      %mul3A_59 = arith.constant 2 : i32
      %mul3A_60 = arith.muli %mul3A_59, %scan3A_58 : i32
      %mul3A_61 = arith.constant 4 : i32
      %mul3A_62 = arith.muli %mul3A_60, %mul3A_61 : i32
      %mul3A_63 = arith.constant 20 : i32
      %mul3A_64 = arith.muli %mul3A_62, %mul3A_63 : i32
      %dma_wait3A_65 = arith.constant 0 : i32
      %dma_wait3A_66 = arith.constant 0 : i32
      %dma_wait3A_67 = arith.constant 0 : i32
      %dma_wait3A_68 = tpu.memref_slice %arg12[%dma_wait3A_65, %dma_wait3A_66, %dma_wait3A_67] : memref<2x80x128xf32, #tpu.memory_space<vmem>> -> memref<1x80x128xf32, #tpu.memory_space<vmem>>
      %dma_wait3A_69 = tpu.memref_squeeze %dma_wait3A_68 : memref<1x80x128xf32, #tpu.memory_space<vmem>> -> memref<80x128xf32, #tpu.memory_space<vmem>>
      %dma_wait3A_70 = tpu.memref_slice %arg8[%mul3A_64] : memref<2560xi32, #tpu.memory_space<vmem>> -> memref<80xi32, #tpu.memory_space<vmem>>
      %dma_wait3A_71 = arith.constant 0 : i32
      %dma_wait3A_72 = arith.constant 0 : i32
      %dma_wait3A_73 = tpu.memref_slice %arg5[%dma_wait3A_71, %dma_wait3A_72] : memref<100000x128xf32, #tpu.memory_space<hbm>> -> memref<100000x128xf32, #tpu.memory_space<hbm>>
      tpu.wait_indirect_dma semaphore(%arg16 : memref<!tpu.dma_semaphore, #tpu.memory_space<semaphore_mem>>) src(%dma_wait3A_73 : memref<100000x128xf32, #tpu.memory_space<hbm>>) dst(%dma_wait3A_69 : memref<80x128xf32, #tpu.memory_space<vmem>>)
      %mul3A_74 = arith.constant 4 : i32
      %mul3A_75 = arith.muli %mul3A_60, %mul3A_74 : i32
      %mul3A_76 = arith.constant 20 : i32
      %mul3A_77 = arith.muli %mul3A_75, %mul3A_76 : i32
      %dma_wait3A_78 = arith.constant 0 : i32
      %dma_wait3A_79 = arith.constant 0 : i32
      %dma_wait3A_80 = arith.constant 0 : i32
      %dma_wait3A_81 = tpu.memref_slice %arg13[%dma_wait3A_78, %dma_wait3A_79, %dma_wait3A_80] : memref<2x80x128xf32, #tpu.memory_space<vmem>> -> memref<1x80x128xf32, #tpu.memory_space<vmem>>
      %dma_wait3A_82 = tpu.memref_squeeze %dma_wait3A_81 : memref<1x80x128xf32, #tpu.memory_space<vmem>> -> memref<80x128xf32, #tpu.memory_space<vmem>>
      %dma_wait3A_83 = tpu.memref_slice %arg9[%mul3A_77] : memref<2560xi32, #tpu.memory_space<vmem>> -> memref<80xi32, #tpu.memory_space<vmem>>
      %dma_wait3A_84 = arith.constant 0 : i32
      %dma_wait3A_85 = arith.constant 0 : i32
      %dma_wait3A_86 = tpu.memref_slice %arg6[%dma_wait3A_84, %dma_wait3A_85] : memref<100000x128xf32, #tpu.memory_space<hbm>> -> memref<100000x128xf32, #tpu.memory_space<hbm>>
      tpu.wait_indirect_dma semaphore(%arg18 : memref<!tpu.dma_semaphore, #tpu.memory_space<semaphore_mem>>) src(%dma_wait3A_86 : memref<100000x128xf32, #tpu.memory_space<hbm>>) dst(%dma_wait3A_82 : memref<80x128xf32, #tpu.memory_space<vmem>>)
      %mul3A_87 = arith.constant 4 : i32
      %mul3A_88 = arith.muli %mul3A_60, %mul3A_87 : i32
      %add3A_89 = arith.constant 0 : i32
      %add3A_90 = arith.addi %mul3A_88, %add3A_89 : i32
      %mul3A_91 = arith.constant 21 : i32
      %mul3A_92 = arith.muli %add3A_90, %mul3A_91 : i32
      %broadcast_in_dim3A = arith.constant 0.000000e+00 : f32
      %broadcast_in_dim3A_93 = vector.broadcast %broadcast_in_dim3A : f32 to vector<16xf32>
      %broadcast_in_dim3A_94 = arith.constant 0.000000e+00 : f32
      %broadcast_in_dim3A_95 = vector.broadcast %broadcast_in_dim3A_94 : f32 to vector<16xf32>
      %broadcast_in_dim3A_96 = arith.constant 0.000000e+00 : f32
      %broadcast_in_dim3A_97 = vector.broadcast %broadcast_in_dim3A_96 : f32 to vector<16xf32>
      %broadcast_in_dim3A_98 = arith.constant 0.000000e+00 : f32
      %broadcast_in_dim3A_99 = vector.broadcast %broadcast_in_dim3A_98 : f32 to vector<16xf32>
      %broadcast_in_dim3A_100 = arith.constant 0.000000e+00 : f32
      %broadcast_in_dim3A_101 = vector.broadcast %broadcast_in_dim3A_100 : f32 to vector<16xf32>
      %broadcast_in_dim3A_102 = arith.constant 0.000000e+00 : f32
      %broadcast_in_dim3A_103 = vector.broadcast %broadcast_in_dim3A_102 : f32 to vector<16xf32>
      %broadcast_in_dim3A_104 = arith.constant 0.000000e+00 : f32
      %broadcast_in_dim3A_105 = vector.broadcast %broadcast_in_dim3A_104 : f32 to vector<16xf32>
      %broadcast_in_dim3A_106 = arith.constant 0.000000e+00 : f32
      %broadcast_in_dim3A_107 = vector.broadcast %broadcast_in_dim3A_106 : f32 to vector<16xf32>
      %scan3A_108 = arith.constant 0 : i32
      %scan3A_109 = arith.constant 20 : i32
      %scan3A_110 = arith.addi %scan3A_108, %scan3A_109 : i32
      %scan3A_111 = arith.constant 5 : i32
      %scan3A_112:8 = scf.for %scan3A_1468 = %scan3A_108 to %scan3A_110 step %scan3A_111 iter_args(%scan3A_1469 = %broadcast_in_dim3A_93, %scan3A_1470 = %broadcast_in_dim3A_95, %scan3A_1471 = %broadcast_in_dim3A_97, %scan3A_1472 = %broadcast_in_dim3A_99, %scan3A_1473 = %broadcast_in_dim3A_101, %scan3A_1474 = %broadcast_in_dim3A_103, %scan3A_1475 = %broadcast_in_dim3A_105, %scan3A_1476 = %broadcast_in_dim3A_107) -> (vector<16xf32>, vector<16xf32>, vector<16xf32>, vector<16xf32>, vector<16xf32>, vector<16xf32>, vector<16xf32>, vector<16xf32>)  : i32 {
        %add3A_1477 = arith.constant 0 : i32
        %add3A_1478 = arith.addi %add3A_1477, %scan3A_1468 : i32
        %get3A_1479 = arith.constant 0 : i32
        %get3A_1480 = arith.index_cast %get3A_1479 : i32 to index
        %get3A_1481 = arith.index_cast %add3A_1478 : i32 to index
        %get3A_1482 = arith.constant 0 : index
        %get3A_1483 = tpu.vector_load %arg12[%get3A_1480, %get3A_1481, %get3A_1482] {strides = array<i32>} : memref<2x80x128xf32, #tpu.memory_space<vmem>>, vector<16xf32>,
        %add3A_1484 = arith.addf %scan3A_1469, %get3A_1483 : vector<16xf32>
        %add3A_1485 = arith.constant 0 : i32
        %add3A_1486 = arith.addi %add3A_1485, %scan3A_1468 : i32
        %get3A_1487 = arith.constant 0 : i32
        %get3A_1488 = arith.index_cast %get3A_1487 : i32 to index
        %get3A_1489 = arith.index_cast %add3A_1486 : i32 to index
        %get3A_1490 = arith.constant 16 : index
        %get3A_1491 = tpu.vector_load %arg12[%get3A_1488, %get3A_1489, %get3A_1490] {strides = array<i32>} : memref<2x80x128xf32, #tpu.memory_space<vmem>>, vector<16xf32>,
        %add3A_1492 = arith.addf %scan3A_1470, %get3A_1491 : vector<16xf32>
        %add3A_1493 = arith.constant 0 : i32
        %add3A_1494 = arith.addi %add3A_1493, %scan3A_1468 : i32
        %get3A_1495 = arith.constant 0 : i32
        %get3A_1496 = arith.index_cast %get3A_1495 : i32 to index
        %get3A_1497 = arith.index_cast %add3A_1494 : i32 to index
        %get3A_1498 = arith.constant 32 : index
        %get3A_1499 = tpu.vector_load %arg12[%get3A_1496, %get3A_1497, %get3A_1498] {strides = array<i32>} : memref<2x80x128xf32, #tpu.memory_space<vmem>>, vector<16xf32>,
        %add3A_1500 = arith.addf %scan3A_1471, %get3A_1499 : vector<16xf32>
        %add3A_1501 = arith.constant 0 : i32
        %add3A_1502 = arith.addi %add3A_1501, %scan3A_1468 : i32
        %get3A_1503 = arith.constant 0 : i32
        %get3A_1504 = arith.index_cast %get3A_1503 : i32 to index
        %get3A_1505 = arith.index_cast %add3A_1502 : i32 to index
        %get3A_1506 = arith.constant 48 : index
        %get3A_1507 = tpu.vector_load %arg12[%get3A_1504, %get3A_1505, %get3A_1506] {strides = array<i32>} : memref<2x80x128xf32, #tpu.memory_space<vmem>>, vector<16xf32>,
        %add3A_1508 = arith.addf %scan3A_1472, %get3A_1507 : vector<16xf32>
        %add3A_1509 = arith.constant 0 : i32
        %add3A_1510 = arith.addi %add3A_1509, %scan3A_1468 : i32
        %get3A_1511 = arith.constant 0 : i32
        %get3A_1512 = arith.index_cast %get3A_1511 : i32 to index
        %get3A_1513 = arith.index_cast %add3A_1510 : i32 to index
        %get3A_1514 = arith.constant 64 : index
        %get3A_1515 = tpu.vector_load %arg12[%get3A_1512, %get3A_1513, %get3A_1514] {strides = array<i32>} : memref<2x80x128xf32, #tpu.memory_space<vmem>>, vector<16xf32>,
        %add3A_1516 = arith.addf %scan3A_1473, %get3A_1515 : vector<16xf32>
        %add3A_1517 = arith.constant 0 : i32
        %add3A_1518 = arith.addi %add3A_1517, %scan3A_1468 : i32
        %get3A_1519 = arith.constant 0 : i32
        %get3A_1520 = arith.index_cast %get3A_1519 : i32 to index
        %get3A_1521 = arith.index_cast %add3A_1518 : i32 to index
        %get3A_1522 = arith.constant 80 : index
        %get3A_1523 = tpu.vector_load %arg12[%get3A_1520, %get3A_1521, %get3A_1522] {strides = array<i32>} : memref<2x80x128xf32, #tpu.memory_space<vmem>>, vector<16xf32>,
        %add3A_1524 = arith.addf %scan3A_1474, %get3A_1523 : vector<16xf32>
        %add3A_1525 = arith.constant 0 : i32
        %add3A_1526 = arith.addi %add3A_1525, %scan3A_1468 : i32
        %get3A_1527 = arith.constant 0 : i32
        %get3A_1528 = arith.index_cast %get3A_1527 : i32 to index
        %get3A_1529 = arith.index_cast %add3A_1526 : i32 to index
        %get3A_1530 = arith.constant 96 : index
        %get3A_1531 = tpu.vector_load %arg12[%get3A_1528, %get3A_1529, %get3A_1530] {strides = array<i32>} : memref<2x80x128xf32, #tpu.memory_space<vmem>>, vector<16xf32>,
        %add3A_1532 = arith.addf %scan3A_1475, %get3A_1531 : vector<16xf32>
        %add3A_1533 = arith.constant 0 : i32
        %add3A_1534 = arith.addi %add3A_1533, %scan3A_1468 : i32
        %get3A_1535 = arith.constant 0 : i32
        %get3A_1536 = arith.index_cast %get3A_1535 : i32 to index
        %get3A_1537 = arith.index_cast %add3A_1534 : i32 to index
        %get3A_1538 = arith.constant 112 : index
        %get3A_1539 = tpu.vector_load %arg12[%get3A_1536, %get3A_1537, %get3A_1538] {strides = array<i32>} : memref<2x80x128xf32, #tpu.memory_space<vmem>>, vector<16xf32>,
        %add3A_1540 = arith.addf %scan3A_1476, %get3A_1539 : vector<16xf32>
        %scan3A_1541 = arith.constant 1 : i32
        %scan3A_1542 = arith.addi %scan3A_1468, %scan3A_1541 : i32
        %add3A_1543 = arith.constant 0 : i32
        %add3A_1544 = arith.addi %add3A_1543, %scan3A_1542 : i32
        %get3A_1545 = arith.constant 0 : i32
        %get3A_1546 = arith.index_cast %get3A_1545 : i32 to index
        %get3A_1547 = arith.index_cast %add3A_1544 : i32 to index
        %get3A_1548 = arith.constant 0 : index
        %get3A_1549 = tpu.vector_load %arg12[%get3A_1546, %get3A_1547, %get3A_1548] {strides = array<i32>} : memref<2x80x128xf32, #tpu.memory_space<vmem>>, vector<16xf32>,
        %add3A_1550 = arith.addf %add3A_1484, %get3A_1549 : vector<16xf32>
        %add3A_1551 = arith.constant 0 : i32
        %add3A_1552 = arith.addi %add3A_1551, %scan3A_1542 : i32
        %get3A_1553 = arith.constant 0 : i32
        %get3A_1554 = arith.index_cast %get3A_1553 : i32 to index
        %get3A_1555 = arith.index_cast %add3A_1552 : i32 to index
        %get3A_1556 = arith.constant 16 : index
        %get3A_1557 = tpu.vector_load %arg12[%get3A_1554, %get3A_1555, %get3A_1556] {strides = array<i32>} : memref<2x80x128xf32, #tpu.memory_space<vmem>>, vector<16xf32>,
        %add3A_1558 = arith.addf %add3A_1492, %get3A_1557 : vector<16xf32>
        %add3A_1559 = arith.constant 0 : i32
        %add3A_1560 = arith.addi %add3A_1559, %scan3A_1542 : i32
        %get3A_1561 = arith.constant 0 : i32
        %get3A_1562 = arith.index_cast %get3A_1561 : i32 to index
        %get3A_1563 = arith.index_cast %add3A_1560 : i32 to index
        %get3A_1564 = arith.constant 32 : index
        %get3A_1565 = tpu.vector_load %arg12[%get3A_1562, %get3A_1563, %get3A_1564] {strides = array<i32>} : memref<2x80x128xf32, #tpu.memory_space<vmem>>, vector<16xf32>,
        %add3A_1566 = arith.addf %add3A_1500, %get3A_1565 : vector<16xf32>
        %add3A_1567 = arith.constant 0 : i32
        %add3A_1568 = arith.addi %add3A_1567, %scan3A_1542 : i32
        %get3A_1569 = arith.constant 0 : i32
        %get3A_1570 = arith.index_cast %get3A_1569 : i32 to index
        %get3A_1571 = arith.index_cast %add3A_1568 : i32 to index
        %get3A_1572 = arith.constant 48 : index
        %get3A_1573 = tpu.vector_load %arg12[%get3A_1570, %get3A_1571, %get3A_1572] {strides = array<i32>} : memref<2x80x128xf32, #tpu.memory_space<vmem>>, vector<16xf32>,
        %add3A_1574 = arith.addf %add3A_1508, %get3A_1573 : vector<16xf32>
        %add3A_1575 = arith.constant 0 : i32
        %add3A_1576 = arith.addi %add3A_1575, %scan3A_1542 : i32
        %get3A_1577 = arith.constant 0 : i32
        %get3A_1578 = arith.index_cast %get3A_1577 : i32 to index
        %get3A_1579 = arith.index_cast %add3A_1576 : i32 to index
        %get3A_1580 = arith.constant 64 : index
        %get3A_1581 = tpu.vector_load %arg12[%get3A_1578, %get3A_1579, %get3A_1580] {strides = array<i32>} : memref<2x80x128xf32, #tpu.memory_space<vmem>>, vector<16xf32>,
        %add3A_1582 = arith.addf %add3A_1516, %get3A_1581 : vector<16xf32>
        %add3A_1583 = arith.constant 0 : i32
        %add3A_1584 = arith.addi %add3A_1583, %scan3A_1542 : i32
        %get3A_1585 = arith.constant 0 : i32
        %get3A_1586 = arith.index_cast %get3A_1585 : i32 to index
        %get3A_1587 = arith.index_cast %add3A_1584 : i32 to index
        %get3A_1588 = arith.constant 80 : index
        %get3A_1589 = tpu.vector_load %arg12[%get3A_1586, %get3A_1587, %get3A_1588] {strides = array<i32>} : memref<2x80x128xf32, #tpu.memory_space<vmem>>, vector<16xf32>,
        %add3A_1590 = arith.addf %add3A_1524, %get3A_1589 : vector<16xf32>
        %add3A_1591 = arith.constant 0 : i32
        %add3A_1592 = arith.addi %add3A_1591, %scan3A_1542 : i32
        %get3A_1593 = arith.constant 0 : i32
        %get3A_1594 = arith.index_cast %get3A_1593 : i32 to index
        %get3A_1595 = arith.index_cast %add3A_1592 : i32 to index
        %get3A_1596 = arith.constant 96 : index
        %get3A_1597 = tpu.vector_load %arg12[%get3A_1594, %get3A_1595, %get3A_1596] {strides = array<i32>} : memref<2x80x128xf32, #tpu.memory_space<vmem>>, vector<16xf32>,
        %add3A_1598 = arith.addf %add3A_1532, %get3A_1597 : vector<16xf32>
        %add3A_1599 = arith.constant 0 : i32
        %add3A_1600 = arith.addi %add3A_1599, %scan3A_1542 : i32
        %get3A_1601 = arith.constant 0 : i32
        %get3A_1602 = arith.index_cast %get3A_1601 : i32 to index
        %get3A_1603 = arith.index_cast %add3A_1600 : i32 to index
        %get3A_1604 = arith.constant 112 : index
        %get3A_1605 = tpu.vector_load %arg12[%get3A_1602, %get3A_1603, %get3A_1604] {strides = array<i32>} : memref<2x80x128xf32, #tpu.memory_space<vmem>>, vector<16xf32>,
        %add3A_1606 = arith.addf %add3A_1540, %get3A_1605 : vector<16xf32>
        %scan3A_1607 = arith.constant 2 : i32
        %scan3A_1608 = arith.addi %scan3A_1468, %scan3A_1607 : i32
        %add3A_1609 = arith.constant 0 : i32
        %add3A_1610 = arith.addi %add3A_1609, %scan3A_1608 : i32
        %get3A_1611 = arith.constant 0 : i32
        %get3A_1612 = arith.index_cast %get3A_1611 : i32 to index
        %get3A_1613 = arith.index_cast %add3A_1610 : i32 to index
        %get3A_1614 = arith.constant 0 : index
        %get3A_1615 = tpu.vector_load %arg12[%get3A_1612, %get3A_1613, %get3A_1614] {strides = array<i32>} : memref<2x80x128xf32, #tpu.memory_space<vmem>>, vector<16xf32>,
        %add3A_1616 = arith.addf %add3A_1550, %get3A_1615 : vector<16xf32>
        %add3A_1617 = arith.constant 0 : i32
        %add3A_1618 = arith.addi %add3A_1617, %scan3A_1608 : i32
        %get3A_1619 = arith.constant 0 : i32
        %get3A_1620 = arith.index_cast %get3A_1619 : i32 to index
        %get3A_1621 = arith.index_cast %add3A_1618 : i32 to index
        %get3A_1622 = arith.constant 16 : index
        %get3A_1623 = tpu.vector_load %arg12[%get3A_1620, %get3A_1621, %get3A_1622] {strides = array<i32>} : memref<2x80x128xf32, #tpu.memory_space<vmem>>, vector<16xf32>,
        %add3A_1624 = arith.addf %add3A_1558, %get3A_1623 : vector<16xf32>
        %add3A_1625 = arith.constant 0 : i32
        %add3A_1626 = arith.addi %add3A_1625, %scan3A_1608 : i32
        %get3A_1627 = arith.constant 0 : i32
        %get3A_1628 = arith.index_cast %get3A_1627 : i32 to index
        %get3A_1629 = arith.index_cast %add3A_1626 : i32 to index
        %get3A_1630 = arith.constant 32 : index
        %get3A_1631 = tpu.vector_load %arg12[%get3A_1628, %get3A_1629, %get3A_1630] {strides = array<i32>} : memref<2x80x128xf32, #tpu.memory_space<vmem>>, vector<16xf32>,
        %add3A_1632 = arith.addf %add3A_1566, %get3A_1631 : vector<16xf32>
        %add3A_1633 = arith.constant 0 : i32
        %add3A_1634 = arith.addi %add3A_1633, %scan3A_1608 : i32
        %get3A_1635 = arith.constant 0 : i32
        %get3A_1636 = arith.index_cast %get3A_1635 : i32 to index
        %get3A_1637 = arith.index_cast %add3A_1634 : i32 to index
        %get3A_1638 = arith.constant 48 : index
        %get3A_1639 = tpu.vector_load %arg12[%get3A_1636, %get3A_1637, %get3A_1638] {strides = array<i32>} : memref<2x80x128xf32, #tpu.memory_space<vmem>>, vector<16xf32>,
        %add3A_1640 = arith.addf %add3A_1574, %get3A_1639 : vector<16xf32>
        %add3A_1641 = arith.constant 0 : i32
        %add3A_1642 = arith.addi %add3A_1641, %scan3A_1608 : i32
        %get3A_1643 = arith.constant 0 : i32
        %get3A_1644 = arith.index_cast %get3A_1643 : i32 to index
        %get3A_1645 = arith.index_cast %add3A_1642 : i32 to index
        %get3A_1646 = arith.constant 64 : index
        %get3A_1647 = tpu.vector_load %arg12[%get3A_1644, %get3A_1645, %get3A_1646] {strides = array<i32>} : memref<2x80x128xf32, #tpu.memory_space<vmem>>, vector<16xf32>,
        %add3A_1648 = arith.addf %add3A_1582, %get3A_1647 : vector<16xf32>
        %add3A_1649 = arith.constant 0 : i32
        %add3A_1650 = arith.addi %add3A_1649, %scan3A_1608 : i32
        %get3A_1651 = arith.constant 0 : i32
        %get3A_1652 = arith.index_cast %get3A_1651 : i32 to index
        %get3A_1653 = arith.index_cast %add3A_1650 : i32 to index
        %get3A_1654 = arith.constant 80 : index
        %get3A_1655 = tpu.vector_load %arg12[%get3A_1652, %get3A_1653, %get3A_1654] {strides = array<i32>} : memref<2x80x128xf32, #tpu.memory_space<vmem>>, vector<16xf32>,
        %add3A_1656 = arith.addf %add3A_1590, %get3A_1655 : vector<16xf32>
        %add3A_1657 = arith.constant 0 : i32
        %add3A_1658 = arith.addi %add3A_1657, %scan3A_1608 : i32
        %get3A_1659 = arith.constant 0 : i32
        %get3A_1660 = arith.index_cast %get3A_1659 : i32 to index
        %get3A_1661 = arith.index_cast %add3A_1658 : i32 to index
        %get3A_1662 = arith.constant 96 : index
        %get3A_1663 = tpu.vector_load %arg12[%get3A_1660, %get3A_1661, %get3A_1662] {strides = array<i32>} : memref<2x80x128xf32, #tpu.memory_space<vmem>>, vector<16xf32>,
        %add3A_1664 = arith.addf %add3A_1598, %get3A_1663 : vector<16xf32>
        %add3A_1665 = arith.constant 0 : i32
        %add3A_1666 = arith.addi %add3A_1665, %scan3A_1608 : i32
        %get3A_1667 = arith.constant 0 : i32
        %get3A_1668 = arith.index_cast %get3A_1667 : i32 to index
        %get3A_1669 = arith.index_cast %add3A_1666 : i32 to index
        %get3A_1670 = arith.constant 112 : index
        %get3A_1671 = tpu.vector_load %arg12[%get3A_1668, %get3A_1669, %get3A_1670] {strides = array<i32>} : memref<2x80x128xf32, #tpu.memory_space<vmem>>, vector<16xf32>,
        %add3A_1672 = arith.addf %add3A_1606, %get3A_1671 : vector<16xf32>
        %scan3A_1673 = arith.constant 3 : i32
        %scan3A_1674 = arith.addi %scan3A_1468, %scan3A_1673 : i32
        %add3A_1675 = arith.constant 0 : i32
        %add3A_1676 = arith.addi %add3A_1675, %scan3A_1674 : i32
        %get3A_1677 = arith.constant 0 : i32
        %get3A_1678 = arith.index_cast %get3A_1677 : i32 to index
        %get3A_1679 = arith.index_cast %add3A_1676 : i32 to index
        %get3A_1680 = arith.constant 0 : index
        %get3A_1681 = tpu.vector_load %arg12[%get3A_1678, %get3A_1679, %get3A_1680] {strides = array<i32>} : memref<2x80x128xf32, #tpu.memory_space<vmem>>, vector<16xf32>,
        %add3A_1682 = arith.addf %add3A_1616, %get3A_1681 : vector<16xf32>
        %add3A_1683 = arith.constant 0 : i32
        %add3A_1684 = arith.addi %add3A_1683, %scan3A_1674 : i32
        %get3A_1685 = arith.constant 0 : i32
        %get3A_1686 = arith.index_cast %get3A_1685 : i32 to index
        %get3A_1687 = arith.index_cast %add3A_1684 : i32 to index
        %get3A_1688 = arith.constant 16 : index
        %get3A_1689 = tpu.vector_load %arg12[%get3A_1686, %get3A_1687, %get3A_1688] {strides = array<i32>} : memref<2x80x128xf32, #tpu.memory_space<vmem>>, vector<16xf32>,
        %add3A_1690 = arith.addf %add3A_1624, %get3A_1689 : vector<16xf32>
        %add3A_1691 = arith.constant 0 : i32
        %add3A_1692 = arith.addi %add3A_1691, %scan3A_1674 : i32
        %get3A_1693 = arith.constant 0 : i32
        %get3A_1694 = arith.index_cast %get3A_1693 : i32 to index
        %get3A_1695 = arith.index_cast %add3A_1692 : i32 to index
        %get3A_1696 = arith.constant 32 : index
        %get3A_1697 = tpu.vector_load %arg12[%get3A_1694, %get3A_1695, %get3A_1696] {strides = array<i32>} : memref<2x80x128xf32, #tpu.memory_space<vmem>>, vector<16xf32>,
        %add3A_1698 = arith.addf %add3A_1632, %get3A_1697 : vector<16xf32>
        %add3A_1699 = arith.constant 0 : i32
        %add3A_1700 = arith.addi %add3A_1699, %scan3A_1674 : i32
        %get3A_1701 = arith.constant 0 : i32
        %get3A_1702 = arith.index_cast %get3A_1701 : i32 to index
        %get3A_1703 = arith.index_cast %add3A_1700 : i32 to index
        %get3A_1704 = arith.constant 48 : index
        %get3A_1705 = tpu.vector_load %arg12[%get3A_1702, %get3A_1703, %get3A_1704] {strides = array<i32>} : memref<2x80x128xf32, #tpu.memory_space<vmem>>, vector<16xf32>,
        %add3A_1706 = arith.addf %add3A_1640, %get3A_1705 : vector<16xf32>
        %add3A_1707 = arith.constant 0 : i32
        %add3A_1708 = arith.addi %add3A_1707, %scan3A_1674 : i32
        %get3A_1709 = arith.constant 0 : i32
        %get3A_1710 = arith.index_cast %get3A_1709 : i32 to index
        %get3A_1711 = arith.index_cast %add3A_1708 : i32 to index
        %get3A_1712 = arith.constant 64 : index
        %get3A_1713 = tpu.vector_load %arg12[%get3A_1710, %get3A_1711, %get3A_1712] {strides = array<i32>} : memref<2x80x128xf32, #tpu.memory_space<vmem>>, vector<16xf32>,
        %add3A_1714 = arith.addf %add3A_1648, %get3A_1713 : vector<16xf32>
        %add3A_1715 = arith.constant 0 : i32
        %add3A_1716 = arith.addi %add3A_1715, %scan3A_1674 : i32
        %get3A_1717 = arith.constant 0 : i32
        %get3A_1718 = arith.index_cast %get3A_1717 : i32 to index
        %get3A_1719 = arith.index_cast %add3A_1716 : i32 to index
        %get3A_1720 = arith.constant 80 : index
        %get3A_1721 = tpu.vector_load %arg12[%get3A_1718, %get3A_1719, %get3A_1720] {strides = array<i32>} : memref<2x80x128xf32, #tpu.memory_space<vmem>>, vector<16xf32>,
        %add3A_1722 = arith.addf %add3A_1656, %get3A_1721 : vector<16xf32>
        %add3A_1723 = arith.constant 0 : i32
        %add3A_1724 = arith.addi %add3A_1723, %scan3A_1674 : i32
        %get3A_1725 = arith.constant 0 : i32
        %get3A_1726 = arith.index_cast %get3A_1725 : i32 to index
        %get3A_1727 = arith.index_cast %add3A_1724 : i32 to index
        %get3A_1728 = arith.constant 96 : index
        %get3A_1729 = tpu.vector_load %arg12[%get3A_1726, %get3A_1727, %get3A_1728] {strides = array<i32>} : memref<2x80x128xf32, #tpu.memory_space<vmem>>, vector<16xf32>,
        %add3A_1730 = arith.addf %add3A_1664, %get3A_1729 : vector<16xf32>
        %add3A_1731 = arith.constant 0 : i32
        %add3A_1732 = arith.addi %add3A_1731, %scan3A_1674 : i32
        %get3A_1733 = arith.constant 0 : i32
        %get3A_1734 = arith.index_cast %get3A_1733 : i32 to index
        %get3A_1735 = arith.index_cast %add3A_1732 : i32 to index
        %get3A_1736 = arith.constant 112 : index
        %get3A_1737 = tpu.vector_load %arg12[%get3A_1734, %get3A_1735, %get3A_1736] {strides = array<i32>} : memref<2x80x128xf32, #tpu.memory_space<vmem>>, vector<16xf32>,
        %add3A_1738 = arith.addf %add3A_1672, %get3A_1737 : vector<16xf32>
        %scan3A_1739 = arith.constant 4 : i32
        %scan3A_1740 = arith.addi %scan3A_1468, %scan3A_1739 : i32
        %add3A_1741 = arith.constant 0 : i32
        %add3A_1742 = arith.addi %add3A_1741, %scan3A_1740 : i32
        %get3A_1743 = arith.constant 0 : i32
        %get3A_1744 = arith.index_cast %get3A_1743 : i32 to index
        %get3A_1745 = arith.index_cast %add3A_1742 : i32 to index
        %get3A_1746 = arith.constant 0 : index
        %get3A_1747 = tpu.vector_load %arg12[%get3A_1744, %get3A_1745, %get3A_1746] {strides = array<i32>} : memref<2x80x128xf32, #tpu.memory_space<vmem>>, vector<16xf32>,
        %add3A_1748 = arith.addf %add3A_1682, %get3A_1747 : vector<16xf32>
        %add3A_1749 = arith.constant 0 : i32
        %add3A_1750 = arith.addi %add3A_1749, %scan3A_1740 : i32
        %get3A_1751 = arith.constant 0 : i32
        %get3A_1752 = arith.index_cast %get3A_1751 : i32 to index
        %get3A_1753 = arith.index_cast %add3A_1750 : i32 to index
        %get3A_1754 = arith.constant 16 : index
        %get3A_1755 = tpu.vector_load %arg12[%get3A_1752, %get3A_1753, %get3A_1754] {strides = array<i32>} : memref<2x80x128xf32, #tpu.memory_space<vmem>>, vector<16xf32>,
        %add3A_1756 = arith.addf %add3A_1690, %get3A_1755 : vector<16xf32>
        %add3A_1757 = arith.constant 0 : i32
        %add3A_1758 = arith.addi %add3A_1757, %scan3A_1740 : i32
        %get3A_1759 = arith.constant 0 : i32
        %get3A_1760 = arith.index_cast %get3A_1759 : i32 to index
        %get3A_1761 = arith.index_cast %add3A_1758 : i32 to index
        %get3A_1762 = arith.constant 32 : index
        %get3A_1763 = tpu.vector_load %arg12[%get3A_1760, %get3A_1761, %get3A_1762] {strides = array<i32>} : memref<2x80x128xf32, #tpu.memory_space<vmem>>, vector<16xf32>,
        %add3A_1764 = arith.addf %add3A_1698, %get3A_1763 : vector<16xf32>
        %add3A_1765 = arith.constant 0 : i32
        %add3A_1766 = arith.addi %add3A_1765, %scan3A_1740 : i32
        %get3A_1767 = arith.constant 0 : i32
        %get3A_1768 = arith.index_cast %get3A_1767 : i32 to index
        %get3A_1769 = arith.index_cast %add3A_1766 : i32 to index
        %get3A_1770 = arith.constant 48 : index
        %get3A_1771 = tpu.vector_load %arg12[%get3A_1768, %get3A_1769, %get3A_1770] {strides = array<i32>} : memref<2x80x128xf32, #tpu.memory_space<vmem>>, vector<16xf32>,
        %add3A_1772 = arith.addf %add3A_1706, %get3A_1771 : vector<16xf32>
        %add3A_1773 = arith.constant 0 : i32
        %add3A_1774 = arith.addi %add3A_1773, %scan3A_1740 : i32
        %get3A_1775 = arith.constant 0 : i32
        %get3A_1776 = arith.index_cast %get3A_1775 : i32 to index
        %get3A_1777 = arith.index_cast %add3A_1774 : i32 to index
        %get3A_1778 = arith.constant 64 : index
        %get3A_1779 = tpu.vector_load %arg12[%get3A_1776, %get3A_1777, %get3A_1778] {strides = array<i32>} : memref<2x80x128xf32, #tpu.memory_space<vmem>>, vector<16xf32>,
        %add3A_1780 = arith.addf %add3A_1714, %get3A_1779 : vector<16xf32>
        %add3A_1781 = arith.constant 0 : i32
        %add3A_1782 = arith.addi %add3A_1781, %scan3A_1740 : i32
        %get3A_1783 = arith.constant 0 : i32
        %get3A_1784 = arith.index_cast %get3A_1783 : i32 to index
        %get3A_1785 = arith.index_cast %add3A_1782 : i32 to index
        %get3A_1786 = arith.constant 80 : index
        %get3A_1787 = tpu.vector_load %arg12[%get3A_1784, %get3A_1785, %get3A_1786] {strides = array<i32>} : memref<2x80x128xf32, #tpu.memory_space<vmem>>, vector<16xf32>,
        %add3A_1788 = arith.addf %add3A_1722, %get3A_1787 : vector<16xf32>
        %add3A_1789 = arith.constant 0 : i32
        %add3A_1790 = arith.addi %add3A_1789, %scan3A_1740 : i32
        %get3A_1791 = arith.constant 0 : i32
        %get3A_1792 = arith.index_cast %get3A_1791 : i32 to index
        %get3A_1793 = arith.index_cast %add3A_1790 : i32 to index
        %get3A_1794 = arith.constant 96 : index
        %get3A_1795 = tpu.vector_load %arg12[%get3A_1792, %get3A_1793, %get3A_1794] {strides = array<i32>} : memref<2x80x128xf32, #tpu.memory_space<vmem>>, vector<16xf32>,
        %add3A_1796 = arith.addf %add3A_1730, %get3A_1795 : vector<16xf32>
        %add3A_1797 = arith.constant 0 : i32
        %add3A_1798 = arith.addi %add3A_1797, %scan3A_1740 : i32
        %get3A_1799 = arith.constant 0 : i32
        %get3A_1800 = arith.index_cast %get3A_1799 : i32 to index
        %get3A_1801 = arith.index_cast %add3A_1798 : i32 to index
        %get3A_1802 = arith.constant 112 : index
        %get3A_1803 = tpu.vector_load %arg12[%get3A_1800, %get3A_1801, %get3A_1802] {strides = array<i32>} : memref<2x80x128xf32, #tpu.memory_space<vmem>>, vector<16xf32>,
        %add3A_1804 = arith.addf %add3A_1738, %get3A_1803 : vector<16xf32>
        scf.yield %add3A_1748, %add3A_1756, %add3A_1764, %add3A_1772, %add3A_1780, %add3A_1788, %add3A_1796, %add3A_1804 : vector<16xf32>, vector<16xf32>, vector<16xf32>, vector<16xf32>, vector<16xf32>, vector<16xf32>, vector<16xf32>, vector<16xf32>
      }
      %scan3A_113 = arith.constant 20 : i32
      %get3A = arith.index_cast %add3A_90 : i32 to index
      %get3A_114 = arith.constant 0 : index
      %get3A_115 = tpu.vector_load %arg11[%get3A, %get3A_114] {strides = array<i32>} : memref<128x128xf32, #tpu.memory_space<vmem>>, vector<16xf32>,
      %get3A_116 = arith.index_cast %add3A_90 : i32 to index
      %get3A_117 = arith.constant 16 : index
      %get3A_118 = tpu.vector_load %arg11[%get3A_116, %get3A_117] {strides = array<i32>} : memref<128x128xf32, #tpu.memory_space<vmem>>, vector<16xf32>,
      %get3A_119 = arith.index_cast %add3A_90 : i32 to index
      %get3A_120 = arith.constant 32 : index
      %get3A_121 = tpu.vector_load %arg11[%get3A_119, %get3A_120] {strides = array<i32>} : memref<128x128xf32, #tpu.memory_space<vmem>>, vector<16xf32>,
      %get3A_122 = arith.index_cast %add3A_90 : i32 to index
      %get3A_123 = arith.constant 48 : index
      %get3A_124 = tpu.vector_load %arg11[%get3A_122, %get3A_123] {strides = array<i32>} : memref<128x128xf32, #tpu.memory_space<vmem>>, vector<16xf32>,
      %get3A_125 = arith.index_cast %add3A_90 : i32 to index
      %get3A_126 = arith.constant 64 : index
      %get3A_127 = tpu.vector_load %arg11[%get3A_125, %get3A_126] {strides = array<i32>} : memref<128x128xf32, #tpu.memory_space<vmem>>, vector<16xf32>,
      %get3A_128 = arith.index_cast %add3A_90 : i32 to index
      %get3A_129 = arith.constant 80 : index
      %get3A_130 = tpu.vector_load %arg11[%get3A_128, %get3A_129] {strides = array<i32>} : memref<128x128xf32, #tpu.memory_space<vmem>>, vector<16xf32>,
      %get3A_131 = arith.index_cast %add3A_90 : i32 to index
      %get3A_132 = arith.constant 96 : index
      %get3A_133 = tpu.vector_load %arg11[%get3A_131, %get3A_132] {strides = array<i32>} : memref<128x128xf32, #tpu.memory_space<vmem>>, vector<16xf32>,
      %get3A_134 = arith.index_cast %add3A_90 : i32 to index
      %get3A_135 = arith.constant 112 : index
      %get3A_136 = tpu.vector_load %arg11[%get3A_134, %get3A_135] {strides = array<i32>} : memref<128x128xf32, #tpu.memory_space<vmem>>, vector<16xf32>,
      %mul3A_137 = arith.mulf %scan3A_112#0, %get3A_115 : vector<16xf32>
      %mul3A_138 = arith.mulf %scan3A_112#1, %get3A_118 : vector<16xf32>
      %mul3A_139 = arith.mulf %scan3A_112#2, %get3A_121 : vector<16xf32>
      %mul3A_140 = arith.mulf %scan3A_112#3, %get3A_124 : vector<16xf32>
      %mul3A_141 = arith.mulf %scan3A_112#4, %get3A_127 : vector<16xf32>
      %mul3A_142 = arith.mulf %scan3A_112#5, %get3A_130 : vector<16xf32>
      %mul3A_143 = arith.mulf %scan3A_112#6, %get3A_133 : vector<16xf32>
      %mul3A_144 = arith.mulf %scan3A_112#7, %get3A_136 : vector<16xf32>
      %add3A_145 = arith.addf %mul3A_137, %mul3A_138 : vector<16xf32>
      %add3A_146 = arith.addf %mul3A_139, %mul3A_140 : vector<16xf32>
      %add3A_147 = arith.addf %mul3A_141, %mul3A_142 : vector<16xf32>
      %add3A_148 = arith.addf %mul3A_143, %mul3A_144 : vector<16xf32>
      %add3A_149 = arith.addf %add3A_145, %add3A_146 : vector<16xf32>
      %add3A_150 = arith.addf %add3A_147, %add3A_148 : vector<16xf32>
      %add3A_151 = arith.addf %add3A_149, %add3A_150 : vector<16xf32>
      %swap3A = arith.index_cast %mul3A_92 : i32 to index
      %swap3A_152 = arith.constant 0 : index
      %swap3A_153 = tpu.vector_load %arg14[%swap3A, %swap3A_152] {strides = array<i32>} : memref<2688x16xf32, #tpu.memory_space<vmem>>, vector<16xf32>,
      tpu.vector_store %arg14[%swap3A, %swap3A_152], %add3A_151 {strides = array<i32>} : memref<2688x16xf32, #tpu.memory_space<vmem>>, vector<16xf32>,
      %neg3A = arith.constant 0.000000e+00 : f32
      %neg3A_154 = vector.broadcast %neg3A : f32 to vector<16xf32>
      %neg3A_155 = arith.subf %neg3A_154, %scan3A_112#0 : vector<16xf32>
      %neg3A_156 = arith.constant 0.000000e+00 : f32
      %neg3A_157 = vector.broadcast %neg3A_156 : f32 to vector<16xf32>
      %neg3A_158 = arith.subf %neg3A_157, %scan3A_112#1 : vector<16xf32>
      %neg3A_159 = arith.constant 0.000000e+00 : f32
      %neg3A_160 = vector.broadcast %neg3A_159 : f32 to vector<16xf32>
      %neg3A_161 = arith.subf %neg3A_160, %scan3A_112#2 : vector<16xf32>
      %neg3A_162 = arith.constant 0.000000e+00 : f32
      %neg3A_163 = vector.broadcast %neg3A_162 : f32 to vector<16xf32>
      %neg3A_164 = arith.subf %neg3A_163, %scan3A_112#3 : vector<16xf32>
      %neg3A_165 = arith.constant 0.000000e+00 : f32
      %neg3A_166 = vector.broadcast %neg3A_165 : f32 to vector<16xf32>
      %neg3A_167 = arith.subf %neg3A_166, %scan3A_112#4 : vector<16xf32>
      %neg3A_168 = arith.constant 0.000000e+00 : f32
      %neg3A_169 = vector.broadcast %neg3A_168 : f32 to vector<16xf32>
      %neg3A_170 = arith.subf %neg3A_169, %scan3A_112#5 : vector<16xf32>
      %neg3A_171 = arith.constant 0.000000e+00 : f32
      %neg3A_172 = vector.broadcast %neg3A_171 : f32 to vector<16xf32>
      %neg3A_173 = arith.subf %neg3A_172, %scan3A_112#6 : vector<16xf32>
      %neg3A_174 = arith.constant 0.000000e+00 : f32
      %neg3A_175 = vector.broadcast %neg3A_174 : f32 to vector<16xf32>
      %neg3A_176 = arith.subf %neg3A_175, %scan3A_112#7 : vector<16xf32>
      %get3A_177 = arith.constant 0 : i32
      %get3A_178 = arith.constant 0 : i32
      %get3A_179 = arith.index_cast %get3A_177 : i32 to index
      %get3A_180 = arith.index_cast %get3A_178 : i32 to index
      %get3A_181 = arith.constant 0 : index
      %get3A_182 = tpu.vector_load %arg13[%get3A_179, %get3A_180, %get3A_181] {strides = array<i32>} : memref<2x80x128xf32, #tpu.memory_space<vmem>>, vector<16xf32>,
      %get3A_183 = arith.constant 0 : i32
      %get3A_184 = arith.constant 0 : i32
      %get3A_185 = arith.index_cast %get3A_183 : i32 to index
      %get3A_186 = arith.index_cast %get3A_184 : i32 to index
      %get3A_187 = arith.constant 16 : index
      %get3A_188 = tpu.vector_load %arg13[%get3A_185, %get3A_186, %get3A_187] {strides = array<i32>} : memref<2x80x128xf32, #tpu.memory_space<vmem>>, vector<16xf32>,
      %get3A_189 = arith.constant 0 : i32
      %get3A_190 = arith.constant 0 : i32
      %get3A_191 = arith.index_cast %get3A_189 : i32 to index
      %get3A_192 = arith.index_cast %get3A_190 : i32 to index
      %get3A_193 = arith.constant 32 : index
      %get3A_194 = tpu.vector_load %arg13[%get3A_191, %get3A_192, %get3A_193] {strides = array<i32>} : memref<2x80x128xf32, #tpu.memory_space<vmem>>, vector<16xf32>,
      %get3A_195 = arith.constant 0 : i32
      %get3A_196 = arith.constant 0 : i32
      %get3A_197 = arith.index_cast %get3A_195 : i32 to index
      %get3A_198 = arith.index_cast %get3A_196 : i32 to index
      %get3A_199 = arith.constant 48 : index
      %get3A_200 = tpu.vector_load %arg13[%get3A_197, %get3A_198, %get3A_199] {strides = array<i32>} : memref<2x80x128xf32, #tpu.memory_space<vmem>>, vector<16xf32>,
      %get3A_201 = arith.constant 0 : i32
      %get3A_202 = arith.constant 0 : i32
      %get3A_203 = arith.index_cast %get3A_201 : i32 to index
      %get3A_204 = arith.index_cast %get3A_202 : i32 to index
      %get3A_205 = arith.constant 64 : index
      %get3A_206 = tpu.vector_load %arg13[%get3A_203, %get3A_204, %get3A_205] {strides = array<i32>} : memref<2x80x128xf32, #tpu.memory_space<vmem>>, vector<16xf32>,
      %get3A_207 = arith.constant 0 : i32
      %get3A_208 = arith.constant 0 : i32
      %get3A_209 = arith.index_cast %get3A_207 : i32 to index
      %get3A_210 = arith.index_cast %get3A_208 : i32 to index
      %get3A_211 = arith.constant 80 : index
      %get3A_212 = tpu.vector_load %arg13[%get3A_209, %get3A_210, %get3A_211] {strides = array<i32>} : memref<2x80x128xf32, #tpu.memory_space<vmem>>, vector<16xf32>,
      %get3A_213 = arith.constant 0 : i32
      %get3A_214 = arith.constant 0 : i32
      %get3A_215 = arith.index_cast %get3A_213 : i32 to index
      %get3A_216 = arith.index_cast %get3A_214 : i32 to index
      %get3A_217 = arith.constant 96 : index
      %get3A_218 = tpu.vector_load %arg13[%get3A_215, %get3A_216, %get3A_217] {strides = array<i32>} : memref<2x80x128xf32, #tpu.memory_space<vmem>>, vector<16xf32>,
      %get3A_219 = arith.constant 0 : i32
      %get3A_220 = arith.constant 0 : i32
      %get3A_221 = arith.index_cast %get3A_219 : i32 to index
      %get3A_222 = arith.index_cast %get3A_220 : i32 to index
      %get3A_223 = arith.constant 112 : index
      %get3A_224 = tpu.vector_load %arg13[%get3A_221, %get3A_222, %get3A_223] {strides = array<i32>} : memref<2x80x128xf32, #tpu.memory_space<vmem>>, vector<16xf32>,
      %scan3A_225 = arith.constant 1 : i32
      %scan3A_226 = arith.constant 19 : i32
      %scan3A_227 = arith.addi %scan3A_225, %scan3A_226 : i32
      %scan3A_228 = arith.constant 1 : i32
      %scan3A_229:8 = scf.for %scan3A_1468 = %scan3A_225 to %scan3A_227 step %scan3A_228 iter_args(%scan3A_1469 = %get3A_182, %scan3A_1470 = %get3A_188, %scan3A_1471 = %get3A_194, %scan3A_1472 = %get3A_200, %scan3A_1473 = %get3A_206, %scan3A_1474 = %get3A_212, %scan3A_1475 = %get3A_218, %scan3A_1476 = %get3A_224) -> (vector<16xf32>, vector<16xf32>, vector<16xf32>, vector<16xf32>, vector<16xf32>, vector<16xf32>, vector<16xf32>, vector<16xf32>)  : i32 {
        %add3A_1477 = arith.constant 0 : i32
        %add3A_1478 = arith.addi %add3A_1477, %scan3A_1468 : i32
        %get3A_1479 = arith.constant 0 : i32
        %get3A_1480 = arith.index_cast %get3A_1479 : i32 to index
        %get3A_1481 = arith.index_cast %add3A_1478 : i32 to index
        %get3A_1482 = arith.constant 0 : index
        %get3A_1483 = tpu.vector_load %arg13[%get3A_1480, %get3A_1481, %get3A_1482] {strides = array<i32>} : memref<2x80x128xf32, #tpu.memory_space<vmem>>, vector<16xf32>,
        %add3A_1484 = arith.constant 0 : i32
        %add3A_1485 = arith.addi %add3A_1484, %scan3A_1468 : i32
        %get3A_1486 = arith.constant 0 : i32
        %get3A_1487 = arith.index_cast %get3A_1486 : i32 to index
        %get3A_1488 = arith.index_cast %add3A_1485 : i32 to index
        %get3A_1489 = arith.constant 16 : index
        %get3A_1490 = tpu.vector_load %arg13[%get3A_1487, %get3A_1488, %get3A_1489] {strides = array<i32>} : memref<2x80x128xf32, #tpu.memory_space<vmem>>, vector<16xf32>,
        %add3A_1491 = arith.constant 0 : i32
        %add3A_1492 = arith.addi %add3A_1491, %scan3A_1468 : i32
        %get3A_1493 = arith.constant 0 : i32
        %get3A_1494 = arith.index_cast %get3A_1493 : i32 to index
        %get3A_1495 = arith.index_cast %add3A_1492 : i32 to index
        %get3A_1496 = arith.constant 32 : index
        %get3A_1497 = tpu.vector_load %arg13[%get3A_1494, %get3A_1495, %get3A_1496] {strides = array<i32>} : memref<2x80x128xf32, #tpu.memory_space<vmem>>, vector<16xf32>,
        %add3A_1498 = arith.constant 0 : i32
        %add3A_1499 = arith.addi %add3A_1498, %scan3A_1468 : i32
        %get3A_1500 = arith.constant 0 : i32
        %get3A_1501 = arith.index_cast %get3A_1500 : i32 to index
        %get3A_1502 = arith.index_cast %add3A_1499 : i32 to index
        %get3A_1503 = arith.constant 48 : index
        %get3A_1504 = tpu.vector_load %arg13[%get3A_1501, %get3A_1502, %get3A_1503] {strides = array<i32>} : memref<2x80x128xf32, #tpu.memory_space<vmem>>, vector<16xf32>,
        %add3A_1505 = arith.constant 0 : i32
        %add3A_1506 = arith.addi %add3A_1505, %scan3A_1468 : i32
        %get3A_1507 = arith.constant 0 : i32
        %get3A_1508 = arith.index_cast %get3A_1507 : i32 to index
        %get3A_1509 = arith.index_cast %add3A_1506 : i32 to index
        %get3A_1510 = arith.constant 64 : index
        %get3A_1511 = tpu.vector_load %arg13[%get3A_1508, %get3A_1509, %get3A_1510] {strides = array<i32>} : memref<2x80x128xf32, #tpu.memory_space<vmem>>, vector<16xf32>,
        %add3A_1512 = arith.constant 0 : i32
        %add3A_1513 = arith.addi %add3A_1512, %scan3A_1468 : i32
        %get3A_1514 = arith.constant 0 : i32
        %get3A_1515 = arith.index_cast %get3A_1514 : i32 to index
        %get3A_1516 = arith.index_cast %add3A_1513 : i32 to index
        %get3A_1517 = arith.constant 80 : index
        %get3A_1518 = tpu.vector_load %arg13[%get3A_1515, %get3A_1516, %get3A_1517] {strides = array<i32>} : memref<2x80x128xf32, #tpu.memory_space<vmem>>, vector<16xf32>,
        %add3A_1519 = arith.constant 0 : i32
        %add3A_1520 = arith.addi %add3A_1519, %scan3A_1468 : i32
        %get3A_1521 = arith.constant 0 : i32
        %get3A_1522 = arith.index_cast %get3A_1521 : i32 to index
        %get3A_1523 = arith.index_cast %add3A_1520 : i32 to index
        %get3A_1524 = arith.constant 96 : index
        %get3A_1525 = tpu.vector_load %arg13[%get3A_1522, %get3A_1523, %get3A_1524] {strides = array<i32>} : memref<2x80x128xf32, #tpu.memory_space<vmem>>, vector<16xf32>,
        %add3A_1526 = arith.constant 0 : i32
        %add3A_1527 = arith.addi %add3A_1526, %scan3A_1468 : i32
        %get3A_1528 = arith.constant 0 : i32
        %get3A_1529 = arith.index_cast %get3A_1528 : i32 to index
        %get3A_1530 = arith.index_cast %add3A_1527 : i32 to index
        %get3A_1531 = arith.constant 112 : index
        %get3A_1532 = tpu.vector_load %arg13[%get3A_1529, %get3A_1530, %get3A_1531] {strides = array<i32>} : memref<2x80x128xf32, #tpu.memory_space<vmem>>, vector<16xf32>,
        %mul3A_1533 = arith.mulf %neg3A_155, %scan3A_1469 : vector<16xf32>
        %mul3A_1534 = arith.mulf %neg3A_158, %scan3A_1470 : vector<16xf32>
        %mul3A_1535 = arith.mulf %neg3A_161, %scan3A_1471 : vector<16xf32>
        %mul3A_1536 = arith.mulf %neg3A_164, %scan3A_1472 : vector<16xf32>
        %mul3A_1537 = arith.mulf %neg3A_167, %scan3A_1473 : vector<16xf32>
        %mul3A_1538 = arith.mulf %neg3A_170, %scan3A_1474 : vector<16xf32>
        %mul3A_1539 = arith.mulf %neg3A_173, %scan3A_1475 : vector<16xf32>
        %mul3A_1540 = arith.mulf %neg3A_176, %scan3A_1476 : vector<16xf32>
        %add3A_1541 = arith.addf %mul3A_1533, %mul3A_1534 : vector<16xf32>
        %add3A_1542 = arith.addf %mul3A_1535, %mul3A_1536 : vector<16xf32>
        %add3A_1543 = arith.addf %mul3A_1537, %mul3A_1538 : vector<16xf32>
        %add3A_1544 = arith.addf %mul3A_1539, %mul3A_1540 : vector<16xf32>
        %add3A_1545 = arith.addf %add3A_1541, %add3A_1542 : vector<16xf32>
        %add3A_1546 = arith.addf %add3A_1543, %add3A_1544 : vector<16xf32>
        %add3A_1547 = arith.addf %add3A_1545, %add3A_1546 : vector<16xf32>
        %add3A_1548 = arith.addi %mul3A_92, %scan3A_1468 : i32
        %swap3A_1549 = arith.index_cast %add3A_1548 : i32 to index
        %swap3A_1550 = arith.constant 0 : index
        %swap3A_1551 = tpu.vector_load %arg14[%swap3A_1549, %swap3A_1550] {strides = array<i32>} : memref<2688x16xf32, #tpu.memory_space<vmem>>, vector<16xf32>,
        tpu.vector_store %arg14[%swap3A_1549, %swap3A_1550], %add3A_1547 {strides = array<i32>} : memref<2688x16xf32, #tpu.memory_space<vmem>>, vector<16xf32>,
        scf.yield %get3A_1483, %get3A_1490, %get3A_1497, %get3A_1504, %get3A_1511, %get3A_1518, %get3A_1525, %get3A_1532 : vector<16xf32>, vector<16xf32>, vector<16xf32>, vector<16xf32>, vector<16xf32>, vector<16xf32>, vector<16xf32>, vector<16xf32>
      }
      %scan3A_230 = arith.constant 19 : i32
      %mul3A_231 = arith.mulf %neg3A_155, %scan3A_229#0 : vector<16xf32>
      %mul3A_232 = arith.mulf %neg3A_158, %scan3A_229#1 : vector<16xf32>
      %mul3A_233 = arith.mulf %neg3A_161, %scan3A_229#2 : vector<16xf32>
      %mul3A_234 = arith.mulf %neg3A_164, %scan3A_229#3 : vector<16xf32>
      %mul3A_235 = arith.mulf %neg3A_167, %scan3A_229#4 : vector<16xf32>
      %mul3A_236 = arith.mulf %neg3A_170, %scan3A_229#5 : vector<16xf32>
      %mul3A_237 = arith.mulf %neg3A_173, %scan3A_229#6 : vector<16xf32>
      %mul3A_238 = arith.mulf %neg3A_176, %scan3A_229#7 : vector<16xf32>
      %add3A_239 = arith.addf %mul3A_231, %mul3A_232 : vector<16xf32>
      %add3A_240 = arith.addf %mul3A_233, %mul3A_234 : vector<16xf32>
      %add3A_241 = arith.addf %mul3A_235, %mul3A_236 : vector<16xf32>
      %add3A_242 = arith.addf %mul3A_237, %mul3A_238 : vector<16xf32>
      %add3A_243 = arith.addf %add3A_239, %add3A_240 : vector<16xf32>
      %add3A_244 = arith.addf %add3A_241, %add3A_242 : vector<16xf32>
      %add3A_245 = arith.addf %add3A_243, %add3A_244 : vector<16xf32>
      %add3A_246 = arith.constant 20 : i32
      %add3A_247 = arith.addi %mul3A_92, %add3A_246 : i32
      %swap3A_248 = arith.index_cast %add3A_247 : i32 to index
      %swap3A_249 = arith.constant 0 : index
      %swap3A_250 = tpu.vector_load %arg14[%swap3A_248, %swap3A_249] {strides = array<i32>} : memref<2688x16xf32, #tpu.memory_space<vmem>>, vector<16xf32>,
      tpu.vector_store %arg14[%swap3A_248, %swap3A_249], %add3A_245 {strides = array<i32>} : memref<2688x16xf32, #tpu.memory_space<vmem>>, vector<16xf32>,
      %mul3A_251 = arith.constant 4 : i32
      %mul3A_252 = arith.muli %mul3A_60, %mul3A_251 : i32
      %add3A_253 = arith.constant 1 : i32
      %add3A_254 = arith.addi %mul3A_252, %add3A_253 : i32
      %mul3A_255 = arith.constant 21 : i32
      %mul3A_256 = arith.muli %add3A_254, %mul3A_255 : i32
      %broadcast_in_dim3A_257 = arith.constant 0.000000e+00 : f32
      %broadcast_in_dim3A_258 = vector.broadcast %broadcast_in_dim3A_257 : f32 to vector<16xf32>
      %broadcast_in_dim3A_259 = arith.constant 0.000000e+00 : f32
      %broadcast_in_dim3A_260 = vector.broadcast %broadcast_in_dim3A_259 : f32 to vector<16xf32>
      %broadcast_in_dim3A_261 = arith.constant 0.000000e+00 : f32
      %broadcast_in_dim3A_262 = vector.broadcast %broadcast_in_dim3A_261 : f32 to vector<16xf32>
      %broadcast_in_dim3A_263 = arith.constant 0.000000e+00 : f32
      %broadcast_in_dim3A_264 = vector.broadcast %broadcast_in_dim3A_263 : f32 to vector<16xf32>
      %broadcast_in_dim3A_265 = arith.constant 0.000000e+00 : f32
      %broadcast_in_dim3A_266 = vector.broadcast %broadcast_in_dim3A_265 : f32 to vector<16xf32>
      %broadcast_in_dim3A_267 = arith.constant 0.000000e+00 : f32
      %broadcast_in_dim3A_268 = vector.broadcast %broadcast_in_dim3A_267 : f32 to vector<16xf32>
      %broadcast_in_dim3A_269 = arith.constant 0.000000e+00 : f32
      %broadcast_in_dim3A_270 = vector.broadcast %broadcast_in_dim3A_269 : f32 to vector<16xf32>
      %broadcast_in_dim3A_271 = arith.constant 0.000000e+00 : f32
      %broadcast_in_dim3A_272 = vector.broadcast %broadcast_in_dim3A_271 : f32 to vector<16xf32>
      %scan3A_273 = arith.constant 0 : i32
      %scan3A_274 = arith.constant 20 : i32
      %scan3A_275 = arith.addi %scan3A_273, %scan3A_274 : i32
      %scan3A_276 = arith.constant 5 : i32
      %scan3A_277:8 = scf.for %scan3A_1468 = %scan3A_273 to %scan3A_275 step %scan3A_276 iter_args(%scan3A_1469 = %broadcast_in_dim3A_258, %scan3A_1470 = %broadcast_in_dim3A_260, %scan3A_1471 = %broadcast_in_dim3A_262, %scan3A_1472 = %broadcast_in_dim3A_264, %scan3A_1473 = %broadcast_in_dim3A_266, %scan3A_1474 = %broadcast_in_dim3A_268, %scan3A_1475 = %broadcast_in_dim3A_270, %scan3A_1476 = %broadcast_in_dim3A_272) -> (vector<16xf32>, vector<16xf32>, vector<16xf32>, vector<16xf32>, vector<16xf32>, vector<16xf32>, vector<16xf32>, vector<16xf32>)  : i32 {
        %add3A_1477 = arith.constant 20 : i32
        %add3A_1478 = arith.addi %add3A_1477, %scan3A_1468 : i32
        %get3A_1479 = arith.constant 0 : i32
        %get3A_1480 = arith.index_cast %get3A_1479 : i32 to index
        %get3A_1481 = arith.index_cast %add3A_1478 : i32 to index
        %get3A_1482 = arith.constant 0 : index
        %get3A_1483 = tpu.vector_load %arg12[%get3A_1480, %get3A_1481, %get3A_1482] {strides = array<i32>} : memref<2x80x128xf32, #tpu.memory_space<vmem>>, vector<16xf32>,
        %add3A_1484 = arith.addf %scan3A_1469, %get3A_1483 : vector<16xf32>
        %add3A_1485 = arith.constant 20 : i32
        %add3A_1486 = arith.addi %add3A_1485, %scan3A_1468 : i32
        %get3A_1487 = arith.constant 0 : i32
        %get3A_1488 = arith.index_cast %get3A_1487 : i32 to index
        %get3A_1489 = arith.index_cast %add3A_1486 : i32 to index
        %get3A_1490 = arith.constant 16 : index
        %get3A_1491 = tpu.vector_load %arg12[%get3A_1488, %get3A_1489, %get3A_1490] {strides = array<i32>} : memref<2x80x128xf32, #tpu.memory_space<vmem>>, vector<16xf32>,
        %add3A_1492 = arith.addf %scan3A_1470, %get3A_1491 : vector<16xf32>
        %add3A_1493 = arith.constant 20 : i32
        %add3A_1494 = arith.addi %add3A_1493, %scan3A_1468 : i32
        %get3A_1495 = arith.constant 0 : i32
        %get3A_1496 = arith.index_cast %get3A_1495 : i32 to index
        %get3A_1497 = arith.index_cast %add3A_1494 : i32 to index
        %get3A_1498 = arith.constant 32 : index
        %get3A_1499 = tpu.vector_load %arg12[%get3A_1496, %get3A_1497, %get3A_1498] {strides = array<i32>} : memref<2x80x128xf32, #tpu.memory_space<vmem>>, vector<16xf32>,
        %add3A_1500 = arith.addf %scan3A_1471, %get3A_1499 : vector<16xf32>
        %add3A_1501 = arith.constant 20 : i32
        %add3A_1502 = arith.addi %add3A_1501, %scan3A_1468 : i32
        %get3A_1503 = arith.constant 0 : i32
        %get3A_1504 = arith.index_cast %get3A_1503 : i32 to index
        %get3A_1505 = arith.index_cast %add3A_1502 : i32 to index
        %get3A_1506 = arith.constant 48 : index
        %get3A_1507 = tpu.vector_load %arg12[%get3A_1504, %get3A_1505, %get3A_1506] {strides = array<i32>} : memref<2x80x128xf32, #tpu.memory_space<vmem>>, vector<16xf32>,
        %add3A_1508 = arith.addf %scan3A_1472, %get3A_1507 : vector<16xf32>
        %add3A_1509 = arith.constant 20 : i32
        %add3A_1510 = arith.addi %add3A_1509, %scan3A_1468 : i32
        %get3A_1511 = arith.constant 0 : i32
        %get3A_1512 = arith.index_cast %get3A_1511 : i32 to index
        %get3A_1513 = arith.index_cast %add3A_1510 : i32 to index
        %get3A_1514 = arith.constant 64 : index
        %get3A_1515 = tpu.vector_load %arg12[%get3A_1512, %get3A_1513, %get3A_1514] {strides = array<i32>} : memref<2x80x128xf32, #tpu.memory_space<vmem>>, vector<16xf32>,
        %add3A_1516 = arith.addf %scan3A_1473, %get3A_1515 : vector<16xf32>
        %add3A_1517 = arith.constant 20 : i32
        %add3A_1518 = arith.addi %add3A_1517, %scan3A_1468 : i32
        %get3A_1519 = arith.constant 0 : i32
        %get3A_1520 = arith.index_cast %get3A_1519 : i32 to index
        %get3A_1521 = arith.index_cast %add3A_1518 : i32 to index
        %get3A_1522 = arith.constant 80 : index
        %get3A_1523 = tpu.vector_load %arg12[%get3A_1520, %get3A_1521, %get3A_1522] {strides = array<i32>} : memref<2x80x128xf32, #tpu.memory_space<vmem>>, vector<16xf32>,
        %add3A_1524 = arith.addf %scan3A_1474, %get3A_1523 : vector<16xf32>
        %add3A_1525 = arith.constant 20 : i32
        %add3A_1526 = arith.addi %add3A_1525, %scan3A_1468 : i32
        %get3A_1527 = arith.constant 0 : i32
        %get3A_1528 = arith.index_cast %get3A_1527 : i32 to index
        %get3A_1529 = arith.index_cast %add3A_1526 : i32 to index
        %get3A_1530 = arith.constant 96 : index
        %get3A_1531 = tpu.vector_load %arg12[%get3A_1528, %get3A_1529, %get3A_1530] {strides = array<i32>} : memref<2x80x128xf32, #tpu.memory_space<vmem>>, vector<16xf32>,
        %add3A_1532 = arith.addf %scan3A_1475, %get3A_1531 : vector<16xf32>
        %add3A_1533 = arith.constant 20 : i32
        %add3A_1534 = arith.addi %add3A_1533, %scan3A_1468 : i32
        %get3A_1535 = arith.constant 0 : i32
        %get3A_1536 = arith.index_cast %get3A_1535 : i32 to index
        %get3A_1537 = arith.index_cast %add3A_1534 : i32 to index
        %get3A_1538 = arith.constant 112 : index
        %get3A_1539 = tpu.vector_load %arg12[%get3A_1536, %get3A_1537, %get3A_1538] {strides = array<i32>} : memref<2x80x128xf32, #tpu.memory_space<vmem>>, vector<16xf32>,
        %add3A_1540 = arith.addf %scan3A_1476, %get3A_1539 : vector<16xf32>
        %scan3A_1541 = arith.constant 1 : i32
        %scan3A_1542 = arith.addi %scan3A_1468, %scan3A_1541 : i32
        %add3A_1543 = arith.constant 20 : i32
        %add3A_1544 = arith.addi %add3A_1543, %scan3A_1542 : i32
        %get3A_1545 = arith.constant 0 : i32
        %get3A_1546 = arith.index_cast %get3A_1545 : i32 to index
        %get3A_1547 = arith.index_cast %add3A_1544 : i32 to index
        %get3A_1548 = arith.constant 0 : index
        %get3A_1549 = tpu.vector_load %arg12[%get3A_1546, %get3A_1547, %get3A_1548] {strides = array<i32>} : memref<2x80x128xf32, #tpu.memory_space<vmem>>, vector<16xf32>,
        %add3A_1550 = arith.addf %add3A_1484, %get3A_1549 : vector<16xf32>
        %add3A_1551 = arith.constant 20 : i32
        %add3A_1552 = arith.addi %add3A_1551, %scan3A_1542 : i32
        %get3A_1553 = arith.constant 0 : i32
        %get3A_1554 = arith.index_cast %get3A_1553 : i32 to index
        %get3A_1555 = arith.index_cast %add3A_1552 : i32 to index
        %get3A_1556 = arith.constant 16 : index
        %get3A_1557 = tpu.vector_load %arg12[%get3A_1554, %get3A_1555, %get3A_1556] {strides = array<i32>} : memref<2x80x128xf32, #tpu.memory_space<vmem>>, vector<16xf32>,
        %add3A_1558 = arith.addf %add3A_1492, %get3A_1557 : vector<16xf32>
        %add3A_1559 = arith.constant 20 : i32
        %add3A_1560 = arith.addi %add3A_1559, %scan3A_1542 : i32
        %get3A_1561 = arith.constant 0 : i32
        %get3A_1562 = arith.index_cast %get3A_1561 : i32 to index
        %get3A_1563 = arith.index_cast %add3A_1560 : i32 to index
        %get3A_1564 = arith.constant 32 : index
        %get3A_1565 = tpu.vector_load %arg12[%get3A_1562, %get3A_1563, %get3A_1564] {strides = array<i32>} : memref<2x80x128xf32, #tpu.memory_space<vmem>>, vector<16xf32>,
        %add3A_1566 = arith.addf %add3A_1500, %get3A_1565 : vector<16xf32>
        %add3A_1567 = arith.constant 20 : i32
        %add3A_1568 = arith.addi %add3A_1567, %scan3A_1542 : i32
        %get3A_1569 = arith.constant 0 : i32
        %get3A_1570 = arith.index_cast %get3A_1569 : i32 to index
        %get3A_1571 = arith.index_cast %add3A_1568 : i32 to index
        %get3A_1572 = arith.constant 48 : index
        %get3A_1573 = tpu.vector_load %arg12[%get3A_1570, %get3A_1571, %get3A_1572] {strides = array<i32>} : memref<2x80x128xf32, #tpu.memory_space<vmem>>, vector<16xf32>,
        %add3A_1574 = arith.addf %add3A_1508, %get3A_1573 : vector<16xf32>
        %add3A_1575 = arith.constant 20 : i32
        %add3A_1576 = arith.addi %add3A_1575, %scan3A_1542 : i32
        %get3A_1577 = arith.constant 0 : i32
        %get3A_1578 = arith.index_cast %get3A_1577 : i32 to index
        %get3A_1579 = arith.index_cast %add3A_1576 : i32 to index
        %get3A_1580 = arith.constant 64 : index
        %get3A_1581 = tpu.vector_load %arg12[%get3A_1578, %get3A_1579, %get3A_1580] {strides = array<i32>} : memref<2x80x128xf32, #tpu.memory_space<vmem>>, vector<16xf32>,
        %add3A_1582 = arith.addf %add3A_1516, %get3A_1581 : vector<16xf32>
        %add3A_1583 = arith.constant 20 : i32
        %add3A_1584 = arith.addi %add3A_1583, %scan3A_1542 : i32
        %get3A_1585 = arith.constant 0 : i32
        %get3A_1586 = arith.index_cast %get3A_1585 : i32 to index
        %get3A_1587 = arith.index_cast %add3A_1584 : i32 to index
        %get3A_1588 = arith.constant 80 : index
        %get3A_1589 = tpu.vector_load %arg12[%get3A_1586, %get3A_1587, %get3A_1588] {strides = array<i32>} : memref<2x80x128xf32, #tpu.memory_space<vmem>>, vector<16xf32>,
        %add3A_1590 = arith.addf %add3A_1524, %get3A_1589 : vector<16xf32>
        %add3A_1591 = arith.constant 20 : i32
        %add3A_1592 = arith.addi %add3A_1591, %scan3A_1542 : i32
        %get3A_1593 = arith.constant 0 : i32
        %get3A_1594 = arith.index_cast %get3A_1593 : i32 to index
        %get3A_1595 = arith.index_cast %add3A_1592 : i32 to index
        %get3A_1596 = arith.constant 96 : index
        %get3A_1597 = tpu.vector_load %arg12[%get3A_1594, %get3A_1595, %get3A_1596] {strides = array<i32>} : memref<2x80x128xf32, #tpu.memory_space<vmem>>, vector<16xf32>,
        %add3A_1598 = arith.addf %add3A_1532, %get3A_1597 : vector<16xf32>
        %add3A_1599 = arith.constant 20 : i32
        %add3A_1600 = arith.addi %add3A_1599, %scan3A_1542 : i32
        %get3A_1601 = arith.constant 0 : i32
        %get3A_1602 = arith.index_cast %get3A_1601 : i32 to index
        %get3A_1603 = arith.index_cast %add3A_1600 : i32 to index
        %get3A_1604 = arith.constant 112 : index
        %get3A_1605 = tpu.vector_load %arg12[%get3A_1602, %get3A_1603, %get3A_1604] {strides = array<i32>} : memref<2x80x128xf32, #tpu.memory_space<vmem>>, vector<16xf32>,
        %add3A_1606 = arith.addf %add3A_1540, %get3A_1605 : vector<16xf32>
        %scan3A_1607 = arith.constant 2 : i32
        %scan3A_1608 = arith.addi %scan3A_1468, %scan3A_1607 : i32
        %add3A_1609 = arith.constant 20 : i32
        %add3A_1610 = arith.addi %add3A_1609, %scan3A_1608 : i32
        %get3A_1611 = arith.constant 0 : i32
        %get3A_1612 = arith.index_cast %get3A_1611 : i32 to index
        %get3A_1613 = arith.index_cast %add3A_1610 : i32 to index
        %get3A_1614 = arith.constant 0 : index
        %get3A_1615 = tpu.vector_load %arg12[%get3A_1612, %get3A_1613, %get3A_1614] {strides = array<i32>} : memref<2x80x128xf32, #tpu.memory_space<vmem>>, vector<16xf32>,
        %add3A_1616 = arith.addf %add3A_1550, %get3A_1615 : vector<16xf32>
        %add3A_1617 = arith.constant 20 : i32
        %add3A_1618 = arith.addi %add3A_1617, %scan3A_1608 : i32
        %get3A_1619 = arith.constant 0 : i32
        %get3A_1620 = arith.index_cast %get3A_1619 : i32 to index
        %get3A_1621 = arith.index_cast %add3A_1618 : i32 to index
        %get3A_1622 = arith.constant 16 : index
        %get3A_1623 = tpu.vector_load %arg12[%get3A_1620, %get3A_1621, %get3A_1622] {strides = array<i32>} : memref<2x80x128xf32, #tpu.memory_space<vmem>>, vector<16xf32>,
        %add3A_1624 = arith.addf %add3A_1558, %get3A_1623 : vector<16xf32>
        %add3A_1625 = arith.constant 20 : i32
        %add3A_1626 = arith.addi %add3A_1625, %scan3A_1608 : i32
        %get3A_1627 = arith.constant 0 : i32
        %get3A_1628 = arith.index_cast %get3A_1627 : i32 to index
        %get3A_1629 = arith.index_cast %add3A_1626 : i32 to index
        %get3A_1630 = arith.constant 32 : index
        %get3A_1631 = tpu.vector_load %arg12[%get3A_1628, %get3A_1629, %get3A_1630] {strides = array<i32>} : memref<2x80x128xf32, #tpu.memory_space<vmem>>, vector<16xf32>,
        %add3A_1632 = arith.addf %add3A_1566, %get3A_1631 : vector<16xf32>
        %add3A_1633 = arith.constant 20 : i32
        %add3A_1634 = arith.addi %add3A_1633, %scan3A_1608 : i32
        %get3A_1635 = arith.constant 0 : i32
        %get3A_1636 = arith.index_cast %get3A_1635 : i32 to index
        %get3A_1637 = arith.index_cast %add3A_1634 : i32 to index
        %get3A_1638 = arith.constant 48 : index
        %get3A_1639 = tpu.vector_load %arg12[%get3A_1636, %get3A_1637, %get3A_1638] {strides = array<i32>} : memref<2x80x128xf32, #tpu.memory_space<vmem>>, vector<16xf32>,
        %add3A_1640 = arith.addf %add3A_1574, %get3A_1639 : vector<16xf32>
        %add3A_1641 = arith.constant 20 : i32
        %add3A_1642 = arith.addi %add3A_1641, %scan3A_1608 : i32
        %get3A_1643 = arith.constant 0 : i32
        %get3A_1644 = arith.index_cast %get3A_1643 : i32 to index
        %get3A_1645 = arith.index_cast %add3A_1642 : i32 to index
        %get3A_1646 = arith.constant 64 : index
        %get3A_1647 = tpu.vector_load %arg12[%get3A_1644, %get3A_1645, %get3A_1646] {strides = array<i32>} : memref<2x80x128xf32, #tpu.memory_space<vmem>>, vector<16xf32>,
        %add3A_1648 = arith.addf %add3A_1582, %get3A_1647 : vector<16xf32>
        %add3A_1649 = arith.constant 20 : i32
        %add3A_1650 = arith.addi %add3A_1649, %scan3A_1608 : i32
        %get3A_1651 = arith.constant 0 : i32
        %get3A_1652 = arith.index_cast %get3A_1651 : i32 to index
        %get3A_1653 = arith.index_cast %add3A_1650 : i32 to index
        %get3A_1654 = arith.constant 80 : index
        %get3A_1655 = tpu.vector_load %arg12[%get3A_1652, %get3A_1653, %get3A_1654] {strides = array<i32>} : memref<2x80x128xf32, #tpu.memory_space<vmem>>, vector<16xf32>,
        %add3A_1656 = arith.addf %add3A_1590, %get3A_1655 : vector<16xf32>
        %add3A_1657 = arith.constant 20 : i32
        %add3A_1658 = arith.addi %add3A_1657, %scan3A_1608 : i32
        %get3A_1659 = arith.constant 0 : i32
        %get3A_1660 = arith.index_cast %get3A_1659 : i32 to index
        %get3A_1661 = arith.index_cast %add3A_1658 : i32 to index
        %get3A_1662 = arith.constant 96 : index
        %get3A_1663 = tpu.vector_load %arg12[%get3A_1660, %get3A_1661, %get3A_1662] {strides = array<i32>} : memref<2x80x128xf32, #tpu.memory_space<vmem>>, vector<16xf32>,
        %add3A_1664 = arith.addf %add3A_1598, %get3A_1663 : vector<16xf32>
        %add3A_1665 = arith.constant 20 : i32
        %add3A_1666 = arith.addi %add3A_1665, %scan3A_1608 : i32
        %get3A_1667 = arith.constant 0 : i32
        %get3A_1668 = arith.index_cast %get3A_1667 : i32 to index
        %get3A_1669 = arith.index_cast %add3A_1666 : i32 to index
        %get3A_1670 = arith.constant 112 : index
        %get3A_1671 = tpu.vector_load %arg12[%get3A_1668, %get3A_1669, %get3A_1670] {strides = array<i32>} : memref<2x80x128xf32, #tpu.memory_space<vmem>>, vector<16xf32>,
        %add3A_1672 = arith.addf %add3A_1606, %get3A_1671 : vector<16xf32>
        %scan3A_1673 = arith.constant 3 : i32
        %scan3A_1674 = arith.addi %scan3A_1468, %scan3A_1673 : i32
        %add3A_1675 = arith.constant 20 : i32
        %add3A_1676 = arith.addi %add3A_1675, %scan3A_1674 : i32
        %get3A_1677 = arith.constant 0 : i32
        %get3A_1678 = arith.index_cast %get3A_1677 : i32 to index
        %get3A_1679 = arith.index_cast %add3A_1676 : i32 to index
        %get3A_1680 = arith.constant 0 : index
        %get3A_1681 = tpu.vector_load %arg12[%get3A_1678, %get3A_1679, %get3A_1680] {strides = array<i32>} : memref<2x80x128xf32, #tpu.memory_space<vmem>>, vector<16xf32>,
        %add3A_1682 = arith.addf %add3A_1616, %get3A_1681 : vector<16xf32>
        %add3A_1683 = arith.constant 20 : i32
        %add3A_1684 = arith.addi %add3A_1683, %scan3A_1674 : i32
        %get3A_1685 = arith.constant 0 : i32
        %get3A_1686 = arith.index_cast %get3A_1685 : i32 to index
        %get3A_1687 = arith.index_cast %add3A_1684 : i32 to index
        %get3A_1688 = arith.constant 16 : index
        %get3A_1689 = tpu.vector_load %arg12[%get3A_1686, %get3A_1687, %get3A_1688] {strides = array<i32>} : memref<2x80x128xf32, #tpu.memory_space<vmem>>, vector<16xf32>,
        %add3A_1690 = arith.addf %add3A_1624, %get3A_1689 : vector<16xf32>
        %add3A_1691 = arith.constant 20 : i32
        %add3A_1692 = arith.addi %add3A_1691, %scan3A_1674 : i32
        %get3A_1693 = arith.constant 0 : i32
        %get3A_1694 = arith.index_cast %get3A_1693 : i32 to index
        %get3A_1695 = arith.index_cast %add3A_1692 : i32 to index
        %get3A_1696 = arith.constant 32 : index
        %get3A_1697 = tpu.vector_load %arg12[%get3A_1694, %get3A_1695, %get3A_1696] {strides = array<i32>} : memref<2x80x128xf32, #tpu.memory_space<vmem>>, vector<16xf32>,
        %add3A_1698 = arith.addf %add3A_1632, %get3A_1697 : vector<16xf32>
        %add3A_1699 = arith.constant 20 : i32
        %add3A_1700 = arith.addi %add3A_1699, %scan3A_1674 : i32
        %get3A_1701 = arith.constant 0 : i32
        %get3A_1702 = arith.index_cast %get3A_1701 : i32 to index
        %get3A_1703 = arith.index_cast %add3A_1700 : i32 to index
        %get3A_1704 = arith.constant 48 : index
        %get3A_1705 = tpu.vector_load %arg12[%get3A_1702, %get3A_1703, %get3A_1704] {strides = array<i32>} : memref<2x80x128xf32, #tpu.memory_space<vmem>>, vector<16xf32>,
        %add3A_1706 = arith.addf %add3A_1640, %get3A_1705 : vector<16xf32>
        %add3A_1707 = arith.constant 20 : i32
        %add3A_1708 = arith.addi %add3A_1707, %scan3A_1674 : i32
        %get3A_1709 = arith.constant 0 : i32
        %get3A_1710 = arith.index_cast %get3A_1709 : i32 to index
        %get3A_1711 = arith.index_cast %add3A_1708 : i32 to index
        %get3A_1712 = arith.constant 64 : index
        %get3A_1713 = tpu.vector_load %arg12[%get3A_1710, %get3A_1711, %get3A_1712] {strides = array<i32>} : memref<2x80x128xf32, #tpu.memory_space<vmem>>, vector<16xf32>,
        %add3A_1714 = arith.addf %add3A_1648, %get3A_1713 : vector<16xf32>
        %add3A_1715 = arith.constant 20 : i32
        %add3A_1716 = arith.addi %add3A_1715, %scan3A_1674 : i32
        %get3A_1717 = arith.constant 0 : i32
        %get3A_1718 = arith.index_cast %get3A_1717 : i32 to index
        %get3A_1719 = arith.index_cast %add3A_1716 : i32 to index
        %get3A_1720 = arith.constant 80 : index
        %get3A_1721 = tpu.vector_load %arg12[%get3A_1718, %get3A_1719, %get3A_1720] {strides = array<i32>} : memref<2x80x128xf32, #tpu.memory_space<vmem>>, vector<16xf32>,
        %add3A_1722 = arith.addf %add3A_1656, %get3A_1721 : vector<16xf32>
        %add3A_1723 = arith.constant 20 : i32
        %add3A_1724 = arith.addi %add3A_1723, %scan3A_1674 : i32
        %get3A_1725 = arith.constant 0 : i32
        %get3A_1726 = arith.index_cast %get3A_1725 : i32 to index
        %get3A_1727 = arith.index_cast %add3A_1724 : i32 to index
        %get3A_1728 = arith.constant 96 : index
        %get3A_1729 = tpu.vector_load %arg12[%get3A_1726, %get3A_1727, %get3A_1728] {strides = array<i32>} : memref<2x80x128xf32, #tpu.memory_space<vmem>>, vector<16xf32>,
        %add3A_1730 = arith.addf %add3A_1664, %get3A_1729 : vector<16xf32>
        %add3A_1731 = arith.constant 20 : i32
        %add3A_1732 = arith.addi %add3A_1731, %scan3A_1674 : i32
        %get3A_1733 = arith.constant 0 : i32
        %get3A_1734 = arith.index_cast %get3A_1733 : i32 to index
        %get3A_1735 = arith.index_cast %add3A_1732 : i32 to index
        %get3A_1736 = arith.constant 112 : index
        %get3A_1737 = tpu.vector_load %arg12[%get3A_1734, %get3A_1735, %get3A_1736] {strides = array<i32>} : memref<2x80x128xf32, #tpu.memory_space<vmem>>, vector<16xf32>,
        %add3A_1738 = arith.addf %add3A_1672, %get3A_1737 : vector<16xf32>
        %scan3A_1739 = arith.constant 4 : i32
        %scan3A_1740 = arith.addi %scan3A_1468, %scan3A_1739 : i32
        %add3A_1741 = arith.constant 20 : i32
        %add3A_1742 = arith.addi %add3A_1741, %scan3A_1740 : i32
        %get3A_1743 = arith.constant 0 : i32
        %get3A_1744 = arith.index_cast %get3A_1743 : i32 to index
        %get3A_1745 = arith.index_cast %add3A_1742 : i32 to index
        %get3A_1746 = arith.constant 0 : index
        %get3A_1747 = tpu.vector_load %arg12[%get3A_1744, %get3A_1745, %get3A_1746] {strides = array<i32>} : memref<2x80x128xf32, #tpu.memory_space<vmem>>, vector<16xf32>,
        %add3A_1748 = arith.addf %add3A_1682, %get3A_1747 : vector<16xf32>
        %add3A_1749 = arith.constant 20 : i32
        %add3A_1750 = arith.addi %add3A_1749, %scan3A_1740 : i32
        %get3A_1751 = arith.constant 0 : i32
        %get3A_1752 = arith.index_cast %get3A_1751 : i32 to index
        %get3A_1753 = arith.index_cast %add3A_1750 : i32 to index
        %get3A_1754 = arith.constant 16 : index
        %get3A_1755 = tpu.vector_load %arg12[%get3A_1752, %get3A_1753, %get3A_1754] {strides = array<i32>} : memref<2x80x128xf32, #tpu.memory_space<vmem>>, vector<16xf32>,
        %add3A_1756 = arith.addf %add3A_1690, %get3A_1755 : vector<16xf32>
        %add3A_1757 = arith.constant 20 : i32
        %add3A_1758 = arith.addi %add3A_1757, %scan3A_1740 : i32
        %get3A_1759 = arith.constant 0 : i32
        %get3A_1760 = arith.index_cast %get3A_1759 : i32 to index
        %get3A_1761 = arith.index_cast %add3A_1758 : i32 to index
        %get3A_1762 = arith.constant 32 : index
        %get3A_1763 = tpu.vector_load %arg12[%get3A_1760, %get3A_1761, %get3A_1762] {strides = array<i32>} : memref<2x80x128xf32, #tpu.memory_space<vmem>>, vector<16xf32>,
        %add3A_1764 = arith.addf %add3A_1698, %get3A_1763 : vector<16xf32>
        %add3A_1765 = arith.constant 20 : i32
        %add3A_1766 = arith.addi %add3A_1765, %scan3A_1740 : i32
        %get3A_1767 = arith.constant 0 : i32
        %get3A_1768 = arith.index_cast %get3A_1767 : i32 to index
        %get3A_1769 = arith.index_cast %add3A_1766 : i32 to index
        %get3A_1770 = arith.constant 48 : index
        %get3A_1771 = tpu.vector_load %arg12[%get3A_1768, %get3A_1769, %get3A_1770] {strides = array<i32>} : memref<2x80x128xf32, #tpu.memory_space<vmem>>, vector<16xf32>,
        %add3A_1772 = arith.addf %add3A_1706, %get3A_1771 : vector<16xf32>
        %add3A_1773 = arith.constant 20 : i32
        %add3A_1774 = arith.addi %add3A_1773, %scan3A_1740 : i32
        %get3A_1775 = arith.constant 0 : i32
        %get3A_1776 = arith.index_cast %get3A_1775 : i32 to index
        %get3A_1777 = arith.index_cast %add3A_1774 : i32 to index
        %get3A_1778 = arith.constant 64 : index
        %get3A_1779 = tpu.vector_load %arg12[%get3A_1776, %get3A_1777, %get3A_1778] {strides = array<i32>} : memref<2x80x128xf32, #tpu.memory_space<vmem>>, vector<16xf32>,
        %add3A_1780 = arith.addf %add3A_1714, %get3A_1779 : vector<16xf32>
        %add3A_1781 = arith.constant 20 : i32
        %add3A_1782 = arith.addi %add3A_1781, %scan3A_1740 : i32
        %get3A_1783 = arith.constant 0 : i32
        %get3A_1784 = arith.index_cast %get3A_1783 : i32 to index
        %get3A_1785 = arith.index_cast %add3A_1782 : i32 to index
        %get3A_1786 = arith.constant 80 : index
        %get3A_1787 = tpu.vector_load %arg12[%get3A_1784, %get3A_1785, %get3A_1786] {strides = array<i32>} : memref<2x80x128xf32, #tpu.memory_space<vmem>>, vector<16xf32>,
        %add3A_1788 = arith.addf %add3A_1722, %get3A_1787 : vector<16xf32>
        %add3A_1789 = arith.constant 20 : i32
        %add3A_1790 = arith.addi %add3A_1789, %scan3A_1740 : i32
        %get3A_1791 = arith.constant 0 : i32
        %get3A_1792 = arith.index_cast %get3A_1791 : i32 to index
        %get3A_1793 = arith.index_cast %add3A_1790 : i32 to index
        %get3A_1794 = arith.constant 96 : index
        %get3A_1795 = tpu.vector_load %arg12[%get3A_1792, %get3A_1793, %get3A_1794] {strides = array<i32>} : memref<2x80x128xf32, #tpu.memory_space<vmem>>, vector<16xf32>,
        %add3A_1796 = arith.addf %add3A_1730, %get3A_1795 : vector<16xf32>
        %add3A_1797 = arith.constant 20 : i32
        %add3A_1798 = arith.addi %add3A_1797, %scan3A_1740 : i32
        %get3A_1799 = arith.constant 0 : i32
        %get3A_1800 = arith.index_cast %get3A_1799 : i32 to index
        %get3A_1801 = arith.index_cast %add3A_1798 : i32 to index
        %get3A_1802 = arith.constant 112 : index
        %get3A_1803 = tpu.vector_load %arg12[%get3A_1800, %get3A_1801, %get3A_1802] {strides = array<i32>} : memref<2x80x128xf32, #tpu.memory_space<vmem>>, vector<16xf32>,
        %add3A_1804 = arith.addf %add3A_1738, %get3A_1803 : vector<16xf32>
        scf.yield %add3A_1748, %add3A_1756, %add3A_1764, %add3A_1772, %add3A_1780, %add3A_1788, %add3A_1796, %add3A_1804 : vector<16xf32>, vector<16xf32>, vector<16xf32>, vector<16xf32>, vector<16xf32>, vector<16xf32>, vector<16xf32>, vector<16xf32>
      }
      %scan3A_278 = arith.constant 20 : i32
      %get3A_279 = arith.index_cast %add3A_254 : i32 to index
      %get3A_280 = arith.constant 0 : index
      %get3A_281 = tpu.vector_load %arg11[%get3A_279, %get3A_280] {strides = array<i32>} : memref<128x128xf32, #tpu.memory_space<vmem>>, vector<16xf32>,
      %get3A_282 = arith.index_cast %add3A_254 : i32 to index
      %get3A_283 = arith.constant 16 : index
      %get3A_284 = tpu.vector_load %arg11[%get3A_282, %get3A_283] {strides = array<i32>} : memref<128x128xf32, #tpu.memory_space<vmem>>, vector<16xf32>,
      %get3A_285 = arith.index_cast %add3A_254 : i32 to index
      %get3A_286 = arith.constant 32 : index
      %get3A_287 = tpu.vector_load %arg11[%get3A_285, %get3A_286] {strides = array<i32>} : memref<128x128xf32, #tpu.memory_space<vmem>>, vector<16xf32>,
      %get3A_288 = arith.index_cast %add3A_254 : i32 to index
      %get3A_289 = arith.constant 48 : index
      %get3A_290 = tpu.vector_load %arg11[%get3A_288, %get3A_289] {strides = array<i32>} : memref<128x128xf32, #tpu.memory_space<vmem>>, vector<16xf32>,
      %get3A_291 = arith.index_cast %add3A_254 : i32 to index
      %get3A_292 = arith.constant 64 : index
      %get3A_293 = tpu.vector_load %arg11[%get3A_291, %get3A_292] {strides = array<i32>} : memref<128x128xf32, #tpu.memory_space<vmem>>, vector<16xf32>,
      %get3A_294 = arith.index_cast %add3A_254 : i32 to index
      %get3A_295 = arith.constant 80 : index
      %get3A_296 = tpu.vector_load %arg11[%get3A_294, %get3A_295] {strides = array<i32>} : memref<128x128xf32, #tpu.memory_space<vmem>>, vector<16xf32>,
      %get3A_297 = arith.index_cast %add3A_254 : i32 to index
      %get3A_298 = arith.constant 96 : index
      %get3A_299 = tpu.vector_load %arg11[%get3A_297, %get3A_298] {strides = array<i32>} : memref<128x128xf32, #tpu.memory_space<vmem>>, vector<16xf32>,
      %get3A_300 = arith.index_cast %add3A_254 : i32 to index
      %get3A_301 = arith.constant 112 : index
      %get3A_302 = tpu.vector_load %arg11[%get3A_300, %get3A_301] {strides = array<i32>} : memref<128x128xf32, #tpu.memory_space<vmem>>, vector<16xf32>,
      %mul3A_303 = arith.mulf %scan3A_277#0, %get3A_281 : vector<16xf32>
      %mul3A_304 = arith.mulf %scan3A_277#1, %get3A_284 : vector<16xf32>
      %mul3A_305 = arith.mulf %scan3A_277#2, %get3A_287 : vector<16xf32>
      %mul3A_306 = arith.mulf %scan3A_277#3, %get3A_290 : vector<16xf32>
      %mul3A_307 = arith.mulf %scan3A_277#4, %get3A_293 : vector<16xf32>
      %mul3A_308 = arith.mulf %scan3A_277#5, %get3A_296 : vector<16xf32>
      %mul3A_309 = arith.mulf %scan3A_277#6, %get3A_299 : vector<16xf32>
      %mul3A_310 = arith.mulf %scan3A_277#7, %get3A_302 : vector<16xf32>
      %add3A_311 = arith.addf %mul3A_303, %mul3A_304 : vector<16xf32>
      %add3A_312 = arith.addf %mul3A_305, %mul3A_306 : vector<16xf32>
      %add3A_313 = arith.addf %mul3A_307, %mul3A_308 : vector<16xf32>
      %add3A_314 = arith.addf %mul3A_309, %mul3A_310 : vector<16xf32>
      %add3A_315 = arith.addf %add3A_311, %add3A_312 : vector<16xf32>
      %add3A_316 = arith.addf %add3A_313, %add3A_314 : vector<16xf32>
      %add3A_317 = arith.addf %add3A_315, %add3A_316 : vector<16xf32>
      %swap3A_318 = arith.index_cast %mul3A_256 : i32 to index
      %swap3A_319 = arith.constant 0 : index
      %swap3A_320 = tpu.vector_load %arg14[%swap3A_318, %swap3A_319] {strides = array<i32>} : memref<2688x16xf32, #tpu.memory_space<vmem>>, vector<16xf32>,
      tpu.vector_store %arg14[%swap3A_318, %swap3A_319], %add3A_317 {strides = array<i32>} : memref<2688x16xf32, #tpu.memory_space<vmem>>, vector<16xf32>,
      %neg3A_321 = arith.constant 0.000000e+00 : f32
      %neg3A_322 = vector.broadcast %neg3A_321 : f32 to vector<16xf32>
      %neg3A_323 = arith.subf %neg3A_322, %scan3A_277#0 : vector<16xf32>
      %neg3A_324 = arith.constant 0.000000e+00 : f32
      %neg3A_325 = vector.broadcast %neg3A_324 : f32 to vector<16xf32>
      %neg3A_326 = arith.subf %neg3A_325, %scan3A_277#1 : vector<16xf32>
      %neg3A_327 = arith.constant 0.000000e+00 : f32
      %neg3A_328 = vector.broadcast %neg3A_327 : f32 to vector<16xf32>
      %neg3A_329 = arith.subf %neg3A_328, %scan3A_277#2 : vector<16xf32>
      %neg3A_330 = arith.constant 0.000000e+00 : f32
      %neg3A_331 = vector.broadcast %neg3A_330 : f32 to vector<16xf32>
      %neg3A_332 = arith.subf %neg3A_331, %scan3A_277#3 : vector<16xf32>
      %neg3A_333 = arith.constant 0.000000e+00 : f32
      %neg3A_334 = vector.broadcast %neg3A_333 : f32 to vector<16xf32>
      %neg3A_335 = arith.subf %neg3A_334, %scan3A_277#4 : vector<16xf32>
      %neg3A_336 = arith.constant 0.000000e+00 : f32
      %neg3A_337 = vector.broadcast %neg3A_336 : f32 to vector<16xf32>
      %neg3A_338 = arith.subf %neg3A_337, %scan3A_277#5 : vector<16xf32>
      %neg3A_339 = arith.constant 0.000000e+00 : f32
      %neg3A_340 = vector.broadcast %neg3A_339 : f32 to vector<16xf32>
      %neg3A_341 = arith.subf %neg3A_340, %scan3A_277#6 : vector<16xf32>
      %neg3A_342 = arith.constant 0.000000e+00 : f32
      %neg3A_343 = vector.broadcast %neg3A_342 : f32 to vector<16xf32>
      %neg3A_344 = arith.subf %neg3A_343, %scan3A_277#7 : vector<16xf32>
      %get3A_345 = arith.constant 0 : i32
      %get3A_346 = arith.constant 20 : i32
      %get3A_347 = arith.index_cast %get3A_345 : i32 to index
      %get3A_348 = arith.index_cast %get3A_346 : i32 to index
      %get3A_349 = arith.constant 0 : index
      %get3A_350 = tpu.vector_load %arg13[%get3A_347, %get3A_348, %get3A_349] {strides = array<i32>} : memref<2x80x128xf32, #tpu.memory_space<vmem>>, vector<16xf32>,
      %get3A_351 = arith.constant 0 : i32
      %get3A_352 = arith.constant 20 : i32
      %get3A_353 = arith.index_cast %get3A_351 : i32 to index
      %get3A_354 = arith.index_cast %get3A_352 : i32 to index
      %get3A_355 = arith.constant 16 : index
      %get3A_356 = tpu.vector_load %arg13[%get3A_353, %get3A_354, %get3A_355] {strides = array<i32>} : memref<2x80x128xf32, #tpu.memory_space<vmem>>, vector<16xf32>,
      %get3A_357 = arith.constant 0 : i32
      %get3A_358 = arith.constant 20 : i32
      %get3A_359 = arith.index_cast %get3A_357 : i32 to index
      %get3A_360 = arith.index_cast %get3A_358 : i32 to index
      %get3A_361 = arith.constant 32 : index
      %get3A_362 = tpu.vector_load %arg13[%get3A_359, %get3A_360, %get3A_361] {strides = array<i32>} : memref<2x80x128xf32, #tpu.memory_space<vmem>>, vector<16xf32>,
      %get3A_363 = arith.constant 0 : i32
      %get3A_364 = arith.constant 20 : i32
      %get3A_365 = arith.index_cast %get3A_363 : i32 to index
      %get3A_366 = arith.index_cast %get3A_364 : i32 to index
      %get3A_367 = arith.constant 48 : index
      %get3A_368 = tpu.vector_load %arg13[%get3A_365, %get3A_366, %get3A_367] {strides = array<i32>} : memref<2x80x128xf32, #tpu.memory_space<vmem>>, vector<16xf32>,
      %get3A_369 = arith.constant 0 : i32
      %get3A_370 = arith.constant 20 : i32
      %get3A_371 = arith.index_cast %get3A_369 : i32 to index
      %get3A_372 = arith.index_cast %get3A_370 : i32 to index
      %get3A_373 = arith.constant 64 : index
      %get3A_374 = tpu.vector_load %arg13[%get3A_371, %get3A_372, %get3A_373] {strides = array<i32>} : memref<2x80x128xf32, #tpu.memory_space<vmem>>, vector<16xf32>,
      %get3A_375 = arith.constant 0 : i32
      %get3A_376 = arith.constant 20 : i32
      %get3A_377 = arith.index_cast %get3A_375 : i32 to index
      %get3A_378 = arith.index_cast %get3A_376 : i32 to index
      %get3A_379 = arith.constant 80 : index
      %get3A_380 = tpu.vector_load %arg13[%get3A_377, %get3A_378, %get3A_379] {strides = array<i32>} : memref<2x80x128xf32, #tpu.memory_space<vmem>>, vector<16xf32>,
      %get3A_381 = arith.constant 0 : i32
      %get3A_382 = arith.constant 20 : i32
      %get3A_383 = arith.index_cast %get3A_381 : i32 to index
      %get3A_384 = arith.index_cast %get3A_382 : i32 to index
      %get3A_385 = arith.constant 96 : index
      %get3A_386 = tpu.vector_load %arg13[%get3A_383, %get3A_384, %get3A_385] {strides = array<i32>} : memref<2x80x128xf32, #tpu.memory_space<vmem>>, vector<16xf32>,
      %get3A_387 = arith.constant 0 : i32
      %get3A_388 = arith.constant 20 : i32
      %get3A_389 = arith.index_cast %get3A_387 : i32 to index
      %get3A_390 = arith.index_cast %get3A_388 : i32 to index
      %get3A_391 = arith.constant 112 : index
      %get3A_392 = tpu.vector_load %arg13[%get3A_389, %get3A_390, %get3A_391] {strides = array<i32>} : memref<2x80x128xf32, #tpu.memory_space<vmem>>, vector<16xf32>,
      %scan3A_393 = arith.constant 1 : i32
      %scan3A_394 = arith.constant 19 : i32
      %scan3A_395 = arith.addi %scan3A_393, %scan3A_394 : i32
      %scan3A_396 = arith.constant 1 : i32
      %scan3A_397:8 = scf.for %scan3A_1468 = %scan3A_393 to %scan3A_395 step %scan3A_396 iter_args(%scan3A_1469 = %get3A_350, %scan3A_1470 = %get3A_356, %scan3A_1471 = %get3A_362, %scan3A_1472 = %get3A_368, %scan3A_1473 = %get3A_374, %scan3A_1474 = %get3A_380, %scan3A_1475 = %get3A_386, %scan3A_1476 = %get3A_392) -> (vector<16xf32>, vector<16xf32>, vector<16xf32>, vector<16xf32>, vector<16xf32>, vector<16xf32>, vector<16xf32>, vector<16xf32>)  : i32 {
        %add3A_1477 = arith.constant 20 : i32
        %add3A_1478 = arith.addi %add3A_1477, %scan3A_1468 : i32
        %get3A_1479 = arith.constant 0 : i32
        %get3A_1480 = arith.index_cast %get3A_1479 : i32 to index
        %get3A_1481 = arith.index_cast %add3A_1478 : i32 to index
        %get3A_1482 = arith.constant 0 : index
        %get3A_1483 = tpu.vector_load %arg13[%get3A_1480, %get3A_1481, %get3A_1482] {strides = array<i32>} : memref<2x80x128xf32, #tpu.memory_space<vmem>>, vector<16xf32>,
        %add3A_1484 = arith.constant 20 : i32
        %add3A_1485 = arith.addi %add3A_1484, %scan3A_1468 : i32
        %get3A_1486 = arith.constant 0 : i32
        %get3A_1487 = arith.index_cast %get3A_1486 : i32 to index
        %get3A_1488 = arith.index_cast %add3A_1485 : i32 to index
        %get3A_1489 = arith.constant 16 : index
        %get3A_1490 = tpu.vector_load %arg13[%get3A_1487, %get3A_1488, %get3A_1489] {strides = array<i32>} : memref<2x80x128xf32, #tpu.memory_space<vmem>>, vector<16xf32>,
        %add3A_1491 = arith.constant 20 : i32
        %add3A_1492 = arith.addi %add3A_1491, %scan3A_1468 : i32
        %get3A_1493 = arith.constant 0 : i32
        %get3A_1494 = arith.index_cast %get3A_1493 : i32 to index
        %get3A_1495 = arith.index_cast %add3A_1492 : i32 to index
        %get3A_1496 = arith.constant 32 : index
        %get3A_1497 = tpu.vector_load %arg13[%get3A_1494, %get3A_1495, %get3A_1496] {strides = array<i32>} : memref<2x80x128xf32, #tpu.memory_space<vmem>>, vector<16xf32>,
        %add3A_1498 = arith.constant 20 : i32
        %add3A_1499 = arith.addi %add3A_1498, %scan3A_1468 : i32
        %get3A_1500 = arith.constant 0 : i32
        %get3A_1501 = arith.index_cast %get3A_1500 : i32 to index
        %get3A_1502 = arith.index_cast %add3A_1499 : i32 to index
        %get3A_1503 = arith.constant 48 : index
        %get3A_1504 = tpu.vector_load %arg13[%get3A_1501, %get3A_1502, %get3A_1503] {strides = array<i32>} : memref<2x80x128xf32, #tpu.memory_space<vmem>>, vector<16xf32>,
        %add3A_1505 = arith.constant 20 : i32
        %add3A_1506 = arith.addi %add3A_1505, %scan3A_1468 : i32
        %get3A_1507 = arith.constant 0 : i32
        %get3A_1508 = arith.index_cast %get3A_1507 : i32 to index
        %get3A_1509 = arith.index_cast %add3A_1506 : i32 to index
        %get3A_1510 = arith.constant 64 : index
        %get3A_1511 = tpu.vector_load %arg13[%get3A_1508, %get3A_1509, %get3A_1510] {strides = array<i32>} : memref<2x80x128xf32, #tpu.memory_space<vmem>>, vector<16xf32>,
        %add3A_1512 = arith.constant 20 : i32
        %add3A_1513 = arith.addi %add3A_1512, %scan3A_1468 : i32
        %get3A_1514 = arith.constant 0 : i32
        %get3A_1515 = arith.index_cast %get3A_1514 : i32 to index
        %get3A_1516 = arith.index_cast %add3A_1513 : i32 to index
        %get3A_1517 = arith.constant 80 : index
        %get3A_1518 = tpu.vector_load %arg13[%get3A_1515, %get3A_1516, %get3A_1517] {strides = array<i32>} : memref<2x80x128xf32, #tpu.memory_space<vmem>>, vector<16xf32>,
        %add3A_1519 = arith.constant 20 : i32
        %add3A_1520 = arith.addi %add3A_1519, %scan3A_1468 : i32
        %get3A_1521 = arith.constant 0 : i32
        %get3A_1522 = arith.index_cast %get3A_1521 : i32 to index
        %get3A_1523 = arith.index_cast %add3A_1520 : i32 to index
        %get3A_1524 = arith.constant 96 : index
        %get3A_1525 = tpu.vector_load %arg13[%get3A_1522, %get3A_1523, %get3A_1524] {strides = array<i32>} : memref<2x80x128xf32, #tpu.memory_space<vmem>>, vector<16xf32>,
        %add3A_1526 = arith.constant 20 : i32
        %add3A_1527 = arith.addi %add3A_1526, %scan3A_1468 : i32
        %get3A_1528 = arith.constant 0 : i32
        %get3A_1529 = arith.index_cast %get3A_1528 : i32 to index
        %get3A_1530 = arith.index_cast %add3A_1527 : i32 to index
        %get3A_1531 = arith.constant 112 : index
        %get3A_1532 = tpu.vector_load %arg13[%get3A_1529, %get3A_1530, %get3A_1531] {strides = array<i32>} : memref<2x80x128xf32, #tpu.memory_space<vmem>>, vector<16xf32>,
        %mul3A_1533 = arith.mulf %neg3A_323, %scan3A_1469 : vector<16xf32>
        %mul3A_1534 = arith.mulf %neg3A_326, %scan3A_1470 : vector<16xf32>
        %mul3A_1535 = arith.mulf %neg3A_329, %scan3A_1471 : vector<16xf32>
        %mul3A_1536 = arith.mulf %neg3A_332, %scan3A_1472 : vector<16xf32>
        %mul3A_1537 = arith.mulf %neg3A_335, %scan3A_1473 : vector<16xf32>
        %mul3A_1538 = arith.mulf %neg3A_338, %scan3A_1474 : vector<16xf32>
        %mul3A_1539 = arith.mulf %neg3A_341, %scan3A_1475 : vector<16xf32>
        %mul3A_1540 = arith.mulf %neg3A_344, %scan3A_1476 : vector<16xf32>
        %add3A_1541 = arith.addf %mul3A_1533, %mul3A_1534 : vector<16xf32>
        %add3A_1542 = arith.addf %mul3A_1535, %mul3A_1536 : vector<16xf32>
        %add3A_1543 = arith.addf %mul3A_1537, %mul3A_1538 : vector<16xf32>
        %add3A_1544 = arith.addf %mul3A_1539, %mul3A_1540 : vector<16xf32>
        %add3A_1545 = arith.addf %add3A_1541, %add3A_1542 : vector<16xf32>
        %add3A_1546 = arith.addf %add3A_1543, %add3A_1544 : vector<16xf32>
        %add3A_1547 = arith.addf %add3A_1545, %add3A_1546 : vector<16xf32>
        %add3A_1548 = arith.addi %mul3A_256, %scan3A_1468 : i32
        %swap3A_1549 = arith.index_cast %add3A_1548 : i32 to index
        %swap3A_1550 = arith.constant 0 : index
        %swap3A_1551 = tpu.vector_load %arg14[%swap3A_1549, %swap3A_1550] {strides = array<i32>} : memref<2688x16xf32, #tpu.memory_space<vmem>>, vector<16xf32>,
        tpu.vector_store %arg14[%swap3A_1549, %swap3A_1550], %add3A_1547 {strides = array<i32>} : memref<2688x16xf32, #tpu.memory_space<vmem>>, vector<16xf32>,
        scf.yield %get3A_1483, %get3A_1490, %get3A_1497, %get3A_1504, %get3A_1511, %get3A_1518, %get3A_1525, %get3A_1532 : vector<16xf32>, vector<16xf32>, vector<16xf32>, vector<16xf32>, vector<16xf32>, vector<16xf32>, vector<16xf32>, vector<16xf32>
      }
      %scan3A_398 = arith.constant 19 : i32
      %mul3A_399 = arith.mulf %neg3A_323, %scan3A_397#0 : vector<16xf32>
      %mul3A_400 = arith.mulf %neg3A_326, %scan3A_397#1 : vector<16xf32>
      %mul3A_401 = arith.mulf %neg3A_329, %scan3A_397#2 : vector<16xf32>
      %mul3A_402 = arith.mulf %neg3A_332, %scan3A_397#3 : vector<16xf32>
      %mul3A_403 = arith.mulf %neg3A_335, %scan3A_397#4 : vector<16xf32>
      %mul3A_404 = arith.mulf %neg3A_338, %scan3A_397#5 : vector<16xf32>
      %mul3A_405 = arith.mulf %neg3A_341, %scan3A_397#6 : vector<16xf32>
      %mul3A_406 = arith.mulf %neg3A_344, %scan3A_397#7 : vector<16xf32>
      %add3A_407 = arith.addf %mul3A_399, %mul3A_400 : vector<16xf32>
      %add3A_408 = arith.addf %mul3A_401, %mul3A_402 : vector<16xf32>
      %add3A_409 = arith.addf %mul3A_403, %mul3A_404 : vector<16xf32>
      %add3A_410 = arith.addf %mul3A_405, %mul3A_406 : vector<16xf32>
      %add3A_411 = arith.addf %add3A_407, %add3A_408 : vector<16xf32>
      %add3A_412 = arith.addf %add3A_409, %add3A_410 : vector<16xf32>
      %add3A_413 = arith.addf %add3A_411, %add3A_412 : vector<16xf32>
      %add3A_414 = arith.constant 20 : i32
      %add3A_415 = arith.addi %mul3A_256, %add3A_414 : i32
      %swap3A_416 = arith.index_cast %add3A_415 : i32 to index
      %swap3A_417 = arith.constant 0 : index
      %swap3A_418 = tpu.vector_load %arg14[%swap3A_416, %swap3A_417] {strides = array<i32>} : memref<2688x16xf32, #tpu.memory_space<vmem>>, vector<16xf32>,
      tpu.vector_store %arg14[%swap3A_416, %swap3A_417], %add3A_413 {strides = array<i32>} : memref<2688x16xf32, #tpu.memory_space<vmem>>, vector<16xf32>,
      %mul3A_419 = arith.constant 4 : i32
      %mul3A_420 = arith.muli %mul3A_60, %mul3A_419 : i32
      %add3A_421 = arith.constant 2 : i32
      %add3A_422 = arith.addi %mul3A_420, %add3A_421 : i32
      %mul3A_423 = arith.constant 21 : i32
      %mul3A_424 = arith.muli %add3A_422, %mul3A_423 : i32
      %broadcast_in_dim3A_425 = arith.constant 0.000000e+00 : f32
      %broadcast_in_dim3A_426 = vector.broadcast %broadcast_in_dim3A_425 : f32 to vector<16xf32>
      %broadcast_in_dim3A_427 = arith.constant 0.000000e+00 : f32
      %broadcast_in_dim3A_428 = vector.broadcast %broadcast_in_dim3A_427 : f32 to vector<16xf32>
      %broadcast_in_dim3A_429 = arith.constant 0.000000e+00 : f32
      %broadcast_in_dim3A_430 = vector.broadcast %broadcast_in_dim3A_429 : f32 to vector<16xf32>
      %broadcast_in_dim3A_431 = arith.constant 0.000000e+00 : f32
      %broadcast_in_dim3A_432 = vector.broadcast %broadcast_in_dim3A_431 : f32 to vector<16xf32>
      %broadcast_in_dim3A_433 = arith.constant 0.000000e+00 : f32
      %broadcast_in_dim3A_434 = vector.broadcast %broadcast_in_dim3A_433 : f32 to vector<16xf32>
      %broadcast_in_dim3A_435 = arith.constant 0.000000e+00 : f32
      %broadcast_in_dim3A_436 = vector.broadcast %broadcast_in_dim3A_435 : f32 to vector<16xf32>
      %broadcast_in_dim3A_437 = arith.constant 0.000000e+00 : f32
      %broadcast_in_dim3A_438 = vector.broadcast %broadcast_in_dim3A_437 : f32 to vector<16xf32>
      %broadcast_in_dim3A_439 = arith.constant 0.000000e+00 : f32
      %broadcast_in_dim3A_440 = vector.broadcast %broadcast_in_dim3A_439 : f32 to vector<16xf32>
      %scan3A_441 = arith.constant 0 : i32
      %scan3A_442 = arith.constant 20 : i32
      %scan3A_443 = arith.addi %scan3A_441, %scan3A_442 : i32
      %scan3A_444 = arith.constant 5 : i32
      %scan3A_445:8 = scf.for %scan3A_1468 = %scan3A_441 to %scan3A_443 step %scan3A_444 iter_args(%scan3A_1469 = %broadcast_in_dim3A_426, %scan3A_1470 = %broadcast_in_dim3A_428, %scan3A_1471 = %broadcast_in_dim3A_430, %scan3A_1472 = %broadcast_in_dim3A_432, %scan3A_1473 = %broadcast_in_dim3A_434, %scan3A_1474 = %broadcast_in_dim3A_436, %scan3A_1475 = %broadcast_in_dim3A_438, %scan3A_1476 = %broadcast_in_dim3A_440) -> (vector<16xf32>, vector<16xf32>, vector<16xf32>, vector<16xf32>, vector<16xf32>, vector<16xf32>, vector<16xf32>, vector<16xf32>)  : i32 {
        %add3A_1477 = arith.constant 40 : i32
        %add3A_1478 = arith.addi %add3A_1477, %scan3A_1468 : i32
        %get3A_1479 = arith.constant 0 : i32
        %get3A_1480 = arith.index_cast %get3A_1479 : i32 to index
        %get3A_1481 = arith.index_cast %add3A_1478 : i32 to index
        %get3A_1482 = arith.constant 0 : index
        %get3A_1483 = tpu.vector_load %arg12[%get3A_1480, %get3A_1481, %get3A_1482] {strides = array<i32>} : memref<2x80x128xf32, #tpu.memory_space<vmem>>, vector<16xf32>,
        %add3A_1484 = arith.addf %scan3A_1469, %get3A_1483 : vector<16xf32>
        %add3A_1485 = arith.constant 40 : i32
        %add3A_1486 = arith.addi %add3A_1485, %scan3A_1468 : i32
        %get3A_1487 = arith.constant 0 : i32
        %get3A_1488 = arith.index_cast %get3A_1487 : i32 to index
        %get3A_1489 = arith.index_cast %add3A_1486 : i32 to index
        %get3A_1490 = arith.constant 16 : index
        %get3A_1491 = tpu.vector_load %arg12[%get3A_1488, %get3A_1489, %get3A_1490] {strides = array<i32>} : memref<2x80x128xf32, #tpu.memory_space<vmem>>, vector<16xf32>,
        %add3A_1492 = arith.addf %scan3A_1470, %get3A_1491 : vector<16xf32>
        %add3A_1493 = arith.constant 40 : i32
        %add3A_1494 = arith.addi %add3A_1493, %scan3A_1468 : i32
        %get3A_1495 = arith.constant 0 : i32
        %get3A_1496 = arith.index_cast %get3A_1495 : i32 to index
        %get3A_1497 = arith.index_cast %add3A_1494 : i32 to index
        %get3A_1498 = arith.constant 32 : index
        %get3A_1499 = tpu.vector_load %arg12[%get3A_1496, %get3A_1497, %get3A_1498] {strides = array<i32>} : memref<2x80x128xf32, #tpu.memory_space<vmem>>, vector<16xf32>,
        %add3A_1500 = arith.addf %scan3A_1471, %get3A_1499 : vector<16xf32>
        %add3A_1501 = arith.constant 40 : i32
        %add3A_1502 = arith.addi %add3A_1501, %scan3A_1468 : i32
        %get3A_1503 = arith.constant 0 : i32
        %get3A_1504 = arith.index_cast %get3A_1503 : i32 to index
        %get3A_1505 = arith.index_cast %add3A_1502 : i32 to index
        %get3A_1506 = arith.constant 48 : index
        %get3A_1507 = tpu.vector_load %arg12[%get3A_1504, %get3A_1505, %get3A_1506] {strides = array<i32>} : memref<2x80x128xf32, #tpu.memory_space<vmem>>, vector<16xf32>,
        %add3A_1508 = arith.addf %scan3A_1472, %get3A_1507 : vector<16xf32>
        %add3A_1509 = arith.constant 40 : i32
        %add3A_1510 = arith.addi %add3A_1509, %scan3A_1468 : i32
        %get3A_1511 = arith.constant 0 : i32
        %get3A_1512 = arith.index_cast %get3A_1511 : i32 to index
        %get3A_1513 = arith.index_cast %add3A_1510 : i32 to index
        %get3A_1514 = arith.constant 64 : index
        %get3A_1515 = tpu.vector_load %arg12[%get3A_1512, %get3A_1513, %get3A_1514] {strides = array<i32>} : memref<2x80x128xf32, #tpu.memory_space<vmem>>, vector<16xf32>,
        %add3A_1516 = arith.addf %scan3A_1473, %get3A_1515 : vector<16xf32>
        %add3A_1517 = arith.constant 40 : i32
        %add3A_1518 = arith.addi %add3A_1517, %scan3A_1468 : i32
        %get3A_1519 = arith.constant 0 : i32
        %get3A_1520 = arith.index_cast %get3A_1519 : i32 to index
        %get3A_1521 = arith.index_cast %add3A_1518 : i32 to index
        %get3A_1522 = arith.constant 80 : index
        %get3A_1523 = tpu.vector_load %arg12[%get3A_1520, %get3A_1521, %get3A_1522] {strides = array<i32>} : memref<2x80x128xf32, #tpu.memory_space<vmem>>, vector<16xf32>,
        %add3A_1524 = arith.addf %scan3A_1474, %get3A_1523 : vector<16xf32>
        %add3A_1525 = arith.constant 40 : i32
        %add3A_1526 = arith.addi %add3A_1525, %scan3A_1468 : i32
        %get3A_1527 = arith.constant 0 : i32
        %get3A_1528 = arith.index_cast %get3A_1527 : i32 to index
        %get3A_1529 = arith.index_cast %add3A_1526 : i32 to index
        %get3A_1530 = arith.constant 96 : index
        %get3A_1531 = tpu.vector_load %arg12[%get3A_1528, %get3A_1529, %get3A_1530] {strides = array<i32>} : memref<2x80x128xf32, #tpu.memory_space<vmem>>, vector<16xf32>,
        %add3A_1532 = arith.addf %scan3A_1475, %get3A_1531 : vector<16xf32>
        %add3A_1533 = arith.constant 40 : i32
        %add3A_1534 = arith.addi %add3A_1533, %scan3A_1468 : i32
        %get3A_1535 = arith.constant 0 : i32
        %get3A_1536 = arith.index_cast %get3A_1535 : i32 to index
        %get3A_1537 = arith.index_cast %add3A_1534 : i32 to index
        %get3A_1538 = arith.constant 112 : index
        %get3A_1539 = tpu.vector_load %arg12[%get3A_1536, %get3A_1537, %get3A_1538] {strides = array<i32>} : memref<2x80x128xf32, #tpu.memory_space<vmem>>, vector<16xf32>,
        %add3A_1540 = arith.addf %scan3A_1476, %get3A_1539 : vector<16xf32>
        %scan3A_1541 = arith.constant 1 : i32
        %scan3A_1542 = arith.addi %scan3A_1468, %scan3A_1541 : i32
        %add3A_1543 = arith.constant 40 : i32
        %add3A_1544 = arith.addi %add3A_1543, %scan3A_1542 : i32
        %get3A_1545 = arith.constant 0 : i32
        %get3A_1546 = arith.index_cast %get3A_1545 : i32 to index
        %get3A_1547 = arith.index_cast %add3A_1544 : i32 to index
        %get3A_1548 = arith.constant 0 : index
        %get3A_1549 = tpu.vector_load %arg12[%get3A_1546, %get3A_1547, %get3A_1548] {strides = array<i32>} : memref<2x80x128xf32, #tpu.memory_space<vmem>>, vector<16xf32>,
        %add3A_1550 = arith.addf %add3A_1484, %get3A_1549 : vector<16xf32>
        %add3A_1551 = arith.constant 40 : i32
        %add3A_1552 = arith.addi %add3A_1551, %scan3A_1542 : i32
        %get3A_1553 = arith.constant 0 : i32
        %get3A_1554 = arith.index_cast %get3A_1553 : i32 to index
        %get3A_1555 = arith.index_cast %add3A_1552 : i32 to index
        %get3A_1556 = arith.constant 16 : index
        %get3A_1557 = tpu.vector_load %arg12[%get3A_1554, %get3A_1555, %get3A_1556] {strides = array<i32>} : memref<2x80x128xf32, #tpu.memory_space<vmem>>, vector<16xf32>,
        %add3A_1558 = arith.addf %add3A_1492, %get3A_1557 : vector<16xf32>
        %add3A_1559 = arith.constant 40 : i32
        %add3A_1560 = arith.addi %add3A_1559, %scan3A_1542 : i32
        %get3A_1561 = arith.constant 0 : i32
        %get3A_1562 = arith.index_cast %get3A_1561 : i32 to index
        %get3A_1563 = arith.index_cast %add3A_1560 : i32 to index
        %get3A_1564 = arith.constant 32 : index
        %get3A_1565 = tpu.vector_load %arg12[%get3A_1562, %get3A_1563, %get3A_1564] {strides = array<i32>} : memref<2x80x128xf32, #tpu.memory_space<vmem>>, vector<16xf32>,
        %add3A_1566 = arith.addf %add3A_1500, %get3A_1565 : vector<16xf32>
        %add3A_1567 = arith.constant 40 : i32
        %add3A_1568 = arith.addi %add3A_1567, %scan3A_1542 : i32
        %get3A_1569 = arith.constant 0 : i32
        %get3A_1570 = arith.index_cast %get3A_1569 : i32 to index
        %get3A_1571 = arith.index_cast %add3A_1568 : i32 to index
        %get3A_1572 = arith.constant 48 : index
        %get3A_1573 = tpu.vector_load %arg12[%get3A_1570, %get3A_1571, %get3A_1572] {strides = array<i32>} : memref<2x80x128xf32, #tpu.memory_space<vmem>>, vector<16xf32>,
        %add3A_1574 = arith.addf %add3A_1508, %get3A_1573 : vector<16xf32>
        %add3A_1575 = arith.constant 40 : i32
        %add3A_1576 = arith.addi %add3A_1575, %scan3A_1542 : i32
        %get3A_1577 = arith.constant 0 : i32
        %get3A_1578 = arith.index_cast %get3A_1577 : i32 to index
        %get3A_1579 = arith.index_cast %add3A_1576 : i32 to index
        %get3A_1580 = arith.constant 64 : index
        %get3A_1581 = tpu.vector_load %arg12[%get3A_1578, %get3A_1579, %get3A_1580] {strides = array<i32>} : memref<2x80x128xf32, #tpu.memory_space<vmem>>, vector<16xf32>,
        %add3A_1582 = arith.addf %add3A_1516, %get3A_1581 : vector<16xf32>
        %add3A_1583 = arith.constant 40 : i32
        %add3A_1584 = arith.addi %add3A_1583, %scan3A_1542 : i32
        %get3A_1585 = arith.constant 0 : i32
        %get3A_1586 = arith.index_cast %get3A_1585 : i32 to index
        %get3A_1587 = arith.index_cast %add3A_1584 : i32 to index
        %get3A_1588 = arith.constant 80 : index
        %get3A_1589 = tpu.vector_load %arg12[%get3A_1586, %get3A_1587, %get3A_1588] {strides = array<i32>} : memref<2x80x128xf32, #tpu.memory_space<vmem>>, vector<16xf32>,
        %add3A_1590 = arith.addf %add3A_1524, %get3A_1589 : vector<16xf32>
        %add3A_1591 = arith.constant 40 : i32
        %add3A_1592 = arith.addi %add3A_1591, %scan3A_1542 : i32
        %get3A_1593 = arith.constant 0 : i32
        %get3A_1594 = arith.index_cast %get3A_1593 : i32 to index
        %get3A_1595 = arith.index_cast %add3A_1592 : i32 to index
        %get3A_1596 = arith.constant 96 : index
        %get3A_1597 = tpu.vector_load %arg12[%get3A_1594, %get3A_1595, %get3A_1596] {strides = array<i32>} : memref<2x80x128xf32, #tpu.memory_space<vmem>>, vector<16xf32>,
        %add3A_1598 = arith.addf %add3A_1532, %get3A_1597 : vector<16xf32>
        %add3A_1599 = arith.constant 40 : i32
        %add3A_1600 = arith.addi %add3A_1599, %scan3A_1542 : i32
        %get3A_1601 = arith.constant 0 : i32
        %get3A_1602 = arith.index_cast %get3A_1601 : i32 to index
        %get3A_1603 = arith.index_cast %add3A_1600 : i32 to index
        %get3A_1604 = arith.constant 112 : index
        %get3A_1605 = tpu.vector_load %arg12[%get3A_1602, %get3A_1603, %get3A_1604] {strides = array<i32>} : memref<2x80x128xf32, #tpu.memory_space<vmem>>, vector<16xf32>,
        %add3A_1606 = arith.addf %add3A_1540, %get3A_1605 : vector<16xf32>
        %scan3A_1607 = arith.constant 2 : i32
        %scan3A_1608 = arith.addi %scan3A_1468, %scan3A_1607 : i32
        %add3A_1609 = arith.constant 40 : i32
        %add3A_1610 = arith.addi %add3A_1609, %scan3A_1608 : i32
        %get3A_1611 = arith.constant 0 : i32
        %get3A_1612 = arith.index_cast %get3A_1611 : i32 to index
        %get3A_1613 = arith.index_cast %add3A_1610 : i32 to index
        %get3A_1614 = arith.constant 0 : index
        %get3A_1615 = tpu.vector_load %arg12[%get3A_1612, %get3A_1613, %get3A_1614] {strides = array<i32>} : memref<2x80x128xf32, #tpu.memory_space<vmem>>, vector<16xf32>,
        %add3A_1616 = arith.addf %add3A_1550, %get3A_1615 : vector<16xf32>
        %add3A_1617 = arith.constant 40 : i32
        %add3A_1618 = arith.addi %add3A_1617, %scan3A_1608 : i32
        %get3A_1619 = arith.constant 0 : i32
        %get3A_1620 = arith.index_cast %get3A_1619 : i32 to index
        %get3A_1621 = arith.index_cast %add3A_1618 : i32 to index
        %get3A_1622 = arith.constant 16 : index
        %get3A_1623 = tpu.vector_load %arg12[%get3A_1620, %get3A_1621, %get3A_1622] {strides = array<i32>} : memref<2x80x128xf32, #tpu.memory_space<vmem>>, vector<16xf32>,
        %add3A_1624 = arith.addf %add3A_1558, %get3A_1623 : vector<16xf32>
        %add3A_1625 = arith.constant 40 : i32
        %add3A_1626 = arith.addi %add3A_1625, %scan3A_1608 : i32
        %get3A_1627 = arith.constant 0 : i32
        %get3A_1628 = arith.index_cast %get3A_1627 : i32 to index
        %get3A_1629 = arith.index_cast %add3A_1626 : i32 to index
        %get3A_1630 = arith.constant 32 : index
        %get3A_1631 = tpu.vector_load %arg12[%get3A_1628, %get3A_1629, %get3A_1630] {strides = array<i32>} : memref<2x80x128xf32, #tpu.memory_space<vmem>>, vector<16xf32>,
        %add3A_1632 = arith.addf %add3A_1566, %get3A_1631 : vector<16xf32>
        %add3A_1633 = arith.constant 40 : i32
        %add3A_1634 = arith.addi %add3A_1633, %scan3A_1608 : i32
        %get3A_1635 = arith.constant 0 : i32
        %get3A_1636 = arith.index_cast %get3A_1635 : i32 to index
        %get3A_1637 = arith.index_cast %add3A_1634 : i32 to index
        %get3A_1638 = arith.constant 48 : index
        %get3A_1639 = tpu.vector_load %arg12[%get3A_1636, %get3A_1637, %get3A_1638] {strides = array<i32>} : memref<2x80x128xf32, #tpu.memory_space<vmem>>, vector<16xf32>,
        %add3A_1640 = arith.addf %add3A_1574, %get3A_1639 : vector<16xf32>
        %add3A_1641 = arith.constant 40 : i32
        %add3A_1642 = arith.addi %add3A_1641, %scan3A_1608 : i32
        %get3A_1643 = arith.constant 0 : i32
        %get3A_1644 = arith.index_cast %get3A_1643 : i32 to index
        %get3A_1645 = arith.index_cast %add3A_1642 : i32 to index
        %get3A_1646 = arith.constant 64 : index
        %get3A_1647 = tpu.vector_load %arg12[%get3A_1644, %get3A_1645, %get3A_1646] {strides = array<i32>} : memref<2x80x128xf32, #tpu.memory_space<vmem>>, vector<16xf32>,
        %add3A_1648 = arith.addf %add3A_1582, %get3A_1647 : vector<16xf32>
        %add3A_1649 = arith.constant 40 : i32
        %add3A_1650 = arith.addi %add3A_1649, %scan3A_1608 : i32
        %get3A_1651 = arith.constant 0 : i32
        %get3A_1652 = arith.index_cast %get3A_1651 : i32 to index
        %get3A_1653 = arith.index_cast %add3A_1650 : i32 to index
        %get3A_1654 = arith.constant 80 : index
        %get3A_1655 = tpu.vector_load %arg12[%get3A_1652, %get3A_1653, %get3A_1654] {strides = array<i32>} : memref<2x80x128xf32, #tpu.memory_space<vmem>>, vector<16xf32>,
        %add3A_1656 = arith.addf %add3A_1590, %get3A_1655 : vector<16xf32>
        %add3A_1657 = arith.constant 40 : i32
        %add3A_1658 = arith.addi %add3A_1657, %scan3A_1608 : i32
        %get3A_1659 = arith.constant 0 : i32
        %get3A_1660 = arith.index_cast %get3A_1659 : i32 to index
        %get3A_1661 = arith.index_cast %add3A_1658 : i32 to index
        %get3A_1662 = arith.constant 96 : index
        %get3A_1663 = tpu.vector_load %arg12[%get3A_1660, %get3A_1661, %get3A_1662] {strides = array<i32>} : memref<2x80x128xf32, #tpu.memory_space<vmem>>, vector<16xf32>,
        %add3A_1664 = arith.addf %add3A_1598, %get3A_1663 : vector<16xf32>
        %add3A_1665 = arith.constant 40 : i32
        %add3A_1666 = arith.addi %add3A_1665, %scan3A_1608 : i32
        %get3A_1667 = arith.constant 0 : i32
        %get3A_1668 = arith.index_cast %get3A_1667 : i32 to index
        %get3A_1669 = arith.index_cast %add3A_1666 : i32 to index
        %get3A_1670 = arith.constant 112 : index
        %get3A_1671 = tpu.vector_load %arg12[%get3A_1668, %get3A_1669, %get3A_1670] {strides = array<i32>} : memref<2x80x128xf32, #tpu.memory_space<vmem>>, vector<16xf32>,
        %add3A_1672 = arith.addf %add3A_1606, %get3A_1671 : vector<16xf32>
        %scan3A_1673 = arith.constant 3 : i32
        %scan3A_1674 = arith.addi %scan3A_1468, %scan3A_1673 : i32
        %add3A_1675 = arith.constant 40 : i32
        %add3A_1676 = arith.addi %add3A_1675, %scan3A_1674 : i32
        %get3A_1677 = arith.constant 0 : i32
        %get3A_1678 = arith.index_cast %get3A_1677 : i32 to index
        %get3A_1679 = arith.index_cast %add3A_1676 : i32 to index
        %get3A_1680 = arith.constant 0 : index
        %get3A_1681 = tpu.vector_load %arg12[%get3A_1678, %get3A_1679, %get3A_1680] {strides = array<i32>} : memref<2x80x128xf32, #tpu.memory_space<vmem>>, vector<16xf32>,
        %add3A_1682 = arith.addf %add3A_1616, %get3A_1681 : vector<16xf32>
        %add3A_1683 = arith.constant 40 : i32
        %add3A_1684 = arith.addi %add3A_1683, %scan3A_1674 : i32
        %get3A_1685 = arith.constant 0 : i32
        %get3A_1686 = arith.index_cast %get3A_1685 : i32 to index
        %get3A_1687 = arith.index_cast %add3A_1684 : i32 to index
        %get3A_1688 = arith.constant 16 : index
        %get3A_1689 = tpu.vector_load %arg12[%get3A_1686, %get3A_1687, %get3A_1688] {strides = array<i32>} : memref<2x80x128xf32, #tpu.memory_space<vmem>>, vector<16xf32>,
        %add3A_1690 = arith.addf %add3A_1624, %get3A_1689 : vector<16xf32>
        %add3A_1691 = arith.constant 40 : i32
        %add3A_1692 = arith.addi %add3A_1691, %scan3A_1674 : i32
        %get3A_1693 = arith.constant 0 : i32
        %get3A_1694 = arith.index_cast %get3A_1693 : i32 to index
        %get3A_1695 = arith.index_cast %add3A_1692 : i32 to index
        %get3A_1696 = arith.constant 32 : index
        %get3A_1697 = tpu.vector_load %arg12[%get3A_1694, %get3A_1695, %get3A_1696] {strides = array<i32>} : memref<2x80x128xf32, #tpu.memory_space<vmem>>, vector<16xf32>,
        %add3A_1698 = arith.addf %add3A_1632, %get3A_1697 : vector<16xf32>
        %add3A_1699 = arith.constant 40 : i32
        %add3A_1700 = arith.addi %add3A_1699, %scan3A_1674 : i32
        %get3A_1701 = arith.constant 0 : i32
        %get3A_1702 = arith.index_cast %get3A_1701 : i32 to index
        %get3A_1703 = arith.index_cast %add3A_1700 : i32 to index
        %get3A_1704 = arith.constant 48 : index
        %get3A_1705 = tpu.vector_load %arg12[%get3A_1702, %get3A_1703, %get3A_1704] {strides = array<i32>} : memref<2x80x128xf32, #tpu.memory_space<vmem>>, vector<16xf32>,
        %add3A_1706 = arith.addf %add3A_1640, %get3A_1705 : vector<16xf32>
        %add3A_1707 = arith.constant 40 : i32
        %add3A_1708 = arith.addi %add3A_1707, %scan3A_1674 : i32
        %get3A_1709 = arith.constant 0 : i32
        %get3A_1710 = arith.index_cast %get3A_1709 : i32 to index
        %get3A_1711 = arith.index_cast %add3A_1708 : i32 to index
        %get3A_1712 = arith.constant 64 : index
        %get3A_1713 = tpu.vector_load %arg12[%get3A_1710, %get3A_1711, %get3A_1712] {strides = array<i32>} : memref<2x80x128xf32, #tpu.memory_space<vmem>>, vector<16xf32>,
        %add3A_1714 = arith.addf %add3A_1648, %get3A_1713 : vector<16xf32>
        %add3A_1715 = arith.constant 40 : i32
        %add3A_1716 = arith.addi %add3A_1715, %scan3A_1674 : i32
        %get3A_1717 = arith.constant 0 : i32
        %get3A_1718 = arith.index_cast %get3A_1717 : i32 to index
        %get3A_1719 = arith.index_cast %add3A_1716 : i32 to index
        %get3A_1720 = arith.constant 80 : index
        %get3A_1721 = tpu.vector_load %arg12[%get3A_1718, %get3A_1719, %get3A_1720] {strides = array<i32>} : memref<2x80x128xf32, #tpu.memory_space<vmem>>, vector<16xf32>,
        %add3A_1722 = arith.addf %add3A_1656, %get3A_1721 : vector<16xf32>
        %add3A_1723 = arith.constant 40 : i32
        %add3A_1724 = arith.addi %add3A_1723, %scan3A_1674 : i32
        %get3A_1725 = arith.constant 0 : i32
        %get3A_1726 = arith.index_cast %get3A_1725 : i32 to index
        %get3A_1727 = arith.index_cast %add3A_1724 : i32 to index
        %get3A_1728 = arith.constant 96 : index
        %get3A_1729 = tpu.vector_load %arg12[%get3A_1726, %get3A_1727, %get3A_1728] {strides = array<i32>} : memref<2x80x128xf32, #tpu.memory_space<vmem>>, vector<16xf32>,
        %add3A_1730 = arith.addf %add3A_1664, %get3A_1729 : vector<16xf32>
        %add3A_1731 = arith.constant 40 : i32
        %add3A_1732 = arith.addi %add3A_1731, %scan3A_1674 : i32
        %get3A_1733 = arith.constant 0 : i32
        %get3A_1734 = arith.index_cast %get3A_1733 : i32 to index
        %get3A_1735 = arith.index_cast %add3A_1732 : i32 to index
        %get3A_1736 = arith.constant 112 : index
        %get3A_1737 = tpu.vector_load %arg12[%get3A_1734, %get3A_1735, %get3A_1736] {strides = array<i32>} : memref<2x80x128xf32, #tpu.memory_space<vmem>>, vector<16xf32>,
        %add3A_1738 = arith.addf %add3A_1672, %get3A_1737 : vector<16xf32>
        %scan3A_1739 = arith.constant 4 : i32
        %scan3A_1740 = arith.addi %scan3A_1468, %scan3A_1739 : i32
        %add3A_1741 = arith.constant 40 : i32
        %add3A_1742 = arith.addi %add3A_1741, %scan3A_1740 : i32
        %get3A_1743 = arith.constant 0 : i32
        %get3A_1744 = arith.index_cast %get3A_1743 : i32 to index
        %get3A_1745 = arith.index_cast %add3A_1742 : i32 to index
        %get3A_1746 = arith.constant 0 : index
        %get3A_1747 = tpu.vector_load %arg12[%get3A_1744, %get3A_1745, %get3A_1746] {strides = array<i32>} : memref<2x80x128xf32, #tpu.memory_space<vmem>>, vector<16xf32>,
        %add3A_1748 = arith.addf %add3A_1682, %get3A_1747 : vector<16xf32>
        %add3A_1749 = arith.constant 40 : i32
        %add3A_1750 = arith.addi %add3A_1749, %scan3A_1740 : i32
        %get3A_1751 = arith.constant 0 : i32
        %get3A_1752 = arith.index_cast %get3A_1751 : i32 to index
        %get3A_1753 = arith.index_cast %add3A_1750 : i32 to index
        %get3A_1754 = arith.constant 16 : index
        %get3A_1755 = tpu.vector_load %arg12[%get3A_1752, %get3A_1753, %get3A_1754] {strides = array<i32>} : memref<2x80x128xf32, #tpu.memory_space<vmem>>, vector<16xf32>,
        %add3A_1756 = arith.addf %add3A_1690, %get3A_1755 : vector<16xf32>
        %add3A_1757 = arith.constant 40 : i32
        %add3A_1758 = arith.addi %add3A_1757, %scan3A_1740 : i32
        %get3A_1759 = arith.constant 0 : i32
        %get3A_1760 = arith.index_cast %get3A_1759 : i32 to index
        %get3A_1761 = arith.index_cast %add3A_1758 : i32 to index
        %get3A_1762 = arith.constant 32 : index
        %get3A_1763 = tpu.vector_load %arg12[%get3A_1760, %get3A_1761, %get3A_1762] {strides = array<i32>} : memref<2x80x128xf32, #tpu.memory_space<vmem>>, vector<16xf32>,
        %add3A_1764 = arith.addf %add3A_1698, %get3A_1763 : vector<16xf32>
        %add3A_1765 = arith.constant 40 : i32
        %add3A_1766 = arith.addi %add3A_1765, %scan3A_1740 : i32
        %get3A_1767 = arith.constant 0 : i32
        %get3A_1768 = arith.index_cast %get3A_1767 : i32 to index
        %get3A_1769 = arith.index_cast %add3A_1766 : i32 to index
        %get3A_1770 = arith.constant 48 : index
        %get3A_1771 = tpu.vector_load %arg12[%get3A_1768, %get3A_1769, %get3A_1770] {strides = array<i32>} : memref<2x80x128xf32, #tpu.memory_space<vmem>>, vector<16xf32>,
        %add3A_1772 = arith.addf %add3A_1706, %get3A_1771 : vector<16xf32>
        %add3A_1773 = arith.constant 40 : i32
        %add3A_1774 = arith.addi %add3A_1773, %scan3A_1740 : i32
        %get3A_1775 = arith.constant 0 : i32
        %get3A_1776 = arith.index_cast %get3A_1775 : i32 to index
        %get3A_1777 = arith.index_cast %add3A_1774 : i32 to index
        %get3A_1778 = arith.constant 64 : index
        %get3A_1779 = tpu.vector_load %arg12[%get3A_1776, %get3A_1777, %get3A_1778] {strides = array<i32>} : memref<2x80x128xf32, #tpu.memory_space<vmem>>, vector<16xf32>,
        %add3A_1780 = arith.addf %add3A_1714, %get3A_1779 : vector<16xf32>
        %add3A_1781 = arith.constant 40 : i32
        %add3A_1782 = arith.addi %add3A_1781, %scan3A_1740 : i32
        %get3A_1783 = arith.constant 0 : i32
        %get3A_1784 = arith.index_cast %get3A_1783 : i32 to index
        %get3A_1785 = arith.index_cast %add3A_1782 : i32 to index
        %get3A_1786 = arith.constant 80 : index
        %get3A_1787 = tpu.vector_load %arg12[%get3A_1784, %get3A_1785, %get3A_1786] {strides = array<i32>} : memref<2x80x128xf32, #tpu.memory_space<vmem>>, vector<16xf32>,
        %add3A_1788 = arith.addf %add3A_1722, %get3A_1787 : vector<16xf32>
        %add3A_1789 = arith.constant 40 : i32
        %add3A_1790 = arith.addi %add3A_1789, %scan3A_1740 : i32
        %get3A_1791 = arith.constant 0 : i32
        %get3A_1792 = arith.index_cast %get3A_1791 : i32 to index
        %get3A_1793 = arith.index_cast %add3A_1790 : i32 to index
        %get3A_1794 = arith.constant 96 : index
        %get3A_1795 = tpu.vector_load %arg12[%get3A_1792, %get3A_1793, %get3A_1794] {strides = array<i32>} : memref<2x80x128xf32, #tpu.memory_space<vmem>>, vector<16xf32>,
        %add3A_1796 = arith.addf %add3A_1730, %get3A_1795 : vector<16xf32>
        %add3A_1797 = arith.constant 40 : i32
        %add3A_1798 = arith.addi %add3A_1797, %scan3A_1740 : i32
        %get3A_1799 = arith.constant 0 : i32
        %get3A_1800 = arith.index_cast %get3A_1799 : i32 to index
        %get3A_1801 = arith.index_cast %add3A_1798 : i32 to index
        %get3A_1802 = arith.constant 112 : index
        %get3A_1803 = tpu.vector_load %arg12[%get3A_1800, %get3A_1801, %get3A_1802] {strides = array<i32>} : memref<2x80x128xf32, #tpu.memory_space<vmem>>, vector<16xf32>,
        %add3A_1804 = arith.addf %add3A_1738, %get3A_1803 : vector<16xf32>
        scf.yield %add3A_1748, %add3A_1756, %add3A_1764, %add3A_1772, %add3A_1780, %add3A_1788, %add3A_1796, %add3A_1804 : vector<16xf32>, vector<16xf32>, vector<16xf32>, vector<16xf32>, vector<16xf32>, vector<16xf32>, vector<16xf32>, vector<16xf32>
      }
      %scan3A_446 = arith.constant 20 : i32
      %get3A_447 = arith.index_cast %add3A_422 : i32 to index
      %get3A_448 = arith.constant 0 : index
      %get3A_449 = tpu.vector_load %arg11[%get3A_447, %get3A_448] {strides = array<i32>} : memref<128x128xf32, #tpu.memory_space<vmem>>, vector<16xf32>,
      %get3A_450 = arith.index_cast %add3A_422 : i32 to index
      %get3A_451 = arith.constant 16 : index
      %get3A_452 = tpu.vector_load %arg11[%get3A_450, %get3A_451] {strides = array<i32>} : memref<128x128xf32, #tpu.memory_space<vmem>>, vector<16xf32>,
      %get3A_453 = arith.index_cast %add3A_422 : i32 to index
      %get3A_454 = arith.constant 32 : index
      %get3A_455 = tpu.vector_load %arg11[%get3A_453, %get3A_454] {strides = array<i32>} : memref<128x128xf32, #tpu.memory_space<vmem>>, vector<16xf32>,
      %get3A_456 = arith.index_cast %add3A_422 : i32 to index
      %get3A_457 = arith.constant 48 : index
      %get3A_458 = tpu.vector_load %arg11[%get3A_456, %get3A_457] {strides = array<i32>} : memref<128x128xf32, #tpu.memory_space<vmem>>, vector<16xf32>,
      %get3A_459 = arith.index_cast %add3A_422 : i32 to index
      %get3A_460 = arith.constant 64 : index
      %get3A_461 = tpu.vector_load %arg11[%get3A_459, %get3A_460] {strides = array<i32>} : memref<128x128xf32, #tpu.memory_space<vmem>>, vector<16xf32>,
      %get3A_462 = arith.index_cast %add3A_422 : i32 to index
      %get3A_463 = arith.constant 80 : index
      %get3A_464 = tpu.vector_load %arg11[%get3A_462, %get3A_463] {strides = array<i32>} : memref<128x128xf32, #tpu.memory_space<vmem>>, vector<16xf32>,
      %get3A_465 = arith.index_cast %add3A_422 : i32 to index
      %get3A_466 = arith.constant 96 : index
      %get3A_467 = tpu.vector_load %arg11[%get3A_465, %get3A_466] {strides = array<i32>} : memref<128x128xf32, #tpu.memory_space<vmem>>, vector<16xf32>,
      %get3A_468 = arith.index_cast %add3A_422 : i32 to index
      %get3A_469 = arith.constant 112 : index
      %get3A_470 = tpu.vector_load %arg11[%get3A_468, %get3A_469] {strides = array<i32>} : memref<128x128xf32, #tpu.memory_space<vmem>>, vector<16xf32>,
      %mul3A_471 = arith.mulf %scan3A_445#0, %get3A_449 : vector<16xf32>
      %mul3A_472 = arith.mulf %scan3A_445#1, %get3A_452 : vector<16xf32>
      %mul3A_473 = arith.mulf %scan3A_445#2, %get3A_455 : vector<16xf32>
      %mul3A_474 = arith.mulf %scan3A_445#3, %get3A_458 : vector<16xf32>
      %mul3A_475 = arith.mulf %scan3A_445#4, %get3A_461 : vector<16xf32>
      %mul3A_476 = arith.mulf %scan3A_445#5, %get3A_464 : vector<16xf32>
      %mul3A_477 = arith.mulf %scan3A_445#6, %get3A_467 : vector<16xf32>
      %mul3A_478 = arith.mulf %scan3A_445#7, %get3A_470 : vector<16xf32>
      %add3A_479 = arith.addf %mul3A_471, %mul3A_472 : vector<16xf32>
      %add3A_480 = arith.addf %mul3A_473, %mul3A_474 : vector<16xf32>
      %add3A_481 = arith.addf %mul3A_475, %mul3A_476 : vector<16xf32>
      %add3A_482 = arith.addf %mul3A_477, %mul3A_478 : vector<16xf32>
      %add3A_483 = arith.addf %add3A_479, %add3A_480 : vector<16xf32>
      %add3A_484 = arith.addf %add3A_481, %add3A_482 : vector<16xf32>
      %add3A_485 = arith.addf %add3A_483, %add3A_484 : vector<16xf32>
      %swap3A_486 = arith.index_cast %mul3A_424 : i32 to index
      %swap3A_487 = arith.constant 0 : index
      %swap3A_488 = tpu.vector_load %arg14[%swap3A_486, %swap3A_487] {strides = array<i32>} : memref<2688x16xf32, #tpu.memory_space<vmem>>, vector<16xf32>,
      tpu.vector_store %arg14[%swap3A_486, %swap3A_487], %add3A_485 {strides = array<i32>} : memref<2688x16xf32, #tpu.memory_space<vmem>>, vector<16xf32>,
      %neg3A_489 = arith.constant 0.000000e+00 : f32
      %neg3A_490 = vector.broadcast %neg3A_489 : f32 to vector<16xf32>
      %neg3A_491 = arith.subf %neg3A_490, %scan3A_445#0 : vector<16xf32>
      %neg3A_492 = arith.constant 0.000000e+00 : f32
      %neg3A_493 = vector.broadcast %neg3A_492 : f32 to vector<16xf32>
      %neg3A_494 = arith.subf %neg3A_493, %scan3A_445#1 : vector<16xf32>
      %neg3A_495 = arith.constant 0.000000e+00 : f32
      %neg3A_496 = vector.broadcast %neg3A_495 : f32 to vector<16xf32>
      %neg3A_497 = arith.subf %neg3A_496, %scan3A_445#2 : vector<16xf32>
      %neg3A_498 = arith.constant 0.000000e+00 : f32
      %neg3A_499 = vector.broadcast %neg3A_498 : f32 to vector<16xf32>
      %neg3A_500 = arith.subf %neg3A_499, %scan3A_445#3 : vector<16xf32>
      %neg3A_501 = arith.constant 0.000000e+00 : f32
      %neg3A_502 = vector.broadcast %neg3A_501 : f32 to vector<16xf32>
      %neg3A_503 = arith.subf %neg3A_502, %scan3A_445#4 : vector<16xf32>
      %neg3A_504 = arith.constant 0.000000e+00 : f32
      %neg3A_505 = vector.broadcast %neg3A_504 : f32 to vector<16xf32>
      %neg3A_506 = arith.subf %neg3A_505, %scan3A_445#5 : vector<16xf32>
      %neg3A_507 = arith.constant 0.000000e+00 : f32
      %neg3A_508 = vector.broadcast %neg3A_507 : f32 to vector<16xf32>
      %neg3A_509 = arith.subf %neg3A_508, %scan3A_445#6 : vector<16xf32>
      %neg3A_510 = arith.constant 0.000000e+00 : f32
      %neg3A_511 = vector.broadcast %neg3A_510 : f32 to vector<16xf32>
      %neg3A_512 = arith.subf %neg3A_511, %scan3A_445#7 : vector<16xf32>
      %get3A_513 = arith.constant 0 : i32
      %get3A_514 = arith.constant 40 : i32
      %get3A_515 = arith.index_cast %get3A_513 : i32 to index
      %get3A_516 = arith.index_cast %get3A_514 : i32 to index
      %get3A_517 = arith.constant 0 : index
      %get3A_518 = tpu.vector_load %arg13[%get3A_515, %get3A_516, %get3A_517] {strides = array<i32>} : memref<2x80x128xf32, #tpu.memory_space<vmem>>, vector<16xf32>,
      %get3A_519 = arith.constant 0 : i32
      %get3A_520 = arith.constant 40 : i32
      %get3A_521 = arith.index_cast %get3A_519 : i32 to index
      %get3A_522 = arith.index_cast %get3A_520 : i32 to index
      %get3A_523 = arith.constant 16 : index
      %get3A_524 = tpu.vector_load %arg13[%get3A_521, %get3A_522, %get3A_523] {strides = array<i32>} : memref<2x80x128xf32, #tpu.memory_space<vmem>>, vector<16xf32>,
      %get3A_525 = arith.constant 0 : i32
      %get3A_526 = arith.constant 40 : i32
      %get3A_527 = arith.index_cast %get3A_525 : i32 to index
      %get3A_528 = arith.index_cast %get3A_526 : i32 to index
      %get3A_529 = arith.constant 32 : index
      %get3A_530 = tpu.vector_load %arg13[%get3A_527, %get3A_528, %get3A_529] {strides = array<i32>} : memref<2x80x128xf32, #tpu.memory_space<vmem>>, vector<16xf32>,
      %get3A_531 = arith.constant 0 : i32
      %get3A_532 = arith.constant 40 : i32
      %get3A_533 = arith.index_cast %get3A_531 : i32 to index
      %get3A_534 = arith.index_cast %get3A_532 : i32 to index
      %get3A_535 = arith.constant 48 : index
      %get3A_536 = tpu.vector_load %arg13[%get3A_533, %get3A_534, %get3A_535] {strides = array<i32>} : memref<2x80x128xf32, #tpu.memory_space<vmem>>, vector<16xf32>,
      %get3A_537 = arith.constant 0 : i32
      %get3A_538 = arith.constant 40 : i32
      %get3A_539 = arith.index_cast %get3A_537 : i32 to index
      %get3A_540 = arith.index_cast %get3A_538 : i32 to index
      %get3A_541 = arith.constant 64 : index
      %get3A_542 = tpu.vector_load %arg13[%get3A_539, %get3A_540, %get3A_541] {strides = array<i32>} : memref<2x80x128xf32, #tpu.memory_space<vmem>>, vector<16xf32>,
      %get3A_543 = arith.constant 0 : i32
      %get3A_544 = arith.constant 40 : i32
      %get3A_545 = arith.index_cast %get3A_543 : i32 to index
      %get3A_546 = arith.index_cast %get3A_544 : i32 to index
      %get3A_547 = arith.constant 80 : index
      %get3A_548 = tpu.vector_load %arg13[%get3A_545, %get3A_546, %get3A_547] {strides = array<i32>} : memref<2x80x128xf32, #tpu.memory_space<vmem>>, vector<16xf32>,
      %get3A_549 = arith.constant 0 : i32
      %get3A_550 = arith.constant 40 : i32
      %get3A_551 = arith.index_cast %get3A_549 : i32 to index
      %get3A_552 = arith.index_cast %get3A_550 : i32 to index
      %get3A_553 = arith.constant 96 : index
      %get3A_554 = tpu.vector_load %arg13[%get3A_551, %get3A_552, %get3A_553] {strides = array<i32>} : memref<2x80x128xf32, #tpu.memory_space<vmem>>, vector<16xf32>,
      %get3A_555 = arith.constant 0 : i32
      %get3A_556 = arith.constant 40 : i32
      %get3A_557 = arith.index_cast %get3A_555 : i32 to index
      %get3A_558 = arith.index_cast %get3A_556 : i32 to index
      %get3A_559 = arith.constant 112 : index
      %get3A_560 = tpu.vector_load %arg13[%get3A_557, %get3A_558, %get3A_559] {strides = array<i32>} : memref<2x80x128xf32, #tpu.memory_space<vmem>>, vector<16xf32>,
      %scan3A_561 = arith.constant 1 : i32
      %scan3A_562 = arith.constant 19 : i32
      %scan3A_563 = arith.addi %scan3A_561, %scan3A_562 : i32
      %scan3A_564 = arith.constant 1 : i32
      %scan3A_565:8 = scf.for %scan3A_1468 = %scan3A_561 to %scan3A_563 step %scan3A_564 iter_args(%scan3A_1469 = %get3A_518, %scan3A_1470 = %get3A_524, %scan3A_1471 = %get3A_530, %scan3A_1472 = %get3A_536, %scan3A_1473 = %get3A_542, %scan3A_1474 = %get3A_548, %scan3A_1475 = %get3A_554, %scan3A_1476 = %get3A_560) -> (vector<16xf32>, vector<16xf32>, vector<16xf32>, vector<16xf32>, vector<16xf32>, vector<16xf32>, vector<16xf32>, vector<16xf32>)  : i32 {
        %add3A_1477 = arith.constant 40 : i32
        %add3A_1478 = arith.addi %add3A_1477, %scan3A_1468 : i32
        %get3A_1479 = arith.constant 0 : i32
        %get3A_1480 = arith.index_cast %get3A_1479 : i32 to index
        %get3A_1481 = arith.index_cast %add3A_1478 : i32 to index
        %get3A_1482 = arith.constant 0 : index
        %get3A_1483 = tpu.vector_load %arg13[%get3A_1480, %get3A_1481, %get3A_1482] {strides = array<i32>} : memref<2x80x128xf32, #tpu.memory_space<vmem>>, vector<16xf32>,
        %add3A_1484 = arith.constant 40 : i32
        %add3A_1485 = arith.addi %add3A_1484, %scan3A_1468 : i32
        %get3A_1486 = arith.constant 0 : i32
        %get3A_1487 = arith.index_cast %get3A_1486 : i32 to index
        %get3A_1488 = arith.index_cast %add3A_1485 : i32 to index
        %get3A_1489 = arith.constant 16 : index
        %get3A_1490 = tpu.vector_load %arg13[%get3A_1487, %get3A_1488, %get3A_1489] {strides = array<i32>} : memref<2x80x128xf32, #tpu.memory_space<vmem>>, vector<16xf32>,
        %add3A_1491 = arith.constant 40 : i32
        %add3A_1492 = arith.addi %add3A_1491, %scan3A_1468 : i32
        %get3A_1493 = arith.constant 0 : i32
        %get3A_1494 = arith.index_cast %get3A_1493 : i32 to index
        %get3A_1495 = arith.index_cast %add3A_1492 : i32 to index
        %get3A_1496 = arith.constant 32 : index
        %get3A_1497 = tpu.vector_load %arg13[%get3A_1494, %get3A_1495, %get3A_1496] {strides = array<i32>} : memref<2x80x128xf32, #tpu.memory_space<vmem>>, vector<16xf32>,
        %add3A_1498 = arith.constant 40 : i32
        %add3A_1499 = arith.addi %add3A_1498, %scan3A_1468 : i32
        %get3A_1500 = arith.constant 0 : i32
        %get3A_1501 = arith.index_cast %get3A_1500 : i32 to index
        %get3A_1502 = arith.index_cast %add3A_1499 : i32 to index
        %get3A_1503 = arith.constant 48 : index
        %get3A_1504 = tpu.vector_load %arg13[%get3A_1501, %get3A_1502, %get3A_1503] {strides = array<i32>} : memref<2x80x128xf32, #tpu.memory_space<vmem>>, vector<16xf32>,
        %add3A_1505 = arith.constant 40 : i32
        %add3A_1506 = arith.addi %add3A_1505, %scan3A_1468 : i32
        %get3A_1507 = arith.constant 0 : i32
        %get3A_1508 = arith.index_cast %get3A_1507 : i32 to index
        %get3A_1509 = arith.index_cast %add3A_1506 : i32 to index
        %get3A_1510 = arith.constant 64 : index
        %get3A_1511 = tpu.vector_load %arg13[%get3A_1508, %get3A_1509, %get3A_1510] {strides = array<i32>} : memref<2x80x128xf32, #tpu.memory_space<vmem>>, vector<16xf32>,
        %add3A_1512 = arith.constant 40 : i32
        %add3A_1513 = arith.addi %add3A_1512, %scan3A_1468 : i32
        %get3A_1514 = arith.constant 0 : i32
        %get3A_1515 = arith.index_cast %get3A_1514 : i32 to index
        %get3A_1516 = arith.index_cast %add3A_1513 : i32 to index
        %get3A_1517 = arith.constant 80 : index
        %get3A_1518 = tpu.vector_load %arg13[%get3A_1515, %get3A_1516, %get3A_1517] {strides = array<i32>} : memref<2x80x128xf32, #tpu.memory_space<vmem>>, vector<16xf32>,
        %add3A_1519 = arith.constant 40 : i32
        %add3A_1520 = arith.addi %add3A_1519, %scan3A_1468 : i32
        %get3A_1521 = arith.constant 0 : i32
        %get3A_1522 = arith.index_cast %get3A_1521 : i32 to index
        %get3A_1523 = arith.index_cast %add3A_1520 : i32 to index
        %get3A_1524 = arith.constant 96 : index
        %get3A_1525 = tpu.vector_load %arg13[%get3A_1522, %get3A_1523, %get3A_1524] {strides = array<i32>} : memref<2x80x128xf32, #tpu.memory_space<vmem>>, vector<16xf32>,
        %add3A_1526 = arith.constant 40 : i32
        %add3A_1527 = arith.addi %add3A_1526, %scan3A_1468 : i32
        %get3A_1528 = arith.constant 0 : i32
        %get3A_1529 = arith.index_cast %get3A_1528 : i32 to index
        %get3A_1530 = arith.index_cast %add3A_1527 : i32 to index
        %get3A_1531 = arith.constant 112 : index
        %get3A_1532 = tpu.vector_load %arg13[%get3A_1529, %get3A_1530, %get3A_1531] {strides = array<i32>} : memref<2x80x128xf32, #tpu.memory_space<vmem>>, vector<16xf32>,
        %mul3A_1533 = arith.mulf %neg3A_491, %scan3A_1469 : vector<16xf32>
        %mul3A_1534 = arith.mulf %neg3A_494, %scan3A_1470 : vector<16xf32>
        %mul3A_1535 = arith.mulf %neg3A_497, %scan3A_1471 : vector<16xf32>
        %mul3A_1536 = arith.mulf %neg3A_500, %scan3A_1472 : vector<16xf32>
        %mul3A_1537 = arith.mulf %neg3A_503, %scan3A_1473 : vector<16xf32>
        %mul3A_1538 = arith.mulf %neg3A_506, %scan3A_1474 : vector<16xf32>
        %mul3A_1539 = arith.mulf %neg3A_509, %scan3A_1475 : vector<16xf32>
        %mul3A_1540 = arith.mulf %neg3A_512, %scan3A_1476 : vector<16xf32>
        %add3A_1541 = arith.addf %mul3A_1533, %mul3A_1534 : vector<16xf32>
        %add3A_1542 = arith.addf %mul3A_1535, %mul3A_1536 : vector<16xf32>
        %add3A_1543 = arith.addf %mul3A_1537, %mul3A_1538 : vector<16xf32>
        %add3A_1544 = arith.addf %mul3A_1539, %mul3A_1540 : vector<16xf32>
        %add3A_1545 = arith.addf %add3A_1541, %add3A_1542 : vector<16xf32>
        %add3A_1546 = arith.addf %add3A_1543, %add3A_1544 : vector<16xf32>
        %add3A_1547 = arith.addf %add3A_1545, %add3A_1546 : vector<16xf32>
        %add3A_1548 = arith.addi %mul3A_424, %scan3A_1468 : i32
        %swap3A_1549 = arith.index_cast %add3A_1548 : i32 to index
        %swap3A_1550 = arith.constant 0 : index
        %swap3A_1551 = tpu.vector_load %arg14[%swap3A_1549, %swap3A_1550] {strides = array<i32>} : memref<2688x16xf32, #tpu.memory_space<vmem>>, vector<16xf32>,
        tpu.vector_store %arg14[%swap3A_1549, %swap3A_1550], %add3A_1547 {strides = array<i32>} : memref<2688x16xf32, #tpu.memory_space<vmem>>, vector<16xf32>,
        scf.yield %get3A_1483, %get3A_1490, %get3A_1497, %get3A_1504, %get3A_1511, %get3A_1518, %get3A_1525, %get3A_1532 : vector<16xf32>, vector<16xf32>, vector<16xf32>, vector<16xf32>, vector<16xf32>, vector<16xf32>, vector<16xf32>, vector<16xf32>
      }
      %scan3A_566 = arith.constant 19 : i32
      %mul3A_567 = arith.mulf %neg3A_491, %scan3A_565#0 : vector<16xf32>
      %mul3A_568 = arith.mulf %neg3A_494, %scan3A_565#1 : vector<16xf32>
      %mul3A_569 = arith.mulf %neg3A_497, %scan3A_565#2 : vector<16xf32>
      %mul3A_570 = arith.mulf %neg3A_500, %scan3A_565#3 : vector<16xf32>
      %mul3A_571 = arith.mulf %neg3A_503, %scan3A_565#4 : vector<16xf32>
      %mul3A_572 = arith.mulf %neg3A_506, %scan3A_565#5 : vector<16xf32>
      %mul3A_573 = arith.mulf %neg3A_509, %scan3A_565#6 : vector<16xf32>
      %mul3A_574 = arith.mulf %neg3A_512, %scan3A_565#7 : vector<16xf32>
      %add3A_575 = arith.addf %mul3A_567, %mul3A_568 : vector<16xf32>
      %add3A_576 = arith.addf %mul3A_569, %mul3A_570 : vector<16xf32>
      %add3A_577 = arith.addf %mul3A_571, %mul3A_572 : vector<16xf32>
      %add3A_578 = arith.addf %mul3A_573, %mul3A_574 : vector<16xf32>
      %add3A_579 = arith.addf %add3A_575, %add3A_576 : vector<16xf32>
      %add3A_580 = arith.addf %add3A_577, %add3A_578 : vector<16xf32>
      %add3A_581 = arith.addf %add3A_579, %add3A_580 : vector<16xf32>
      %add3A_582 = arith.constant 20 : i32
      %add3A_583 = arith.addi %mul3A_424, %add3A_582 : i32
      %swap3A_584 = arith.index_cast %add3A_583 : i32 to index
      %swap3A_585 = arith.constant 0 : index
      %swap3A_586 = tpu.vector_load %arg14[%swap3A_584, %swap3A_585] {strides = array<i32>} : memref<2688x16xf32, #tpu.memory_space<vmem>>, vector<16xf32>,
      tpu.vector_store %arg14[%swap3A_584, %swap3A_585], %add3A_581 {strides = array<i32>} : memref<2688x16xf32, #tpu.memory_space<vmem>>, vector<16xf32>,
      %mul3A_587 = arith.constant 4 : i32
      %mul3A_588 = arith.muli %mul3A_60, %mul3A_587 : i32
      %add3A_589 = arith.constant 3 : i32
      %add3A_590 = arith.addi %mul3A_588, %add3A_589 : i32
      %mul3A_591 = arith.constant 21 : i32
      %mul3A_592 = arith.muli %add3A_590, %mul3A_591 : i32
      %broadcast_in_dim3A_593 = arith.constant 0.000000e+00 : f32
      %broadcast_in_dim3A_594 = vector.broadcast %broadcast_in_dim3A_593 : f32 to vector<16xf32>
      %broadcast_in_dim3A_595 = arith.constant 0.000000e+00 : f32
      %broadcast_in_dim3A_596 = vector.broadcast %broadcast_in_dim3A_595 : f32 to vector<16xf32>
      %broadcast_in_dim3A_597 = arith.constant 0.000000e+00 : f32
      %broadcast_in_dim3A_598 = vector.broadcast %broadcast_in_dim3A_597 : f32 to vector<16xf32>
      %broadcast_in_dim3A_599 = arith.constant 0.000000e+00 : f32
      %broadcast_in_dim3A_600 = vector.broadcast %broadcast_in_dim3A_599 : f32 to vector<16xf32>
      %broadcast_in_dim3A_601 = arith.constant 0.000000e+00 : f32
      %broadcast_in_dim3A_602 = vector.broadcast %broadcast_in_dim3A_601 : f32 to vector<16xf32>
      %broadcast_in_dim3A_603 = arith.constant 0.000000e+00 : f32
      %broadcast_in_dim3A_604 = vector.broadcast %broadcast_in_dim3A_603 : f32 to vector<16xf32>
      %broadcast_in_dim3A_605 = arith.constant 0.000000e+00 : f32
      %broadcast_in_dim3A_606 = vector.broadcast %broadcast_in_dim3A_605 : f32 to vector<16xf32>
      %broadcast_in_dim3A_607 = arith.constant 0.000000e+00 : f32
      %broadcast_in_dim3A_608 = vector.broadcast %broadcast_in_dim3A_607 : f32 to vector<16xf32>
      %scan3A_609 = arith.constant 0 : i32
      %scan3A_610 = arith.constant 20 : i32
      %scan3A_611 = arith.addi %scan3A_609, %scan3A_610 : i32
      %scan3A_612 = arith.constant 5 : i32
      %scan3A_613:8 = scf.for %scan3A_1468 = %scan3A_609 to %scan3A_611 step %scan3A_612 iter_args(%scan3A_1469 = %broadcast_in_dim3A_594, %scan3A_1470 = %broadcast_in_dim3A_596, %scan3A_1471 = %broadcast_in_dim3A_598, %scan3A_1472 = %broadcast_in_dim3A_600, %scan3A_1473 = %broadcast_in_dim3A_602, %scan3A_1474 = %broadcast_in_dim3A_604, %scan3A_1475 = %broadcast_in_dim3A_606, %scan3A_1476 = %broadcast_in_dim3A_608) -> (vector<16xf32>, vector<16xf32>, vector<16xf32>, vector<16xf32>, vector<16xf32>, vector<16xf32>, vector<16xf32>, vector<16xf32>)  : i32 {
        %add3A_1477 = arith.constant 60 : i32
        %add3A_1478 = arith.addi %add3A_1477, %scan3A_1468 : i32
        %get3A_1479 = arith.constant 0 : i32
        %get3A_1480 = arith.index_cast %get3A_1479 : i32 to index
        %get3A_1481 = arith.index_cast %add3A_1478 : i32 to index
        %get3A_1482 = arith.constant 0 : index
        %get3A_1483 = tpu.vector_load %arg12[%get3A_1480, %get3A_1481, %get3A_1482] {strides = array<i32>} : memref<2x80x128xf32, #tpu.memory_space<vmem>>, vector<16xf32>,
        %add3A_1484 = arith.addf %scan3A_1469, %get3A_1483 : vector<16xf32>
        %add3A_1485 = arith.constant 60 : i32
        %add3A_1486 = arith.addi %add3A_1485, %scan3A_1468 : i32
        %get3A_1487 = arith.constant 0 : i32
        %get3A_1488 = arith.index_cast %get3A_1487 : i32 to index
        %get3A_1489 = arith.index_cast %add3A_1486 : i32 to index
        %get3A_1490 = arith.constant 16 : index
        %get3A_1491 = tpu.vector_load %arg12[%get3A_1488, %get3A_1489, %get3A_1490] {strides = array<i32>} : memref<2x80x128xf32, #tpu.memory_space<vmem>>, vector<16xf32>,
        %add3A_1492 = arith.addf %scan3A_1470, %get3A_1491 : vector<16xf32>
        %add3A_1493 = arith.constant 60 : i32
        %add3A_1494 = arith.addi %add3A_1493, %scan3A_1468 : i32
        %get3A_1495 = arith.constant 0 : i32
        %get3A_1496 = arith.index_cast %get3A_1495 : i32 to index
        %get3A_1497 = arith.index_cast %add3A_1494 : i32 to index
        %get3A_1498 = arith.constant 32 : index
        %get3A_1499 = tpu.vector_load %arg12[%get3A_1496, %get3A_1497, %get3A_1498] {strides = array<i32>} : memref<2x80x128xf32, #tpu.memory_space<vmem>>, vector<16xf32>,
        %add3A_1500 = arith.addf %scan3A_1471, %get3A_1499 : vector<16xf32>
        %add3A_1501 = arith.constant 60 : i32
        %add3A_1502 = arith.addi %add3A_1501, %scan3A_1468 : i32
        %get3A_1503 = arith.constant 0 : i32
        %get3A_1504 = arith.index_cast %get3A_1503 : i32 to index
        %get3A_1505 = arith.index_cast %add3A_1502 : i32 to index
        %get3A_1506 = arith.constant 48 : index
        %get3A_1507 = tpu.vector_load %arg12[%get3A_1504, %get3A_1505, %get3A_1506] {strides = array<i32>} : memref<2x80x128xf32, #tpu.memory_space<vmem>>, vector<16xf32>,
        %add3A_1508 = arith.addf %scan3A_1472, %get3A_1507 : vector<16xf32>
        %add3A_1509 = arith.constant 60 : i32
        %add3A_1510 = arith.addi %add3A_1509, %scan3A_1468 : i32
        %get3A_1511 = arith.constant 0 : i32
        %get3A_1512 = arith.index_cast %get3A_1511 : i32 to index
        %get3A_1513 = arith.index_cast %add3A_1510 : i32 to index
        %get3A_1514 = arith.constant 64 : index
        %get3A_1515 = tpu.vector_load %arg12[%get3A_1512, %get3A_1513, %get3A_1514] {strides = array<i32>} : memref<2x80x128xf32, #tpu.memory_space<vmem>>, vector<16xf32>,
        %add3A_1516 = arith.addf %scan3A_1473, %get3A_1515 : vector<16xf32>
        %add3A_1517 = arith.constant 60 : i32
        %add3A_1518 = arith.addi %add3A_1517, %scan3A_1468 : i32
        %get3A_1519 = arith.constant 0 : i32
        %get3A_1520 = arith.index_cast %get3A_1519 : i32 to index
        %get3A_1521 = arith.index_cast %add3A_1518 : i32 to index
        %get3A_1522 = arith.constant 80 : index
        %get3A_1523 = tpu.vector_load %arg12[%get3A_1520, %get3A_1521, %get3A_1522] {strides = array<i32>} : memref<2x80x128xf32, #tpu.memory_space<vmem>>, vector<16xf32>,
        %add3A_1524 = arith.addf %scan3A_1474, %get3A_1523 : vector<16xf32>
        %add3A_1525 = arith.constant 60 : i32
        %add3A_1526 = arith.addi %add3A_1525, %scan3A_1468 : i32
        %get3A_1527 = arith.constant 0 : i32
        %get3A_1528 = arith.index_cast %get3A_1527 : i32 to index
        %get3A_1529 = arith.index_cast %add3A_1526 : i32 to index
        %get3A_1530 = arith.constant 96 : index
        %get3A_1531 = tpu.vector_load %arg12[%get3A_1528, %get3A_1529, %get3A_1530] {strides = array<i32>} : memref<2x80x128xf32, #tpu.memory_space<vmem>>, vector<16xf32>,
        %add3A_1532 = arith.addf %scan3A_1475, %get3A_1531 : vector<16xf32>
        %add3A_1533 = arith.constant 60 : i32
        %add3A_1534 = arith.addi %add3A_1533, %scan3A_1468 : i32
        %get3A_1535 = arith.constant 0 : i32
        %get3A_1536 = arith.index_cast %get3A_1535 : i32 to index
        %get3A_1537 = arith.index_cast %add3A_1534 : i32 to index
        %get3A_1538 = arith.constant 112 : index
        %get3A_1539 = tpu.vector_load %arg12[%get3A_1536, %get3A_1537, %get3A_1538] {strides = array<i32>} : memref<2x80x128xf32, #tpu.memory_space<vmem>>, vector<16xf32>,
        %add3A_1540 = arith.addf %scan3A_1476, %get3A_1539 : vector<16xf32>
        %scan3A_1541 = arith.constant 1 : i32
        %scan3A_1542 = arith.addi %scan3A_1468, %scan3A_1541 : i32
        %add3A_1543 = arith.constant 60 : i32
        %add3A_1544 = arith.addi %add3A_1543, %scan3A_1542 : i32
        %get3A_1545 = arith.constant 0 : i32
        %get3A_1546 = arith.index_cast %get3A_1545 : i32 to index
        %get3A_1547 = arith.index_cast %add3A_1544 : i32 to index
        %get3A_1548 = arith.constant 0 : index
        %get3A_1549 = tpu.vector_load %arg12[%get3A_1546, %get3A_1547, %get3A_1548] {strides = array<i32>} : memref<2x80x128xf32, #tpu.memory_space<vmem>>, vector<16xf32>,
        %add3A_1550 = arith.addf %add3A_1484, %get3A_1549 : vector<16xf32>
        %add3A_1551 = arith.constant 60 : i32
        %add3A_1552 = arith.addi %add3A_1551, %scan3A_1542 : i32
        %get3A_1553 = arith.constant 0 : i32
        %get3A_1554 = arith.index_cast %get3A_1553 : i32 to index
        %get3A_1555 = arith.index_cast %add3A_1552 : i32 to index
        %get3A_1556 = arith.constant 16 : index
        %get3A_1557 = tpu.vector_load %arg12[%get3A_1554, %get3A_1555, %get3A_1556] {strides = array<i32>} : memref<2x80x128xf32, #tpu.memory_space<vmem>>, vector<16xf32>,
        %add3A_1558 = arith.addf %add3A_1492, %get3A_1557 : vector<16xf32>
        %add3A_1559 = arith.constant 60 : i32
        %add3A_1560 = arith.addi %add3A_1559, %scan3A_1542 : i32
        %get3A_1561 = arith.constant 0 : i32
        %get3A_1562 = arith.index_cast %get3A_1561 : i32 to index
        %get3A_1563 = arith.index_cast %add3A_1560 : i32 to index
        %get3A_1564 = arith.constant 32 : index
        %get3A_1565 = tpu.vector_load %arg12[%get3A_1562, %get3A_1563, %get3A_1564] {strides = array<i32>} : memref<2x80x128xf32, #tpu.memory_space<vmem>>, vector<16xf32>,
        %add3A_1566 = arith.addf %add3A_1500, %get3A_1565 : vector<16xf32>
        %add3A_1567 = arith.constant 60 : i32
        %add3A_1568 = arith.addi %add3A_1567, %scan3A_1542 : i32
        %get3A_1569 = arith.constant 0 : i32
        %get3A_1570 = arith.index_cast %get3A_1569 : i32 to index
        %get3A_1571 = arith.index_cast %add3A_1568 : i32 to index
        %get3A_1572 = arith.constant 48 : index
        %get3A_1573 = tpu.vector_load %arg12[%get3A_1570, %get3A_1571, %get3A_1572] {strides = array<i32>} : memref<2x80x128xf32, #tpu.memory_space<vmem>>, vector<16xf32>,
        %add3A_1574 = arith.addf %add3A_1508, %get3A_1573 : vector<16xf32>
        %add3A_1575 = arith.constant 60 : i32
        %add3A_1576 = arith.addi %add3A_1575, %scan3A_1542 : i32
        %get3A_1577 = arith.constant 0 : i32
        %get3A_1578 = arith.index_cast %get3A_1577 : i32 to index
        %get3A_1579 = arith.index_cast %add3A_1576 : i32 to index
        %get3A_1580 = arith.constant 64 : index
        %get3A_1581 = tpu.vector_load %arg12[%get3A_1578, %get3A_1579, %get3A_1580] {strides = array<i32>} : memref<2x80x128xf32, #tpu.memory_space<vmem>>, vector<16xf32>,
        %add3A_1582 = arith.addf %add3A_1516, %get3A_1581 : vector<16xf32>
        %add3A_1583 = arith.constant 60 : i32
        %add3A_1584 = arith.addi %add3A_1583, %scan3A_1542 : i32
        %get3A_1585 = arith.constant 0 : i32
        %get3A_1586 = arith.index_cast %get3A_1585 : i32 to index
        %get3A_1587 = arith.index_cast %add3A_1584 : i32 to index
        %get3A_1588 = arith.constant 80 : index
        %get3A_1589 = tpu.vector_load %arg12[%get3A_1586, %get3A_1587, %get3A_1588] {strides = array<i32>} : memref<2x80x128xf32, #tpu.memory_space<vmem>>, vector<16xf32>,
        %add3A_1590 = arith.addf %add3A_1524, %get3A_1589 : vector<16xf32>
        %add3A_1591 = arith.constant 60 : i32
        %add3A_1592 = arith.addi %add3A_1591, %scan3A_1542 : i32
        %get3A_1593 = arith.constant 0 : i32
        %get3A_1594 = arith.index_cast %get3A_1593 : i32 to index
        %get3A_1595 = arith.index_cast %add3A_1592 : i32 to index
        %get3A_1596 = arith.constant 96 : index
        %get3A_1597 = tpu.vector_load %arg12[%get3A_1594, %get3A_1595, %get3A_1596] {strides = array<i32>} : memref<2x80x128xf32, #tpu.memory_space<vmem>>, vector<16xf32>,
        %add3A_1598 = arith.addf %add3A_1532, %get3A_1597 : vector<16xf32>
        %add3A_1599 = arith.constant 60 : i32
        %add3A_1600 = arith.addi %add3A_1599, %scan3A_1542 : i32
        %get3A_1601 = arith.constant 0 : i32
        %get3A_1602 = arith.index_cast %get3A_1601 : i32 to index
        %get3A_1603 = arith.index_cast %add3A_1600 : i32 to index
        %get3A_1604 = arith.constant 112 : index
        %get3A_1605 = tpu.vector_load %arg12[%get3A_1602, %get3A_1603, %get3A_1604] {strides = array<i32>} : memref<2x80x128xf32, #tpu.memory_space<vmem>>, vector<16xf32>,
        %add3A_1606 = arith.addf %add3A_1540, %get3A_1605 : vector<16xf32>
        %scan3A_1607 = arith.constant 2 : i32
        %scan3A_1608 = arith.addi %scan3A_1468, %scan3A_1607 : i32
        %add3A_1609 = arith.constant 60 : i32
        %add3A_1610 = arith.addi %add3A_1609, %scan3A_1608 : i32
        %get3A_1611 = arith.constant 0 : i32
        %get3A_1612 = arith.index_cast %get3A_1611 : i32 to index
        %get3A_1613 = arith.index_cast %add3A_1610 : i32 to index
        %get3A_1614 = arith.constant 0 : index
        %get3A_1615 = tpu.vector_load %arg12[%get3A_1612, %get3A_1613, %get3A_1614] {strides = array<i32>} : memref<2x80x128xf32, #tpu.memory_space<vmem>>, vector<16xf32>,
        %add3A_1616 = arith.addf %add3A_1550, %get3A_1615 : vector<16xf32>
        %add3A_1617 = arith.constant 60 : i32
        %add3A_1618 = arith.addi %add3A_1617, %scan3A_1608 : i32
        %get3A_1619 = arith.constant 0 : i32
        %get3A_1620 = arith.index_cast %get3A_1619 : i32 to index
        %get3A_1621 = arith.index_cast %add3A_1618 : i32 to index
        %get3A_1622 = arith.constant 16 : index
        %get3A_1623 = tpu.vector_load %arg12[%get3A_1620, %get3A_1621, %get3A_1622] {strides = array<i32>} : memref<2x80x128xf32, #tpu.memory_space<vmem>>, vector<16xf32>,
        %add3A_1624 = arith.addf %add3A_1558, %get3A_1623 : vector<16xf32>
        %add3A_1625 = arith.constant 60 : i32
        %add3A_1626 = arith.addi %add3A_1625, %scan3A_1608 : i32
        %get3A_1627 = arith.constant 0 : i32
        %get3A_1628 = arith.index_cast %get3A_1627 : i32 to index
        %get3A_1629 = arith.index_cast %add3A_1626 : i32 to index
        %get3A_1630 = arith.constant 32 : index
        %get3A_1631 = tpu.vector_load %arg12[%get3A_1628, %get3A_1629, %get3A_1630] {strides = array<i32>} : memref<2x80x128xf32, #tpu.memory_space<vmem>>, vector<16xf32>,
        %add3A_1632 = arith.addf %add3A_1566, %get3A_1631 : vector<16xf32>
        %add3A_1633 = arith.constant 60 : i32
        %add3A_1634 = arith.addi %add3A_1633, %scan3A_1608 : i32
        %get3A_1635 = arith.constant 0 : i32
        %get3A_1636 = arith.index_cast %get3A_1635 : i32 to index
        %get3A_1637 = arith.index_cast %add3A_1634 : i32 to index
        %get3A_1638 = arith.constant 48 : index
        %get3A_1639 = tpu.vector_load %arg12[%get3A_1636, %get3A_1637, %get3A_1638] {strides = array<i32>} : memref<2x80x128xf32, #tpu.memory_space<vmem>>, vector<16xf32>,
        %add3A_1640 = arith.addf %add3A_1574, %get3A_1639 : vector<16xf32>
        %add3A_1641 = arith.constant 60 : i32
        %add3A_1642 = arith.addi %add3A_1641, %scan3A_1608 : i32
        %get3A_1643 = arith.constant 0 : i32
        %get3A_1644 = arith.index_cast %get3A_1643 : i32 to index
        %get3A_1645 = arith.index_cast %add3A_1642 : i32 to index
        %get3A_1646 = arith.constant 64 : index
        %get3A_1647 = tpu.vector_load %arg12[%get3A_1644, %get3A_1645, %get3A_1646] {strides = array<i32>} : memref<2x80x128xf32, #tpu.memory_space<vmem>>, vector<16xf32>,
        %add3A_1648 = arith.addf %add3A_1582, %get3A_1647 : vector<16xf32>
        %add3A_1649 = arith.constant 60 : i32
        %add3A_1650 = arith.addi %add3A_1649, %scan3A_1608 : i32
        %get3A_1651 = arith.constant 0 : i32
        %get3A_1652 = arith.index_cast %get3A_1651 : i32 to index
        %get3A_1653 = arith.index_cast %add3A_1650 : i32 to index
        %get3A_1654 = arith.constant 80 : index
        %get3A_1655 = tpu.vector_load %arg12[%get3A_1652, %get3A_1653, %get3A_1654] {strides = array<i32>} : memref<2x80x128xf32, #tpu.memory_space<vmem>>, vector<16xf32>,
        %add3A_1656 = arith.addf %add3A_1590, %get3A_1655 : vector<16xf32>
        %add3A_1657 = arith.constant 60 : i32
        %add3A_1658 = arith.addi %add3A_1657, %scan3A_1608 : i32
        %get3A_1659 = arith.constant 0 : i32
        %get3A_1660 = arith.index_cast %get3A_1659 : i32 to index
        %get3A_1661 = arith.index_cast %add3A_1658 : i32 to index
        %get3A_1662 = arith.constant 96 : index
        %get3A_1663 = tpu.vector_load %arg12[%get3A_1660, %get3A_1661, %get3A_1662] {strides = array<i32>} : memref<2x80x128xf32, #tpu.memory_space<vmem>>, vector<16xf32>,
        %add3A_1664 = arith.addf %add3A_1598, %get3A_1663 : vector<16xf32>
        %add3A_1665 = arith.constant 60 : i32
        %add3A_1666 = arith.addi %add3A_1665, %scan3A_1608 : i32
        %get3A_1667 = arith.constant 0 : i32
        %get3A_1668 = arith.index_cast %get3A_1667 : i32 to index
        %get3A_1669 = arith.index_cast %add3A_1666 : i32 to index
        %get3A_1670 = arith.constant 112 : index
        %get3A_1671 = tpu.vector_load %arg12[%get3A_1668, %get3A_1669, %get3A_1670] {strides = array<i32>} : memref<2x80x128xf32, #tpu.memory_space<vmem>>, vector<16xf32>,
        %add3A_1672 = arith.addf %add3A_1606, %get3A_1671 : vector<16xf32>
        %scan3A_1673 = arith.constant 3 : i32
        %scan3A_1674 = arith.addi %scan3A_1468, %scan3A_1673 : i32
        %add3A_1675 = arith.constant 60 : i32
        %add3A_1676 = arith.addi %add3A_1675, %scan3A_1674 : i32
        %get3A_1677 = arith.constant 0 : i32
        %get3A_1678 = arith.index_cast %get3A_1677 : i32 to index
        %get3A_1679 = arith.index_cast %add3A_1676 : i32 to index
        %get3A_1680 = arith.constant 0 : index
        %get3A_1681 = tpu.vector_load %arg12[%get3A_1678, %get3A_1679, %get3A_1680] {strides = array<i32>} : memref<2x80x128xf32, #tpu.memory_space<vmem>>, vector<16xf32>,
        %add3A_1682 = arith.addf %add3A_1616, %get3A_1681 : vector<16xf32>
        %add3A_1683 = arith.constant 60 : i32
        %add3A_1684 = arith.addi %add3A_1683, %scan3A_1674 : i32
        %get3A_1685 = arith.constant 0 : i32
        %get3A_1686 = arith.index_cast %get3A_1685 : i32 to index
        %get3A_1687 = arith.index_cast %add3A_1684 : i32 to index
        %get3A_1688 = arith.constant 16 : index
        %get3A_1689 = tpu.vector_load %arg12[%get3A_1686, %get3A_1687, %get3A_1688] {strides = array<i32>} : memref<2x80x128xf32, #tpu.memory_space<vmem>>, vector<16xf32>,
        %add3A_1690 = arith.addf %add3A_1624, %get3A_1689 : vector<16xf32>
        %add3A_1691 = arith.constant 60 : i32
        %add3A_1692 = arith.addi %add3A_1691, %scan3A_1674 : i32
        %get3A_1693 = arith.constant 0 : i32
        %get3A_1694 = arith.index_cast %get3A_1693 : i32 to index
        %get3A_1695 = arith.index_cast %add3A_1692 : i32 to index
        %get3A_1696 = arith.constant 32 : index
        %get3A_1697 = tpu.vector_load %arg12[%get3A_1694, %get3A_1695, %get3A_1696] {strides = array<i32>} : memref<2x80x128xf32, #tpu.memory_space<vmem>>, vector<16xf32>,
        %add3A_1698 = arith.addf %add3A_1632, %get3A_1697 : vector<16xf32>
        %add3A_1699 = arith.constant 60 : i32
        %add3A_1700 = arith.addi %add3A_1699, %scan3A_1674 : i32
        %get3A_1701 = arith.constant 0 : i32
        %get3A_1702 = arith.index_cast %get3A_1701 : i32 to index
        %get3A_1703 = arith.index_cast %add3A_1700 : i32 to index
        %get3A_1704 = arith.constant 48 : index
        %get3A_1705 = tpu.vector_load %arg12[%get3A_1702, %get3A_1703, %get3A_1704] {strides = array<i32>} : memref<2x80x128xf32, #tpu.memory_space<vmem>>, vector<16xf32>,
        %add3A_1706 = arith.addf %add3A_1640, %get3A_1705 : vector<16xf32>
        %add3A_1707 = arith.constant 60 : i32
        %add3A_1708 = arith.addi %add3A_1707, %scan3A_1674 : i32
        %get3A_1709 = arith.constant 0 : i32
        %get3A_1710 = arith.index_cast %get3A_1709 : i32 to index
        %get3A_1711 = arith.index_cast %add3A_1708 : i32 to index
        %get3A_1712 = arith.constant 64 : index
        %get3A_1713 = tpu.vector_load %arg12[%get3A_1710, %get3A_1711, %get3A_1712] {strides = array<i32>} : memref<2x80x128xf32, #tpu.memory_space<vmem>>, vector<16xf32>,
        %add3A_1714 = arith.addf %add3A_1648, %get3A_1713 : vector<16xf32>
        %add3A_1715 = arith.constant 60 : i32
        %add3A_1716 = arith.addi %add3A_1715, %scan3A_1674 : i32
        %get3A_1717 = arith.constant 0 : i32
        %get3A_1718 = arith.index_cast %get3A_1717 : i32 to index
        %get3A_1719 = arith.index_cast %add3A_1716 : i32 to index
        %get3A_1720 = arith.constant 80 : index
        %get3A_1721 = tpu.vector_load %arg12[%get3A_1718, %get3A_1719, %get3A_1720] {strides = array<i32>} : memref<2x80x128xf32, #tpu.memory_space<vmem>>, vector<16xf32>,
        %add3A_1722 = arith.addf %add3A_1656, %get3A_1721 : vector<16xf32>
        %add3A_1723 = arith.constant 60 : i32
        %add3A_1724 = arith.addi %add3A_1723, %scan3A_1674 : i32
        %get3A_1725 = arith.constant 0 : i32
        %get3A_1726 = arith.index_cast %get3A_1725 : i32 to index
        %get3A_1727 = arith.index_cast %add3A_1724 : i32 to index
        %get3A_1728 = arith.constant 96 : index
        %get3A_1729 = tpu.vector_load %arg12[%get3A_1726, %get3A_1727, %get3A_1728] {strides = array<i32>} : memref<2x80x128xf32, #tpu.memory_space<vmem>>, vector<16xf32>,
        %add3A_1730 = arith.addf %add3A_1664, %get3A_1729 : vector<16xf32>
        %add3A_1731 = arith.constant 60 : i32
        %add3A_1732 = arith.addi %add3A_1731, %scan3A_1674 : i32
        %get3A_1733 = arith.constant 0 : i32
        %get3A_1734 = arith.index_cast %get3A_1733 : i32 to index
        %get3A_1735 = arith.index_cast %add3A_1732 : i32 to index
        %get3A_1736 = arith.constant 112 : index
        %get3A_1737 = tpu.vector_load %arg12[%get3A_1734, %get3A_1735, %get3A_1736] {strides = array<i32>} : memref<2x80x128xf32, #tpu.memory_space<vmem>>, vector<16xf32>,
        %add3A_1738 = arith.addf %add3A_1672, %get3A_1737 : vector<16xf32>
        %scan3A_1739 = arith.constant 4 : i32
        %scan3A_1740 = arith.addi %scan3A_1468, %scan3A_1739 : i32
        %add3A_1741 = arith.constant 60 : i32
        %add3A_1742 = arith.addi %add3A_1741, %scan3A_1740 : i32
        %get3A_1743 = arith.constant 0 : i32
        %get3A_1744 = arith.index_cast %get3A_1743 : i32 to index
        %get3A_1745 = arith.index_cast %add3A_1742 : i32 to index
        %get3A_1746 = arith.constant 0 : index
        %get3A_1747 = tpu.vector_load %arg12[%get3A_1744, %get3A_1745, %get3A_1746] {strides = array<i32>} : memref<2x80x128xf32, #tpu.memory_space<vmem>>, vector<16xf32>,
        %add3A_1748 = arith.addf %add3A_1682, %get3A_1747 : vector<16xf32>
        %add3A_1749 = arith.constant 60 : i32
        %add3A_1750 = arith.addi %add3A_1749, %scan3A_1740 : i32
        %get3A_1751 = arith.constant 0 : i32
        %get3A_1752 = arith.index_cast %get3A_1751 : i32 to index
        %get3A_1753 = arith.index_cast %add3A_1750 : i32 to index
        %get3A_1754 = arith.constant 16 : index
        %get3A_1755 = tpu.vector_load %arg12[%get3A_1752, %get3A_1753, %get3A_1754] {strides = array<i32>} : memref<2x80x128xf32, #tpu.memory_space<vmem>>, vector<16xf32>,
        %add3A_1756 = arith.addf %add3A_1690, %get3A_1755 : vector<16xf32>
        %add3A_1757 = arith.constant 60 : i32
        %add3A_1758 = arith.addi %add3A_1757, %scan3A_1740 : i32
        %get3A_1759 = arith.constant 0 : i32
        %get3A_1760 = arith.index_cast %get3A_1759 : i32 to index
        %get3A_1761 = arith.index_cast %add3A_1758 : i32 to index
        %get3A_1762 = arith.constant 32 : index
        %get3A_1763 = tpu.vector_load %arg12[%get3A_1760, %get3A_1761, %get3A_1762] {strides = array<i32>} : memref<2x80x128xf32, #tpu.memory_space<vmem>>, vector<16xf32>,
        %add3A_1764 = arith.addf %add3A_1698, %get3A_1763 : vector<16xf32>
        %add3A_1765 = arith.constant 60 : i32
        %add3A_1766 = arith.addi %add3A_1765, %scan3A_1740 : i32
        %get3A_1767 = arith.constant 0 : i32
        %get3A_1768 = arith.index_cast %get3A_1767 : i32 to index
        %get3A_1769 = arith.index_cast %add3A_1766 : i32 to index
        %get3A_1770 = arith.constant 48 : index
        %get3A_1771 = tpu.vector_load %arg12[%get3A_1768, %get3A_1769, %get3A_1770] {strides = array<i32>} : memref<2x80x128xf32, #tpu.memory_space<vmem>>, vector<16xf32>,
        %add3A_1772 = arith.addf %add3A_1706, %get3A_1771 : vector<16xf32>
        %add3A_1773 = arith.constant 60 : i32
        %add3A_1774 = arith.addi %add3A_1773, %scan3A_1740 : i32
        %get3A_1775 = arith.constant 0 : i32
        %get3A_1776 = arith.index_cast %get3A_1775 : i32 to index
        %get3A_1777 = arith.index_cast %add3A_1774 : i32 to index
        %get3A_1778 = arith.constant 64 : index
        %get3A_1779 = tpu.vector_load %arg12[%get3A_1776, %get3A_1777, %get3A_1778] {strides = array<i32>} : memref<2x80x128xf32, #tpu.memory_space<vmem>>, vector<16xf32>,
        %add3A_1780 = arith.addf %add3A_1714, %get3A_1779 : vector<16xf32>
        %add3A_1781 = arith.constant 60 : i32
        %add3A_1782 = arith.addi %add3A_1781, %scan3A_1740 : i32
        %get3A_1783 = arith.constant 0 : i32
        %get3A_1784 = arith.index_cast %get3A_1783 : i32 to index
        %get3A_1785 = arith.index_cast %add3A_1782 : i32 to index
        %get3A_1786 = arith.constant 80 : index
        %get3A_1787 = tpu.vector_load %arg12[%get3A_1784, %get3A_1785, %get3A_1786] {strides = array<i32>} : memref<2x80x128xf32, #tpu.memory_space<vmem>>, vector<16xf32>,
        %add3A_1788 = arith.addf %add3A_1722, %get3A_1787 : vector<16xf32>
        %add3A_1789 = arith.constant 60 : i32
        %add3A_1790 = arith.addi %add3A_1789, %scan3A_1740 : i32
        %get3A_1791 = arith.constant 0 : i32
        %get3A_1792 = arith.index_cast %get3A_1791 : i32 to index
        %get3A_1793 = arith.index_cast %add3A_1790 : i32 to index
        %get3A_1794 = arith.constant 96 : index
        %get3A_1795 = tpu.vector_load %arg12[%get3A_1792, %get3A_1793, %get3A_1794] {strides = array<i32>} : memref<2x80x128xf32, #tpu.memory_space<vmem>>, vector<16xf32>,
        %add3A_1796 = arith.addf %add3A_1730, %get3A_1795 : vector<16xf32>
        %add3A_1797 = arith.constant 60 : i32
        %add3A_1798 = arith.addi %add3A_1797, %scan3A_1740 : i32
        %get3A_1799 = arith.constant 0 : i32
        %get3A_1800 = arith.index_cast %get3A_1799 : i32 to index
        %get3A_1801 = arith.index_cast %add3A_1798 : i32 to index
        %get3A_1802 = arith.constant 112 : index
        %get3A_1803 = tpu.vector_load %arg12[%get3A_1800, %get3A_1801, %get3A_1802] {strides = array<i32>} : memref<2x80x128xf32, #tpu.memory_space<vmem>>, vector<16xf32>,
        %add3A_1804 = arith.addf %add3A_1738, %get3A_1803 : vector<16xf32>
        scf.yield %add3A_1748, %add3A_1756, %add3A_1764, %add3A_1772, %add3A_1780, %add3A_1788, %add3A_1796, %add3A_1804 : vector<16xf32>, vector<16xf32>, vector<16xf32>, vector<16xf32>, vector<16xf32>, vector<16xf32>, vector<16xf32>, vector<16xf32>
      }
      %scan3A_614 = arith.constant 20 : i32
      %get3A_615 = arith.index_cast %add3A_590 : i32 to index
      %get3A_616 = arith.constant 0 : index
      %get3A_617 = tpu.vector_load %arg11[%get3A_615, %get3A_616] {strides = array<i32>} : memref<128x128xf32, #tpu.memory_space<vmem>>, vector<16xf32>,
      %get3A_618 = arith.index_cast %add3A_590 : i32 to index
      %get3A_619 = arith.constant 16 : index
      %get3A_620 = tpu.vector_load %arg11[%get3A_618, %get3A_619] {strides = array<i32>} : memref<128x128xf32, #tpu.memory_space<vmem>>, vector<16xf32>,
      %get3A_621 = arith.index_cast %add3A_590 : i32 to index
      %get3A_622 = arith.constant 32 : index
      %get3A_623 = tpu.vector_load %arg11[%get3A_621, %get3A_622] {strides = array<i32>} : memref<128x128xf32, #tpu.memory_space<vmem>>, vector<16xf32>,
      %get3A_624 = arith.index_cast %add3A_590 : i32 to index
      %get3A_625 = arith.constant 48 : index
      %get3A_626 = tpu.vector_load %arg11[%get3A_624, %get3A_625] {strides = array<i32>} : memref<128x128xf32, #tpu.memory_space<vmem>>, vector<16xf32>,
      %get3A_627 = arith.index_cast %add3A_590 : i32 to index
      %get3A_628 = arith.constant 64 : index
      %get3A_629 = tpu.vector_load %arg11[%get3A_627, %get3A_628] {strides = array<i32>} : memref<128x128xf32, #tpu.memory_space<vmem>>, vector<16xf32>,
      %get3A_630 = arith.index_cast %add3A_590 : i32 to index
      %get3A_631 = arith.constant 80 : index
      %get3A_632 = tpu.vector_load %arg11[%get3A_630, %get3A_631] {strides = array<i32>} : memref<128x128xf32, #tpu.memory_space<vmem>>, vector<16xf32>,
      %get3A_633 = arith.index_cast %add3A_590 : i32 to index
      %get3A_634 = arith.constant 96 : index
      %get3A_635 = tpu.vector_load %arg11[%get3A_633, %get3A_634] {strides = array<i32>} : memref<128x128xf32, #tpu.memory_space<vmem>>, vector<16xf32>,
      %get3A_636 = arith.index_cast %add3A_590 : i32 to index
      %get3A_637 = arith.constant 112 : index
      %get3A_638 = tpu.vector_load %arg11[%get3A_636, %get3A_637] {strides = array<i32>} : memref<128x128xf32, #tpu.memory_space<vmem>>, vector<16xf32>,
      %mul3A_639 = arith.mulf %scan3A_613#0, %get3A_617 : vector<16xf32>
      %mul3A_640 = arith.mulf %scan3A_613#1, %get3A_620 : vector<16xf32>
      %mul3A_641 = arith.mulf %scan3A_613#2, %get3A_623 : vector<16xf32>
      %mul3A_642 = arith.mulf %scan3A_613#3, %get3A_626 : vector<16xf32>
      %mul3A_643 = arith.mulf %scan3A_613#4, %get3A_629 : vector<16xf32>
      %mul3A_644 = arith.mulf %scan3A_613#5, %get3A_632 : vector<16xf32>
      %mul3A_645 = arith.mulf %scan3A_613#6, %get3A_635 : vector<16xf32>
      %mul3A_646 = arith.mulf %scan3A_613#7, %get3A_638 : vector<16xf32>
      %add3A_647 = arith.addf %mul3A_639, %mul3A_640 : vector<16xf32>
      %add3A_648 = arith.addf %mul3A_641, %mul3A_642 : vector<16xf32>
      %add3A_649 = arith.addf %mul3A_643, %mul3A_644 : vector<16xf32>
      %add3A_650 = arith.addf %mul3A_645, %mul3A_646 : vector<16xf32>
      %add3A_651 = arith.addf %add3A_647, %add3A_648 : vector<16xf32>
      %add3A_652 = arith.addf %add3A_649, %add3A_650 : vector<16xf32>
      %add3A_653 = arith.addf %add3A_651, %add3A_652 : vector<16xf32>
      %swap3A_654 = arith.index_cast %mul3A_592 : i32 to index
      %swap3A_655 = arith.constant 0 : index
      %swap3A_656 = tpu.vector_load %arg14[%swap3A_654, %swap3A_655] {strides = array<i32>} : memref<2688x16xf32, #tpu.memory_space<vmem>>, vector<16xf32>,
      tpu.vector_store %arg14[%swap3A_654, %swap3A_655], %add3A_653 {strides = array<i32>} : memref<2688x16xf32, #tpu.memory_space<vmem>>, vector<16xf32>,
      %neg3A_657 = arith.constant 0.000000e+00 : f32
      %neg3A_658 = vector.broadcast %neg3A_657 : f32 to vector<16xf32>
      %neg3A_659 = arith.subf %neg3A_658, %scan3A_613#0 : vector<16xf32>
      %neg3A_660 = arith.constant 0.000000e+00 : f32
      %neg3A_661 = vector.broadcast %neg3A_660 : f32 to vector<16xf32>
      %neg3A_662 = arith.subf %neg3A_661, %scan3A_613#1 : vector<16xf32>
      %neg3A_663 = arith.constant 0.000000e+00 : f32
      %neg3A_664 = vector.broadcast %neg3A_663 : f32 to vector<16xf32>
      %neg3A_665 = arith.subf %neg3A_664, %scan3A_613#2 : vector<16xf32>
      %neg3A_666 = arith.constant 0.000000e+00 : f32
      %neg3A_667 = vector.broadcast %neg3A_666 : f32 to vector<16xf32>
      %neg3A_668 = arith.subf %neg3A_667, %scan3A_613#3 : vector<16xf32>
      %neg3A_669 = arith.constant 0.000000e+00 : f32
      %neg3A_670 = vector.broadcast %neg3A_669 : f32 to vector<16xf32>
      %neg3A_671 = arith.subf %neg3A_670, %scan3A_613#4 : vector<16xf32>
      %neg3A_672 = arith.constant 0.000000e+00 : f32
      %neg3A_673 = vector.broadcast %neg3A_672 : f32 to vector<16xf32>
      %neg3A_674 = arith.subf %neg3A_673, %scan3A_613#5 : vector<16xf32>
      %neg3A_675 = arith.constant 0.000000e+00 : f32
      %neg3A_676 = vector.broadcast %neg3A_675 : f32 to vector<16xf32>
      %neg3A_677 = arith.subf %neg3A_676, %scan3A_613#6 : vector<16xf32>
      %neg3A_678 = arith.constant 0.000000e+00 : f32
      %neg3A_679 = vector.broadcast %neg3A_678 : f32 to vector<16xf32>
      %neg3A_680 = arith.subf %neg3A_679, %scan3A_613#7 : vector<16xf32>
      %get3A_681 = arith.constant 0 : i32
      %get3A_682 = arith.constant 60 : i32
      %get3A_683 = arith.index_cast %get3A_681 : i32 to index
      %get3A_684 = arith.index_cast %get3A_682 : i32 to index
      %get3A_685 = arith.constant 0 : index
      %get3A_686 = tpu.vector_load %arg13[%get3A_683, %get3A_684, %get3A_685] {strides = array<i32>} : memref<2x80x128xf32, #tpu.memory_space<vmem>>, vector<16xf32>,
      %get3A_687 = arith.constant 0 : i32
      %get3A_688 = arith.constant 60 : i32
      %get3A_689 = arith.index_cast %get3A_687 : i32 to index
      %get3A_690 = arith.index_cast %get3A_688 : i32 to index
      %get3A_691 = arith.constant 16 : index
      %get3A_692 = tpu.vector_load %arg13[%get3A_689, %get3A_690, %get3A_691] {strides = array<i32>} : memref<2x80x128xf32, #tpu.memory_space<vmem>>, vector<16xf32>,
      %get3A_693 = arith.constant 0 : i32
      %get3A_694 = arith.constant 60 : i32
      %get3A_695 = arith.index_cast %get3A_693 : i32 to index
      %get3A_696 = arith.index_cast %get3A_694 : i32 to index
      %get3A_697 = arith.constant 32 : index
      %get3A_698 = tpu.vector_load %arg13[%get3A_695, %get3A_696, %get3A_697] {strides = array<i32>} : memref<2x80x128xf32, #tpu.memory_space<vmem>>, vector<16xf32>,
      %get3A_699 = arith.constant 0 : i32
      %get3A_700 = arith.constant 60 : i32
      %get3A_701 = arith.index_cast %get3A_699 : i32 to index
      %get3A_702 = arith.index_cast %get3A_700 : i32 to index
      %get3A_703 = arith.constant 48 : index
      %get3A_704 = tpu.vector_load %arg13[%get3A_701, %get3A_702, %get3A_703] {strides = array<i32>} : memref<2x80x128xf32, #tpu.memory_space<vmem>>, vector<16xf32>,
      %get3A_705 = arith.constant 0 : i32
      %get3A_706 = arith.constant 60 : i32
      %get3A_707 = arith.index_cast %get3A_705 : i32 to index
      %get3A_708 = arith.index_cast %get3A_706 : i32 to index
      %get3A_709 = arith.constant 64 : index
      %get3A_710 = tpu.vector_load %arg13[%get3A_707, %get3A_708, %get3A_709] {strides = array<i32>} : memref<2x80x128xf32, #tpu.memory_space<vmem>>, vector<16xf32>,
      %get3A_711 = arith.constant 0 : i32
      %get3A_712 = arith.constant 60 : i32
      %get3A_713 = arith.index_cast %get3A_711 : i32 to index
      %get3A_714 = arith.index_cast %get3A_712 : i32 to index
      %get3A_715 = arith.constant 80 : index
      %get3A_716 = tpu.vector_load %arg13[%get3A_713, %get3A_714, %get3A_715] {strides = array<i32>} : memref<2x80x128xf32, #tpu.memory_space<vmem>>, vector<16xf32>,
      %get3A_717 = arith.constant 0 : i32
      %get3A_718 = arith.constant 60 : i32
      %get3A_719 = arith.index_cast %get3A_717 : i32 to index
      %get3A_720 = arith.index_cast %get3A_718 : i32 to index
      %get3A_721 = arith.constant 96 : index
      %get3A_722 = tpu.vector_load %arg13[%get3A_719, %get3A_720, %get3A_721] {strides = array<i32>} : memref<2x80x128xf32, #tpu.memory_space<vmem>>, vector<16xf32>,
      %get3A_723 = arith.constant 0 : i32
      %get3A_724 = arith.constant 60 : i32
      %get3A_725 = arith.index_cast %get3A_723 : i32 to index
      %get3A_726 = arith.index_cast %get3A_724 : i32 to index
      %get3A_727 = arith.constant 112 : index
      %get3A_728 = tpu.vector_load %arg13[%get3A_725, %get3A_726, %get3A_727] {strides = array<i32>} : memref<2x80x128xf32, #tpu.memory_space<vmem>>, vector<16xf32>,
      %scan3A_729 = arith.constant 1 : i32
      %scan3A_730 = arith.constant 19 : i32
      %scan3A_731 = arith.addi %scan3A_729, %scan3A_730 : i32
      %scan3A_732 = arith.constant 1 : i32
      %scan3A_733:8 = scf.for %scan3A_1468 = %scan3A_729 to %scan3A_731 step %scan3A_732 iter_args(%scan3A_1469 = %get3A_686, %scan3A_1470 = %get3A_692, %scan3A_1471 = %get3A_698, %scan3A_1472 = %get3A_704, %scan3A_1473 = %get3A_710, %scan3A_1474 = %get3A_716, %scan3A_1475 = %get3A_722, %scan3A_1476 = %get3A_728) -> (vector<16xf32>, vector<16xf32>, vector<16xf32>, vector<16xf32>, vector<16xf32>, vector<16xf32>, vector<16xf32>, vector<16xf32>)  : i32 {
        %add3A_1477 = arith.constant 60 : i32
        %add3A_1478 = arith.addi %add3A_1477, %scan3A_1468 : i32
        %get3A_1479 = arith.constant 0 : i32
        %get3A_1480 = arith.index_cast %get3A_1479 : i32 to index
        %get3A_1481 = arith.index_cast %add3A_1478 : i32 to index
        %get3A_1482 = arith.constant 0 : index
        %get3A_1483 = tpu.vector_load %arg13[%get3A_1480, %get3A_1481, %get3A_1482] {strides = array<i32>} : memref<2x80x128xf32, #tpu.memory_space<vmem>>, vector<16xf32>,
        %add3A_1484 = arith.constant 60 : i32
        %add3A_1485 = arith.addi %add3A_1484, %scan3A_1468 : i32
        %get3A_1486 = arith.constant 0 : i32
        %get3A_1487 = arith.index_cast %get3A_1486 : i32 to index
        %get3A_1488 = arith.index_cast %add3A_1485 : i32 to index
        %get3A_1489 = arith.constant 16 : index
        %get3A_1490 = tpu.vector_load %arg13[%get3A_1487, %get3A_1488, %get3A_1489] {strides = array<i32>} : memref<2x80x128xf32, #tpu.memory_space<vmem>>, vector<16xf32>,
        %add3A_1491 = arith.constant 60 : i32
        %add3A_1492 = arith.addi %add3A_1491, %scan3A_1468 : i32
        %get3A_1493 = arith.constant 0 : i32
        %get3A_1494 = arith.index_cast %get3A_1493 : i32 to index
        %get3A_1495 = arith.index_cast %add3A_1492 : i32 to index
        %get3A_1496 = arith.constant 32 : index
        %get3A_1497 = tpu.vector_load %arg13[%get3A_1494, %get3A_1495, %get3A_1496] {strides = array<i32>} : memref<2x80x128xf32, #tpu.memory_space<vmem>>, vector<16xf32>,
        %add3A_1498 = arith.constant 60 : i32
        %add3A_1499 = arith.addi %add3A_1498, %scan3A_1468 : i32
        %get3A_1500 = arith.constant 0 : i32
        %get3A_1501 = arith.index_cast %get3A_1500 : i32 to index
        %get3A_1502 = arith.index_cast %add3A_1499 : i32 to index
        %get3A_1503 = arith.constant 48 : index
        %get3A_1504 = tpu.vector_load %arg13[%get3A_1501, %get3A_1502, %get3A_1503] {strides = array<i32>} : memref<2x80x128xf32, #tpu.memory_space<vmem>>, vector<16xf32>,
        %add3A_1505 = arith.constant 60 : i32
        %add3A_1506 = arith.addi %add3A_1505, %scan3A_1468 : i32
        %get3A_1507 = arith.constant 0 : i32
        %get3A_1508 = arith.index_cast %get3A_1507 : i32 to index
        %get3A_1509 = arith.index_cast %add3A_1506 : i32 to index
        %get3A_1510 = arith.constant 64 : index
        %get3A_1511 = tpu.vector_load %arg13[%get3A_1508, %get3A_1509, %get3A_1510] {strides = array<i32>} : memref<2x80x128xf32, #tpu.memory_space<vmem>>, vector<16xf32>,
        %add3A_1512 = arith.constant 60 : i32
        %add3A_1513 = arith.addi %add3A_1512, %scan3A_1468 : i32
        %get3A_1514 = arith.constant 0 : i32
        %get3A_1515 = arith.index_cast %get3A_1514 : i32 to index
        %get3A_1516 = arith.index_cast %add3A_1513 : i32 to index
        %get3A_1517 = arith.constant 80 : index
        %get3A_1518 = tpu.vector_load %arg13[%get3A_1515, %get3A_1516, %get3A_1517] {strides = array<i32>} : memref<2x80x128xf32, #tpu.memory_space<vmem>>, vector<16xf32>,
        %add3A_1519 = arith.constant 60 : i32
        %add3A_1520 = arith.addi %add3A_1519, %scan3A_1468 : i32
        %get3A_1521 = arith.constant 0 : i32
        %get3A_1522 = arith.index_cast %get3A_1521 : i32 to index
        %get3A_1523 = arith.index_cast %add3A_1520 : i32 to index
        %get3A_1524 = arith.constant 96 : index
        %get3A_1525 = tpu.vector_load %arg13[%get3A_1522, %get3A_1523, %get3A_1524] {strides = array<i32>} : memref<2x80x128xf32, #tpu.memory_space<vmem>>, vector<16xf32>,
        %add3A_1526 = arith.constant 60 : i32
        %add3A_1527 = arith.addi %add3A_1526, %scan3A_1468 : i32
        %get3A_1528 = arith.constant 0 : i32
        %get3A_1529 = arith.index_cast %get3A_1528 : i32 to index
        %get3A_1530 = arith.index_cast %add3A_1527 : i32 to index
        %get3A_1531 = arith.constant 112 : index
        %get3A_1532 = tpu.vector_load %arg13[%get3A_1529, %get3A_1530, %get3A_1531] {strides = array<i32>} : memref<2x80x128xf32, #tpu.memory_space<vmem>>, vector<16xf32>,
        %mul3A_1533 = arith.mulf %neg3A_659, %scan3A_1469 : vector<16xf32>
        %mul3A_1534 = arith.mulf %neg3A_662, %scan3A_1470 : vector<16xf32>
        %mul3A_1535 = arith.mulf %neg3A_665, %scan3A_1471 : vector<16xf32>
        %mul3A_1536 = arith.mulf %neg3A_668, %scan3A_1472 : vector<16xf32>
        %mul3A_1537 = arith.mulf %neg3A_671, %scan3A_1473 : vector<16xf32>
        %mul3A_1538 = arith.mulf %neg3A_674, %scan3A_1474 : vector<16xf32>
        %mul3A_1539 = arith.mulf %neg3A_677, %scan3A_1475 : vector<16xf32>
        %mul3A_1540 = arith.mulf %neg3A_680, %scan3A_1476 : vector<16xf32>
        %add3A_1541 = arith.addf %mul3A_1533, %mul3A_1534 : vector<16xf32>
        %add3A_1542 = arith.addf %mul3A_1535, %mul3A_1536 : vector<16xf32>
        %add3A_1543 = arith.addf %mul3A_1537, %mul3A_1538 : vector<16xf32>
        %add3A_1544 = arith.addf %mul3A_1539, %mul3A_1540 : vector<16xf32>
        %add3A_1545 = arith.addf %add3A_1541, %add3A_1542 : vector<16xf32>
        %add3A_1546 = arith.addf %add3A_1543, %add3A_1544 : vector<16xf32>
        %add3A_1547 = arith.addf %add3A_1545, %add3A_1546 : vector<16xf32>
        %add3A_1548 = arith.addi %mul3A_592, %scan3A_1468 : i32
        %swap3A_1549 = arith.index_cast %add3A_1548 : i32 to index
        %swap3A_1550 = arith.constant 0 : index
        %swap3A_1551 = tpu.vector_load %arg14[%swap3A_1549, %swap3A_1550] {strides = array<i32>} : memref<2688x16xf32, #tpu.memory_space<vmem>>, vector<16xf32>,
        tpu.vector_store %arg14[%swap3A_1549, %swap3A_1550], %add3A_1547 {strides = array<i32>} : memref<2688x16xf32, #tpu.memory_space<vmem>>, vector<16xf32>,
        scf.yield %get3A_1483, %get3A_1490, %get3A_1497, %get3A_1504, %get3A_1511, %get3A_1518, %get3A_1525, %get3A_1532 : vector<16xf32>, vector<16xf32>, vector<16xf32>, vector<16xf32>, vector<16xf32>, vector<16xf32>, vector<16xf32>, vector<16xf32>
      }
      %scan3A_734 = arith.constant 19 : i32
      %mul3A_735 = arith.mulf %neg3A_659, %scan3A_733#0 : vector<16xf32>
      %mul3A_736 = arith.mulf %neg3A_662, %scan3A_733#1 : vector<16xf32>
      %mul3A_737 = arith.mulf %neg3A_665, %scan3A_733#2 : vector<16xf32>
      %mul3A_738 = arith.mulf %neg3A_668, %scan3A_733#3 : vector<16xf32>
      %mul3A_739 = arith.mulf %neg3A_671, %scan3A_733#4 : vector<16xf32>
      %mul3A_740 = arith.mulf %neg3A_674, %scan3A_733#5 : vector<16xf32>
      %mul3A_741 = arith.mulf %neg3A_677, %scan3A_733#6 : vector<16xf32>
      %mul3A_742 = arith.mulf %neg3A_680, %scan3A_733#7 : vector<16xf32>
      %add3A_743 = arith.addf %mul3A_735, %mul3A_736 : vector<16xf32>
      %add3A_744 = arith.addf %mul3A_737, %mul3A_738 : vector<16xf32>
      %add3A_745 = arith.addf %mul3A_739, %mul3A_740 : vector<16xf32>
      %add3A_746 = arith.addf %mul3A_741, %mul3A_742 : vector<16xf32>
      %add3A_747 = arith.addf %add3A_743, %add3A_744 : vector<16xf32>
      %add3A_748 = arith.addf %add3A_745, %add3A_746 : vector<16xf32>
      %add3A_749 = arith.addf %add3A_747, %add3A_748 : vector<16xf32>
      %add3A_750 = arith.constant 20 : i32
      %add3A_751 = arith.addi %mul3A_592, %add3A_750 : i32
      %swap3A_752 = arith.index_cast %add3A_751 : i32 to index
      %swap3A_753 = arith.constant 0 : index
      %swap3A_754 = tpu.vector_load %arg14[%swap3A_752, %swap3A_753] {strides = array<i32>} : memref<2688x16xf32, #tpu.memory_space<vmem>>, vector<16xf32>,
      tpu.vector_store %arg14[%swap3A_752, %swap3A_753], %add3A_749 {strides = array<i32>} : memref<2688x16xf32, #tpu.memory_space<vmem>>, vector<16xf32>,
      %add3A_755 = arith.constant 2 : i32
      %add3A_756 = arith.addi %mul3A_60, %add3A_755 : i32
      %lt3A = arith.constant 32 : i32
      %lt3A_757 = arith.cmpi slt, %add3A_756, %lt3A : i32
      %convert_element_type3A = arith.extui %lt3A_757 : i1 to i32
      %cond3A = arith.constant 0 : i32
      %cond3A_758 = arith.cmpi ne, %convert_element_type3A, %cond3A : i32
      scf.if %cond3A_758 {
        %add3A_1468 = arith.constant 2 : i32
        %add3A_1469 = arith.addi %mul3A_60, %add3A_1468 : i32
        %mul3A_1470 = arith.constant 4 : i32
        %mul3A_1471 = arith.muli %add3A_1469, %mul3A_1470 : i32
        %mul3A_1472 = arith.constant 20 : i32
        %mul3A_1473 = arith.muli %mul3A_1471, %mul3A_1472 : i32
        %dma_start3A_1474 = arith.constant 0 : i32
        %dma_start3A_1475 = arith.constant 0 : i32
        %dma_start3A_1476 = arith.constant 0 : i32
        %dma_start3A_1477 = tpu.memref_slice %arg12[%dma_start3A_1474, %dma_start3A_1475, %dma_start3A_1476] : memref<2x80x128xf32, #tpu.memory_space<vmem>> -> memref<1x80x128xf32, #tpu.memory_space<vmem>>
        %dma_start3A_1478 = tpu.memref_squeeze %dma_start3A_1477 : memref<1x80x128xf32, #tpu.memory_space<vmem>> -> memref<80x128xf32, #tpu.memory_space<vmem>>
        %dma_start3A_1479 = tpu.memref_slice %arg8[%mul3A_1473] : memref<2560xi32, #tpu.memory_space<vmem>> -> memref<80xi32, #tpu.memory_space<vmem>>
        %dma_start3A_1480 = arith.constant 0 : i32
        %dma_start3A_1481 = arith.constant 0 : i32
        %dma_start3A_1482 = tpu.memref_slice %arg5[%dma_start3A_1480, %dma_start3A_1481] : memref<100000x128xf32, #tpu.memory_space<hbm>> -> memref<100000x128xf32, #tpu.memory_space<hbm>>
        tpu.enqueue_indirect_dma source(%dma_start3A_1482 : memref<100000x128xf32, #tpu.memory_space<hbm>>) target(%dma_start3A_1478 : memref<80x128xf32, #tpu.memory_space<vmem>>) offsets(%dma_start3A_1479 : memref<80xi32, #tpu.memory_space<vmem>>) semaphore(%arg16 : memref<!tpu.dma_semaphore, #tpu.memory_space<semaphore_mem>>)
        %mul3A_1483 = arith.constant 4 : i32
        %mul3A_1484 = arith.muli %add3A_1469, %mul3A_1483 : i32
        %mul3A_1485 = arith.constant 20 : i32
        %mul3A_1486 = arith.muli %mul3A_1484, %mul3A_1485 : i32
        %dma_start3A_1487 = arith.constant 0 : i32
        %dma_start3A_1488 = arith.constant 0 : i32
        %dma_start3A_1489 = arith.constant 0 : i32
        %dma_start3A_1490 = tpu.memref_slice %arg13[%dma_start3A_1487, %dma_start3A_1488, %dma_start3A_1489] : memref<2x80x128xf32, #tpu.memory_space<vmem>> -> memref<1x80x128xf32, #tpu.memory_space<vmem>>
        %dma_start3A_1491 = tpu.memref_squeeze %dma_start3A_1490 : memref<1x80x128xf32, #tpu.memory_space<vmem>> -> memref<80x128xf32, #tpu.memory_space<vmem>>
        %dma_start3A_1492 = tpu.memref_slice %arg9[%mul3A_1486] : memref<2560xi32, #tpu.memory_space<vmem>> -> memref<80xi32, #tpu.memory_space<vmem>>
        %dma_start3A_1493 = arith.constant 0 : i32
        %dma_start3A_1494 = arith.constant 0 : i32
        %dma_start3A_1495 = tpu.memref_slice %arg6[%dma_start3A_1493, %dma_start3A_1494] : memref<100000x128xf32, #tpu.memory_space<hbm>> -> memref<100000x128xf32, #tpu.memory_space<hbm>>
        tpu.enqueue_indirect_dma source(%dma_start3A_1495 : memref<100000x128xf32, #tpu.memory_space<hbm>>) target(%dma_start3A_1491 : memref<80x128xf32, #tpu.memory_space<vmem>>) offsets(%dma_start3A_1492 : memref<80xi32, #tpu.memory_space<vmem>>) semaphore(%arg18 : memref<!tpu.dma_semaphore, #tpu.memory_space<semaphore_mem>>)
      } else {
      }
      %mul3A_759 = arith.constant 2 : i32
      %mul3A_760 = arith.muli %mul3A_759, %scan3A_58 : i32
      %add3A_761 = arith.constant 1 : i32
      %add3A_762 = arith.addi %mul3A_760, %add3A_761 : i32
      %mul3A_763 = arith.constant 4 : i32
      %mul3A_764 = arith.muli %add3A_762, %mul3A_763 : i32
      %mul3A_765 = arith.constant 20 : i32
      %mul3A_766 = arith.muli %mul3A_764, %mul3A_765 : i32
      %dma_wait3A_767 = arith.constant 1 : i32
      %dma_wait3A_768 = arith.constant 0 : i32
      %dma_wait3A_769 = arith.constant 0 : i32
      %dma_wait3A_770 = tpu.memref_slice %arg12[%dma_wait3A_767, %dma_wait3A_768, %dma_wait3A_769] : memref<2x80x128xf32, #tpu.memory_space<vmem>> -> memref<1x80x128xf32, #tpu.memory_space<vmem>>
      %dma_wait3A_771 = tpu.memref_squeeze %dma_wait3A_770 : memref<1x80x128xf32, #tpu.memory_space<vmem>> -> memref<80x128xf32, #tpu.memory_space<vmem>>
      %dma_wait3A_772 = tpu.memref_slice %arg8[%mul3A_766] : memref<2560xi32, #tpu.memory_space<vmem>> -> memref<80xi32, #tpu.memory_space<vmem>>
      %dma_wait3A_773 = arith.constant 0 : i32
      %dma_wait3A_774 = arith.constant 0 : i32
      %dma_wait3A_775 = tpu.memref_slice %arg5[%dma_wait3A_773, %dma_wait3A_774] : memref<100000x128xf32, #tpu.memory_space<hbm>> -> memref<100000x128xf32, #tpu.memory_space<hbm>>
      tpu.wait_indirect_dma semaphore(%arg17 : memref<!tpu.dma_semaphore, #tpu.memory_space<semaphore_mem>>) src(%dma_wait3A_775 : memref<100000x128xf32, #tpu.memory_space<hbm>>) dst(%dma_wait3A_771 : memref<80x128xf32, #tpu.memory_space<vmem>>)
      %mul3A_776 = arith.constant 4 : i32
      %mul3A_777 = arith.muli %add3A_762, %mul3A_776 : i32
      %mul3A_778 = arith.constant 20 : i32
      %mul3A_779 = arith.muli %mul3A_777, %mul3A_778 : i32
      %dma_wait3A_780 = arith.constant 1 : i32
      %dma_wait3A_781 = arith.constant 0 : i32
      %dma_wait3A_782 = arith.constant 0 : i32
      %dma_wait3A_783 = tpu.memref_slice %arg13[%dma_wait3A_780, %dma_wait3A_781, %dma_wait3A_782] : memref<2x80x128xf32, #tpu.memory_space<vmem>> -> memref<1x80x128xf32, #tpu.memory_space<vmem>>
      %dma_wait3A_784 = tpu.memref_squeeze %dma_wait3A_783 : memref<1x80x128xf32, #tpu.memory_space<vmem>> -> memref<80x128xf32, #tpu.memory_space<vmem>>
      %dma_wait3A_785 = tpu.memref_slice %arg9[%mul3A_779] : memref<2560xi32, #tpu.memory_space<vmem>> -> memref<80xi32, #tpu.memory_space<vmem>>
      %dma_wait3A_786 = arith.constant 0 : i32
      %dma_wait3A_787 = arith.constant 0 : i32
      %dma_wait3A_788 = tpu.memref_slice %arg6[%dma_wait3A_786, %dma_wait3A_787] : memref<100000x128xf32, #tpu.memory_space<hbm>> -> memref<100000x128xf32, #tpu.memory_space<hbm>>
      tpu.wait_indirect_dma semaphore(%arg19 : memref<!tpu.dma_semaphore, #tpu.memory_space<semaphore_mem>>) src(%dma_wait3A_788 : memref<100000x128xf32, #tpu.memory_space<hbm>>) dst(%dma_wait3A_784 : memref<80x128xf32, #tpu.memory_space<vmem>>)
      %mul3A_789 = arith.constant 4 : i32
      %mul3A_790 = arith.muli %add3A_762, %mul3A_789 : i32
      %add3A_791 = arith.constant 0 : i32
      %add3A_792 = arith.addi %mul3A_790, %add3A_791 : i32
      %mul3A_793 = arith.constant 21 : i32
      %mul3A_794 = arith.muli %add3A_792, %mul3A_793 : i32
      %broadcast_in_dim3A_795 = arith.constant 0.000000e+00 : f32
      %broadcast_in_dim3A_796 = vector.broadcast %broadcast_in_dim3A_795 : f32 to vector<16xf32>
      %broadcast_in_dim3A_797 = arith.constant 0.000000e+00 : f32
      %broadcast_in_dim3A_798 = vector.broadcast %broadcast_in_dim3A_797 : f32 to vector<16xf32>
      %broadcast_in_dim3A_799 = arith.constant 0.000000e+00 : f32
      %broadcast_in_dim3A_800 = vector.broadcast %broadcast_in_dim3A_799 : f32 to vector<16xf32>
      %broadcast_in_dim3A_801 = arith.constant 0.000000e+00 : f32
      %broadcast_in_dim3A_802 = vector.broadcast %broadcast_in_dim3A_801 : f32 to vector<16xf32>
      %broadcast_in_dim3A_803 = arith.constant 0.000000e+00 : f32
      %broadcast_in_dim3A_804 = vector.broadcast %broadcast_in_dim3A_803 : f32 to vector<16xf32>
      %broadcast_in_dim3A_805 = arith.constant 0.000000e+00 : f32
      %broadcast_in_dim3A_806 = vector.broadcast %broadcast_in_dim3A_805 : f32 to vector<16xf32>
      %broadcast_in_dim3A_807 = arith.constant 0.000000e+00 : f32
      %broadcast_in_dim3A_808 = vector.broadcast %broadcast_in_dim3A_807 : f32 to vector<16xf32>
      %broadcast_in_dim3A_809 = arith.constant 0.000000e+00 : f32
      %broadcast_in_dim3A_810 = vector.broadcast %broadcast_in_dim3A_809 : f32 to vector<16xf32>
      %scan3A_811 = arith.constant 0 : i32
      %scan3A_812 = arith.constant 20 : i32
      %scan3A_813 = arith.addi %scan3A_811, %scan3A_812 : i32
      %scan3A_814 = arith.constant 5 : i32
      %scan3A_815:8 = scf.for %scan3A_1468 = %scan3A_811 to %scan3A_813 step %scan3A_814 iter_args(%scan3A_1469 = %broadcast_in_dim3A_796, %scan3A_1470 = %broadcast_in_dim3A_798, %scan3A_1471 = %broadcast_in_dim3A_800, %scan3A_1472 = %broadcast_in_dim3A_802, %scan3A_1473 = %broadcast_in_dim3A_804, %scan3A_1474 = %broadcast_in_dim3A_806, %scan3A_1475 = %broadcast_in_dim3A_808, %scan3A_1476 = %broadcast_in_dim3A_810) -> (vector<16xf32>, vector<16xf32>, vector<16xf32>, vector<16xf32>, vector<16xf32>, vector<16xf32>, vector<16xf32>, vector<16xf32>)  : i32 {
        %add3A_1477 = arith.constant 0 : i32
        %add3A_1478 = arith.addi %add3A_1477, %scan3A_1468 : i32
        %get3A_1479 = arith.constant 1 : i32
        %get3A_1480 = arith.index_cast %get3A_1479 : i32 to index
        %get3A_1481 = arith.index_cast %add3A_1478 : i32 to index
        %get3A_1482 = arith.constant 0 : index
        %get3A_1483 = tpu.vector_load %arg12[%get3A_1480, %get3A_1481, %get3A_1482] {strides = array<i32>} : memref<2x80x128xf32, #tpu.memory_space<vmem>>, vector<16xf32>,
        %add3A_1484 = arith.addf %scan3A_1469, %get3A_1483 : vector<16xf32>
        %add3A_1485 = arith.constant 0 : i32
        %add3A_1486 = arith.addi %add3A_1485, %scan3A_1468 : i32
        %get3A_1487 = arith.constant 1 : i32
        %get3A_1488 = arith.index_cast %get3A_1487 : i32 to index
        %get3A_1489 = arith.index_cast %add3A_1486 : i32 to index
        %get3A_1490 = arith.constant 16 : index
        %get3A_1491 = tpu.vector_load %arg12[%get3A_1488, %get3A_1489, %get3A_1490] {strides = array<i32>} : memref<2x80x128xf32, #tpu.memory_space<vmem>>, vector<16xf32>,
        %add3A_1492 = arith.addf %scan3A_1470, %get3A_1491 : vector<16xf32>
        %add3A_1493 = arith.constant 0 : i32
        %add3A_1494 = arith.addi %add3A_1493, %scan3A_1468 : i32
        %get3A_1495 = arith.constant 1 : i32
        %get3A_1496 = arith.index_cast %get3A_1495 : i32 to index
        %get3A_1497 = arith.index_cast %add3A_1494 : i32 to index
        %get3A_1498 = arith.constant 32 : index
        %get3A_1499 = tpu.vector_load %arg12[%get3A_1496, %get3A_1497, %get3A_1498] {strides = array<i32>} : memref<2x80x128xf32, #tpu.memory_space<vmem>>, vector<16xf32>,
        %add3A_1500 = arith.addf %scan3A_1471, %get3A_1499 : vector<16xf32>
        %add3A_1501 = arith.constant 0 : i32
        %add3A_1502 = arith.addi %add3A_1501, %scan3A_1468 : i32
        %get3A_1503 = arith.constant 1 : i32
        %get3A_1504 = arith.index_cast %get3A_1503 : i32 to index
        %get3A_1505 = arith.index_cast %add3A_1502 : i32 to index
        %get3A_1506 = arith.constant 48 : index
        %get3A_1507 = tpu.vector_load %arg12[%get3A_1504, %get3A_1505, %get3A_1506] {strides = array<i32>} : memref<2x80x128xf32, #tpu.memory_space<vmem>>, vector<16xf32>,
        %add3A_1508 = arith.addf %scan3A_1472, %get3A_1507 : vector<16xf32>
        %add3A_1509 = arith.constant 0 : i32
        %add3A_1510 = arith.addi %add3A_1509, %scan3A_1468 : i32
        %get3A_1511 = arith.constant 1 : i32
        %get3A_1512 = arith.index_cast %get3A_1511 : i32 to index
        %get3A_1513 = arith.index_cast %add3A_1510 : i32 to index
        %get3A_1514 = arith.constant 64 : index
        %get3A_1515 = tpu.vector_load %arg12[%get3A_1512, %get3A_1513, %get3A_1514] {strides = array<i32>} : memref<2x80x128xf32, #tpu.memory_space<vmem>>, vector<16xf32>,
        %add3A_1516 = arith.addf %scan3A_1473, %get3A_1515 : vector<16xf32>
        %add3A_1517 = arith.constant 0 : i32
        %add3A_1518 = arith.addi %add3A_1517, %scan3A_1468 : i32
        %get3A_1519 = arith.constant 1 : i32
        %get3A_1520 = arith.index_cast %get3A_1519 : i32 to index
        %get3A_1521 = arith.index_cast %add3A_1518 : i32 to index
        %get3A_1522 = arith.constant 80 : index
        %get3A_1523 = tpu.vector_load %arg12[%get3A_1520, %get3A_1521, %get3A_1522] {strides = array<i32>} : memref<2x80x128xf32, #tpu.memory_space<vmem>>, vector<16xf32>,
        %add3A_1524 = arith.addf %scan3A_1474, %get3A_1523 : vector<16xf32>
        %add3A_1525 = arith.constant 0 : i32
        %add3A_1526 = arith.addi %add3A_1525, %scan3A_1468 : i32
        %get3A_1527 = arith.constant 1 : i32
        %get3A_1528 = arith.index_cast %get3A_1527 : i32 to index
        %get3A_1529 = arith.index_cast %add3A_1526 : i32 to index
        %get3A_1530 = arith.constant 96 : index
        %get3A_1531 = tpu.vector_load %arg12[%get3A_1528, %get3A_1529, %get3A_1530] {strides = array<i32>} : memref<2x80x128xf32, #tpu.memory_space<vmem>>, vector<16xf32>,
        %add3A_1532 = arith.addf %scan3A_1475, %get3A_1531 : vector<16xf32>
        %add3A_1533 = arith.constant 0 : i32
        %add3A_1534 = arith.addi %add3A_1533, %scan3A_1468 : i32
        %get3A_1535 = arith.constant 1 : i32
        %get3A_1536 = arith.index_cast %get3A_1535 : i32 to index
        %get3A_1537 = arith.index_cast %add3A_1534 : i32 to index
        %get3A_1538 = arith.constant 112 : index
        %get3A_1539 = tpu.vector_load %arg12[%get3A_1536, %get3A_1537, %get3A_1538] {strides = array<i32>} : memref<2x80x128xf32, #tpu.memory_space<vmem>>, vector<16xf32>,
        %add3A_1540 = arith.addf %scan3A_1476, %get3A_1539 : vector<16xf32>
        %scan3A_1541 = arith.constant 1 : i32
        %scan3A_1542 = arith.addi %scan3A_1468, %scan3A_1541 : i32
        %add3A_1543 = arith.constant 0 : i32
        %add3A_1544 = arith.addi %add3A_1543, %scan3A_1542 : i32
        %get3A_1545 = arith.constant 1 : i32
        %get3A_1546 = arith.index_cast %get3A_1545 : i32 to index
        %get3A_1547 = arith.index_cast %add3A_1544 : i32 to index
        %get3A_1548 = arith.constant 0 : index
        %get3A_1549 = tpu.vector_load %arg12[%get3A_1546, %get3A_1547, %get3A_1548] {strides = array<i32>} : memref<2x80x128xf32, #tpu.memory_space<vmem>>, vector<16xf32>,
        %add3A_1550 = arith.addf %add3A_1484, %get3A_1549 : vector<16xf32>
        %add3A_1551 = arith.constant 0 : i32
        %add3A_1552 = arith.addi %add3A_1551, %scan3A_1542 : i32
        %get3A_1553 = arith.constant 1 : i32
        %get3A_1554 = arith.index_cast %get3A_1553 : i32 to index
        %get3A_1555 = arith.index_cast %add3A_1552 : i32 to index
        %get3A_1556 = arith.constant 16 : index
        %get3A_1557 = tpu.vector_load %arg12[%get3A_1554, %get3A_1555, %get3A_1556] {strides = array<i32>} : memref<2x80x128xf32, #tpu.memory_space<vmem>>, vector<16xf32>,
        %add3A_1558 = arith.addf %add3A_1492, %get3A_1557 : vector<16xf32>
        %add3A_1559 = arith.constant 0 : i32
        %add3A_1560 = arith.addi %add3A_1559, %scan3A_1542 : i32
        %get3A_1561 = arith.constant 1 : i32
        %get3A_1562 = arith.index_cast %get3A_1561 : i32 to index
        %get3A_1563 = arith.index_cast %add3A_1560 : i32 to index
        %get3A_1564 = arith.constant 32 : index
        %get3A_1565 = tpu.vector_load %arg12[%get3A_1562, %get3A_1563, %get3A_1564] {strides = array<i32>} : memref<2x80x128xf32, #tpu.memory_space<vmem>>, vector<16xf32>,
        %add3A_1566 = arith.addf %add3A_1500, %get3A_1565 : vector<16xf32>
        %add3A_1567 = arith.constant 0 : i32
        %add3A_1568 = arith.addi %add3A_1567, %scan3A_1542 : i32
        %get3A_1569 = arith.constant 1 : i32
        %get3A_1570 = arith.index_cast %get3A_1569 : i32 to index
        %get3A_1571 = arith.index_cast %add3A_1568 : i32 to index
        %get3A_1572 = arith.constant 48 : index
        %get3A_1573 = tpu.vector_load %arg12[%get3A_1570, %get3A_1571, %get3A_1572] {strides = array<i32>} : memref<2x80x128xf32, #tpu.memory_space<vmem>>, vector<16xf32>,
        %add3A_1574 = arith.addf %add3A_1508, %get3A_1573 : vector<16xf32>
        %add3A_1575 = arith.constant 0 : i32
        %add3A_1576 = arith.addi %add3A_1575, %scan3A_1542 : i32
        %get3A_1577 = arith.constant 1 : i32
        %get3A_1578 = arith.index_cast %get3A_1577 : i32 to index
        %get3A_1579 = arith.index_cast %add3A_1576 : i32 to index
        %get3A_1580 = arith.constant 64 : index
        %get3A_1581 = tpu.vector_load %arg12[%get3A_1578, %get3A_1579, %get3A_1580] {strides = array<i32>} : memref<2x80x128xf32, #tpu.memory_space<vmem>>, vector<16xf32>,
        %add3A_1582 = arith.addf %add3A_1516, %get3A_1581 : vector<16xf32>
        %add3A_1583 = arith.constant 0 : i32
        %add3A_1584 = arith.addi %add3A_1583, %scan3A_1542 : i32
        %get3A_1585 = arith.constant 1 : i32
        %get3A_1586 = arith.index_cast %get3A_1585 : i32 to index
        %get3A_1587 = arith.index_cast %add3A_1584 : i32 to index
        %get3A_1588 = arith.constant 80 : index
        %get3A_1589 = tpu.vector_load %arg12[%get3A_1586, %get3A_1587, %get3A_1588] {strides = array<i32>} : memref<2x80x128xf32, #tpu.memory_space<vmem>>, vector<16xf32>,
        %add3A_1590 = arith.addf %add3A_1524, %get3A_1589 : vector<16xf32>
        %add3A_1591 = arith.constant 0 : i32
        %add3A_1592 = arith.addi %add3A_1591, %scan3A_1542 : i32
        %get3A_1593 = arith.constant 1 : i32
        %get3A_1594 = arith.index_cast %get3A_1593 : i32 to index
        %get3A_1595 = arith.index_cast %add3A_1592 : i32 to index
        %get3A_1596 = arith.constant 96 : index
        %get3A_1597 = tpu.vector_load %arg12[%get3A_1594, %get3A_1595, %get3A_1596] {strides = array<i32>} : memref<2x80x128xf32, #tpu.memory_space<vmem>>, vector<16xf32>,
        %add3A_1598 = arith.addf %add3A_1532, %get3A_1597 : vector<16xf32>
        %add3A_1599 = arith.constant 0 : i32
        %add3A_1600 = arith.addi %add3A_1599, %scan3A_1542 : i32
        %get3A_1601 = arith.constant 1 : i32
        %get3A_1602 = arith.index_cast %get3A_1601 : i32 to index
        %get3A_1603 = arith.index_cast %add3A_1600 : i32 to index
        %get3A_1604 = arith.constant 112 : index
        %get3A_1605 = tpu.vector_load %arg12[%get3A_1602, %get3A_1603, %get3A_1604] {strides = array<i32>} : memref<2x80x128xf32, #tpu.memory_space<vmem>>, vector<16xf32>,
        %add3A_1606 = arith.addf %add3A_1540, %get3A_1605 : vector<16xf32>
        %scan3A_1607 = arith.constant 2 : i32
        %scan3A_1608 = arith.addi %scan3A_1468, %scan3A_1607 : i32
        %add3A_1609 = arith.constant 0 : i32
        %add3A_1610 = arith.addi %add3A_1609, %scan3A_1608 : i32
        %get3A_1611 = arith.constant 1 : i32
        %get3A_1612 = arith.index_cast %get3A_1611 : i32 to index
        %get3A_1613 = arith.index_cast %add3A_1610 : i32 to index
        %get3A_1614 = arith.constant 0 : index
        %get3A_1615 = tpu.vector_load %arg12[%get3A_1612, %get3A_1613, %get3A_1614] {strides = array<i32>} : memref<2x80x128xf32, #tpu.memory_space<vmem>>, vector<16xf32>,
        %add3A_1616 = arith.addf %add3A_1550, %get3A_1615 : vector<16xf32>
        %add3A_1617 = arith.constant 0 : i32
        %add3A_1618 = arith.addi %add3A_1617, %scan3A_1608 : i32
        %get3A_1619 = arith.constant 1 : i32
        %get3A_1620 = arith.index_cast %get3A_1619 : i32 to index
        %get3A_1621 = arith.index_cast %add3A_1618 : i32 to index
        %get3A_1622 = arith.constant 16 : index
        %get3A_1623 = tpu.vector_load %arg12[%get3A_1620, %get3A_1621, %get3A_1622] {strides = array<i32>} : memref<2x80x128xf32, #tpu.memory_space<vmem>>, vector<16xf32>,
        %add3A_1624 = arith.addf %add3A_1558, %get3A_1623 : vector<16xf32>
        %add3A_1625 = arith.constant 0 : i32
        %add3A_1626 = arith.addi %add3A_1625, %scan3A_1608 : i32
        %get3A_1627 = arith.constant 1 : i32
        %get3A_1628 = arith.index_cast %get3A_1627 : i32 to index
        %get3A_1629 = arith.index_cast %add3A_1626 : i32 to index
        %get3A_1630 = arith.constant 32 : index
        %get3A_1631 = tpu.vector_load %arg12[%get3A_1628, %get3A_1629, %get3A_1630] {strides = array<i32>} : memref<2x80x128xf32, #tpu.memory_space<vmem>>, vector<16xf32>,
        %add3A_1632 = arith.addf %add3A_1566, %get3A_1631 : vector<16xf32>
        %add3A_1633 = arith.constant 0 : i32
        %add3A_1634 = arith.addi %add3A_1633, %scan3A_1608 : i32
        %get3A_1635 = arith.constant 1 : i32
        %get3A_1636 = arith.index_cast %get3A_1635 : i32 to index
        %get3A_1637 = arith.index_cast %add3A_1634 : i32 to index
        %get3A_1638 = arith.constant 48 : index
        %get3A_1639 = tpu.vector_load %arg12[%get3A_1636, %get3A_1637, %get3A_1638] {strides = array<i32>} : memref<2x80x128xf32, #tpu.memory_space<vmem>>, vector<16xf32>,
        %add3A_1640 = arith.addf %add3A_1574, %get3A_1639 : vector<16xf32>
        %add3A_1641 = arith.constant 0 : i32
        %add3A_1642 = arith.addi %add3A_1641, %scan3A_1608 : i32
        %get3A_1643 = arith.constant 1 : i32
        %get3A_1644 = arith.index_cast %get3A_1643 : i32 to index
        %get3A_1645 = arith.index_cast %add3A_1642 : i32 to index
        %get3A_1646 = arith.constant 64 : index
        %get3A_1647 = tpu.vector_load %arg12[%get3A_1644, %get3A_1645, %get3A_1646] {strides = array<i32>} : memref<2x80x128xf32, #tpu.memory_space<vmem>>, vector<16xf32>,
        %add3A_1648 = arith.addf %add3A_1582, %get3A_1647 : vector<16xf32>
        %add3A_1649 = arith.constant 0 : i32
        %add3A_1650 = arith.addi %add3A_1649, %scan3A_1608 : i32
        %get3A_1651 = arith.constant 1 : i32
        %get3A_1652 = arith.index_cast %get3A_1651 : i32 to index
        %get3A_1653 = arith.index_cast %add3A_1650 : i32 to index
        %get3A_1654 = arith.constant 80 : index
        %get3A_1655 = tpu.vector_load %arg12[%get3A_1652, %get3A_1653, %get3A_1654] {strides = array<i32>} : memref<2x80x128xf32, #tpu.memory_space<vmem>>, vector<16xf32>,
        %add3A_1656 = arith.addf %add3A_1590, %get3A_1655 : vector<16xf32>
        %add3A_1657 = arith.constant 0 : i32
        %add3A_1658 = arith.addi %add3A_1657, %scan3A_1608 : i32
        %get3A_1659 = arith.constant 1 : i32
        %get3A_1660 = arith.index_cast %get3A_1659 : i32 to index
        %get3A_1661 = arith.index_cast %add3A_1658 : i32 to index
        %get3A_1662 = arith.constant 96 : index
        %get3A_1663 = tpu.vector_load %arg12[%get3A_1660, %get3A_1661, %get3A_1662] {strides = array<i32>} : memref<2x80x128xf32, #tpu.memory_space<vmem>>, vector<16xf32>,
        %add3A_1664 = arith.addf %add3A_1598, %get3A_1663 : vector<16xf32>
        %add3A_1665 = arith.constant 0 : i32
        %add3A_1666 = arith.addi %add3A_1665, %scan3A_1608 : i32
        %get3A_1667 = arith.constant 1 : i32
        %get3A_1668 = arith.index_cast %get3A_1667 : i32 to index
        %get3A_1669 = arith.index_cast %add3A_1666 : i32 to index
        %get3A_1670 = arith.constant 112 : index
        %get3A_1671 = tpu.vector_load %arg12[%get3A_1668, %get3A_1669, %get3A_1670] {strides = array<i32>} : memref<2x80x128xf32, #tpu.memory_space<vmem>>, vector<16xf32>,
        %add3A_1672 = arith.addf %add3A_1606, %get3A_1671 : vector<16xf32>
        %scan3A_1673 = arith.constant 3 : i32
        %scan3A_1674 = arith.addi %scan3A_1468, %scan3A_1673 : i32
        %add3A_1675 = arith.constant 0 : i32
        %add3A_1676 = arith.addi %add3A_1675, %scan3A_1674 : i32
        %get3A_1677 = arith.constant 1 : i32
        %get3A_1678 = arith.index_cast %get3A_1677 : i32 to index
        %get3A_1679 = arith.index_cast %add3A_1676 : i32 to index
        %get3A_1680 = arith.constant 0 : index
        %get3A_1681 = tpu.vector_load %arg12[%get3A_1678, %get3A_1679, %get3A_1680] {strides = array<i32>} : memref<2x80x128xf32, #tpu.memory_space<vmem>>, vector<16xf32>,
        %add3A_1682 = arith.addf %add3A_1616, %get3A_1681 : vector<16xf32>
        %add3A_1683 = arith.constant 0 : i32
        %add3A_1684 = arith.addi %add3A_1683, %scan3A_1674 : i32
        %get3A_1685 = arith.constant 1 : i32
        %get3A_1686 = arith.index_cast %get3A_1685 : i32 to index
        %get3A_1687 = arith.index_cast %add3A_1684 : i32 to index
        %get3A_1688 = arith.constant 16 : index
        %get3A_1689 = tpu.vector_load %arg12[%get3A_1686, %get3A_1687, %get3A_1688] {strides = array<i32>} : memref<2x80x128xf32, #tpu.memory_space<vmem>>, vector<16xf32>,
        %add3A_1690 = arith.addf %add3A_1624, %get3A_1689 : vector<16xf32>
        %add3A_1691 = arith.constant 0 : i32
        %add3A_1692 = arith.addi %add3A_1691, %scan3A_1674 : i32
        %get3A_1693 = arith.constant 1 : i32
        %get3A_1694 = arith.index_cast %get3A_1693 : i32 to index
        %get3A_1695 = arith.index_cast %add3A_1692 : i32 to index
        %get3A_1696 = arith.constant 32 : index
        %get3A_1697 = tpu.vector_load %arg12[%get3A_1694, %get3A_1695, %get3A_1696] {strides = array<i32>} : memref<2x80x128xf32, #tpu.memory_space<vmem>>, vector<16xf32>,
        %add3A_1698 = arith.addf %add3A_1632, %get3A_1697 : vector<16xf32>
        %add3A_1699 = arith.constant 0 : i32
        %add3A_1700 = arith.addi %add3A_1699, %scan3A_1674 : i32
        %get3A_1701 = arith.constant 1 : i32
        %get3A_1702 = arith.index_cast %get3A_1701 : i32 to index
        %get3A_1703 = arith.index_cast %add3A_1700 : i32 to index
        %get3A_1704 = arith.constant 48 : index
        %get3A_1705 = tpu.vector_load %arg12[%get3A_1702, %get3A_1703, %get3A_1704] {strides = array<i32>} : memref<2x80x128xf32, #tpu.memory_space<vmem>>, vector<16xf32>,
        %add3A_1706 = arith.addf %add3A_1640, %get3A_1705 : vector<16xf32>
        %add3A_1707 = arith.constant 0 : i32
        %add3A_1708 = arith.addi %add3A_1707, %scan3A_1674 : i32
        %get3A_1709 = arith.constant 1 : i32
        %get3A_1710 = arith.index_cast %get3A_1709 : i32 to index
        %get3A_1711 = arith.index_cast %add3A_1708 : i32 to index
        %get3A_1712 = arith.constant 64 : index
        %get3A_1713 = tpu.vector_load %arg12[%get3A_1710, %get3A_1711, %get3A_1712] {strides = array<i32>} : memref<2x80x128xf32, #tpu.memory_space<vmem>>, vector<16xf32>,
        %add3A_1714 = arith.addf %add3A_1648, %get3A_1713 : vector<16xf32>
        %add3A_1715 = arith.constant 0 : i32
        %add3A_1716 = arith.addi %add3A_1715, %scan3A_1674 : i32
        %get3A_1717 = arith.constant 1 : i32
        %get3A_1718 = arith.index_cast %get3A_1717 : i32 to index
        %get3A_1719 = arith.index_cast %add3A_1716 : i32 to index
        %get3A_1720 = arith.constant 80 : index
        %get3A_1721 = tpu.vector_load %arg12[%get3A_1718, %get3A_1719, %get3A_1720] {strides = array<i32>} : memref<2x80x128xf32, #tpu.memory_space<vmem>>, vector<16xf32>,
        %add3A_1722 = arith.addf %add3A_1656, %get3A_1721 : vector<16xf32>
        %add3A_1723 = arith.constant 0 : i32
        %add3A_1724 = arith.addi %add3A_1723, %scan3A_1674 : i32
        %get3A_1725 = arith.constant 1 : i32
        %get3A_1726 = arith.index_cast %get3A_1725 : i32 to index
        %get3A_1727 = arith.index_cast %add3A_1724 : i32 to index
        %get3A_1728 = arith.constant 96 : index
        %get3A_1729 = tpu.vector_load %arg12[%get3A_1726, %get3A_1727, %get3A_1728] {strides = array<i32>} : memref<2x80x128xf32, #tpu.memory_space<vmem>>, vector<16xf32>,
        %add3A_1730 = arith.addf %add3A_1664, %get3A_1729 : vector<16xf32>
        %add3A_1731 = arith.constant 0 : i32
        %add3A_1732 = arith.addi %add3A_1731, %scan3A_1674 : i32
        %get3A_1733 = arith.constant 1 : i32
        %get3A_1734 = arith.index_cast %get3A_1733 : i32 to index
        %get3A_1735 = arith.index_cast %add3A_1732 : i32 to index
        %get3A_1736 = arith.constant 112 : index
        %get3A_1737 = tpu.vector_load %arg12[%get3A_1734, %get3A_1735, %get3A_1736] {strides = array<i32>} : memref<2x80x128xf32, #tpu.memory_space<vmem>>, vector<16xf32>,
        %add3A_1738 = arith.addf %add3A_1672, %get3A_1737 : vector<16xf32>
        %scan3A_1739 = arith.constant 4 : i32
        %scan3A_1740 = arith.addi %scan3A_1468, %scan3A_1739 : i32
        %add3A_1741 = arith.constant 0 : i32
        %add3A_1742 = arith.addi %add3A_1741, %scan3A_1740 : i32
        %get3A_1743 = arith.constant 1 : i32
        %get3A_1744 = arith.index_cast %get3A_1743 : i32 to index
        %get3A_1745 = arith.index_cast %add3A_1742 : i32 to index
        %get3A_1746 = arith.constant 0 : index
        %get3A_1747 = tpu.vector_load %arg12[%get3A_1744, %get3A_1745, %get3A_1746] {strides = array<i32>} : memref<2x80x128xf32, #tpu.memory_space<vmem>>, vector<16xf32>,
        %add3A_1748 = arith.addf %add3A_1682, %get3A_1747 : vector<16xf32>
        %add3A_1749 = arith.constant 0 : i32
        %add3A_1750 = arith.addi %add3A_1749, %scan3A_1740 : i32
        %get3A_1751 = arith.constant 1 : i32
        %get3A_1752 = arith.index_cast %get3A_1751 : i32 to index
        %get3A_1753 = arith.index_cast %add3A_1750 : i32 to index
        %get3A_1754 = arith.constant 16 : index
        %get3A_1755 = tpu.vector_load %arg12[%get3A_1752, %get3A_1753, %get3A_1754] {strides = array<i32>} : memref<2x80x128xf32, #tpu.memory_space<vmem>>, vector<16xf32>,
        %add3A_1756 = arith.addf %add3A_1690, %get3A_1755 : vector<16xf32>
        %add3A_1757 = arith.constant 0 : i32
        %add3A_1758 = arith.addi %add3A_1757, %scan3A_1740 : i32
        %get3A_1759 = arith.constant 1 : i32
        %get3A_1760 = arith.index_cast %get3A_1759 : i32 to index
        %get3A_1761 = arith.index_cast %add3A_1758 : i32 to index
        %get3A_1762 = arith.constant 32 : index
        %get3A_1763 = tpu.vector_load %arg12[%get3A_1760, %get3A_1761, %get3A_1762] {strides = array<i32>} : memref<2x80x128xf32, #tpu.memory_space<vmem>>, vector<16xf32>,
        %add3A_1764 = arith.addf %add3A_1698, %get3A_1763 : vector<16xf32>
        %add3A_1765 = arith.constant 0 : i32
        %add3A_1766 = arith.addi %add3A_1765, %scan3A_1740 : i32
        %get3A_1767 = arith.constant 1 : i32
        %get3A_1768 = arith.index_cast %get3A_1767 : i32 to index
        %get3A_1769 = arith.index_cast %add3A_1766 : i32 to index
        %get3A_1770 = arith.constant 48 : index
        %get3A_1771 = tpu.vector_load %arg12[%get3A_1768, %get3A_1769, %get3A_1770] {strides = array<i32>} : memref<2x80x128xf32, #tpu.memory_space<vmem>>, vector<16xf32>,
        %add3A_1772 = arith.addf %add3A_1706, %get3A_1771 : vector<16xf32>
        %add3A_1773 = arith.constant 0 : i32
        %add3A_1774 = arith.addi %add3A_1773, %scan3A_1740 : i32
        %get3A_1775 = arith.constant 1 : i32
        %get3A_1776 = arith.index_cast %get3A_1775 : i32 to index
        %get3A_1777 = arith.index_cast %add3A_1774 : i32 to index
        %get3A_1778 = arith.constant 64 : index
        %get3A_1779 = tpu.vector_load %arg12[%get3A_1776, %get3A_1777, %get3A_1778] {strides = array<i32>} : memref<2x80x128xf32, #tpu.memory_space<vmem>>, vector<16xf32>,
        %add3A_1780 = arith.addf %add3A_1714, %get3A_1779 : vector<16xf32>
        %add3A_1781 = arith.constant 0 : i32
        %add3A_1782 = arith.addi %add3A_1781, %scan3A_1740 : i32
        %get3A_1783 = arith.constant 1 : i32
        %get3A_1784 = arith.index_cast %get3A_1783 : i32 to index
        %get3A_1785 = arith.index_cast %add3A_1782 : i32 to index
        %get3A_1786 = arith.constant 80 : index
        %get3A_1787 = tpu.vector_load %arg12[%get3A_1784, %get3A_1785, %get3A_1786] {strides = array<i32>} : memref<2x80x128xf32, #tpu.memory_space<vmem>>, vector<16xf32>,
        %add3A_1788 = arith.addf %add3A_1722, %get3A_1787 : vector<16xf32>
        %add3A_1789 = arith.constant 0 : i32
        %add3A_1790 = arith.addi %add3A_1789, %scan3A_1740 : i32
        %get3A_1791 = arith.constant 1 : i32
        %get3A_1792 = arith.index_cast %get3A_1791 : i32 to index
        %get3A_1793 = arith.index_cast %add3A_1790 : i32 to index
        %get3A_1794 = arith.constant 96 : index
        %get3A_1795 = tpu.vector_load %arg12[%get3A_1792, %get3A_1793, %get3A_1794] {strides = array<i32>} : memref<2x80x128xf32, #tpu.memory_space<vmem>>, vector<16xf32>,
        %add3A_1796 = arith.addf %add3A_1730, %get3A_1795 : vector<16xf32>
        %add3A_1797 = arith.constant 0 : i32
        %add3A_1798 = arith.addi %add3A_1797, %scan3A_1740 : i32
        %get3A_1799 = arith.constant 1 : i32
        %get3A_1800 = arith.index_cast %get3A_1799 : i32 to index
        %get3A_1801 = arith.index_cast %add3A_1798 : i32 to index
        %get3A_1802 = arith.constant 112 : index
        %get3A_1803 = tpu.vector_load %arg12[%get3A_1800, %get3A_1801, %get3A_1802] {strides = array<i32>} : memref<2x80x128xf32, #tpu.memory_space<vmem>>, vector<16xf32>,
        %add3A_1804 = arith.addf %add3A_1738, %get3A_1803 : vector<16xf32>
        scf.yield %add3A_1748, %add3A_1756, %add3A_1764, %add3A_1772, %add3A_1780, %add3A_1788, %add3A_1796, %add3A_1804 : vector<16xf32>, vector<16xf32>, vector<16xf32>, vector<16xf32>, vector<16xf32>, vector<16xf32>, vector<16xf32>, vector<16xf32>
      }
      %scan3A_816 = arith.constant 20 : i32
      %get3A_817 = arith.index_cast %add3A_792 : i32 to index
      %get3A_818 = arith.constant 0 : index
      %get3A_819 = tpu.vector_load %arg11[%get3A_817, %get3A_818] {strides = array<i32>} : memref<128x128xf32, #tpu.memory_space<vmem>>, vector<16xf32>,
      %get3A_820 = arith.index_cast %add3A_792 : i32 to index
      %get3A_821 = arith.constant 16 : index
      %get3A_822 = tpu.vector_load %arg11[%get3A_820, %get3A_821] {strides = array<i32>} : memref<128x128xf32, #tpu.memory_space<vmem>>, vector<16xf32>,
      %get3A_823 = arith.index_cast %add3A_792 : i32 to index
      %get3A_824 = arith.constant 32 : index
      %get3A_825 = tpu.vector_load %arg11[%get3A_823, %get3A_824] {strides = array<i32>} : memref<128x128xf32, #tpu.memory_space<vmem>>, vector<16xf32>,
      %get3A_826 = arith.index_cast %add3A_792 : i32 to index
      %get3A_827 = arith.constant 48 : index
      %get3A_828 = tpu.vector_load %arg11[%get3A_826, %get3A_827] {strides = array<i32>} : memref<128x128xf32, #tpu.memory_space<vmem>>, vector<16xf32>,
      %get3A_829 = arith.index_cast %add3A_792 : i32 to index
      %get3A_830 = arith.constant 64 : index
      %get3A_831 = tpu.vector_load %arg11[%get3A_829, %get3A_830] {strides = array<i32>} : memref<128x128xf32, #tpu.memory_space<vmem>>, vector<16xf32>,
      %get3A_832 = arith.index_cast %add3A_792 : i32 to index
      %get3A_833 = arith.constant 80 : index
      %get3A_834 = tpu.vector_load %arg11[%get3A_832, %get3A_833] {strides = array<i32>} : memref<128x128xf32, #tpu.memory_space<vmem>>, vector<16xf32>,
      %get3A_835 = arith.index_cast %add3A_792 : i32 to index
      %get3A_836 = arith.constant 96 : index
      %get3A_837 = tpu.vector_load %arg11[%get3A_835, %get3A_836] {strides = array<i32>} : memref<128x128xf32, #tpu.memory_space<vmem>>, vector<16xf32>,
      %get3A_838 = arith.index_cast %add3A_792 : i32 to index
      %get3A_839 = arith.constant 112 : index
      %get3A_840 = tpu.vector_load %arg11[%get3A_838, %get3A_839] {strides = array<i32>} : memref<128x128xf32, #tpu.memory_space<vmem>>, vector<16xf32>,
      %mul3A_841 = arith.mulf %scan3A_815#0, %get3A_819 : vector<16xf32>
      %mul3A_842 = arith.mulf %scan3A_815#1, %get3A_822 : vector<16xf32>
      %mul3A_843 = arith.mulf %scan3A_815#2, %get3A_825 : vector<16xf32>
      %mul3A_844 = arith.mulf %scan3A_815#3, %get3A_828 : vector<16xf32>
      %mul3A_845 = arith.mulf %scan3A_815#4, %get3A_831 : vector<16xf32>
      %mul3A_846 = arith.mulf %scan3A_815#5, %get3A_834 : vector<16xf32>
      %mul3A_847 = arith.mulf %scan3A_815#6, %get3A_837 : vector<16xf32>
      %mul3A_848 = arith.mulf %scan3A_815#7, %get3A_840 : vector<16xf32>
      %add3A_849 = arith.addf %mul3A_841, %mul3A_842 : vector<16xf32>
      %add3A_850 = arith.addf %mul3A_843, %mul3A_844 : vector<16xf32>
      %add3A_851 = arith.addf %mul3A_845, %mul3A_846 : vector<16xf32>
      %add3A_852 = arith.addf %mul3A_847, %mul3A_848 : vector<16xf32>
      %add3A_853 = arith.addf %add3A_849, %add3A_850 : vector<16xf32>
      %add3A_854 = arith.addf %add3A_851, %add3A_852 : vector<16xf32>
      %add3A_855 = arith.addf %add3A_853, %add3A_854 : vector<16xf32>
      %swap3A_856 = arith.index_cast %mul3A_794 : i32 to index
      %swap3A_857 = arith.constant 0 : index
      %swap3A_858 = tpu.vector_load %arg14[%swap3A_856, %swap3A_857] {strides = array<i32>} : memref<2688x16xf32, #tpu.memory_space<vmem>>, vector<16xf32>,
      tpu.vector_store %arg14[%swap3A_856, %swap3A_857], %add3A_855 {strides = array<i32>} : memref<2688x16xf32, #tpu.memory_space<vmem>>, vector<16xf32>,
      %neg3A_859 = arith.constant 0.000000e+00 : f32
      %neg3A_860 = vector.broadcast %neg3A_859 : f32 to vector<16xf32>
      %neg3A_861 = arith.subf %neg3A_860, %scan3A_815#0 : vector<16xf32>
      %neg3A_862 = arith.constant 0.000000e+00 : f32
      %neg3A_863 = vector.broadcast %neg3A_862 : f32 to vector<16xf32>
      %neg3A_864 = arith.subf %neg3A_863, %scan3A_815#1 : vector<16xf32>
      %neg3A_865 = arith.constant 0.000000e+00 : f32
      %neg3A_866 = vector.broadcast %neg3A_865 : f32 to vector<16xf32>
      %neg3A_867 = arith.subf %neg3A_866, %scan3A_815#2 : vector<16xf32>
      %neg3A_868 = arith.constant 0.000000e+00 : f32
      %neg3A_869 = vector.broadcast %neg3A_868 : f32 to vector<16xf32>
      %neg3A_870 = arith.subf %neg3A_869, %scan3A_815#3 : vector<16xf32>
      %neg3A_871 = arith.constant 0.000000e+00 : f32
      %neg3A_872 = vector.broadcast %neg3A_871 : f32 to vector<16xf32>
      %neg3A_873 = arith.subf %neg3A_872, %scan3A_815#4 : vector<16xf32>
      %neg3A_874 = arith.constant 0.000000e+00 : f32
      %neg3A_875 = vector.broadcast %neg3A_874 : f32 to vector<16xf32>
      %neg3A_876 = arith.subf %neg3A_875, %scan3A_815#5 : vector<16xf32>
      %neg3A_877 = arith.constant 0.000000e+00 : f32
      %neg3A_878 = vector.broadcast %neg3A_877 : f32 to vector<16xf32>
      %neg3A_879 = arith.subf %neg3A_878, %scan3A_815#6 : vector<16xf32>
      %neg3A_880 = arith.constant 0.000000e+00 : f32
      %neg3A_881 = vector.broadcast %neg3A_880 : f32 to vector<16xf32>
      %neg3A_882 = arith.subf %neg3A_881, %scan3A_815#7 : vector<16xf32>
      %get3A_883 = arith.constant 1 : i32
      %get3A_884 = arith.constant 0 : i32
      %get3A_885 = arith.index_cast %get3A_883 : i32 to index
      %get3A_886 = arith.index_cast %get3A_884 : i32 to index
      %get3A_887 = arith.constant 0 : index
      %get3A_888 = tpu.vector_load %arg13[%get3A_885, %get3A_886, %get3A_887] {strides = array<i32>} : memref<2x80x128xf32, #tpu.memory_space<vmem>>, vector<16xf32>,
      %get3A_889 = arith.constant 1 : i32
      %get3A_890 = arith.constant 0 : i32
      %get3A_891 = arith.index_cast %get3A_889 : i32 to index
      %get3A_892 = arith.index_cast %get3A_890 : i32 to index
      %get3A_893 = arith.constant 16 : index
      %get3A_894 = tpu.vector_load %arg13[%get3A_891, %get3A_892, %get3A_893] {strides = array<i32>} : memref<2x80x128xf32, #tpu.memory_space<vmem>>, vector<16xf32>,
      %get3A_895 = arith.constant 1 : i32
      %get3A_896 = arith.constant 0 : i32
      %get3A_897 = arith.index_cast %get3A_895 : i32 to index
      %get3A_898 = arith.index_cast %get3A_896 : i32 to index
      %get3A_899 = arith.constant 32 : index
      %get3A_900 = tpu.vector_load %arg13[%get3A_897, %get3A_898, %get3A_899] {strides = array<i32>} : memref<2x80x128xf32, #tpu.memory_space<vmem>>, vector<16xf32>,
      %get3A_901 = arith.constant 1 : i32
      %get3A_902 = arith.constant 0 : i32
      %get3A_903 = arith.index_cast %get3A_901 : i32 to index
      %get3A_904 = arith.index_cast %get3A_902 : i32 to index
      %get3A_905 = arith.constant 48 : index
      %get3A_906 = tpu.vector_load %arg13[%get3A_903, %get3A_904, %get3A_905] {strides = array<i32>} : memref<2x80x128xf32, #tpu.memory_space<vmem>>, vector<16xf32>,
      %get3A_907 = arith.constant 1 : i32
      %get3A_908 = arith.constant 0 : i32
      %get3A_909 = arith.index_cast %get3A_907 : i32 to index
      %get3A_910 = arith.index_cast %get3A_908 : i32 to index
      %get3A_911 = arith.constant 64 : index
      %get3A_912 = tpu.vector_load %arg13[%get3A_909, %get3A_910, %get3A_911] {strides = array<i32>} : memref<2x80x128xf32, #tpu.memory_space<vmem>>, vector<16xf32>,
      %get3A_913 = arith.constant 1 : i32
      %get3A_914 = arith.constant 0 : i32
      %get3A_915 = arith.index_cast %get3A_913 : i32 to index
      %get3A_916 = arith.index_cast %get3A_914 : i32 to index
      %get3A_917 = arith.constant 80 : index
      %get3A_918 = tpu.vector_load %arg13[%get3A_915, %get3A_916, %get3A_917] {strides = array<i32>} : memref<2x80x128xf32, #tpu.memory_space<vmem>>, vector<16xf32>,
      %get3A_919 = arith.constant 1 : i32
      %get3A_920 = arith.constant 0 : i32
      %get3A_921 = arith.index_cast %get3A_919 : i32 to index
      %get3A_922 = arith.index_cast %get3A_920 : i32 to index
      %get3A_923 = arith.constant 96 : index
      %get3A_924 = tpu.vector_load %arg13[%get3A_921, %get3A_922, %get3A_923] {strides = array<i32>} : memref<2x80x128xf32, #tpu.memory_space<vmem>>, vector<16xf32>,
      %get3A_925 = arith.constant 1 : i32
      %get3A_926 = arith.constant 0 : i32
      %get3A_927 = arith.index_cast %get3A_925 : i32 to index
      %get3A_928 = arith.index_cast %get3A_926 : i32 to index
      %get3A_929 = arith.constant 112 : index
      %get3A_930 = tpu.vector_load %arg13[%get3A_927, %get3A_928, %get3A_929] {strides = array<i32>} : memref<2x80x128xf32, #tpu.memory_space<vmem>>, vector<16xf32>,
      %scan3A_931 = arith.constant 1 : i32
      %scan3A_932 = arith.constant 19 : i32
      %scan3A_933 = arith.addi %scan3A_931, %scan3A_932 : i32
      %scan3A_934 = arith.constant 1 : i32
      %scan3A_935:8 = scf.for %scan3A_1468 = %scan3A_931 to %scan3A_933 step %scan3A_934 iter_args(%scan3A_1469 = %get3A_888, %scan3A_1470 = %get3A_894, %scan3A_1471 = %get3A_900, %scan3A_1472 = %get3A_906, %scan3A_1473 = %get3A_912, %scan3A_1474 = %get3A_918, %scan3A_1475 = %get3A_924, %scan3A_1476 = %get3A_930) -> (vector<16xf32>, vector<16xf32>, vector<16xf32>, vector<16xf32>, vector<16xf32>, vector<16xf32>, vector<16xf32>, vector<16xf32>)  : i32 {
        %add3A_1477 = arith.constant 0 : i32
        %add3A_1478 = arith.addi %add3A_1477, %scan3A_1468 : i32
        %get3A_1479 = arith.constant 1 : i32
        %get3A_1480 = arith.index_cast %get3A_1479 : i32 to index
        %get3A_1481 = arith.index_cast %add3A_1478 : i32 to index
        %get3A_1482 = arith.constant 0 : index
        %get3A_1483 = tpu.vector_load %arg13[%get3A_1480, %get3A_1481, %get3A_1482] {strides = array<i32>} : memref<2x80x128xf32, #tpu.memory_space<vmem>>, vector<16xf32>,
        %add3A_1484 = arith.constant 0 : i32
        %add3A_1485 = arith.addi %add3A_1484, %scan3A_1468 : i32
        %get3A_1486 = arith.constant 1 : i32
        %get3A_1487 = arith.index_cast %get3A_1486 : i32 to index
        %get3A_1488 = arith.index_cast %add3A_1485 : i32 to index
        %get3A_1489 = arith.constant 16 : index
        %get3A_1490 = tpu.vector_load %arg13[%get3A_1487, %get3A_1488, %get3A_1489] {strides = array<i32>} : memref<2x80x128xf32, #tpu.memory_space<vmem>>, vector<16xf32>,
        %add3A_1491 = arith.constant 0 : i32
        %add3A_1492 = arith.addi %add3A_1491, %scan3A_1468 : i32
        %get3A_1493 = arith.constant 1 : i32
        %get3A_1494 = arith.index_cast %get3A_1493 : i32 to index
        %get3A_1495 = arith.index_cast %add3A_1492 : i32 to index
        %get3A_1496 = arith.constant 32 : index
        %get3A_1497 = tpu.vector_load %arg13[%get3A_1494, %get3A_1495, %get3A_1496] {strides = array<i32>} : memref<2x80x128xf32, #tpu.memory_space<vmem>>, vector<16xf32>,
        %add3A_1498 = arith.constant 0 : i32
        %add3A_1499 = arith.addi %add3A_1498, %scan3A_1468 : i32
        %get3A_1500 = arith.constant 1 : i32
        %get3A_1501 = arith.index_cast %get3A_1500 : i32 to index
        %get3A_1502 = arith.index_cast %add3A_1499 : i32 to index
        %get3A_1503 = arith.constant 48 : index
        %get3A_1504 = tpu.vector_load %arg13[%get3A_1501, %get3A_1502, %get3A_1503] {strides = array<i32>} : memref<2x80x128xf32, #tpu.memory_space<vmem>>, vector<16xf32>,
        %add3A_1505 = arith.constant 0 : i32
        %add3A_1506 = arith.addi %add3A_1505, %scan3A_1468 : i32
        %get3A_1507 = arith.constant 1 : i32
        %get3A_1508 = arith.index_cast %get3A_1507 : i32 to index
        %get3A_1509 = arith.index_cast %add3A_1506 : i32 to index
        %get3A_1510 = arith.constant 64 : index
        %get3A_1511 = tpu.vector_load %arg13[%get3A_1508, %get3A_1509, %get3A_1510] {strides = array<i32>} : memref<2x80x128xf32, #tpu.memory_space<vmem>>, vector<16xf32>,
        %add3A_1512 = arith.constant 0 : i32
        %add3A_1513 = arith.addi %add3A_1512, %scan3A_1468 : i32
        %get3A_1514 = arith.constant 1 : i32
        %get3A_1515 = arith.index_cast %get3A_1514 : i32 to index
        %get3A_1516 = arith.index_cast %add3A_1513 : i32 to index
        %get3A_1517 = arith.constant 80 : index
        %get3A_1518 = tpu.vector_load %arg13[%get3A_1515, %get3A_1516, %get3A_1517] {strides = array<i32>} : memref<2x80x128xf32, #tpu.memory_space<vmem>>, vector<16xf32>,
        %add3A_1519 = arith.constant 0 : i32
        %add3A_1520 = arith.addi %add3A_1519, %scan3A_1468 : i32
        %get3A_1521 = arith.constant 1 : i32
        %get3A_1522 = arith.index_cast %get3A_1521 : i32 to index
        %get3A_1523 = arith.index_cast %add3A_1520 : i32 to index
        %get3A_1524 = arith.constant 96 : index
        %get3A_1525 = tpu.vector_load %arg13[%get3A_1522, %get3A_1523, %get3A_1524] {strides = array<i32>} : memref<2x80x128xf32, #tpu.memory_space<vmem>>, vector<16xf32>,
        %add3A_1526 = arith.constant 0 : i32
        %add3A_1527 = arith.addi %add3A_1526, %scan3A_1468 : i32
        %get3A_1528 = arith.constant 1 : i32
        %get3A_1529 = arith.index_cast %get3A_1528 : i32 to index
        %get3A_1530 = arith.index_cast %add3A_1527 : i32 to index
        %get3A_1531 = arith.constant 112 : index
        %get3A_1532 = tpu.vector_load %arg13[%get3A_1529, %get3A_1530, %get3A_1531] {strides = array<i32>} : memref<2x80x128xf32, #tpu.memory_space<vmem>>, vector<16xf32>,
        %mul3A_1533 = arith.mulf %neg3A_861, %scan3A_1469 : vector<16xf32>
        %mul3A_1534 = arith.mulf %neg3A_864, %scan3A_1470 : vector<16xf32>
        %mul3A_1535 = arith.mulf %neg3A_867, %scan3A_1471 : vector<16xf32>
        %mul3A_1536 = arith.mulf %neg3A_870, %scan3A_1472 : vector<16xf32>
        %mul3A_1537 = arith.mulf %neg3A_873, %scan3A_1473 : vector<16xf32>
        %mul3A_1538 = arith.mulf %neg3A_876, %scan3A_1474 : vector<16xf32>
        %mul3A_1539 = arith.mulf %neg3A_879, %scan3A_1475 : vector<16xf32>
        %mul3A_1540 = arith.mulf %neg3A_882, %scan3A_1476 : vector<16xf32>
        %add3A_1541 = arith.addf %mul3A_1533, %mul3A_1534 : vector<16xf32>
        %add3A_1542 = arith.addf %mul3A_1535, %mul3A_1536 : vector<16xf32>
        %add3A_1543 = arith.addf %mul3A_1537, %mul3A_1538 : vector<16xf32>
        %add3A_1544 = arith.addf %mul3A_1539, %mul3A_1540 : vector<16xf32>
        %add3A_1545 = arith.addf %add3A_1541, %add3A_1542 : vector<16xf32>
        %add3A_1546 = arith.addf %add3A_1543, %add3A_1544 : vector<16xf32>
        %add3A_1547 = arith.addf %add3A_1545, %add3A_1546 : vector<16xf32>
        %add3A_1548 = arith.addi %mul3A_794, %scan3A_1468 : i32
        %swap3A_1549 = arith.index_cast %add3A_1548 : i32 to index
        %swap3A_1550 = arith.constant 0 : index
        %swap3A_1551 = tpu.vector_load %arg14[%swap3A_1549, %swap3A_1550] {strides = array<i32>} : memref<2688x16xf32, #tpu.memory_space<vmem>>, vector<16xf32>,
        tpu.vector_store %arg14[%swap3A_1549, %swap3A_1550], %add3A_1547 {strides = array<i32>} : memref<2688x16xf32, #tpu.memory_space<vmem>>, vector<16xf32>,
        scf.yield %get3A_1483, %get3A_1490, %get3A_1497, %get3A_1504, %get3A_1511, %get3A_1518, %get3A_1525, %get3A_1532 : vector<16xf32>, vector<16xf32>, vector<16xf32>, vector<16xf32>, vector<16xf32>, vector<16xf32>, vector<16xf32>, vector<16xf32>
      }
      %scan3A_936 = arith.constant 19 : i32
      %mul3A_937 = arith.mulf %neg3A_861, %scan3A_935#0 : vector<16xf32>
      %mul3A_938 = arith.mulf %neg3A_864, %scan3A_935#1 : vector<16xf32>
      %mul3A_939 = arith.mulf %neg3A_867, %scan3A_935#2 : vector<16xf32>
      %mul3A_940 = arith.mulf %neg3A_870, %scan3A_935#3 : vector<16xf32>
      %mul3A_941 = arith.mulf %neg3A_873, %scan3A_935#4 : vector<16xf32>
      %mul3A_942 = arith.mulf %neg3A_876, %scan3A_935#5 : vector<16xf32>
      %mul3A_943 = arith.mulf %neg3A_879, %scan3A_935#6 : vector<16xf32>
      %mul3A_944 = arith.mulf %neg3A_882, %scan3A_935#7 : vector<16xf32>
      %add3A_945 = arith.addf %mul3A_937, %mul3A_938 : vector<16xf32>
      %add3A_946 = arith.addf %mul3A_939, %mul3A_940 : vector<16xf32>
      %add3A_947 = arith.addf %mul3A_941, %mul3A_942 : vector<16xf32>
      %add3A_948 = arith.addf %mul3A_943, %mul3A_944 : vector<16xf32>
      %add3A_949 = arith.addf %add3A_945, %add3A_946 : vector<16xf32>
      %add3A_950 = arith.addf %add3A_947, %add3A_948 : vector<16xf32>
      %add3A_951 = arith.addf %add3A_949, %add3A_950 : vector<16xf32>
      %add3A_952 = arith.constant 20 : i32
      %add3A_953 = arith.addi %mul3A_794, %add3A_952 : i32
      %swap3A_954 = arith.index_cast %add3A_953 : i32 to index
      %swap3A_955 = arith.constant 0 : index
      %swap3A_956 = tpu.vector_load %arg14[%swap3A_954, %swap3A_955] {strides = array<i32>} : memref<2688x16xf32, #tpu.memory_space<vmem>>, vector<16xf32>,
      tpu.vector_store %arg14[%swap3A_954, %swap3A_955], %add3A_951 {strides = array<i32>} : memref<2688x16xf32, #tpu.memory_space<vmem>>, vector<16xf32>,
      %mul3A_957 = arith.constant 4 : i32
      %mul3A_958 = arith.muli %add3A_762, %mul3A_957 : i32
      %add3A_959 = arith.constant 1 : i32
      %add3A_960 = arith.addi %mul3A_958, %add3A_959 : i32
      %mul3A_961 = arith.constant 21 : i32
      %mul3A_962 = arith.muli %add3A_960, %mul3A_961 : i32
      %broadcast_in_dim3A_963 = arith.constant 0.000000e+00 : f32
      %broadcast_in_dim3A_964 = vector.broadcast %broadcast_in_dim3A_963 : f32 to vector<16xf32>
      %broadcast_in_dim3A_965 = arith.constant 0.000000e+00 : f32
      %broadcast_in_dim3A_966 = vector.broadcast %broadcast_in_dim3A_965 : f32 to vector<16xf32>
      %broadcast_in_dim3A_967 = arith.constant 0.000000e+00 : f32
      %broadcast_in_dim3A_968 = vector.broadcast %broadcast_in_dim3A_967 : f32 to vector<16xf32>
      %broadcast_in_dim3A_969 = arith.constant 0.000000e+00 : f32
      %broadcast_in_dim3A_970 = vector.broadcast %broadcast_in_dim3A_969 : f32 to vector<16xf32>
      %broadcast_in_dim3A_971 = arith.constant 0.000000e+00 : f32
      %broadcast_in_dim3A_972 = vector.broadcast %broadcast_in_dim3A_971 : f32 to vector<16xf32>
      %broadcast_in_dim3A_973 = arith.constant 0.000000e+00 : f32
      %broadcast_in_dim3A_974 = vector.broadcast %broadcast_in_dim3A_973 : f32 to vector<16xf32>
      %broadcast_in_dim3A_975 = arith.constant 0.000000e+00 : f32
      %broadcast_in_dim3A_976 = vector.broadcast %broadcast_in_dim3A_975 : f32 to vector<16xf32>
      %broadcast_in_dim3A_977 = arith.constant 0.000000e+00 : f32
      %broadcast_in_dim3A_978 = vector.broadcast %broadcast_in_dim3A_977 : f32 to vector<16xf32>
      %scan3A_979 = arith.constant 0 : i32
      %scan3A_980 = arith.constant 20 : i32
      %scan3A_981 = arith.addi %scan3A_979, %scan3A_980 : i32
      %scan3A_982 = arith.constant 5 : i32
      %scan3A_983:8 = scf.for %scan3A_1468 = %scan3A_979 to %scan3A_981 step %scan3A_982 iter_args(%scan3A_1469 = %broadcast_in_dim3A_964, %scan3A_1470 = %broadcast_in_dim3A_966, %scan3A_1471 = %broadcast_in_dim3A_968, %scan3A_1472 = %broadcast_in_dim3A_970, %scan3A_1473 = %broadcast_in_dim3A_972, %scan3A_1474 = %broadcast_in_dim3A_974, %scan3A_1475 = %broadcast_in_dim3A_976, %scan3A_1476 = %broadcast_in_dim3A_978) -> (vector<16xf32>, vector<16xf32>, vector<16xf32>, vector<16xf32>, vector<16xf32>, vector<16xf32>, vector<16xf32>, vector<16xf32>)  : i32 {
        %add3A_1477 = arith.constant 20 : i32
        %add3A_1478 = arith.addi %add3A_1477, %scan3A_1468 : i32
        %get3A_1479 = arith.constant 1 : i32
        %get3A_1480 = arith.index_cast %get3A_1479 : i32 to index
        %get3A_1481 = arith.index_cast %add3A_1478 : i32 to index
        %get3A_1482 = arith.constant 0 : index
        %get3A_1483 = tpu.vector_load %arg12[%get3A_1480, %get3A_1481, %get3A_1482] {strides = array<i32>} : memref<2x80x128xf32, #tpu.memory_space<vmem>>, vector<16xf32>,
        %add3A_1484 = arith.addf %scan3A_1469, %get3A_1483 : vector<16xf32>
        %add3A_1485 = arith.constant 20 : i32
        %add3A_1486 = arith.addi %add3A_1485, %scan3A_1468 : i32
        %get3A_1487 = arith.constant 1 : i32
        %get3A_1488 = arith.index_cast %get3A_1487 : i32 to index
        %get3A_1489 = arith.index_cast %add3A_1486 : i32 to index
        %get3A_1490 = arith.constant 16 : index
        %get3A_1491 = tpu.vector_load %arg12[%get3A_1488, %get3A_1489, %get3A_1490] {strides = array<i32>} : memref<2x80x128xf32, #tpu.memory_space<vmem>>, vector<16xf32>,
        %add3A_1492 = arith.addf %scan3A_1470, %get3A_1491 : vector<16xf32>
        %add3A_1493 = arith.constant 20 : i32
        %add3A_1494 = arith.addi %add3A_1493, %scan3A_1468 : i32
        %get3A_1495 = arith.constant 1 : i32
        %get3A_1496 = arith.index_cast %get3A_1495 : i32 to index
        %get3A_1497 = arith.index_cast %add3A_1494 : i32 to index
        %get3A_1498 = arith.constant 32 : index
        %get3A_1499 = tpu.vector_load %arg12[%get3A_1496, %get3A_1497, %get3A_1498] {strides = array<i32>} : memref<2x80x128xf32, #tpu.memory_space<vmem>>, vector<16xf32>,
        %add3A_1500 = arith.addf %scan3A_1471, %get3A_1499 : vector<16xf32>
        %add3A_1501 = arith.constant 20 : i32
        %add3A_1502 = arith.addi %add3A_1501, %scan3A_1468 : i32
        %get3A_1503 = arith.constant 1 : i32
        %get3A_1504 = arith.index_cast %get3A_1503 : i32 to index
        %get3A_1505 = arith.index_cast %add3A_1502 : i32 to index
        %get3A_1506 = arith.constant 48 : index
        %get3A_1507 = tpu.vector_load %arg12[%get3A_1504, %get3A_1505, %get3A_1506] {strides = array<i32>} : memref<2x80x128xf32, #tpu.memory_space<vmem>>, vector<16xf32>,
        %add3A_1508 = arith.addf %scan3A_1472, %get3A_1507 : vector<16xf32>
        %add3A_1509 = arith.constant 20 : i32
        %add3A_1510 = arith.addi %add3A_1509, %scan3A_1468 : i32
        %get3A_1511 = arith.constant 1 : i32
        %get3A_1512 = arith.index_cast %get3A_1511 : i32 to index
        %get3A_1513 = arith.index_cast %add3A_1510 : i32 to index
        %get3A_1514 = arith.constant 64 : index
        %get3A_1515 = tpu.vector_load %arg12[%get3A_1512, %get3A_1513, %get3A_1514] {strides = array<i32>} : memref<2x80x128xf32, #tpu.memory_space<vmem>>, vector<16xf32>,
        %add3A_1516 = arith.addf %scan3A_1473, %get3A_1515 : vector<16xf32>
        %add3A_1517 = arith.constant 20 : i32
        %add3A_1518 = arith.addi %add3A_1517, %scan3A_1468 : i32
        %get3A_1519 = arith.constant 1 : i32
        %get3A_1520 = arith.index_cast %get3A_1519 : i32 to index
        %get3A_1521 = arith.index_cast %add3A_1518 : i32 to index
        %get3A_1522 = arith.constant 80 : index
        %get3A_1523 = tpu.vector_load %arg12[%get3A_1520, %get3A_1521, %get3A_1522] {strides = array<i32>} : memref<2x80x128xf32, #tpu.memory_space<vmem>>, vector<16xf32>,
        %add3A_1524 = arith.addf %scan3A_1474, %get3A_1523 : vector<16xf32>
        %add3A_1525 = arith.constant 20 : i32
        %add3A_1526 = arith.addi %add3A_1525, %scan3A_1468 : i32
        %get3A_1527 = arith.constant 1 : i32
        %get3A_1528 = arith.index_cast %get3A_1527 : i32 to index
        %get3A_1529 = arith.index_cast %add3A_1526 : i32 to index
        %get3A_1530 = arith.constant 96 : index
        %get3A_1531 = tpu.vector_load %arg12[%get3A_1528, %get3A_1529, %get3A_1530] {strides = array<i32>} : memref<2x80x128xf32, #tpu.memory_space<vmem>>, vector<16xf32>,
        %add3A_1532 = arith.addf %scan3A_1475, %get3A_1531 : vector<16xf32>
        %add3A_1533 = arith.constant 20 : i32
        %add3A_1534 = arith.addi %add3A_1533, %scan3A_1468 : i32
        %get3A_1535 = arith.constant 1 : i32
        %get3A_1536 = arith.index_cast %get3A_1535 : i32 to index
        %get3A_1537 = arith.index_cast %add3A_1534 : i32 to index
        %get3A_1538 = arith.constant 112 : index
        %get3A_1539 = tpu.vector_load %arg12[%get3A_1536, %get3A_1537, %get3A_1538] {strides = array<i32>} : memref<2x80x128xf32, #tpu.memory_space<vmem>>, vector<16xf32>,
        %add3A_1540 = arith.addf %scan3A_1476, %get3A_1539 : vector<16xf32>
        %scan3A_1541 = arith.constant 1 : i32
        %scan3A_1542 = arith.addi %scan3A_1468, %scan3A_1541 : i32
        %add3A_1543 = arith.constant 20 : i32
        %add3A_1544 = arith.addi %add3A_1543, %scan3A_1542 : i32
        %get3A_1545 = arith.constant 1 : i32
        %get3A_1546 = arith.index_cast %get3A_1545 : i32 to index
        %get3A_1547 = arith.index_cast %add3A_1544 : i32 to index
        %get3A_1548 = arith.constant 0 : index
        %get3A_1549 = tpu.vector_load %arg12[%get3A_1546, %get3A_1547, %get3A_1548] {strides = array<i32>} : memref<2x80x128xf32, #tpu.memory_space<vmem>>, vector<16xf32>,
        %add3A_1550 = arith.addf %add3A_1484, %get3A_1549 : vector<16xf32>
        %add3A_1551 = arith.constant 20 : i32
        %add3A_1552 = arith.addi %add3A_1551, %scan3A_1542 : i32
        %get3A_1553 = arith.constant 1 : i32
        %get3A_1554 = arith.index_cast %get3A_1553 : i32 to index
        %get3A_1555 = arith.index_cast %add3A_1552 : i32 to index
        %get3A_1556 = arith.constant 16 : index
        %get3A_1557 = tpu.vector_load %arg12[%get3A_1554, %get3A_1555, %get3A_1556] {strides = array<i32>} : memref<2x80x128xf32, #tpu.memory_space<vmem>>, vector<16xf32>,
        %add3A_1558 = arith.addf %add3A_1492, %get3A_1557 : vector<16xf32>
        %add3A_1559 = arith.constant 20 : i32
        %add3A_1560 = arith.addi %add3A_1559, %scan3A_1542 : i32
        %get3A_1561 = arith.constant 1 : i32
        %get3A_1562 = arith.index_cast %get3A_1561 : i32 to index
        %get3A_1563 = arith.index_cast %add3A_1560 : i32 to index
        %get3A_1564 = arith.constant 32 : index
        %get3A_1565 = tpu.vector_load %arg12[%get3A_1562, %get3A_1563, %get3A_1564] {strides = array<i32>} : memref<2x80x128xf32, #tpu.memory_space<vmem>>, vector<16xf32>,
        %add3A_1566 = arith.addf %add3A_1500, %get3A_1565 : vector<16xf32>
        %add3A_1567 = arith.constant 20 : i32
        %add3A_1568 = arith.addi %add3A_1567, %scan3A_1542 : i32
        %get3A_1569 = arith.constant 1 : i32
        %get3A_1570 = arith.index_cast %get3A_1569 : i32 to index
        %get3A_1571 = arith.index_cast %add3A_1568 : i32 to index
        %get3A_1572 = arith.constant 48 : index
        %get3A_1573 = tpu.vector_load %arg12[%get3A_1570, %get3A_1571, %get3A_1572] {strides = array<i32>} : memref<2x80x128xf32, #tpu.memory_space<vmem>>, vector<16xf32>,
        %add3A_1574 = arith.addf %add3A_1508, %get3A_1573 : vector<16xf32>
        %add3A_1575 = arith.constant 20 : i32
        %add3A_1576 = arith.addi %add3A_1575, %scan3A_1542 : i32
        %get3A_1577 = arith.constant 1 : i32
        %get3A_1578 = arith.index_cast %get3A_1577 : i32 to index
        %get3A_1579 = arith.index_cast %add3A_1576 : i32 to index
        %get3A_1580 = arith.constant 64 : index
        %get3A_1581 = tpu.vector_load %arg12[%get3A_1578, %get3A_1579, %get3A_1580] {strides = array<i32>} : memref<2x80x128xf32, #tpu.memory_space<vmem>>, vector<16xf32>,
        %add3A_1582 = arith.addf %add3A_1516, %get3A_1581 : vector<16xf32>
        %add3A_1583 = arith.constant 20 : i32
        %add3A_1584 = arith.addi %add3A_1583, %scan3A_1542 : i32
        %get3A_1585 = arith.constant 1 : i32
        %get3A_1586 = arith.index_cast %get3A_1585 : i32 to index
        %get3A_1587 = arith.index_cast %add3A_1584 : i32 to index
        %get3A_1588 = arith.constant 80 : index
        %get3A_1589 = tpu.vector_load %arg12[%get3A_1586, %get3A_1587, %get3A_1588] {strides = array<i32>} : memref<2x80x128xf32, #tpu.memory_space<vmem>>, vector<16xf32>,
        %add3A_1590 = arith.addf %add3A_1524, %get3A_1589 : vector<16xf32>
        %add3A_1591 = arith.constant 20 : i32
        %add3A_1592 = arith.addi %add3A_1591, %scan3A_1542 : i32
        %get3A_1593 = arith.constant 1 : i32
        %get3A_1594 = arith.index_cast %get3A_1593 : i32 to index
        %get3A_1595 = arith.index_cast %add3A_1592 : i32 to index
        %get3A_1596 = arith.constant 96 : index
        %get3A_1597 = tpu.vector_load %arg12[%get3A_1594, %get3A_1595, %get3A_1596] {strides = array<i32>} : memref<2x80x128xf32, #tpu.memory_space<vmem>>, vector<16xf32>,
        %add3A_1598 = arith.addf %add3A_1532, %get3A_1597 : vector<16xf32>
        %add3A_1599 = arith.constant 20 : i32
        %add3A_1600 = arith.addi %add3A_1599, %scan3A_1542 : i32
        %get3A_1601 = arith.constant 1 : i32
        %get3A_1602 = arith.index_cast %get3A_1601 : i32 to index
        %get3A_1603 = arith.index_cast %add3A_1600 : i32 to index
        %get3A_1604 = arith.constant 112 : index
        %get3A_1605 = tpu.vector_load %arg12[%get3A_1602, %get3A_1603, %get3A_1604] {strides = array<i32>} : memref<2x80x128xf32, #tpu.memory_space<vmem>>, vector<16xf32>,
        %add3A_1606 = arith.addf %add3A_1540, %get3A_1605 : vector<16xf32>
        %scan3A_1607 = arith.constant 2 : i32
        %scan3A_1608 = arith.addi %scan3A_1468, %scan3A_1607 : i32
        %add3A_1609 = arith.constant 20 : i32
        %add3A_1610 = arith.addi %add3A_1609, %scan3A_1608 : i32
        %get3A_1611 = arith.constant 1 : i32
        %get3A_1612 = arith.index_cast %get3A_1611 : i32 to index
        %get3A_1613 = arith.index_cast %add3A_1610 : i32 to index
        %get3A_1614 = arith.constant 0 : index
        %get3A_1615 = tpu.vector_load %arg12[%get3A_1612, %get3A_1613, %get3A_1614] {strides = array<i32>} : memref<2x80x128xf32, #tpu.memory_space<vmem>>, vector<16xf32>,
        %add3A_1616 = arith.addf %add3A_1550, %get3A_1615 : vector<16xf32>
        %add3A_1617 = arith.constant 20 : i32
        %add3A_1618 = arith.addi %add3A_1617, %scan3A_1608 : i32
        %get3A_1619 = arith.constant 1 : i32
        %get3A_1620 = arith.index_cast %get3A_1619 : i32 to index
        %get3A_1621 = arith.index_cast %add3A_1618 : i32 to index
        %get3A_1622 = arith.constant 16 : index
        %get3A_1623 = tpu.vector_load %arg12[%get3A_1620, %get3A_1621, %get3A_1622] {strides = array<i32>} : memref<2x80x128xf32, #tpu.memory_space<vmem>>, vector<16xf32>,
        %add3A_1624 = arith.addf %add3A_1558, %get3A_1623 : vector<16xf32>
        %add3A_1625 = arith.constant 20 : i32
        %add3A_1626 = arith.addi %add3A_1625, %scan3A_1608 : i32
        %get3A_1627 = arith.constant 1 : i32
        %get3A_1628 = arith.index_cast %get3A_1627 : i32 to index
        %get3A_1629 = arith.index_cast %add3A_1626 : i32 to index
        %get3A_1630 = arith.constant 32 : index
        %get3A_1631 = tpu.vector_load %arg12[%get3A_1628, %get3A_1629, %get3A_1630] {strides = array<i32>} : memref<2x80x128xf32, #tpu.memory_space<vmem>>, vector<16xf32>,
        %add3A_1632 = arith.addf %add3A_1566, %get3A_1631 : vector<16xf32>
        %add3A_1633 = arith.constant 20 : i32
        %add3A_1634 = arith.addi %add3A_1633, %scan3A_1608 : i32
        %get3A_1635 = arith.constant 1 : i32
        %get3A_1636 = arith.index_cast %get3A_1635 : i32 to index
        %get3A_1637 = arith.index_cast %add3A_1634 : i32 to index
        %get3A_1638 = arith.constant 48 : index
        %get3A_1639 = tpu.vector_load %arg12[%get3A_1636, %get3A_1637, %get3A_1638] {strides = array<i32>} : memref<2x80x128xf32, #tpu.memory_space<vmem>>, vector<16xf32>,
        %add3A_1640 = arith.addf %add3A_1574, %get3A_1639 : vector<16xf32>
        %add3A_1641 = arith.constant 20 : i32
        %add3A_1642 = arith.addi %add3A_1641, %scan3A_1608 : i32
        %get3A_1643 = arith.constant 1 : i32
        %get3A_1644 = arith.index_cast %get3A_1643 : i32 to index
        %get3A_1645 = arith.index_cast %add3A_1642 : i32 to index
        %get3A_1646 = arith.constant 64 : index
        %get3A_1647 = tpu.vector_load %arg12[%get3A_1644, %get3A_1645, %get3A_1646] {strides = array<i32>} : memref<2x80x128xf32, #tpu.memory_space<vmem>>, vector<16xf32>,
        %add3A_1648 = arith.addf %add3A_1582, %get3A_1647 : vector<16xf32>
        %add3A_1649 = arith.constant 20 : i32
        %add3A_1650 = arith.addi %add3A_1649, %scan3A_1608 : i32
        %get3A_1651 = arith.constant 1 : i32
        %get3A_1652 = arith.index_cast %get3A_1651 : i32 to index
        %get3A_1653 = arith.index_cast %add3A_1650 : i32 to index
        %get3A_1654 = arith.constant 80 : index
        %get3A_1655 = tpu.vector_load %arg12[%get3A_1652, %get3A_1653, %get3A_1654] {strides = array<i32>} : memref<2x80x128xf32, #tpu.memory_space<vmem>>, vector<16xf32>,
        %add3A_1656 = arith.addf %add3A_1590, %get3A_1655 : vector<16xf32>
        %add3A_1657 = arith.constant 20 : i32
        %add3A_1658 = arith.addi %add3A_1657, %scan3A_1608 : i32
        %get3A_1659 = arith.constant 1 : i32
        %get3A_1660 = arith.index_cast %get3A_1659 : i32 to index
        %get3A_1661 = arith.index_cast %add3A_1658 : i32 to index
        %get3A_1662 = arith.constant 96 : index
        %get3A_1663 = tpu.vector_load %arg12[%get3A_1660, %get3A_1661, %get3A_1662] {strides = array<i32>} : memref<2x80x128xf32, #tpu.memory_space<vmem>>, vector<16xf32>,
        %add3A_1664 = arith.addf %add3A_1598, %get3A_1663 : vector<16xf32>
        %add3A_1665 = arith.constant 20 : i32
        %add3A_1666 = arith.addi %add3A_1665, %scan3A_1608 : i32
        %get3A_1667 = arith.constant 1 : i32
        %get3A_1668 = arith.index_cast %get3A_1667 : i32 to index
        %get3A_1669 = arith.index_cast %add3A_1666 : i32 to index
        %get3A_1670 = arith.constant 112 : index
        %get3A_1671 = tpu.vector_load %arg12[%get3A_1668, %get3A_1669, %get3A_1670] {strides = array<i32>} : memref<2x80x128xf32, #tpu.memory_space<vmem>>, vector<16xf32>,
        %add3A_1672 = arith.addf %add3A_1606, %get3A_1671 : vector<16xf32>
        %scan3A_1673 = arith.constant 3 : i32
        %scan3A_1674 = arith.addi %scan3A_1468, %scan3A_1673 : i32
        %add3A_1675 = arith.constant 20 : i32
        %add3A_1676 = arith.addi %add3A_1675, %scan3A_1674 : i32
        %get3A_1677 = arith.constant 1 : i32
        %get3A_1678 = arith.index_cast %get3A_1677 : i32 to index
        %get3A_1679 = arith.index_cast %add3A_1676 : i32 to index
        %get3A_1680 = arith.constant 0 : index
        %get3A_1681 = tpu.vector_load %arg12[%get3A_1678, %get3A_1679, %get3A_1680] {strides = array<i32>} : memref<2x80x128xf32, #tpu.memory_space<vmem>>, vector<16xf32>,
        %add3A_1682 = arith.addf %add3A_1616, %get3A_1681 : vector<16xf32>
        %add3A_1683 = arith.constant 20 : i32
        %add3A_1684 = arith.addi %add3A_1683, %scan3A_1674 : i32
        %get3A_1685 = arith.constant 1 : i32
        %get3A_1686 = arith.index_cast %get3A_1685 : i32 to index
        %get3A_1687 = arith.index_cast %add3A_1684 : i32 to index
        %get3A_1688 = arith.constant 16 : index
        %get3A_1689 = tpu.vector_load %arg12[%get3A_1686, %get3A_1687, %get3A_1688] {strides = array<i32>} : memref<2x80x128xf32, #tpu.memory_space<vmem>>, vector<16xf32>,
        %add3A_1690 = arith.addf %add3A_1624, %get3A_1689 : vector<16xf32>
        %add3A_1691 = arith.constant 20 : i32
        %add3A_1692 = arith.addi %add3A_1691, %scan3A_1674 : i32
        %get3A_1693 = arith.constant 1 : i32
        %get3A_1694 = arith.index_cast %get3A_1693 : i32 to index
        %get3A_1695 = arith.index_cast %add3A_1692 : i32 to index
        %get3A_1696 = arith.constant 32 : index
        %get3A_1697 = tpu.vector_load %arg12[%get3A_1694, %get3A_1695, %get3A_1696] {strides = array<i32>} : memref<2x80x128xf32, #tpu.memory_space<vmem>>, vector<16xf32>,
        %add3A_1698 = arith.addf %add3A_1632, %get3A_1697 : vector<16xf32>
        %add3A_1699 = arith.constant 20 : i32
        %add3A_1700 = arith.addi %add3A_1699, %scan3A_1674 : i32
        %get3A_1701 = arith.constant 1 : i32
        %get3A_1702 = arith.index_cast %get3A_1701 : i32 to index
        %get3A_1703 = arith.index_cast %add3A_1700 : i32 to index
        %get3A_1704 = arith.constant 48 : index
        %get3A_1705 = tpu.vector_load %arg12[%get3A_1702, %get3A_1703, %get3A_1704] {strides = array<i32>} : memref<2x80x128xf32, #tpu.memory_space<vmem>>, vector<16xf32>,
        %add3A_1706 = arith.addf %add3A_1640, %get3A_1705 : vector<16xf32>
        %add3A_1707 = arith.constant 20 : i32
        %add3A_1708 = arith.addi %add3A_1707, %scan3A_1674 : i32
        %get3A_1709 = arith.constant 1 : i32
        %get3A_1710 = arith.index_cast %get3A_1709 : i32 to index
        %get3A_1711 = arith.index_cast %add3A_1708 : i32 to index
        %get3A_1712 = arith.constant 64 : index
        %get3A_1713 = tpu.vector_load %arg12[%get3A_1710, %get3A_1711, %get3A_1712] {strides = array<i32>} : memref<2x80x128xf32, #tpu.memory_space<vmem>>, vector<16xf32>,
        %add3A_1714 = arith.addf %add3A_1648, %get3A_1713 : vector<16xf32>
        %add3A_1715 = arith.constant 20 : i32
        %add3A_1716 = arith.addi %add3A_1715, %scan3A_1674 : i32
        %get3A_1717 = arith.constant 1 : i32
        %get3A_1718 = arith.index_cast %get3A_1717 : i32 to index
        %get3A_1719 = arith.index_cast %add3A_1716 : i32 to index
        %get3A_1720 = arith.constant 80 : index
        %get3A_1721 = tpu.vector_load %arg12[%get3A_1718, %get3A_1719, %get3A_1720] {strides = array<i32>} : memref<2x80x128xf32, #tpu.memory_space<vmem>>, vector<16xf32>,
        %add3A_1722 = arith.addf %add3A_1656, %get3A_1721 : vector<16xf32>
        %add3A_1723 = arith.constant 20 : i32
        %add3A_1724 = arith.addi %add3A_1723, %scan3A_1674 : i32
        %get3A_1725 = arith.constant 1 : i32
        %get3A_1726 = arith.index_cast %get3A_1725 : i32 to index
        %get3A_1727 = arith.index_cast %add3A_1724 : i32 to index
        %get3A_1728 = arith.constant 96 : index
        %get3A_1729 = tpu.vector_load %arg12[%get3A_1726, %get3A_1727, %get3A_1728] {strides = array<i32>} : memref<2x80x128xf32, #tpu.memory_space<vmem>>, vector<16xf32>,
        %add3A_1730 = arith.addf %add3A_1664, %get3A_1729 : vector<16xf32>
        %add3A_1731 = arith.constant 20 : i32
        %add3A_1732 = arith.addi %add3A_1731, %scan3A_1674 : i32
        %get3A_1733 = arith.constant 1 : i32
        %get3A_1734 = arith.index_cast %get3A_1733 : i32 to index
        %get3A_1735 = arith.index_cast %add3A_1732 : i32 to index
        %get3A_1736 = arith.constant 112 : index
        %get3A_1737 = tpu.vector_load %arg12[%get3A_1734, %get3A_1735, %get3A_1736] {strides = array<i32>} : memref<2x80x128xf32, #tpu.memory_space<vmem>>, vector<16xf32>,
        %add3A_1738 = arith.addf %add3A_1672, %get3A_1737 : vector<16xf32>
        %scan3A_1739 = arith.constant 4 : i32
        %scan3A_1740 = arith.addi %scan3A_1468, %scan3A_1739 : i32
        %add3A_1741 = arith.constant 20 : i32
        %add3A_1742 = arith.addi %add3A_1741, %scan3A_1740 : i32
        %get3A_1743 = arith.constant 1 : i32
        %get3A_1744 = arith.index_cast %get3A_1743 : i32 to index
        %get3A_1745 = arith.index_cast %add3A_1742 : i32 to index
        %get3A_1746 = arith.constant 0 : index
        %get3A_1747 = tpu.vector_load %arg12[%get3A_1744, %get3A_1745, %get3A_1746] {strides = array<i32>} : memref<2x80x128xf32, #tpu.memory_space<vmem>>, vector<16xf32>,
        %add3A_1748 = arith.addf %add3A_1682, %get3A_1747 : vector<16xf32>
        %add3A_1749 = arith.constant 20 : i32
        %add3A_1750 = arith.addi %add3A_1749, %scan3A_1740 : i32
        %get3A_1751 = arith.constant 1 : i32
        %get3A_1752 = arith.index_cast %get3A_1751 : i32 to index
        %get3A_1753 = arith.index_cast %add3A_1750 : i32 to index
        %get3A_1754 = arith.constant 16 : index
        %get3A_1755 = tpu.vector_load %arg12[%get3A_1752, %get3A_1753, %get3A_1754] {strides = array<i32>} : memref<2x80x128xf32, #tpu.memory_space<vmem>>, vector<16xf32>,
        %add3A_1756 = arith.addf %add3A_1690, %get3A_1755 : vector<16xf32>
        %add3A_1757 = arith.constant 20 : i32
        %add3A_1758 = arith.addi %add3A_1757, %scan3A_1740 : i32
        %get3A_1759 = arith.constant 1 : i32
        %get3A_1760 = arith.index_cast %get3A_1759 : i32 to index
        %get3A_1761 = arith.index_cast %add3A_1758 : i32 to index
        %get3A_1762 = arith.constant 32 : index
        %get3A_1763 = tpu.vector_load %arg12[%get3A_1760, %get3A_1761, %get3A_1762] {strides = array<i32>} : memref<2x80x128xf32, #tpu.memory_space<vmem>>, vector<16xf32>,
        %add3A_1764 = arith.addf %add3A_1698, %get3A_1763 : vector<16xf32>
        %add3A_1765 = arith.constant 20 : i32
        %add3A_1766 = arith.addi %add3A_1765, %scan3A_1740 : i32
        %get3A_1767 = arith.constant 1 : i32
        %get3A_1768 = arith.index_cast %get3A_1767 : i32 to index
        %get3A_1769 = arith.index_cast %add3A_1766 : i32 to index
        %get3A_1770 = arith.constant 48 : index
        %get3A_1771 = tpu.vector_load %arg12[%get3A_1768, %get3A_1769, %get3A_1770] {strides = array<i32>} : memref<2x80x128xf32, #tpu.memory_space<vmem>>, vector<16xf32>,
        %add3A_1772 = arith.addf %add3A_1706, %get3A_1771 : vector<16xf32>
        %add3A_1773 = arith.constant 20 : i32
        %add3A_1774 = arith.addi %add3A_1773, %scan3A_1740 : i32
        %get3A_1775 = arith.constant 1 : i32
        %get3A_1776 = arith.index_cast %get3A_1775 : i32 to index
        %get3A_1777 = arith.index_cast %add3A_1774 : i32 to index
        %get3A_1778 = arith.constant 64 : index
        %get3A_1779 = tpu.vector_load %arg12[%get3A_1776, %get3A_1777, %get3A_1778] {strides = array<i32>} : memref<2x80x128xf32, #tpu.memory_space<vmem>>, vector<16xf32>,
        %add3A_1780 = arith.addf %add3A_1714, %get3A_1779 : vector<16xf32>
        %add3A_1781 = arith.constant 20 : i32
        %add3A_1782 = arith.addi %add3A_1781, %scan3A_1740 : i32
        %get3A_1783 = arith.constant 1 : i32
        %get3A_1784 = arith.index_cast %get3A_1783 : i32 to index
        %get3A_1785 = arith.index_cast %add3A_1782 : i32 to index
        %get3A_1786 = arith.constant 80 : index
        %get3A_1787 = tpu.vector_load %arg12[%get3A_1784, %get3A_1785, %get3A_1786] {strides = array<i32>} : memref<2x80x128xf32, #tpu.memory_space<vmem>>, vector<16xf32>,
        %add3A_1788 = arith.addf %add3A_1722, %get3A_1787 : vector<16xf32>
        %add3A_1789 = arith.constant 20 : i32
        %add3A_1790 = arith.addi %add3A_1789, %scan3A_1740 : i32
        %get3A_1791 = arith.constant 1 : i32
        %get3A_1792 = arith.index_cast %get3A_1791 : i32 to index
        %get3A_1793 = arith.index_cast %add3A_1790 : i32 to index
        %get3A_1794 = arith.constant 96 : index
        %get3A_1795 = tpu.vector_load %arg12[%get3A_1792, %get3A_1793, %get3A_1794] {strides = array<i32>} : memref<2x80x128xf32, #tpu.memory_space<vmem>>, vector<16xf32>,
        %add3A_1796 = arith.addf %add3A_1730, %get3A_1795 : vector<16xf32>
        %add3A_1797 = arith.constant 20 : i32
        %add3A_1798 = arith.addi %add3A_1797, %scan3A_1740 : i32
        %get3A_1799 = arith.constant 1 : i32
        %get3A_1800 = arith.index_cast %get3A_1799 : i32 to index
        %get3A_1801 = arith.index_cast %add3A_1798 : i32 to index
        %get3A_1802 = arith.constant 112 : index
        %get3A_1803 = tpu.vector_load %arg12[%get3A_1800, %get3A_1801, %get3A_1802] {strides = array<i32>} : memref<2x80x128xf32, #tpu.memory_space<vmem>>, vector<16xf32>,
        %add3A_1804 = arith.addf %add3A_1738, %get3A_1803 : vector<16xf32>
        scf.yield %add3A_1748, %add3A_1756, %add3A_1764, %add3A_1772, %add3A_1780, %add3A_1788, %add3A_1796, %add3A_1804 : vector<16xf32>, vector<16xf32>, vector<16xf32>, vector<16xf32>, vector<16xf32>, vector<16xf32>, vector<16xf32>, vector<16xf32>
      }
      %scan3A_984 = arith.constant 20 : i32
      %get3A_985 = arith.index_cast %add3A_960 : i32 to index
      %get3A_986 = arith.constant 0 : index
      %get3A_987 = tpu.vector_load %arg11[%get3A_985, %get3A_986] {strides = array<i32>} : memref<128x128xf32, #tpu.memory_space<vmem>>, vector<16xf32>,
      %get3A_988 = arith.index_cast %add3A_960 : i32 to index
      %get3A_989 = arith.constant 16 : index
      %get3A_990 = tpu.vector_load %arg11[%get3A_988, %get3A_989] {strides = array<i32>} : memref<128x128xf32, #tpu.memory_space<vmem>>, vector<16xf32>,
      %get3A_991 = arith.index_cast %add3A_960 : i32 to index
      %get3A_992 = arith.constant 32 : index
      %get3A_993 = tpu.vector_load %arg11[%get3A_991, %get3A_992] {strides = array<i32>} : memref<128x128xf32, #tpu.memory_space<vmem>>, vector<16xf32>,
      %get3A_994 = arith.index_cast %add3A_960 : i32 to index
      %get3A_995 = arith.constant 48 : index
      %get3A_996 = tpu.vector_load %arg11[%get3A_994, %get3A_995] {strides = array<i32>} : memref<128x128xf32, #tpu.memory_space<vmem>>, vector<16xf32>,
      %get3A_997 = arith.index_cast %add3A_960 : i32 to index
      %get3A_998 = arith.constant 64 : index
      %get3A_999 = tpu.vector_load %arg11[%get3A_997, %get3A_998] {strides = array<i32>} : memref<128x128xf32, #tpu.memory_space<vmem>>, vector<16xf32>,
      %get3A_1000 = arith.index_cast %add3A_960 : i32 to index
      %get3A_1001 = arith.constant 80 : index
      %get3A_1002 = tpu.vector_load %arg11[%get3A_1000, %get3A_1001] {strides = array<i32>} : memref<128x128xf32, #tpu.memory_space<vmem>>, vector<16xf32>,
      %get3A_1003 = arith.index_cast %add3A_960 : i32 to index
      %get3A_1004 = arith.constant 96 : index
      %get3A_1005 = tpu.vector_load %arg11[%get3A_1003, %get3A_1004] {strides = array<i32>} : memref<128x128xf32, #tpu.memory_space<vmem>>, vector<16xf32>,
      %get3A_1006 = arith.index_cast %add3A_960 : i32 to index
      %get3A_1007 = arith.constant 112 : index
      %get3A_1008 = tpu.vector_load %arg11[%get3A_1006, %get3A_1007] {strides = array<i32>} : memref<128x128xf32, #tpu.memory_space<vmem>>, vector<16xf32>,
      %mul3A_1009 = arith.mulf %scan3A_983#0, %get3A_987 : vector<16xf32>
      %mul3A_1010 = arith.mulf %scan3A_983#1, %get3A_990 : vector<16xf32>
      %mul3A_1011 = arith.mulf %scan3A_983#2, %get3A_993 : vector<16xf32>
      %mul3A_1012 = arith.mulf %scan3A_983#3, %get3A_996 : vector<16xf32>
      %mul3A_1013 = arith.mulf %scan3A_983#4, %get3A_999 : vector<16xf32>
      %mul3A_1014 = arith.mulf %scan3A_983#5, %get3A_1002 : vector<16xf32>
      %mul3A_1015 = arith.mulf %scan3A_983#6, %get3A_1005 : vector<16xf32>
      %mul3A_1016 = arith.mulf %scan3A_983#7, %get3A_1008 : vector<16xf32>
      %add3A_1017 = arith.addf %mul3A_1009, %mul3A_1010 : vector<16xf32>
      %add3A_1018 = arith.addf %mul3A_1011, %mul3A_1012 : vector<16xf32>
      %add3A_1019 = arith.addf %mul3A_1013, %mul3A_1014 : vector<16xf32>
      %add3A_1020 = arith.addf %mul3A_1015, %mul3A_1016 : vector<16xf32>
      %add3A_1021 = arith.addf %add3A_1017, %add3A_1018 : vector<16xf32>
      %add3A_1022 = arith.addf %add3A_1019, %add3A_1020 : vector<16xf32>
      %add3A_1023 = arith.addf %add3A_1021, %add3A_1022 : vector<16xf32>
      %swap3A_1024 = arith.index_cast %mul3A_962 : i32 to index
      %swap3A_1025 = arith.constant 0 : index
      %swap3A_1026 = tpu.vector_load %arg14[%swap3A_1024, %swap3A_1025] {strides = array<i32>} : memref<2688x16xf32, #tpu.memory_space<vmem>>, vector<16xf32>,
      tpu.vector_store %arg14[%swap3A_1024, %swap3A_1025], %add3A_1023 {strides = array<i32>} : memref<2688x16xf32, #tpu.memory_space<vmem>>, vector<16xf32>,
      %neg3A_1027 = arith.constant 0.000000e+00 : f32
      %neg3A_1028 = vector.broadcast %neg3A_1027 : f32 to vector<16xf32>
      %neg3A_1029 = arith.subf %neg3A_1028, %scan3A_983#0 : vector<16xf32>
      %neg3A_1030 = arith.constant 0.000000e+00 : f32
      %neg3A_1031 = vector.broadcast %neg3A_1030 : f32 to vector<16xf32>
      %neg3A_1032 = arith.subf %neg3A_1031, %scan3A_983#1 : vector<16xf32>
      %neg3A_1033 = arith.constant 0.000000e+00 : f32
      %neg3A_1034 = vector.broadcast %neg3A_1033 : f32 to vector<16xf32>
      %neg3A_1035 = arith.subf %neg3A_1034, %scan3A_983#2 : vector<16xf32>
      %neg3A_1036 = arith.constant 0.000000e+00 : f32
      %neg3A_1037 = vector.broadcast %neg3A_1036 : f32 to vector<16xf32>
      %neg3A_1038 = arith.subf %neg3A_1037, %scan3A_983#3 : vector<16xf32>
      %neg3A_1039 = arith.constant 0.000000e+00 : f32
      %neg3A_1040 = vector.broadcast %neg3A_1039 : f32 to vector<16xf32>
      %neg3A_1041 = arith.subf %neg3A_1040, %scan3A_983#4 : vector<16xf32>
      %neg3A_1042 = arith.constant 0.000000e+00 : f32
      %neg3A_1043 = vector.broadcast %neg3A_1042 : f32 to vector<16xf32>
      %neg3A_1044 = arith.subf %neg3A_1043, %scan3A_983#5 : vector<16xf32>
      %neg3A_1045 = arith.constant 0.000000e+00 : f32
      %neg3A_1046 = vector.broadcast %neg3A_1045 : f32 to vector<16xf32>
      %neg3A_1047 = arith.subf %neg3A_1046, %scan3A_983#6 : vector<16xf32>
      %neg3A_1048 = arith.constant 0.000000e+00 : f32
      %neg3A_1049 = vector.broadcast %neg3A_1048 : f32 to vector<16xf32>
      %neg3A_1050 = arith.subf %neg3A_1049, %scan3A_983#7 : vector<16xf32>
      %get3A_1051 = arith.constant 1 : i32
      %get3A_1052 = arith.constant 20 : i32
      %get3A_1053 = arith.index_cast %get3A_1051 : i32 to index
      %get3A_1054 = arith.index_cast %get3A_1052 : i32 to index
      %get3A_1055 = arith.constant 0 : index
      %get3A_1056 = tpu.vector_load %arg13[%get3A_1053, %get3A_1054, %get3A_1055] {strides = array<i32>} : memref<2x80x128xf32, #tpu.memory_space<vmem>>, vector<16xf32>,
      %get3A_1057 = arith.constant 1 : i32
      %get3A_1058 = arith.constant 20 : i32
      %get3A_1059 = arith.index_cast %get3A_1057 : i32 to index
      %get3A_1060 = arith.index_cast %get3A_1058 : i32 to index
      %get3A_1061 = arith.constant 16 : index
      %get3A_1062 = tpu.vector_load %arg13[%get3A_1059, %get3A_1060, %get3A_1061] {strides = array<i32>} : memref<2x80x128xf32, #tpu.memory_space<vmem>>, vector<16xf32>,
      %get3A_1063 = arith.constant 1 : i32
      %get3A_1064 = arith.constant 20 : i32
      %get3A_1065 = arith.index_cast %get3A_1063 : i32 to index
      %get3A_1066 = arith.index_cast %get3A_1064 : i32 to index
      %get3A_1067 = arith.constant 32 : index
      %get3A_1068 = tpu.vector_load %arg13[%get3A_1065, %get3A_1066, %get3A_1067] {strides = array<i32>} : memref<2x80x128xf32, #tpu.memory_space<vmem>>, vector<16xf32>,
      %get3A_1069 = arith.constant 1 : i32
      %get3A_1070 = arith.constant 20 : i32
      %get3A_1071 = arith.index_cast %get3A_1069 : i32 to index
      %get3A_1072 = arith.index_cast %get3A_1070 : i32 to index
      %get3A_1073 = arith.constant 48 : index
      %get3A_1074 = tpu.vector_load %arg13[%get3A_1071, %get3A_1072, %get3A_1073] {strides = array<i32>} : memref<2x80x128xf32, #tpu.memory_space<vmem>>, vector<16xf32>,
      %get3A_1075 = arith.constant 1 : i32
      %get3A_1076 = arith.constant 20 : i32
      %get3A_1077 = arith.index_cast %get3A_1075 : i32 to index
      %get3A_1078 = arith.index_cast %get3A_1076 : i32 to index
      %get3A_1079 = arith.constant 64 : index
      %get3A_1080 = tpu.vector_load %arg13[%get3A_1077, %get3A_1078, %get3A_1079] {strides = array<i32>} : memref<2x80x128xf32, #tpu.memory_space<vmem>>, vector<16xf32>,
      %get3A_1081 = arith.constant 1 : i32
      %get3A_1082 = arith.constant 20 : i32
      %get3A_1083 = arith.index_cast %get3A_1081 : i32 to index
      %get3A_1084 = arith.index_cast %get3A_1082 : i32 to index
      %get3A_1085 = arith.constant 80 : index
      %get3A_1086 = tpu.vector_load %arg13[%get3A_1083, %get3A_1084, %get3A_1085] {strides = array<i32>} : memref<2x80x128xf32, #tpu.memory_space<vmem>>, vector<16xf32>,
      %get3A_1087 = arith.constant 1 : i32
      %get3A_1088 = arith.constant 20 : i32
      %get3A_1089 = arith.index_cast %get3A_1087 : i32 to index
      %get3A_1090 = arith.index_cast %get3A_1088 : i32 to index
      %get3A_1091 = arith.constant 96 : index
      %get3A_1092 = tpu.vector_load %arg13[%get3A_1089, %get3A_1090, %get3A_1091] {strides = array<i32>} : memref<2x80x128xf32, #tpu.memory_space<vmem>>, vector<16xf32>,
      %get3A_1093 = arith.constant 1 : i32
      %get3A_1094 = arith.constant 20 : i32
      %get3A_1095 = arith.index_cast %get3A_1093 : i32 to index
      %get3A_1096 = arith.index_cast %get3A_1094 : i32 to index
      %get3A_1097 = arith.constant 112 : index
      %get3A_1098 = tpu.vector_load %arg13[%get3A_1095, %get3A_1096, %get3A_1097] {strides = array<i32>} : memref<2x80x128xf32, #tpu.memory_space<vmem>>, vector<16xf32>,
      %scan3A_1099 = arith.constant 1 : i32
      %scan3A_1100 = arith.constant 19 : i32
      %scan3A_1101 = arith.addi %scan3A_1099, %scan3A_1100 : i32
      %scan3A_1102 = arith.constant 1 : i32
      %scan3A_1103:8 = scf.for %scan3A_1468 = %scan3A_1099 to %scan3A_1101 step %scan3A_1102 iter_args(%scan3A_1469 = %get3A_1056, %scan3A_1470 = %get3A_1062, %scan3A_1471 = %get3A_1068, %scan3A_1472 = %get3A_1074, %scan3A_1473 = %get3A_1080, %scan3A_1474 = %get3A_1086, %scan3A_1475 = %get3A_1092, %scan3A_1476 = %get3A_1098) -> (vector<16xf32>, vector<16xf32>, vector<16xf32>, vector<16xf32>, vector<16xf32>, vector<16xf32>, vector<16xf32>, vector<16xf32>)  : i32 {
        %add3A_1477 = arith.constant 20 : i32
        %add3A_1478 = arith.addi %add3A_1477, %scan3A_1468 : i32
        %get3A_1479 = arith.constant 1 : i32
        %get3A_1480 = arith.index_cast %get3A_1479 : i32 to index
        %get3A_1481 = arith.index_cast %add3A_1478 : i32 to index
        %get3A_1482 = arith.constant 0 : index
        %get3A_1483 = tpu.vector_load %arg13[%get3A_1480, %get3A_1481, %get3A_1482] {strides = array<i32>} : memref<2x80x128xf32, #tpu.memory_space<vmem>>, vector<16xf32>,
        %add3A_1484 = arith.constant 20 : i32
        %add3A_1485 = arith.addi %add3A_1484, %scan3A_1468 : i32
        %get3A_1486 = arith.constant 1 : i32
        %get3A_1487 = arith.index_cast %get3A_1486 : i32 to index
        %get3A_1488 = arith.index_cast %add3A_1485 : i32 to index
        %get3A_1489 = arith.constant 16 : index
        %get3A_1490 = tpu.vector_load %arg13[%get3A_1487, %get3A_1488, %get3A_1489] {strides = array<i32>} : memref<2x80x128xf32, #tpu.memory_space<vmem>>, vector<16xf32>,
        %add3A_1491 = arith.constant 20 : i32
        %add3A_1492 = arith.addi %add3A_1491, %scan3A_1468 : i32
        %get3A_1493 = arith.constant 1 : i32
        %get3A_1494 = arith.index_cast %get3A_1493 : i32 to index
        %get3A_1495 = arith.index_cast %add3A_1492 : i32 to index
        %get3A_1496 = arith.constant 32 : index
        %get3A_1497 = tpu.vector_load %arg13[%get3A_1494, %get3A_1495, %get3A_1496] {strides = array<i32>} : memref<2x80x128xf32, #tpu.memory_space<vmem>>, vector<16xf32>,
        %add3A_1498 = arith.constant 20 : i32
        %add3A_1499 = arith.addi %add3A_1498, %scan3A_1468 : i32
        %get3A_1500 = arith.constant 1 : i32
        %get3A_1501 = arith.index_cast %get3A_1500 : i32 to index
        %get3A_1502 = arith.index_cast %add3A_1499 : i32 to index
        %get3A_1503 = arith.constant 48 : index
        %get3A_1504 = tpu.vector_load %arg13[%get3A_1501, %get3A_1502, %get3A_1503] {strides = array<i32>} : memref<2x80x128xf32, #tpu.memory_space<vmem>>, vector<16xf32>,
        %add3A_1505 = arith.constant 20 : i32
        %add3A_1506 = arith.addi %add3A_1505, %scan3A_1468 : i32
        %get3A_1507 = arith.constant 1 : i32
        %get3A_1508 = arith.index_cast %get3A_1507 : i32 to index
        %get3A_1509 = arith.index_cast %add3A_1506 : i32 to index
        %get3A_1510 = arith.constant 64 : index
        %get3A_1511 = tpu.vector_load %arg13[%get3A_1508, %get3A_1509, %get3A_1510] {strides = array<i32>} : memref<2x80x128xf32, #tpu.memory_space<vmem>>, vector<16xf32>,
        %add3A_1512 = arith.constant 20 : i32
        %add3A_1513 = arith.addi %add3A_1512, %scan3A_1468 : i32
        %get3A_1514 = arith.constant 1 : i32
        %get3A_1515 = arith.index_cast %get3A_1514 : i32 to index
        %get3A_1516 = arith.index_cast %add3A_1513 : i32 to index
        %get3A_1517 = arith.constant 80 : index
        %get3A_1518 = tpu.vector_load %arg13[%get3A_1515, %get3A_1516, %get3A_1517] {strides = array<i32>} : memref<2x80x128xf32, #tpu.memory_space<vmem>>, vector<16xf32>,
        %add3A_1519 = arith.constant 20 : i32
        %add3A_1520 = arith.addi %add3A_1519, %scan3A_1468 : i32
        %get3A_1521 = arith.constant 1 : i32
        %get3A_1522 = arith.index_cast %get3A_1521 : i32 to index
        %get3A_1523 = arith.index_cast %add3A_1520 : i32 to index
        %get3A_1524 = arith.constant 96 : index
        %get3A_1525 = tpu.vector_load %arg13[%get3A_1522, %get3A_1523, %get3A_1524] {strides = array<i32>} : memref<2x80x128xf32, #tpu.memory_space<vmem>>, vector<16xf32>,
        %add3A_1526 = arith.constant 20 : i32
        %add3A_1527 = arith.addi %add3A_1526, %scan3A_1468 : i32
        %get3A_1528 = arith.constant 1 : i32
        %get3A_1529 = arith.index_cast %get3A_1528 : i32 to index
        %get3A_1530 = arith.index_cast %add3A_1527 : i32 to index
        %get3A_1531 = arith.constant 112 : index
        %get3A_1532 = tpu.vector_load %arg13[%get3A_1529, %get3A_1530, %get3A_1531] {strides = array<i32>} : memref<2x80x128xf32, #tpu.memory_space<vmem>>, vector<16xf32>,
        %mul3A_1533 = arith.mulf %neg3A_1029, %scan3A_1469 : vector<16xf32>
        %mul3A_1534 = arith.mulf %neg3A_1032, %scan3A_1470 : vector<16xf32>
        %mul3A_1535 = arith.mulf %neg3A_1035, %scan3A_1471 : vector<16xf32>
        %mul3A_1536 = arith.mulf %neg3A_1038, %scan3A_1472 : vector<16xf32>
        %mul3A_1537 = arith.mulf %neg3A_1041, %scan3A_1473 : vector<16xf32>
        %mul3A_1538 = arith.mulf %neg3A_1044, %scan3A_1474 : vector<16xf32>
        %mul3A_1539 = arith.mulf %neg3A_1047, %scan3A_1475 : vector<16xf32>
        %mul3A_1540 = arith.mulf %neg3A_1050, %scan3A_1476 : vector<16xf32>
        %add3A_1541 = arith.addf %mul3A_1533, %mul3A_1534 : vector<16xf32>
        %add3A_1542 = arith.addf %mul3A_1535, %mul3A_1536 : vector<16xf32>
        %add3A_1543 = arith.addf %mul3A_1537, %mul3A_1538 : vector<16xf32>
        %add3A_1544 = arith.addf %mul3A_1539, %mul3A_1540 : vector<16xf32>
        %add3A_1545 = arith.addf %add3A_1541, %add3A_1542 : vector<16xf32>
        %add3A_1546 = arith.addf %add3A_1543, %add3A_1544 : vector<16xf32>
        %add3A_1547 = arith.addf %add3A_1545, %add3A_1546 : vector<16xf32>
        %add3A_1548 = arith.addi %mul3A_962, %scan3A_1468 : i32
        %swap3A_1549 = arith.index_cast %add3A_1548 : i32 to index
        %swap3A_1550 = arith.constant 0 : index
        %swap3A_1551 = tpu.vector_load %arg14[%swap3A_1549, %swap3A_1550] {strides = array<i32>} : memref<2688x16xf32, #tpu.memory_space<vmem>>, vector<16xf32>,
        tpu.vector_store %arg14[%swap3A_1549, %swap3A_1550], %add3A_1547 {strides = array<i32>} : memref<2688x16xf32, #tpu.memory_space<vmem>>, vector<16xf32>,
        scf.yield %get3A_1483, %get3A_1490, %get3A_1497, %get3A_1504, %get3A_1511, %get3A_1518, %get3A_1525, %get3A_1532 : vector<16xf32>, vector<16xf32>, vector<16xf32>, vector<16xf32>, vector<16xf32>, vector<16xf32>, vector<16xf32>, vector<16xf32>
      }
      %scan3A_1104 = arith.constant 19 : i32
      %mul3A_1105 = arith.mulf %neg3A_1029, %scan3A_1103#0 : vector<16xf32>
      %mul3A_1106 = arith.mulf %neg3A_1032, %scan3A_1103#1 : vector<16xf32>
      %mul3A_1107 = arith.mulf %neg3A_1035, %scan3A_1103#2 : vector<16xf32>
      %mul3A_1108 = arith.mulf %neg3A_1038, %scan3A_1103#3 : vector<16xf32>
      %mul3A_1109 = arith.mulf %neg3A_1041, %scan3A_1103#4 : vector<16xf32>
      %mul3A_1110 = arith.mulf %neg3A_1044, %scan3A_1103#5 : vector<16xf32>
      %mul3A_1111 = arith.mulf %neg3A_1047, %scan3A_1103#6 : vector<16xf32>
      %mul3A_1112 = arith.mulf %neg3A_1050, %scan3A_1103#7 : vector<16xf32>
      %add3A_1113 = arith.addf %mul3A_1105, %mul3A_1106 : vector<16xf32>
      %add3A_1114 = arith.addf %mul3A_1107, %mul3A_1108 : vector<16xf32>
      %add3A_1115 = arith.addf %mul3A_1109, %mul3A_1110 : vector<16xf32>
      %add3A_1116 = arith.addf %mul3A_1111, %mul3A_1112 : vector<16xf32>
      %add3A_1117 = arith.addf %add3A_1113, %add3A_1114 : vector<16xf32>
      %add3A_1118 = arith.addf %add3A_1115, %add3A_1116 : vector<16xf32>
      %add3A_1119 = arith.addf %add3A_1117, %add3A_1118 : vector<16xf32>
      %add3A_1120 = arith.constant 20 : i32
      %add3A_1121 = arith.addi %mul3A_962, %add3A_1120 : i32
      %swap3A_1122 = arith.index_cast %add3A_1121 : i32 to index
      %swap3A_1123 = arith.constant 0 : index
      %swap3A_1124 = tpu.vector_load %arg14[%swap3A_1122, %swap3A_1123] {strides = array<i32>} : memref<2688x16xf32, #tpu.memory_space<vmem>>, vector<16xf32>,
      tpu.vector_store %arg14[%swap3A_1122, %swap3A_1123], %add3A_1119 {strides = array<i32>} : memref<2688x16xf32, #tpu.memory_space<vmem>>, vector<16xf32>,
      %mul3A_1125 = arith.constant 4 : i32
      %mul3A_1126 = arith.muli %add3A_762, %mul3A_1125 : i32
      %add3A_1127 = arith.constant 2 : i32
      %add3A_1128 = arith.addi %mul3A_1126, %add3A_1127 : i32
      %mul3A_1129 = arith.constant 21 : i32
      %mul3A_1130 = arith.muli %add3A_1128, %mul3A_1129 : i32
      %broadcast_in_dim3A_1131 = arith.constant 0.000000e+00 : f32
      %broadcast_in_dim3A_1132 = vector.broadcast %broadcast_in_dim3A_1131 : f32 to vector<16xf32>
      %broadcast_in_dim3A_1133 = arith.constant 0.000000e+00 : f32
      %broadcast_in_dim3A_1134 = vector.broadcast %broadcast_in_dim3A_1133 : f32 to vector<16xf32>
      %broadcast_in_dim3A_1135 = arith.constant 0.000000e+00 : f32
      %broadcast_in_dim3A_1136 = vector.broadcast %broadcast_in_dim3A_1135 : f32 to vector<16xf32>
      %broadcast_in_dim3A_1137 = arith.constant 0.000000e+00 : f32
      %broadcast_in_dim3A_1138 = vector.broadcast %broadcast_in_dim3A_1137 : f32 to vector<16xf32>
      %broadcast_in_dim3A_1139 = arith.constant 0.000000e+00 : f32
      %broadcast_in_dim3A_1140 = vector.broadcast %broadcast_in_dim3A_1139 : f32 to vector<16xf32>
      %broadcast_in_dim3A_1141 = arith.constant 0.000000e+00 : f32
      %broadcast_in_dim3A_1142 = vector.broadcast %broadcast_in_dim3A_1141 : f32 to vector<16xf32>
      %broadcast_in_dim3A_1143 = arith.constant 0.000000e+00 : f32
      %broadcast_in_dim3A_1144 = vector.broadcast %broadcast_in_dim3A_1143 : f32 to vector<16xf32>
      %broadcast_in_dim3A_1145 = arith.constant 0.000000e+00 : f32
      %broadcast_in_dim3A_1146 = vector.broadcast %broadcast_in_dim3A_1145 : f32 to vector<16xf32>
      %scan3A_1147 = arith.constant 0 : i32
      %scan3A_1148 = arith.constant 20 : i32
      %scan3A_1149 = arith.addi %scan3A_1147, %scan3A_1148 : i32
      %scan3A_1150 = arith.constant 5 : i32
      %scan3A_1151:8 = scf.for %scan3A_1468 = %scan3A_1147 to %scan3A_1149 step %scan3A_1150 iter_args(%scan3A_1469 = %broadcast_in_dim3A_1132, %scan3A_1470 = %broadcast_in_dim3A_1134, %scan3A_1471 = %broadcast_in_dim3A_1136, %scan3A_1472 = %broadcast_in_dim3A_1138, %scan3A_1473 = %broadcast_in_dim3A_1140, %scan3A_1474 = %broadcast_in_dim3A_1142, %scan3A_1475 = %broadcast_in_dim3A_1144, %scan3A_1476 = %broadcast_in_dim3A_1146) -> (vector<16xf32>, vector<16xf32>, vector<16xf32>, vector<16xf32>, vector<16xf32>, vector<16xf32>, vector<16xf32>, vector<16xf32>)  : i32 {
        %add3A_1477 = arith.constant 40 : i32
        %add3A_1478 = arith.addi %add3A_1477, %scan3A_1468 : i32
        %get3A_1479 = arith.constant 1 : i32
        %get3A_1480 = arith.index_cast %get3A_1479 : i32 to index
        %get3A_1481 = arith.index_cast %add3A_1478 : i32 to index
        %get3A_1482 = arith.constant 0 : index
        %get3A_1483 = tpu.vector_load %arg12[%get3A_1480, %get3A_1481, %get3A_1482] {strides = array<i32>} : memref<2x80x128xf32, #tpu.memory_space<vmem>>, vector<16xf32>,
        %add3A_1484 = arith.addf %scan3A_1469, %get3A_1483 : vector<16xf32>
        %add3A_1485 = arith.constant 40 : i32
        %add3A_1486 = arith.addi %add3A_1485, %scan3A_1468 : i32
        %get3A_1487 = arith.constant 1 : i32
        %get3A_1488 = arith.index_cast %get3A_1487 : i32 to index
        %get3A_1489 = arith.index_cast %add3A_1486 : i32 to index
        %get3A_1490 = arith.constant 16 : index
        %get3A_1491 = tpu.vector_load %arg12[%get3A_1488, %get3A_1489, %get3A_1490] {strides = array<i32>} : memref<2x80x128xf32, #tpu.memory_space<vmem>>, vector<16xf32>,
        %add3A_1492 = arith.addf %scan3A_1470, %get3A_1491 : vector<16xf32>
        %add3A_1493 = arith.constant 40 : i32
        %add3A_1494 = arith.addi %add3A_1493, %scan3A_1468 : i32
        %get3A_1495 = arith.constant 1 : i32
        %get3A_1496 = arith.index_cast %get3A_1495 : i32 to index
        %get3A_1497 = arith.index_cast %add3A_1494 : i32 to index
        %get3A_1498 = arith.constant 32 : index
        %get3A_1499 = tpu.vector_load %arg12[%get3A_1496, %get3A_1497, %get3A_1498] {strides = array<i32>} : memref<2x80x128xf32, #tpu.memory_space<vmem>>, vector<16xf32>,
        %add3A_1500 = arith.addf %scan3A_1471, %get3A_1499 : vector<16xf32>
        %add3A_1501 = arith.constant 40 : i32
        %add3A_1502 = arith.addi %add3A_1501, %scan3A_1468 : i32
        %get3A_1503 = arith.constant 1 : i32
        %get3A_1504 = arith.index_cast %get3A_1503 : i32 to index
        %get3A_1505 = arith.index_cast %add3A_1502 : i32 to index
        %get3A_1506 = arith.constant 48 : index
        %get3A_1507 = tpu.vector_load %arg12[%get3A_1504, %get3A_1505, %get3A_1506] {strides = array<i32>} : memref<2x80x128xf32, #tpu.memory_space<vmem>>, vector<16xf32>,
        %add3A_1508 = arith.addf %scan3A_1472, %get3A_1507 : vector<16xf32>
        %add3A_1509 = arith.constant 40 : i32
        %add3A_1510 = arith.addi %add3A_1509, %scan3A_1468 : i32
        %get3A_1511 = arith.constant 1 : i32
        %get3A_1512 = arith.index_cast %get3A_1511 : i32 to index
        %get3A_1513 = arith.index_cast %add3A_1510 : i32 to index
        %get3A_1514 = arith.constant 64 : index
        %get3A_1515 = tpu.vector_load %arg12[%get3A_1512, %get3A_1513, %get3A_1514] {strides = array<i32>} : memref<2x80x128xf32, #tpu.memory_space<vmem>>, vector<16xf32>,
        %add3A_1516 = arith.addf %scan3A_1473, %get3A_1515 : vector<16xf32>
        %add3A_1517 = arith.constant 40 : i32
        %add3A_1518 = arith.addi %add3A_1517, %scan3A_1468 : i32
        %get3A_1519 = arith.constant 1 : i32
        %get3A_1520 = arith.index_cast %get3A_1519 : i32 to index
        %get3A_1521 = arith.index_cast %add3A_1518 : i32 to index
        %get3A_1522 = arith.constant 80 : index
        %get3A_1523 = tpu.vector_load %arg12[%get3A_1520, %get3A_1521, %get3A_1522] {strides = array<i32>} : memref<2x80x128xf32, #tpu.memory_space<vmem>>, vector<16xf32>,
        %add3A_1524 = arith.addf %scan3A_1474, %get3A_1523 : vector<16xf32>
        %add3A_1525 = arith.constant 40 : i32
        %add3A_1526 = arith.addi %add3A_1525, %scan3A_1468 : i32
        %get3A_1527 = arith.constant 1 : i32
        %get3A_1528 = arith.index_cast %get3A_1527 : i32 to index
        %get3A_1529 = arith.index_cast %add3A_1526 : i32 to index
        %get3A_1530 = arith.constant 96 : index
        %get3A_1531 = tpu.vector_load %arg12[%get3A_1528, %get3A_1529, %get3A_1530] {strides = array<i32>} : memref<2x80x128xf32, #tpu.memory_space<vmem>>, vector<16xf32>,
        %add3A_1532 = arith.addf %scan3A_1475, %get3A_1531 : vector<16xf32>
        %add3A_1533 = arith.constant 40 : i32
        %add3A_1534 = arith.addi %add3A_1533, %scan3A_1468 : i32
        %get3A_1535 = arith.constant 1 : i32
        %get3A_1536 = arith.index_cast %get3A_1535 : i32 to index
        %get3A_1537 = arith.index_cast %add3A_1534 : i32 to index
        %get3A_1538 = arith.constant 112 : index
        %get3A_1539 = tpu.vector_load %arg12[%get3A_1536, %get3A_1537, %get3A_1538] {strides = array<i32>} : memref<2x80x128xf32, #tpu.memory_space<vmem>>, vector<16xf32>,
        %add3A_1540 = arith.addf %scan3A_1476, %get3A_1539 : vector<16xf32>
        %scan3A_1541 = arith.constant 1 : i32
        %scan3A_1542 = arith.addi %scan3A_1468, %scan3A_1541 : i32
        %add3A_1543 = arith.constant 40 : i32
        %add3A_1544 = arith.addi %add3A_1543, %scan3A_1542 : i32
        %get3A_1545 = arith.constant 1 : i32
        %get3A_1546 = arith.index_cast %get3A_1545 : i32 to index
        %get3A_1547 = arith.index_cast %add3A_1544 : i32 to index
        %get3A_1548 = arith.constant 0 : index
        %get3A_1549 = tpu.vector_load %arg12[%get3A_1546, %get3A_1547, %get3A_1548] {strides = array<i32>} : memref<2x80x128xf32, #tpu.memory_space<vmem>>, vector<16xf32>,
        %add3A_1550 = arith.addf %add3A_1484, %get3A_1549 : vector<16xf32>
        %add3A_1551 = arith.constant 40 : i32
        %add3A_1552 = arith.addi %add3A_1551, %scan3A_1542 : i32
        %get3A_1553 = arith.constant 1 : i32
        %get3A_1554 = arith.index_cast %get3A_1553 : i32 to index
        %get3A_1555 = arith.index_cast %add3A_1552 : i32 to index
        %get3A_1556 = arith.constant 16 : index
        %get3A_1557 = tpu.vector_load %arg12[%get3A_1554, %get3A_1555, %get3A_1556] {strides = array<i32>} : memref<2x80x128xf32, #tpu.memory_space<vmem>>, vector<16xf32>,
        %add3A_1558 = arith.addf %add3A_1492, %get3A_1557 : vector<16xf32>
        %add3A_1559 = arith.constant 40 : i32
        %add3A_1560 = arith.addi %add3A_1559, %scan3A_1542 : i32
        %get3A_1561 = arith.constant 1 : i32
        %get3A_1562 = arith.index_cast %get3A_1561 : i32 to index
        %get3A_1563 = arith.index_cast %add3A_1560 : i32 to index
        %get3A_1564 = arith.constant 32 : index
        %get3A_1565 = tpu.vector_load %arg12[%get3A_1562, %get3A_1563, %get3A_1564] {strides = array<i32>} : memref<2x80x128xf32, #tpu.memory_space<vmem>>, vector<16xf32>,
        %add3A_1566 = arith.addf %add3A_1500, %get3A_1565 : vector<16xf32>
        %add3A_1567 = arith.constant 40 : i32
        %add3A_1568 = arith.addi %add3A_1567, %scan3A_1542 : i32
        %get3A_1569 = arith.constant 1 : i32
        %get3A_1570 = arith.index_cast %get3A_1569 : i32 to index
        %get3A_1571 = arith.index_cast %add3A_1568 : i32 to index
        %get3A_1572 = arith.constant 48 : index
        %get3A_1573 = tpu.vector_load %arg12[%get3A_1570, %get3A_1571, %get3A_1572] {strides = array<i32>} : memref<2x80x128xf32, #tpu.memory_space<vmem>>, vector<16xf32>,
        %add3A_1574 = arith.addf %add3A_1508, %get3A_1573 : vector<16xf32>
        %add3A_1575 = arith.constant 40 : i32
        %add3A_1576 = arith.addi %add3A_1575, %scan3A_1542 : i32
        %get3A_1577 = arith.constant 1 : i32
        %get3A_1578 = arith.index_cast %get3A_1577 : i32 to index
        %get3A_1579 = arith.index_cast %add3A_1576 : i32 to index
        %get3A_1580 = arith.constant 64 : index
        %get3A_1581 = tpu.vector_load %arg12[%get3A_1578, %get3A_1579, %get3A_1580] {strides = array<i32>} : memref<2x80x128xf32, #tpu.memory_space<vmem>>, vector<16xf32>,
        %add3A_1582 = arith.addf %add3A_1516, %get3A_1581 : vector<16xf32>
        %add3A_1583 = arith.constant 40 : i32
        %add3A_1584 = arith.addi %add3A_1583, %scan3A_1542 : i32
        %get3A_1585 = arith.constant 1 : i32
        %get3A_1586 = arith.index_cast %get3A_1585 : i32 to index
        %get3A_1587 = arith.index_cast %add3A_1584 : i32 to index
        %get3A_1588 = arith.constant 80 : index
        %get3A_1589 = tpu.vector_load %arg12[%get3A_1586, %get3A_1587, %get3A_1588] {strides = array<i32>} : memref<2x80x128xf32, #tpu.memory_space<vmem>>, vector<16xf32>,
        %add3A_1590 = arith.addf %add3A_1524, %get3A_1589 : vector<16xf32>
        %add3A_1591 = arith.constant 40 : i32
        %add3A_1592 = arith.addi %add3A_1591, %scan3A_1542 : i32
        %get3A_1593 = arith.constant 1 : i32
        %get3A_1594 = arith.index_cast %get3A_1593 : i32 to index
        %get3A_1595 = arith.index_cast %add3A_1592 : i32 to index
        %get3A_1596 = arith.constant 96 : index
        %get3A_1597 = tpu.vector_load %arg12[%get3A_1594, %get3A_1595, %get3A_1596] {strides = array<i32>} : memref<2x80x128xf32, #tpu.memory_space<vmem>>, vector<16xf32>,
        %add3A_1598 = arith.addf %add3A_1532, %get3A_1597 : vector<16xf32>
        %add3A_1599 = arith.constant 40 : i32
        %add3A_1600 = arith.addi %add3A_1599, %scan3A_1542 : i32
        %get3A_1601 = arith.constant 1 : i32
        %get3A_1602 = arith.index_cast %get3A_1601 : i32 to index
        %get3A_1603 = arith.index_cast %add3A_1600 : i32 to index
        %get3A_1604 = arith.constant 112 : index
        %get3A_1605 = tpu.vector_load %arg12[%get3A_1602, %get3A_1603, %get3A_1604] {strides = array<i32>} : memref<2x80x128xf32, #tpu.memory_space<vmem>>, vector<16xf32>,
        %add3A_1606 = arith.addf %add3A_1540, %get3A_1605 : vector<16xf32>
        %scan3A_1607 = arith.constant 2 : i32
        %scan3A_1608 = arith.addi %scan3A_1468, %scan3A_1607 : i32
        %add3A_1609 = arith.constant 40 : i32
        %add3A_1610 = arith.addi %add3A_1609, %scan3A_1608 : i32
        %get3A_1611 = arith.constant 1 : i32
        %get3A_1612 = arith.index_cast %get3A_1611 : i32 to index
        %get3A_1613 = arith.index_cast %add3A_1610 : i32 to index
        %get3A_1614 = arith.constant 0 : index
        %get3A_1615 = tpu.vector_load %arg12[%get3A_1612, %get3A_1613, %get3A_1614] {strides = array<i32>} : memref<2x80x128xf32, #tpu.memory_space<vmem>>, vector<16xf32>,
        %add3A_1616 = arith.addf %add3A_1550, %get3A_1615 : vector<16xf32>
        %add3A_1617 = arith.constant 40 : i32
        %add3A_1618 = arith.addi %add3A_1617, %scan3A_1608 : i32
        %get3A_1619 = arith.constant 1 : i32
        %get3A_1620 = arith.index_cast %get3A_1619 : i32 to index
        %get3A_1621 = arith.index_cast %add3A_1618 : i32 to index
        %get3A_1622 = arith.constant 16 : index
        %get3A_1623 = tpu.vector_load %arg12[%get3A_1620, %get3A_1621, %get3A_1622] {strides = array<i32>} : memref<2x80x128xf32, #tpu.memory_space<vmem>>, vector<16xf32>,
        %add3A_1624 = arith.addf %add3A_1558, %get3A_1623 : vector<16xf32>
        %add3A_1625 = arith.constant 40 : i32
        %add3A_1626 = arith.addi %add3A_1625, %scan3A_1608 : i32
        %get3A_1627 = arith.constant 1 : i32
        %get3A_1628 = arith.index_cast %get3A_1627 : i32 to index
        %get3A_1629 = arith.index_cast %add3A_1626 : i32 to index
        %get3A_1630 = arith.constant 32 : index
        %get3A_1631 = tpu.vector_load %arg12[%get3A_1628, %get3A_1629, %get3A_1630] {strides = array<i32>} : memref<2x80x128xf32, #tpu.memory_space<vmem>>, vector<16xf32>,
        %add3A_1632 = arith.addf %add3A_1566, %get3A_1631 : vector<16xf32>
        %add3A_1633 = arith.constant 40 : i32
        %add3A_1634 = arith.addi %add3A_1633, %scan3A_1608 : i32
        %get3A_1635 = arith.constant 1 : i32
        %get3A_1636 = arith.index_cast %get3A_1635 : i32 to index
        %get3A_1637 = arith.index_cast %add3A_1634 : i32 to index
        %get3A_1638 = arith.constant 48 : index
        %get3A_1639 = tpu.vector_load %arg12[%get3A_1636, %get3A_1637, %get3A_1638] {strides = array<i32>} : memref<2x80x128xf32, #tpu.memory_space<vmem>>, vector<16xf32>,
        %add3A_1640 = arith.addf %add3A_1574, %get3A_1639 : vector<16xf32>
        %add3A_1641 = arith.constant 40 : i32
        %add3A_1642 = arith.addi %add3A_1641, %scan3A_1608 : i32
        %get3A_1643 = arith.constant 1 : i32
        %get3A_1644 = arith.index_cast %get3A_1643 : i32 to index
        %get3A_1645 = arith.index_cast %add3A_1642 : i32 to index
        %get3A_1646 = arith.constant 64 : index
        %get3A_1647 = tpu.vector_load %arg12[%get3A_1644, %get3A_1645, %get3A_1646] {strides = array<i32>} : memref<2x80x128xf32, #tpu.memory_space<vmem>>, vector<16xf32>,
        %add3A_1648 = arith.addf %add3A_1582, %get3A_1647 : vector<16xf32>
        %add3A_1649 = arith.constant 40 : i32
        %add3A_1650 = arith.addi %add3A_1649, %scan3A_1608 : i32
        %get3A_1651 = arith.constant 1 : i32
        %get3A_1652 = arith.index_cast %get3A_1651 : i32 to index
        %get3A_1653 = arith.index_cast %add3A_1650 : i32 to index
        %get3A_1654 = arith.constant 80 : index
        %get3A_1655 = tpu.vector_load %arg12[%get3A_1652, %get3A_1653, %get3A_1654] {strides = array<i32>} : memref<2x80x128xf32, #tpu.memory_space<vmem>>, vector<16xf32>,
        %add3A_1656 = arith.addf %add3A_1590, %get3A_1655 : vector<16xf32>
        %add3A_1657 = arith.constant 40 : i32
        %add3A_1658 = arith.addi %add3A_1657, %scan3A_1608 : i32
        %get3A_1659 = arith.constant 1 : i32
        %get3A_1660 = arith.index_cast %get3A_1659 : i32 to index
        %get3A_1661 = arith.index_cast %add3A_1658 : i32 to index
        %get3A_1662 = arith.constant 96 : index
        %get3A_1663 = tpu.vector_load %arg12[%get3A_1660, %get3A_1661, %get3A_1662] {strides = array<i32>} : memref<2x80x128xf32, #tpu.memory_space<vmem>>, vector<16xf32>,
        %add3A_1664 = arith.addf %add3A_1598, %get3A_1663 : vector<16xf32>
        %add3A_1665 = arith.constant 40 : i32
        %add3A_1666 = arith.addi %add3A_1665, %scan3A_1608 : i32
        %get3A_1667 = arith.constant 1 : i32
        %get3A_1668 = arith.index_cast %get3A_1667 : i32 to index
        %get3A_1669 = arith.index_cast %add3A_1666 : i32 to index
        %get3A_1670 = arith.constant 112 : index
        %get3A_1671 = tpu.vector_load %arg12[%get3A_1668, %get3A_1669, %get3A_1670] {strides = array<i32>} : memref<2x80x128xf32, #tpu.memory_space<vmem>>, vector<16xf32>,
        %add3A_1672 = arith.addf %add3A_1606, %get3A_1671 : vector<16xf32>
        %scan3A_1673 = arith.constant 3 : i32
        %scan3A_1674 = arith.addi %scan3A_1468, %scan3A_1673 : i32
        %add3A_1675 = arith.constant 40 : i32
        %add3A_1676 = arith.addi %add3A_1675, %scan3A_1674 : i32
        %get3A_1677 = arith.constant 1 : i32
        %get3A_1678 = arith.index_cast %get3A_1677 : i32 to index
        %get3A_1679 = arith.index_cast %add3A_1676 : i32 to index
        %get3A_1680 = arith.constant 0 : index
        %get3A_1681 = tpu.vector_load %arg12[%get3A_1678, %get3A_1679, %get3A_1680] {strides = array<i32>} : memref<2x80x128xf32, #tpu.memory_space<vmem>>, vector<16xf32>,
        %add3A_1682 = arith.addf %add3A_1616, %get3A_1681 : vector<16xf32>
        %add3A_1683 = arith.constant 40 : i32
        %add3A_1684 = arith.addi %add3A_1683, %scan3A_1674 : i32
        %get3A_1685 = arith.constant 1 : i32
        %get3A_1686 = arith.index_cast %get3A_1685 : i32 to index
        %get3A_1687 = arith.index_cast %add3A_1684 : i32 to index
        %get3A_1688 = arith.constant 16 : index
        %get3A_1689 = tpu.vector_load %arg12[%get3A_1686, %get3A_1687, %get3A_1688] {strides = array<i32>} : memref<2x80x128xf32, #tpu.memory_space<vmem>>, vector<16xf32>,
        %add3A_1690 = arith.addf %add3A_1624, %get3A_1689 : vector<16xf32>
        %add3A_1691 = arith.constant 40 : i32
        %add3A_1692 = arith.addi %add3A_1691, %scan3A_1674 : i32
        %get3A_1693 = arith.constant 1 : i32
        %get3A_1694 = arith.index_cast %get3A_1693 : i32 to index
        %get3A_1695 = arith.index_cast %add3A_1692 : i32 to index
        %get3A_1696 = arith.constant 32 : index
        %get3A_1697 = tpu.vector_load %arg12[%get3A_1694, %get3A_1695, %get3A_1696] {strides = array<i32>} : memref<2x80x128xf32, #tpu.memory_space<vmem>>, vector<16xf32>,
        %add3A_1698 = arith.addf %add3A_1632, %get3A_1697 : vector<16xf32>
        %add3A_1699 = arith.constant 40 : i32
        %add3A_1700 = arith.addi %add3A_1699, %scan3A_1674 : i32
        %get3A_1701 = arith.constant 1 : i32
        %get3A_1702 = arith.index_cast %get3A_1701 : i32 to index
        %get3A_1703 = arith.index_cast %add3A_1700 : i32 to index
        %get3A_1704 = arith.constant 48 : index
        %get3A_1705 = tpu.vector_load %arg12[%get3A_1702, %get3A_1703, %get3A_1704] {strides = array<i32>} : memref<2x80x128xf32, #tpu.memory_space<vmem>>, vector<16xf32>,
        %add3A_1706 = arith.addf %add3A_1640, %get3A_1705 : vector<16xf32>
        %add3A_1707 = arith.constant 40 : i32
        %add3A_1708 = arith.addi %add3A_1707, %scan3A_1674 : i32
        %get3A_1709 = arith.constant 1 : i32
        %get3A_1710 = arith.index_cast %get3A_1709 : i32 to index
        %get3A_1711 = arith.index_cast %add3A_1708 : i32 to index
        %get3A_1712 = arith.constant 64 : index
        %get3A_1713 = tpu.vector_load %arg12[%get3A_1710, %get3A_1711, %get3A_1712] {strides = array<i32>} : memref<2x80x128xf32, #tpu.memory_space<vmem>>, vector<16xf32>,
        %add3A_1714 = arith.addf %add3A_1648, %get3A_1713 : vector<16xf32>
        %add3A_1715 = arith.constant 40 : i32
        %add3A_1716 = arith.addi %add3A_1715, %scan3A_1674 : i32
        %get3A_1717 = arith.constant 1 : i32
        %get3A_1718 = arith.index_cast %get3A_1717 : i32 to index
        %get3A_1719 = arith.index_cast %add3A_1716 : i32 to index
        %get3A_1720 = arith.constant 80 : index
        %get3A_1721 = tpu.vector_load %arg12[%get3A_1718, %get3A_1719, %get3A_1720] {strides = array<i32>} : memref<2x80x128xf32, #tpu.memory_space<vmem>>, vector<16xf32>,
        %add3A_1722 = arith.addf %add3A_1656, %get3A_1721 : vector<16xf32>
        %add3A_1723 = arith.constant 40 : i32
        %add3A_1724 = arith.addi %add3A_1723, %scan3A_1674 : i32
        %get3A_1725 = arith.constant 1 : i32
        %get3A_1726 = arith.index_cast %get3A_1725 : i32 to index
        %get3A_1727 = arith.index_cast %add3A_1724 : i32 to index
        %get3A_1728 = arith.constant 96 : index
        %get3A_1729 = tpu.vector_load %arg12[%get3A_1726, %get3A_1727, %get3A_1728] {strides = array<i32>} : memref<2x80x128xf32, #tpu.memory_space<vmem>>, vector<16xf32>,
        %add3A_1730 = arith.addf %add3A_1664, %get3A_1729 : vector<16xf32>
        %add3A_1731 = arith.constant 40 : i32
        %add3A_1732 = arith.addi %add3A_1731, %scan3A_1674 : i32
        %get3A_1733 = arith.constant 1 : i32
        %get3A_1734 = arith.index_cast %get3A_1733 : i32 to index
        %get3A_1735 = arith.index_cast %add3A_1732 : i32 to index
        %get3A_1736 = arith.constant 112 : index
        %get3A_1737 = tpu.vector_load %arg12[%get3A_1734, %get3A_1735, %get3A_1736] {strides = array<i32>} : memref<2x80x128xf32, #tpu.memory_space<vmem>>, vector<16xf32>,
        %add3A_1738 = arith.addf %add3A_1672, %get3A_1737 : vector<16xf32>
        %scan3A_1739 = arith.constant 4 : i32
        %scan3A_1740 = arith.addi %scan3A_1468, %scan3A_1739 : i32
        %add3A_1741 = arith.constant 40 : i32
        %add3A_1742 = arith.addi %add3A_1741, %scan3A_1740 : i32
        %get3A_1743 = arith.constant 1 : i32
        %get3A_1744 = arith.index_cast %get3A_1743 : i32 to index
        %get3A_1745 = arith.index_cast %add3A_1742 : i32 to index
        %get3A_1746 = arith.constant 0 : index
        %get3A_1747 = tpu.vector_load %arg12[%get3A_1744, %get3A_1745, %get3A_1746] {strides = array<i32>} : memref<2x80x128xf32, #tpu.memory_space<vmem>>, vector<16xf32>,
        %add3A_1748 = arith.addf %add3A_1682, %get3A_1747 : vector<16xf32>
        %add3A_1749 = arith.constant 40 : i32
        %add3A_1750 = arith.addi %add3A_1749, %scan3A_1740 : i32
        %get3A_1751 = arith.constant 1 : i32
        %get3A_1752 = arith.index_cast %get3A_1751 : i32 to index
        %get3A_1753 = arith.index_cast %add3A_1750 : i32 to index
        %get3A_1754 = arith.constant 16 : index
        %get3A_1755 = tpu.vector_load %arg12[%get3A_1752, %get3A_1753, %get3A_1754] {strides = array<i32>} : memref<2x80x128xf32, #tpu.memory_space<vmem>>, vector<16xf32>,
        %add3A_1756 = arith.addf %add3A_1690, %get3A_1755 : vector<16xf32>
        %add3A_1757 = arith.constant 40 : i32
        %add3A_1758 = arith.addi %add3A_1757, %scan3A_1740 : i32
        %get3A_1759 = arith.constant 1 : i32
        %get3A_1760 = arith.index_cast %get3A_1759 : i32 to index
        %get3A_1761 = arith.index_cast %add3A_1758 : i32 to index
        %get3A_1762 = arith.constant 32 : index
        %get3A_1763 = tpu.vector_load %arg12[%get3A_1760, %get3A_1761, %get3A_1762] {strides = array<i32>} : memref<2x80x128xf32, #tpu.memory_space<vmem>>, vector<16xf32>,
        %add3A_1764 = arith.addf %add3A_1698, %get3A_1763 : vector<16xf32>
        %add3A_1765 = arith.constant 40 : i32
        %add3A_1766 = arith.addi %add3A_1765, %scan3A_1740 : i32
        %get3A_1767 = arith.constant 1 : i32
        %get3A_1768 = arith.index_cast %get3A_1767 : i32 to index
        %get3A_1769 = arith.index_cast %add3A_1766 : i32 to index
        %get3A_1770 = arith.constant 48 : index
        %get3A_1771 = tpu.vector_load %arg12[%get3A_1768, %get3A_1769, %get3A_1770] {strides = array<i32>} : memref<2x80x128xf32, #tpu.memory_space<vmem>>, vector<16xf32>,
        %add3A_1772 = arith.addf %add3A_1706, %get3A_1771 : vector<16xf32>
        %add3A_1773 = arith.constant 40 : i32
        %add3A_1774 = arith.addi %add3A_1773, %scan3A_1740 : i32
        %get3A_1775 = arith.constant 1 : i32
        %get3A_1776 = arith.index_cast %get3A_1775 : i32 to index
        %get3A_1777 = arith.index_cast %add3A_1774 : i32 to index
        %get3A_1778 = arith.constant 64 : index
        %get3A_1779 = tpu.vector_load %arg12[%get3A_1776, %get3A_1777, %get3A_1778] {strides = array<i32>} : memref<2x80x128xf32, #tpu.memory_space<vmem>>, vector<16xf32>,
        %add3A_1780 = arith.addf %add3A_1714, %get3A_1779 : vector<16xf32>
        %add3A_1781 = arith.constant 40 : i32
        %add3A_1782 = arith.addi %add3A_1781, %scan3A_1740 : i32
        %get3A_1783 = arith.constant 1 : i32
        %get3A_1784 = arith.index_cast %get3A_1783 : i32 to index
        %get3A_1785 = arith.index_cast %add3A_1782 : i32 to index
        %get3A_1786 = arith.constant 80 : index
        %get3A_1787 = tpu.vector_load %arg12[%get3A_1784, %get3A_1785, %get3A_1786] {strides = array<i32>} : memref<2x80x128xf32, #tpu.memory_space<vmem>>, vector<16xf32>,
        %add3A_1788 = arith.addf %add3A_1722, %get3A_1787 : vector<16xf32>
        %add3A_1789 = arith.constant 40 : i32
        %add3A_1790 = arith.addi %add3A_1789, %scan3A_1740 : i32
        %get3A_1791 = arith.constant 1 : i32
        %get3A_1792 = arith.index_cast %get3A_1791 : i32 to index
        %get3A_1793 = arith.index_cast %add3A_1790 : i32 to index
        %get3A_1794 = arith.constant 96 : index
        %get3A_1795 = tpu.vector_load %arg12[%get3A_1792, %get3A_1793, %get3A_1794] {strides = array<i32>} : memref<2x80x128xf32, #tpu.memory_space<vmem>>, vector<16xf32>,
        %add3A_1796 = arith.addf %add3A_1730, %get3A_1795 : vector<16xf32>
        %add3A_1797 = arith.constant 40 : i32
        %add3A_1798 = arith.addi %add3A_1797, %scan3A_1740 : i32
        %get3A_1799 = arith.constant 1 : i32
        %get3A_1800 = arith.index_cast %get3A_1799 : i32 to index
        %get3A_1801 = arith.index_cast %add3A_1798 : i32 to index
        %get3A_1802 = arith.constant 112 : index
        %get3A_1803 = tpu.vector_load %arg12[%get3A_1800, %get3A_1801, %get3A_1802] {strides = array<i32>} : memref<2x80x128xf32, #tpu.memory_space<vmem>>, vector<16xf32>,
        %add3A_1804 = arith.addf %add3A_1738, %get3A_1803 : vector<16xf32>
        scf.yield %add3A_1748, %add3A_1756, %add3A_1764, %add3A_1772, %add3A_1780, %add3A_1788, %add3A_1796, %add3A_1804 : vector<16xf32>, vector<16xf32>, vector<16xf32>, vector<16xf32>, vector<16xf32>, vector<16xf32>, vector<16xf32>, vector<16xf32>
      }
      %scan3A_1152 = arith.constant 20 : i32
      %get3A_1153 = arith.index_cast %add3A_1128 : i32 to index
      %get3A_1154 = arith.constant 0 : index
      %get3A_1155 = tpu.vector_load %arg11[%get3A_1153, %get3A_1154] {strides = array<i32>} : memref<128x128xf32, #tpu.memory_space<vmem>>, vector<16xf32>,
      %get3A_1156 = arith.index_cast %add3A_1128 : i32 to index
      %get3A_1157 = arith.constant 16 : index
      %get3A_1158 = tpu.vector_load %arg11[%get3A_1156, %get3A_1157] {strides = array<i32>} : memref<128x128xf32, #tpu.memory_space<vmem>>, vector<16xf32>,
      %get3A_1159 = arith.index_cast %add3A_1128 : i32 to index
      %get3A_1160 = arith.constant 32 : index
      %get3A_1161 = tpu.vector_load %arg11[%get3A_1159, %get3A_1160] {strides = array<i32>} : memref<128x128xf32, #tpu.memory_space<vmem>>, vector<16xf32>,
      %get3A_1162 = arith.index_cast %add3A_1128 : i32 to index
      %get3A_1163 = arith.constant 48 : index
      %get3A_1164 = tpu.vector_load %arg11[%get3A_1162, %get3A_1163] {strides = array<i32>} : memref<128x128xf32, #tpu.memory_space<vmem>>, vector<16xf32>,
      %get3A_1165 = arith.index_cast %add3A_1128 : i32 to index
      %get3A_1166 = arith.constant 64 : index
      %get3A_1167 = tpu.vector_load %arg11[%get3A_1165, %get3A_1166] {strides = array<i32>} : memref<128x128xf32, #tpu.memory_space<vmem>>, vector<16xf32>,
      %get3A_1168 = arith.index_cast %add3A_1128 : i32 to index
      %get3A_1169 = arith.constant 80 : index
      %get3A_1170 = tpu.vector_load %arg11[%get3A_1168, %get3A_1169] {strides = array<i32>} : memref<128x128xf32, #tpu.memory_space<vmem>>, vector<16xf32>,
      %get3A_1171 = arith.index_cast %add3A_1128 : i32 to index
      %get3A_1172 = arith.constant 96 : index
      %get3A_1173 = tpu.vector_load %arg11[%get3A_1171, %get3A_1172] {strides = array<i32>} : memref<128x128xf32, #tpu.memory_space<vmem>>, vector<16xf32>,
      %get3A_1174 = arith.index_cast %add3A_1128 : i32 to index
      %get3A_1175 = arith.constant 112 : index
      %get3A_1176 = tpu.vector_load %arg11[%get3A_1174, %get3A_1175] {strides = array<i32>} : memref<128x128xf32, #tpu.memory_space<vmem>>, vector<16xf32>,
      %mul3A_1177 = arith.mulf %scan3A_1151#0, %get3A_1155 : vector<16xf32>
      %mul3A_1178 = arith.mulf %scan3A_1151#1, %get3A_1158 : vector<16xf32>
      %mul3A_1179 = arith.mulf %scan3A_1151#2, %get3A_1161 : vector<16xf32>
      %mul3A_1180 = arith.mulf %scan3A_1151#3, %get3A_1164 : vector<16xf32>
      %mul3A_1181 = arith.mulf %scan3A_1151#4, %get3A_1167 : vector<16xf32>
      %mul3A_1182 = arith.mulf %scan3A_1151#5, %get3A_1170 : vector<16xf32>
      %mul3A_1183 = arith.mulf %scan3A_1151#6, %get3A_1173 : vector<16xf32>
      %mul3A_1184 = arith.mulf %scan3A_1151#7, %get3A_1176 : vector<16xf32>
      %add3A_1185 = arith.addf %mul3A_1177, %mul3A_1178 : vector<16xf32>
      %add3A_1186 = arith.addf %mul3A_1179, %mul3A_1180 : vector<16xf32>
      %add3A_1187 = arith.addf %mul3A_1181, %mul3A_1182 : vector<16xf32>
      %add3A_1188 = arith.addf %mul3A_1183, %mul3A_1184 : vector<16xf32>
      %add3A_1189 = arith.addf %add3A_1185, %add3A_1186 : vector<16xf32>
      %add3A_1190 = arith.addf %add3A_1187, %add3A_1188 : vector<16xf32>
      %add3A_1191 = arith.addf %add3A_1189, %add3A_1190 : vector<16xf32>
      %swap3A_1192 = arith.index_cast %mul3A_1130 : i32 to index
      %swap3A_1193 = arith.constant 0 : index
      %swap3A_1194 = tpu.vector_load %arg14[%swap3A_1192, %swap3A_1193] {strides = array<i32>} : memref<2688x16xf32, #tpu.memory_space<vmem>>, vector<16xf32>,
      tpu.vector_store %arg14[%swap3A_1192, %swap3A_1193], %add3A_1191 {strides = array<i32>} : memref<2688x16xf32, #tpu.memory_space<vmem>>, vector<16xf32>,
      %neg3A_1195 = arith.constant 0.000000e+00 : f32
      %neg3A_1196 = vector.broadcast %neg3A_1195 : f32 to vector<16xf32>
      %neg3A_1197 = arith.subf %neg3A_1196, %scan3A_1151#0 : vector<16xf32>
      %neg3A_1198 = arith.constant 0.000000e+00 : f32
      %neg3A_1199 = vector.broadcast %neg3A_1198 : f32 to vector<16xf32>
      %neg3A_1200 = arith.subf %neg3A_1199, %scan3A_1151#1 : vector<16xf32>
      %neg3A_1201 = arith.constant 0.000000e+00 : f32
      %neg3A_1202 = vector.broadcast %neg3A_1201 : f32 to vector<16xf32>
      %neg3A_1203 = arith.subf %neg3A_1202, %scan3A_1151#2 : vector<16xf32>
      %neg3A_1204 = arith.constant 0.000000e+00 : f32
      %neg3A_1205 = vector.broadcast %neg3A_1204 : f32 to vector<16xf32>
      %neg3A_1206 = arith.subf %neg3A_1205, %scan3A_1151#3 : vector<16xf32>
      %neg3A_1207 = arith.constant 0.000000e+00 : f32
      %neg3A_1208 = vector.broadcast %neg3A_1207 : f32 to vector<16xf32>
      %neg3A_1209 = arith.subf %neg3A_1208, %scan3A_1151#4 : vector<16xf32>
      %neg3A_1210 = arith.constant 0.000000e+00 : f32
      %neg3A_1211 = vector.broadcast %neg3A_1210 : f32 to vector<16xf32>
      %neg3A_1212 = arith.subf %neg3A_1211, %scan3A_1151#5 : vector<16xf32>
      %neg3A_1213 = arith.constant 0.000000e+00 : f32
      %neg3A_1214 = vector.broadcast %neg3A_1213 : f32 to vector<16xf32>
      %neg3A_1215 = arith.subf %neg3A_1214, %scan3A_1151#6 : vector<16xf32>
      %neg3A_1216 = arith.constant 0.000000e+00 : f32
      %neg3A_1217 = vector.broadcast %neg3A_1216 : f32 to vector<16xf32>
      %neg3A_1218 = arith.subf %neg3A_1217, %scan3A_1151#7 : vector<16xf32>
      %get3A_1219 = arith.constant 1 : i32
      %get3A_1220 = arith.constant 40 : i32
      %get3A_1221 = arith.index_cast %get3A_1219 : i32 to index
      %get3A_1222 = arith.index_cast %get3A_1220 : i32 to index
      %get3A_1223 = arith.constant 0 : index
      %get3A_1224 = tpu.vector_load %arg13[%get3A_1221, %get3A_1222, %get3A_1223] {strides = array<i32>} : memref<2x80x128xf32, #tpu.memory_space<vmem>>, vector<16xf32>,
      %get3A_1225 = arith.constant 1 : i32
      %get3A_1226 = arith.constant 40 : i32
      %get3A_1227 = arith.index_cast %get3A_1225 : i32 to index
      %get3A_1228 = arith.index_cast %get3A_1226 : i32 to index
      %get3A_1229 = arith.constant 16 : index
      %get3A_1230 = tpu.vector_load %arg13[%get3A_1227, %get3A_1228, %get3A_1229] {strides = array<i32>} : memref<2x80x128xf32, #tpu.memory_space<vmem>>, vector<16xf32>,
      %get3A_1231 = arith.constant 1 : i32
      %get3A_1232 = arith.constant 40 : i32
      %get3A_1233 = arith.index_cast %get3A_1231 : i32 to index
      %get3A_1234 = arith.index_cast %get3A_1232 : i32 to index
      %get3A_1235 = arith.constant 32 : index
      %get3A_1236 = tpu.vector_load %arg13[%get3A_1233, %get3A_1234, %get3A_1235] {strides = array<i32>} : memref<2x80x128xf32, #tpu.memory_space<vmem>>, vector<16xf32>,
      %get3A_1237 = arith.constant 1 : i32
      %get3A_1238 = arith.constant 40 : i32
      %get3A_1239 = arith.index_cast %get3A_1237 : i32 to index
      %get3A_1240 = arith.index_cast %get3A_1238 : i32 to index
      %get3A_1241 = arith.constant 48 : index
      %get3A_1242 = tpu.vector_load %arg13[%get3A_1239, %get3A_1240, %get3A_1241] {strides = array<i32>} : memref<2x80x128xf32, #tpu.memory_space<vmem>>, vector<16xf32>,
      %get3A_1243 = arith.constant 1 : i32
      %get3A_1244 = arith.constant 40 : i32
      %get3A_1245 = arith.index_cast %get3A_1243 : i32 to index
      %get3A_1246 = arith.index_cast %get3A_1244 : i32 to index
      %get3A_1247 = arith.constant 64 : index
      %get3A_1248 = tpu.vector_load %arg13[%get3A_1245, %get3A_1246, %get3A_1247] {strides = array<i32>} : memref<2x80x128xf32, #tpu.memory_space<vmem>>, vector<16xf32>,
      %get3A_1249 = arith.constant 1 : i32
      %get3A_1250 = arith.constant 40 : i32
      %get3A_1251 = arith.index_cast %get3A_1249 : i32 to index
      %get3A_1252 = arith.index_cast %get3A_1250 : i32 to index
      %get3A_1253 = arith.constant 80 : index
      %get3A_1254 = tpu.vector_load %arg13[%get3A_1251, %get3A_1252, %get3A_1253] {strides = array<i32>} : memref<2x80x128xf32, #tpu.memory_space<vmem>>, vector<16xf32>,
      %get3A_1255 = arith.constant 1 : i32
      %get3A_1256 = arith.constant 40 : i32
      %get3A_1257 = arith.index_cast %get3A_1255 : i32 to index
      %get3A_1258 = arith.index_cast %get3A_1256 : i32 to index
      %get3A_1259 = arith.constant 96 : index
      %get3A_1260 = tpu.vector_load %arg13[%get3A_1257, %get3A_1258, %get3A_1259] {strides = array<i32>} : memref<2x80x128xf32, #tpu.memory_space<vmem>>, vector<16xf32>,
      %get3A_1261 = arith.constant 1 : i32
      %get3A_1262 = arith.constant 40 : i32
      %get3A_1263 = arith.index_cast %get3A_1261 : i32 to index
      %get3A_1264 = arith.index_cast %get3A_1262 : i32 to index
      %get3A_1265 = arith.constant 112 : index
      %get3A_1266 = tpu.vector_load %arg13[%get3A_1263, %get3A_1264, %get3A_1265] {strides = array<i32>} : memref<2x80x128xf32, #tpu.memory_space<vmem>>, vector<16xf32>,
      %scan3A_1267 = arith.constant 1 : i32
      %scan3A_1268 = arith.constant 19 : i32
      %scan3A_1269 = arith.addi %scan3A_1267, %scan3A_1268 : i32
      %scan3A_1270 = arith.constant 1 : i32
      %scan3A_1271:8 = scf.for %scan3A_1468 = %scan3A_1267 to %scan3A_1269 step %scan3A_1270 iter_args(%scan3A_1469 = %get3A_1224, %scan3A_1470 = %get3A_1230, %scan3A_1471 = %get3A_1236, %scan3A_1472 = %get3A_1242, %scan3A_1473 = %get3A_1248, %scan3A_1474 = %get3A_1254, %scan3A_1475 = %get3A_1260, %scan3A_1476 = %get3A_1266) -> (vector<16xf32>, vector<16xf32>, vector<16xf32>, vector<16xf32>, vector<16xf32>, vector<16xf32>, vector<16xf32>, vector<16xf32>)  : i32 {
        %add3A_1477 = arith.constant 40 : i32
        %add3A_1478 = arith.addi %add3A_1477, %scan3A_1468 : i32
        %get3A_1479 = arith.constant 1 : i32
        %get3A_1480 = arith.index_cast %get3A_1479 : i32 to index
        %get3A_1481 = arith.index_cast %add3A_1478 : i32 to index
        %get3A_1482 = arith.constant 0 : index
        %get3A_1483 = tpu.vector_load %arg13[%get3A_1480, %get3A_1481, %get3A_1482] {strides = array<i32>} : memref<2x80x128xf32, #tpu.memory_space<vmem>>, vector<16xf32>,
        %add3A_1484 = arith.constant 40 : i32
        %add3A_1485 = arith.addi %add3A_1484, %scan3A_1468 : i32
        %get3A_1486 = arith.constant 1 : i32
        %get3A_1487 = arith.index_cast %get3A_1486 : i32 to index
        %get3A_1488 = arith.index_cast %add3A_1485 : i32 to index
        %get3A_1489 = arith.constant 16 : index
        %get3A_1490 = tpu.vector_load %arg13[%get3A_1487, %get3A_1488, %get3A_1489] {strides = array<i32>} : memref<2x80x128xf32, #tpu.memory_space<vmem>>, vector<16xf32>,
        %add3A_1491 = arith.constant 40 : i32
        %add3A_1492 = arith.addi %add3A_1491, %scan3A_1468 : i32
        %get3A_1493 = arith.constant 1 : i32
        %get3A_1494 = arith.index_cast %get3A_1493 : i32 to index
        %get3A_1495 = arith.index_cast %add3A_1492 : i32 to index
        %get3A_1496 = arith.constant 32 : index
        %get3A_1497 = tpu.vector_load %arg13[%get3A_1494, %get3A_1495, %get3A_1496] {strides = array<i32>} : memref<2x80x128xf32, #tpu.memory_space<vmem>>, vector<16xf32>,
        %add3A_1498 = arith.constant 40 : i32
        %add3A_1499 = arith.addi %add3A_1498, %scan3A_1468 : i32
        %get3A_1500 = arith.constant 1 : i32
        %get3A_1501 = arith.index_cast %get3A_1500 : i32 to index
        %get3A_1502 = arith.index_cast %add3A_1499 : i32 to index
        %get3A_1503 = arith.constant 48 : index
        %get3A_1504 = tpu.vector_load %arg13[%get3A_1501, %get3A_1502, %get3A_1503] {strides = array<i32>} : memref<2x80x128xf32, #tpu.memory_space<vmem>>, vector<16xf32>,
        %add3A_1505 = arith.constant 40 : i32
        %add3A_1506 = arith.addi %add3A_1505, %scan3A_1468 : i32
        %get3A_1507 = arith.constant 1 : i32
        %get3A_1508 = arith.index_cast %get3A_1507 : i32 to index
        %get3A_1509 = arith.index_cast %add3A_1506 : i32 to index
        %get3A_1510 = arith.constant 64 : index
        %get3A_1511 = tpu.vector_load %arg13[%get3A_1508, %get3A_1509, %get3A_1510] {strides = array<i32>} : memref<2x80x128xf32, #tpu.memory_space<vmem>>, vector<16xf32>,
        %add3A_1512 = arith.constant 40 : i32
        %add3A_1513 = arith.addi %add3A_1512, %scan3A_1468 : i32
        %get3A_1514 = arith.constant 1 : i32
        %get3A_1515 = arith.index_cast %get3A_1514 : i32 to index
        %get3A_1516 = arith.index_cast %add3A_1513 : i32 to index
        %get3A_1517 = arith.constant 80 : index
        %get3A_1518 = tpu.vector_load %arg13[%get3A_1515, %get3A_1516, %get3A_1517] {strides = array<i32>} : memref<2x80x128xf32, #tpu.memory_space<vmem>>, vector<16xf32>,
        %add3A_1519 = arith.constant 40 : i32
        %add3A_1520 = arith.addi %add3A_1519, %scan3A_1468 : i32
        %get3A_1521 = arith.constant 1 : i32
        %get3A_1522 = arith.index_cast %get3A_1521 : i32 to index
        %get3A_1523 = arith.index_cast %add3A_1520 : i32 to index
        %get3A_1524 = arith.constant 96 : index
        %get3A_1525 = tpu.vector_load %arg13[%get3A_1522, %get3A_1523, %get3A_1524] {strides = array<i32>} : memref<2x80x128xf32, #tpu.memory_space<vmem>>, vector<16xf32>,
        %add3A_1526 = arith.constant 40 : i32
        %add3A_1527 = arith.addi %add3A_1526, %scan3A_1468 : i32
        %get3A_1528 = arith.constant 1 : i32
        %get3A_1529 = arith.index_cast %get3A_1528 : i32 to index
        %get3A_1530 = arith.index_cast %add3A_1527 : i32 to index
        %get3A_1531 = arith.constant 112 : index
        %get3A_1532 = tpu.vector_load %arg13[%get3A_1529, %get3A_1530, %get3A_1531] {strides = array<i32>} : memref<2x80x128xf32, #tpu.memory_space<vmem>>, vector<16xf32>,
        %mul3A_1533 = arith.mulf %neg3A_1197, %scan3A_1469 : vector<16xf32>
        %mul3A_1534 = arith.mulf %neg3A_1200, %scan3A_1470 : vector<16xf32>
        %mul3A_1535 = arith.mulf %neg3A_1203, %scan3A_1471 : vector<16xf32>
        %mul3A_1536 = arith.mulf %neg3A_1206, %scan3A_1472 : vector<16xf32>
        %mul3A_1537 = arith.mulf %neg3A_1209, %scan3A_1473 : vector<16xf32>
        %mul3A_1538 = arith.mulf %neg3A_1212, %scan3A_1474 : vector<16xf32>
        %mul3A_1539 = arith.mulf %neg3A_1215, %scan3A_1475 : vector<16xf32>
        %mul3A_1540 = arith.mulf %neg3A_1218, %scan3A_1476 : vector<16xf32>
        %add3A_1541 = arith.addf %mul3A_1533, %mul3A_1534 : vector<16xf32>
        %add3A_1542 = arith.addf %mul3A_1535, %mul3A_1536 : vector<16xf32>
        %add3A_1543 = arith.addf %mul3A_1537, %mul3A_1538 : vector<16xf32>
        %add3A_1544 = arith.addf %mul3A_1539, %mul3A_1540 : vector<16xf32>
        %add3A_1545 = arith.addf %add3A_1541, %add3A_1542 : vector<16xf32>
        %add3A_1546 = arith.addf %add3A_1543, %add3A_1544 : vector<16xf32>
        %add3A_1547 = arith.addf %add3A_1545, %add3A_1546 : vector<16xf32>
        %add3A_1548 = arith.addi %mul3A_1130, %scan3A_1468 : i32
        %swap3A_1549 = arith.index_cast %add3A_1548 : i32 to index
        %swap3A_1550 = arith.constant 0 : index
        %swap3A_1551 = tpu.vector_load %arg14[%swap3A_1549, %swap3A_1550] {strides = array<i32>} : memref<2688x16xf32, #tpu.memory_space<vmem>>, vector<16xf32>,
        tpu.vector_store %arg14[%swap3A_1549, %swap3A_1550], %add3A_1547 {strides = array<i32>} : memref<2688x16xf32, #tpu.memory_space<vmem>>, vector<16xf32>,
        scf.yield %get3A_1483, %get3A_1490, %get3A_1497, %get3A_1504, %get3A_1511, %get3A_1518, %get3A_1525, %get3A_1532 : vector<16xf32>, vector<16xf32>, vector<16xf32>, vector<16xf32>, vector<16xf32>, vector<16xf32>, vector<16xf32>, vector<16xf32>
      }
      %scan3A_1272 = arith.constant 19 : i32
      %mul3A_1273 = arith.mulf %neg3A_1197, %scan3A_1271#0 : vector<16xf32>
      %mul3A_1274 = arith.mulf %neg3A_1200, %scan3A_1271#1 : vector<16xf32>
      %mul3A_1275 = arith.mulf %neg3A_1203, %scan3A_1271#2 : vector<16xf32>
      %mul3A_1276 = arith.mulf %neg3A_1206, %scan3A_1271#3 : vector<16xf32>
      %mul3A_1277 = arith.mulf %neg3A_1209, %scan3A_1271#4 : vector<16xf32>
      %mul3A_1278 = arith.mulf %neg3A_1212, %scan3A_1271#5 : vector<16xf32>
      %mul3A_1279 = arith.mulf %neg3A_1215, %scan3A_1271#6 : vector<16xf32>
      %mul3A_1280 = arith.mulf %neg3A_1218, %scan3A_1271#7 : vector<16xf32>
      %add3A_1281 = arith.addf %mul3A_1273, %mul3A_1274 : vector<16xf32>
      %add3A_1282 = arith.addf %mul3A_1275, %mul3A_1276 : vector<16xf32>
      %add3A_1283 = arith.addf %mul3A_1277, %mul3A_1278 : vector<16xf32>
      %add3A_1284 = arith.addf %mul3A_1279, %mul3A_1280 : vector<16xf32>
      %add3A_1285 = arith.addf %add3A_1281, %add3A_1282 : vector<16xf32>
      %add3A_1286 = arith.addf %add3A_1283, %add3A_1284 : vector<16xf32>
      %add3A_1287 = arith.addf %add3A_1285, %add3A_1286 : vector<16xf32>
      %add3A_1288 = arith.constant 20 : i32
      %add3A_1289 = arith.addi %mul3A_1130, %add3A_1288 : i32
      %swap3A_1290 = arith.index_cast %add3A_1289 : i32 to index
      %swap3A_1291 = arith.constant 0 : index
      %swap3A_1292 = tpu.vector_load %arg14[%swap3A_1290, %swap3A_1291] {strides = array<i32>} : memref<2688x16xf32, #tpu.memory_space<vmem>>, vector<16xf32>,
      tpu.vector_store %arg14[%swap3A_1290, %swap3A_1291], %add3A_1287 {strides = array<i32>} : memref<2688x16xf32, #tpu.memory_space<vmem>>, vector<16xf32>,
      %mul3A_1293 = arith.constant 4 : i32
      %mul3A_1294 = arith.muli %add3A_762, %mul3A_1293 : i32
      %add3A_1295 = arith.constant 3 : i32
      %add3A_1296 = arith.addi %mul3A_1294, %add3A_1295 : i32
      %mul3A_1297 = arith.constant 21 : i32
      %mul3A_1298 = arith.muli %add3A_1296, %mul3A_1297 : i32
      %broadcast_in_dim3A_1299 = arith.constant 0.000000e+00 : f32
      %broadcast_in_dim3A_1300 = vector.broadcast %broadcast_in_dim3A_1299 : f32 to vector<16xf32>
      %broadcast_in_dim3A_1301 = arith.constant 0.000000e+00 : f32
      %broadcast_in_dim3A_1302 = vector.broadcast %broadcast_in_dim3A_1301 : f32 to vector<16xf32>
      %broadcast_in_dim3A_1303 = arith.constant 0.000000e+00 : f32
      %broadcast_in_dim3A_1304 = vector.broadcast %broadcast_in_dim3A_1303 : f32 to vector<16xf32>
      %broadcast_in_dim3A_1305 = arith.constant 0.000000e+00 : f32
      %broadcast_in_dim3A_1306 = vector.broadcast %broadcast_in_dim3A_1305 : f32 to vector<16xf32>
      %broadcast_in_dim3A_1307 = arith.constant 0.000000e+00 : f32
      %broadcast_in_dim3A_1308 = vector.broadcast %broadcast_in_dim3A_1307 : f32 to vector<16xf32>
      %broadcast_in_dim3A_1309 = arith.constant 0.000000e+00 : f32
      %broadcast_in_dim3A_1310 = vector.broadcast %broadcast_in_dim3A_1309 : f32 to vector<16xf32>
      %broadcast_in_dim3A_1311 = arith.constant 0.000000e+00 : f32
      %broadcast_in_dim3A_1312 = vector.broadcast %broadcast_in_dim3A_1311 : f32 to vector<16xf32>
      %broadcast_in_dim3A_1313 = arith.constant 0.000000e+00 : f32
      %broadcast_in_dim3A_1314 = vector.broadcast %broadcast_in_dim3A_1313 : f32 to vector<16xf32>
      %scan3A_1315 = arith.constant 0 : i32
      %scan3A_1316 = arith.constant 20 : i32
      %scan3A_1317 = arith.addi %scan3A_1315, %scan3A_1316 : i32
      %scan3A_1318 = arith.constant 5 : i32
      %scan3A_1319:8 = scf.for %scan3A_1468 = %scan3A_1315 to %scan3A_1317 step %scan3A_1318 iter_args(%scan3A_1469 = %broadcast_in_dim3A_1300, %scan3A_1470 = %broadcast_in_dim3A_1302, %scan3A_1471 = %broadcast_in_dim3A_1304, %scan3A_1472 = %broadcast_in_dim3A_1306, %scan3A_1473 = %broadcast_in_dim3A_1308, %scan3A_1474 = %broadcast_in_dim3A_1310, %scan3A_1475 = %broadcast_in_dim3A_1312, %scan3A_1476 = %broadcast_in_dim3A_1314) -> (vector<16xf32>, vector<16xf32>, vector<16xf32>, vector<16xf32>, vector<16xf32>, vector<16xf32>, vector<16xf32>, vector<16xf32>)  : i32 {
        %add3A_1477 = arith.constant 60 : i32
        %add3A_1478 = arith.addi %add3A_1477, %scan3A_1468 : i32
        %get3A_1479 = arith.constant 1 : i32
        %get3A_1480 = arith.index_cast %get3A_1479 : i32 to index
        %get3A_1481 = arith.index_cast %add3A_1478 : i32 to index
        %get3A_1482 = arith.constant 0 : index
        %get3A_1483 = tpu.vector_load %arg12[%get3A_1480, %get3A_1481, %get3A_1482] {strides = array<i32>} : memref<2x80x128xf32, #tpu.memory_space<vmem>>, vector<16xf32>,
        %add3A_1484 = arith.addf %scan3A_1469, %get3A_1483 : vector<16xf32>
        %add3A_1485 = arith.constant 60 : i32
        %add3A_1486 = arith.addi %add3A_1485, %scan3A_1468 : i32
        %get3A_1487 = arith.constant 1 : i32
        %get3A_1488 = arith.index_cast %get3A_1487 : i32 to index
        %get3A_1489 = arith.index_cast %add3A_1486 : i32 to index
        %get3A_1490 = arith.constant 16 : index
        %get3A_1491 = tpu.vector_load %arg12[%get3A_1488, %get3A_1489, %get3A_1490] {strides = array<i32>} : memref<2x80x128xf32, #tpu.memory_space<vmem>>, vector<16xf32>,
        %add3A_1492 = arith.addf %scan3A_1470, %get3A_1491 : vector<16xf32>
        %add3A_1493 = arith.constant 60 : i32
        %add3A_1494 = arith.addi %add3A_1493, %scan3A_1468 : i32
        %get3A_1495 = arith.constant 1 : i32
        %get3A_1496 = arith.index_cast %get3A_1495 : i32 to index
        %get3A_1497 = arith.index_cast %add3A_1494 : i32 to index
        %get3A_1498 = arith.constant 32 : index
        %get3A_1499 = tpu.vector_load %arg12[%get3A_1496, %get3A_1497, %get3A_1498] {strides = array<i32>} : memref<2x80x128xf32, #tpu.memory_space<vmem>>, vector<16xf32>,
        %add3A_1500 = arith.addf %scan3A_1471, %get3A_1499 : vector<16xf32>
        %add3A_1501 = arith.constant 60 : i32
        %add3A_1502 = arith.addi %add3A_1501, %scan3A_1468 : i32
        %get3A_1503 = arith.constant 1 : i32
        %get3A_1504 = arith.index_cast %get3A_1503 : i32 to index
        %get3A_1505 = arith.index_cast %add3A_1502 : i32 to index
        %get3A_1506 = arith.constant 48 : index
        %get3A_1507 = tpu.vector_load %arg12[%get3A_1504, %get3A_1505, %get3A_1506] {strides = array<i32>} : memref<2x80x128xf32, #tpu.memory_space<vmem>>, vector<16xf32>,
        %add3A_1508 = arith.addf %scan3A_1472, %get3A_1507 : vector<16xf32>
        %add3A_1509 = arith.constant 60 : i32
        %add3A_1510 = arith.addi %add3A_1509, %scan3A_1468 : i32
        %get3A_1511 = arith.constant 1 : i32
        %get3A_1512 = arith.index_cast %get3A_1511 : i32 to index
        %get3A_1513 = arith.index_cast %add3A_1510 : i32 to index
        %get3A_1514 = arith.constant 64 : index
        %get3A_1515 = tpu.vector_load %arg12[%get3A_1512, %get3A_1513, %get3A_1514] {strides = array<i32>} : memref<2x80x128xf32, #tpu.memory_space<vmem>>, vector<16xf32>,
        %add3A_1516 = arith.addf %scan3A_1473, %get3A_1515 : vector<16xf32>
        %add3A_1517 = arith.constant 60 : i32
        %add3A_1518 = arith.addi %add3A_1517, %scan3A_1468 : i32
        %get3A_1519 = arith.constant 1 : i32
        %get3A_1520 = arith.index_cast %get3A_1519 : i32 to index
        %get3A_1521 = arith.index_cast %add3A_1518 : i32 to index
        %get3A_1522 = arith.constant 80 : index
        %get3A_1523 = tpu.vector_load %arg12[%get3A_1520, %get3A_1521, %get3A_1522] {strides = array<i32>} : memref<2x80x128xf32, #tpu.memory_space<vmem>>, vector<16xf32>,
        %add3A_1524 = arith.addf %scan3A_1474, %get3A_1523 : vector<16xf32>
        %add3A_1525 = arith.constant 60 : i32
        %add3A_1526 = arith.addi %add3A_1525, %scan3A_1468 : i32
        %get3A_1527 = arith.constant 1 : i32
        %get3A_1528 = arith.index_cast %get3A_1527 : i32 to index
        %get3A_1529 = arith.index_cast %add3A_1526 : i32 to index
        %get3A_1530 = arith.constant 96 : index
        %get3A_1531 = tpu.vector_load %arg12[%get3A_1528, %get3A_1529, %get3A_1530] {strides = array<i32>} : memref<2x80x128xf32, #tpu.memory_space<vmem>>, vector<16xf32>,
        %add3A_1532 = arith.addf %scan3A_1475, %get3A_1531 : vector<16xf32>
        %add3A_1533 = arith.constant 60 : i32
        %add3A_1534 = arith.addi %add3A_1533, %scan3A_1468 : i32
        %get3A_1535 = arith.constant 1 : i32
        %get3A_1536 = arith.index_cast %get3A_1535 : i32 to index
        %get3A_1537 = arith.index_cast %add3A_1534 : i32 to index
        %get3A_1538 = arith.constant 112 : index
        %get3A_1539 = tpu.vector_load %arg12[%get3A_1536, %get3A_1537, %get3A_1538] {strides = array<i32>} : memref<2x80x128xf32, #tpu.memory_space<vmem>>, vector<16xf32>,
        %add3A_1540 = arith.addf %scan3A_1476, %get3A_1539 : vector<16xf32>
        %scan3A_1541 = arith.constant 1 : i32
        %scan3A_1542 = arith.addi %scan3A_1468, %scan3A_1541 : i32
        %add3A_1543 = arith.constant 60 : i32
        %add3A_1544 = arith.addi %add3A_1543, %scan3A_1542 : i32
        %get3A_1545 = arith.constant 1 : i32
        %get3A_1546 = arith.index_cast %get3A_1545 : i32 to index
        %get3A_1547 = arith.index_cast %add3A_1544 : i32 to index
        %get3A_1548 = arith.constant 0 : index
        %get3A_1549 = tpu.vector_load %arg12[%get3A_1546, %get3A_1547, %get3A_1548] {strides = array<i32>} : memref<2x80x128xf32, #tpu.memory_space<vmem>>, vector<16xf32>,
        %add3A_1550 = arith.addf %add3A_1484, %get3A_1549 : vector<16xf32>
        %add3A_1551 = arith.constant 60 : i32
        %add3A_1552 = arith.addi %add3A_1551, %scan3A_1542 : i32
        %get3A_1553 = arith.constant 1 : i32
        %get3A_1554 = arith.index_cast %get3A_1553 : i32 to index
        %get3A_1555 = arith.index_cast %add3A_1552 : i32 to index
        %get3A_1556 = arith.constant 16 : index
        %get3A_1557 = tpu.vector_load %arg12[%get3A_1554, %get3A_1555, %get3A_1556] {strides = array<i32>} : memref<2x80x128xf32, #tpu.memory_space<vmem>>, vector<16xf32>,
        %add3A_1558 = arith.addf %add3A_1492, %get3A_1557 : vector<16xf32>
        %add3A_1559 = arith.constant 60 : i32
        %add3A_1560 = arith.addi %add3A_1559, %scan3A_1542 : i32
        %get3A_1561 = arith.constant 1 : i32
        %get3A_1562 = arith.index_cast %get3A_1561 : i32 to index
        %get3A_1563 = arith.index_cast %add3A_1560 : i32 to index
        %get3A_1564 = arith.constant 32 : index
        %get3A_1565 = tpu.vector_load %arg12[%get3A_1562, %get3A_1563, %get3A_1564] {strides = array<i32>} : memref<2x80x128xf32, #tpu.memory_space<vmem>>, vector<16xf32>,
        %add3A_1566 = arith.addf %add3A_1500, %get3A_1565 : vector<16xf32>
        %add3A_1567 = arith.constant 60 : i32
        %add3A_1568 = arith.addi %add3A_1567, %scan3A_1542 : i32
        %get3A_1569 = arith.constant 1 : i32
        %get3A_1570 = arith.index_cast %get3A_1569 : i32 to index
        %get3A_1571 = arith.index_cast %add3A_1568 : i32 to index
        %get3A_1572 = arith.constant 48 : index
        %get3A_1573 = tpu.vector_load %arg12[%get3A_1570, %get3A_1571, %get3A_1572] {strides = array<i32>} : memref<2x80x128xf32, #tpu.memory_space<vmem>>, vector<16xf32>,
        %add3A_1574 = arith.addf %add3A_1508, %get3A_1573 : vector<16xf32>
        %add3A_1575 = arith.constant 60 : i32
        %add3A_1576 = arith.addi %add3A_1575, %scan3A_1542 : i32
        %get3A_1577 = arith.constant 1 : i32
        %get3A_1578 = arith.index_cast %get3A_1577 : i32 to index
        %get3A_1579 = arith.index_cast %add3A_1576 : i32 to index
        %get3A_1580 = arith.constant 64 : index
        %get3A_1581 = tpu.vector_load %arg12[%get3A_1578, %get3A_1579, %get3A_1580] {strides = array<i32>} : memref<2x80x128xf32, #tpu.memory_space<vmem>>, vector<16xf32>,
        %add3A_1582 = arith.addf %add3A_1516, %get3A_1581 : vector<16xf32>
        %add3A_1583 = arith.constant 60 : i32
        %add3A_1584 = arith.addi %add3A_1583, %scan3A_1542 : i32
        %get3A_1585 = arith.constant 1 : i32
        %get3A_1586 = arith.index_cast %get3A_1585 : i32 to index
        %get3A_1587 = arith.index_cast %add3A_1584 : i32 to index
        %get3A_1588 = arith.constant 80 : index
        %get3A_1589 = tpu.vector_load %arg12[%get3A_1586, %get3A_1587, %get3A_1588] {strides = array<i32>} : memref<2x80x128xf32, #tpu.memory_space<vmem>>, vector<16xf32>,
        %add3A_1590 = arith.addf %add3A_1524, %get3A_1589 : vector<16xf32>
        %add3A_1591 = arith.constant 60 : i32
        %add3A_1592 = arith.addi %add3A_1591, %scan3A_1542 : i32
        %get3A_1593 = arith.constant 1 : i32
        %get3A_1594 = arith.index_cast %get3A_1593 : i32 to index
        %get3A_1595 = arith.index_cast %add3A_1592 : i32 to index
        %get3A_1596 = arith.constant 96 : index
        %get3A_1597 = tpu.vector_load %arg12[%get3A_1594, %get3A_1595, %get3A_1596] {strides = array<i32>} : memref<2x80x128xf32, #tpu.memory_space<vmem>>, vector<16xf32>,
        %add3A_1598 = arith.addf %add3A_1532, %get3A_1597 : vector<16xf32>
        %add3A_1599 = arith.constant 60 : i32
        %add3A_1600 = arith.addi %add3A_1599, %scan3A_1542 : i32
        %get3A_1601 = arith.constant 1 : i32
        %get3A_1602 = arith.index_cast %get3A_1601 : i32 to index
        %get3A_1603 = arith.index_cast %add3A_1600 : i32 to index
        %get3A_1604 = arith.constant 112 : index
        %get3A_1605 = tpu.vector_load %arg12[%get3A_1602, %get3A_1603, %get3A_1604] {strides = array<i32>} : memref<2x80x128xf32, #tpu.memory_space<vmem>>, vector<16xf32>,
        %add3A_1606 = arith.addf %add3A_1540, %get3A_1605 : vector<16xf32>
        %scan3A_1607 = arith.constant 2 : i32
        %scan3A_1608 = arith.addi %scan3A_1468, %scan3A_1607 : i32
        %add3A_1609 = arith.constant 60 : i32
        %add3A_1610 = arith.addi %add3A_1609, %scan3A_1608 : i32
        %get3A_1611 = arith.constant 1 : i32
        %get3A_1612 = arith.index_cast %get3A_1611 : i32 to index
        %get3A_1613 = arith.index_cast %add3A_1610 : i32 to index
        %get3A_1614 = arith.constant 0 : index
        %get3A_1615 = tpu.vector_load %arg12[%get3A_1612, %get3A_1613, %get3A_1614] {strides = array<i32>} : memref<2x80x128xf32, #tpu.memory_space<vmem>>, vector<16xf32>,
        %add3A_1616 = arith.addf %add3A_1550, %get3A_1615 : vector<16xf32>
        %add3A_1617 = arith.constant 60 : i32
        %add3A_1618 = arith.addi %add3A_1617, %scan3A_1608 : i32
        %get3A_1619 = arith.constant 1 : i32
        %get3A_1620 = arith.index_cast %get3A_1619 : i32 to index
        %get3A_1621 = arith.index_cast %add3A_1618 : i32 to index
        %get3A_1622 = arith.constant 16 : index
        %get3A_1623 = tpu.vector_load %arg12[%get3A_1620, %get3A_1621, %get3A_1622] {strides = array<i32>} : memref<2x80x128xf32, #tpu.memory_space<vmem>>, vector<16xf32>,
        %add3A_1624 = arith.addf %add3A_1558, %get3A_1623 : vector<16xf32>
        %add3A_1625 = arith.constant 60 : i32
        %add3A_1626 = arith.addi %add3A_1625, %scan3A_1608 : i32
        %get3A_1627 = arith.constant 1 : i32
        %get3A_1628 = arith.index_cast %get3A_1627 : i32 to index
        %get3A_1629 = arith.index_cast %add3A_1626 : i32 to index
        %get3A_1630 = arith.constant 32 : index
        %get3A_1631 = tpu.vector_load %arg12[%get3A_1628, %get3A_1629, %get3A_1630] {strides = array<i32>} : memref<2x80x128xf32, #tpu.memory_space<vmem>>, vector<16xf32>,
        %add3A_1632 = arith.addf %add3A_1566, %get3A_1631 : vector<16xf32>
        %add3A_1633 = arith.constant 60 : i32
        %add3A_1634 = arith.addi %add3A_1633, %scan3A_1608 : i32
        %get3A_1635 = arith.constant 1 : i32
        %get3A_1636 = arith.index_cast %get3A_1635 : i32 to index
        %get3A_1637 = arith.index_cast %add3A_1634 : i32 to index
        %get3A_1638 = arith.constant 48 : index
        %get3A_1639 = tpu.vector_load %arg12[%get3A_1636, %get3A_1637, %get3A_1638] {strides = array<i32>} : memref<2x80x128xf32, #tpu.memory_space<vmem>>, vector<16xf32>,
        %add3A_1640 = arith.addf %add3A_1574, %get3A_1639 : vector<16xf32>
        %add3A_1641 = arith.constant 60 : i32
        %add3A_1642 = arith.addi %add3A_1641, %scan3A_1608 : i32
        %get3A_1643 = arith.constant 1 : i32
        %get3A_1644 = arith.index_cast %get3A_1643 : i32 to index
        %get3A_1645 = arith.index_cast %add3A_1642 : i32 to index
        %get3A_1646 = arith.constant 64 : index
        %get3A_1647 = tpu.vector_load %arg12[%get3A_1644, %get3A_1645, %get3A_1646] {strides = array<i32>} : memref<2x80x128xf32, #tpu.memory_space<vmem>>, vector<16xf32>,
        %add3A_1648 = arith.addf %add3A_1582, %get3A_1647 : vector<16xf32>
        %add3A_1649 = arith.constant 60 : i32
        %add3A_1650 = arith.addi %add3A_1649, %scan3A_1608 : i32
        %get3A_1651 = arith.constant 1 : i32
        %get3A_1652 = arith.index_cast %get3A_1651 : i32 to index
        %get3A_1653 = arith.index_cast %add3A_1650 : i32 to index
        %get3A_1654 = arith.constant 80 : index
        %get3A_1655 = tpu.vector_load %arg12[%get3A_1652, %get3A_1653, %get3A_1654] {strides = array<i32>} : memref<2x80x128xf32, #tpu.memory_space<vmem>>, vector<16xf32>,
        %add3A_1656 = arith.addf %add3A_1590, %get3A_1655 : vector<16xf32>
        %add3A_1657 = arith.constant 60 : i32
        %add3A_1658 = arith.addi %add3A_1657, %scan3A_1608 : i32
        %get3A_1659 = arith.constant 1 : i32
        %get3A_1660 = arith.index_cast %get3A_1659 : i32 to index
        %get3A_1661 = arith.index_cast %add3A_1658 : i32 to index
        %get3A_1662 = arith.constant 96 : index
        %get3A_1663 = tpu.vector_load %arg12[%get3A_1660, %get3A_1661, %get3A_1662] {strides = array<i32>} : memref<2x80x128xf32, #tpu.memory_space<vmem>>, vector<16xf32>,
        %add3A_1664 = arith.addf %add3A_1598, %get3A_1663 : vector<16xf32>
        %add3A_1665 = arith.constant 60 : i32
        %add3A_1666 = arith.addi %add3A_1665, %scan3A_1608 : i32
        %get3A_1667 = arith.constant 1 : i32
        %get3A_1668 = arith.index_cast %get3A_1667 : i32 to index
        %get3A_1669 = arith.index_cast %add3A_1666 : i32 to index
        %get3A_1670 = arith.constant 112 : index
        %get3A_1671 = tpu.vector_load %arg12[%get3A_1668, %get3A_1669, %get3A_1670] {strides = array<i32>} : memref<2x80x128xf32, #tpu.memory_space<vmem>>, vector<16xf32>,
        %add3A_1672 = arith.addf %add3A_1606, %get3A_1671 : vector<16xf32>
        %scan3A_1673 = arith.constant 3 : i32
        %scan3A_1674 = arith.addi %scan3A_1468, %scan3A_1673 : i32
        %add3A_1675 = arith.constant 60 : i32
        %add3A_1676 = arith.addi %add3A_1675, %scan3A_1674 : i32
        %get3A_1677 = arith.constant 1 : i32
        %get3A_1678 = arith.index_cast %get3A_1677 : i32 to index
        %get3A_1679 = arith.index_cast %add3A_1676 : i32 to index
        %get3A_1680 = arith.constant 0 : index
        %get3A_1681 = tpu.vector_load %arg12[%get3A_1678, %get3A_1679, %get3A_1680] {strides = array<i32>} : memref<2x80x128xf32, #tpu.memory_space<vmem>>, vector<16xf32>,
        %add3A_1682 = arith.addf %add3A_1616, %get3A_1681 : vector<16xf32>
        %add3A_1683 = arith.constant 60 : i32
        %add3A_1684 = arith.addi %add3A_1683, %scan3A_1674 : i32
        %get3A_1685 = arith.constant 1 : i32
        %get3A_1686 = arith.index_cast %get3A_1685 : i32 to index
        %get3A_1687 = arith.index_cast %add3A_1684 : i32 to index
        %get3A_1688 = arith.constant 16 : index
        %get3A_1689 = tpu.vector_load %arg12[%get3A_1686, %get3A_1687, %get3A_1688] {strides = array<i32>} : memref<2x80x128xf32, #tpu.memory_space<vmem>>, vector<16xf32>,
        %add3A_1690 = arith.addf %add3A_1624, %get3A_1689 : vector<16xf32>
        %add3A_1691 = arith.constant 60 : i32
        %add3A_1692 = arith.addi %add3A_1691, %scan3A_1674 : i32
        %get3A_1693 = arith.constant 1 : i32
        %get3A_1694 = arith.index_cast %get3A_1693 : i32 to index
        %get3A_1695 = arith.index_cast %add3A_1692 : i32 to index
        %get3A_1696 = arith.constant 32 : index
        %get3A_1697 = tpu.vector_load %arg12[%get3A_1694, %get3A_1695, %get3A_1696] {strides = array<i32>} : memref<2x80x128xf32, #tpu.memory_space<vmem>>, vector<16xf32>,
        %add3A_1698 = arith.addf %add3A_1632, %get3A_1697 : vector<16xf32>
        %add3A_1699 = arith.constant 60 : i32
        %add3A_1700 = arith.addi %add3A_1699, %scan3A_1674 : i32
        %get3A_1701 = arith.constant 1 : i32
        %get3A_1702 = arith.index_cast %get3A_1701 : i32 to index
        %get3A_1703 = arith.index_cast %add3A_1700 : i32 to index
        %get3A_1704 = arith.constant 48 : index
        %get3A_1705 = tpu.vector_load %arg12[%get3A_1702, %get3A_1703, %get3A_1704] {strides = array<i32>} : memref<2x80x128xf32, #tpu.memory_space<vmem>>, vector<16xf32>,
        %add3A_1706 = arith.addf %add3A_1640, %get3A_1705 : vector<16xf32>
        %add3A_1707 = arith.constant 60 : i32
        %add3A_1708 = arith.addi %add3A_1707, %scan3A_1674 : i32
        %get3A_1709 = arith.constant 1 : i32
        %get3A_1710 = arith.index_cast %get3A_1709 : i32 to index
        %get3A_1711 = arith.index_cast %add3A_1708 : i32 to index
        %get3A_1712 = arith.constant 64 : index
        %get3A_1713 = tpu.vector_load %arg12[%get3A_1710, %get3A_1711, %get3A_1712] {strides = array<i32>} : memref<2x80x128xf32, #tpu.memory_space<vmem>>, vector<16xf32>,
        %add3A_1714 = arith.addf %add3A_1648, %get3A_1713 : vector<16xf32>
        %add3A_1715 = arith.constant 60 : i32
        %add3A_1716 = arith.addi %add3A_1715, %scan3A_1674 : i32
        %get3A_1717 = arith.constant 1 : i32
        %get3A_1718 = arith.index_cast %get3A_1717 : i32 to index
        %get3A_1719 = arith.index_cast %add3A_1716 : i32 to index
        %get3A_1720 = arith.constant 80 : index
        %get3A_1721 = tpu.vector_load %arg12[%get3A_1718, %get3A_1719, %get3A_1720] {strides = array<i32>} : memref<2x80x128xf32, #tpu.memory_space<vmem>>, vector<16xf32>,
        %add3A_1722 = arith.addf %add3A_1656, %get3A_1721 : vector<16xf32>
        %add3A_1723 = arith.constant 60 : i32
        %add3A_1724 = arith.addi %add3A_1723, %scan3A_1674 : i32
        %get3A_1725 = arith.constant 1 : i32
        %get3A_1726 = arith.index_cast %get3A_1725 : i32 to index
        %get3A_1727 = arith.index_cast %add3A_1724 : i32 to index
        %get3A_1728 = arith.constant 96 : index
        %get3A_1729 = tpu.vector_load %arg12[%get3A_1726, %get3A_1727, %get3A_1728] {strides = array<i32>} : memref<2x80x128xf32, #tpu.memory_space<vmem>>, vector<16xf32>,
        %add3A_1730 = arith.addf %add3A_1664, %get3A_1729 : vector<16xf32>
        %add3A_1731 = arith.constant 60 : i32
        %add3A_1732 = arith.addi %add3A_1731, %scan3A_1674 : i32
        %get3A_1733 = arith.constant 1 : i32
        %get3A_1734 = arith.index_cast %get3A_1733 : i32 to index
        %get3A_1735 = arith.index_cast %add3A_1732 : i32 to index
        %get3A_1736 = arith.constant 112 : index
        %get3A_1737 = tpu.vector_load %arg12[%get3A_1734, %get3A_1735, %get3A_1736] {strides = array<i32>} : memref<2x80x128xf32, #tpu.memory_space<vmem>>, vector<16xf32>,
        %add3A_1738 = arith.addf %add3A_1672, %get3A_1737 : vector<16xf32>
        %scan3A_1739 = arith.constant 4 : i32
        %scan3A_1740 = arith.addi %scan3A_1468, %scan3A_1739 : i32
        %add3A_1741 = arith.constant 60 : i32
        %add3A_1742 = arith.addi %add3A_1741, %scan3A_1740 : i32
        %get3A_1743 = arith.constant 1 : i32
        %get3A_1744 = arith.index_cast %get3A_1743 : i32 to index
        %get3A_1745 = arith.index_cast %add3A_1742 : i32 to index
        %get3A_1746 = arith.constant 0 : index
        %get3A_1747 = tpu.vector_load %arg12[%get3A_1744, %get3A_1745, %get3A_1746] {strides = array<i32>} : memref<2x80x128xf32, #tpu.memory_space<vmem>>, vector<16xf32>,
        %add3A_1748 = arith.addf %add3A_1682, %get3A_1747 : vector<16xf32>
        %add3A_1749 = arith.constant 60 : i32
        %add3A_1750 = arith.addi %add3A_1749, %scan3A_1740 : i32
        %get3A_1751 = arith.constant 1 : i32
        %get3A_1752 = arith.index_cast %get3A_1751 : i32 to index
        %get3A_1753 = arith.index_cast %add3A_1750 : i32 to index
        %get3A_1754 = arith.constant 16 : index
        %get3A_1755 = tpu.vector_load %arg12[%get3A_1752, %get3A_1753, %get3A_1754] {strides = array<i32>} : memref<2x80x128xf32, #tpu.memory_space<vmem>>, vector<16xf32>,
        %add3A_1756 = arith.addf %add3A_1690, %get3A_1755 : vector<16xf32>
        %add3A_1757 = arith.constant 60 : i32
        %add3A_1758 = arith.addi %add3A_1757, %scan3A_1740 : i32
        %get3A_1759 = arith.constant 1 : i32
        %get3A_1760 = arith.index_cast %get3A_1759 : i32 to index
        %get3A_1761 = arith.index_cast %add3A_1758 : i32 to index
        %get3A_1762 = arith.constant 32 : index
        %get3A_1763 = tpu.vector_load %arg12[%get3A_1760, %get3A_1761, %get3A_1762] {strides = array<i32>} : memref<2x80x128xf32, #tpu.memory_space<vmem>>, vector<16xf32>,
        %add3A_1764 = arith.addf %add3A_1698, %get3A_1763 : vector<16xf32>
        %add3A_1765 = arith.constant 60 : i32
        %add3A_1766 = arith.addi %add3A_1765, %scan3A_1740 : i32
        %get3A_1767 = arith.constant 1 : i32
        %get3A_1768 = arith.index_cast %get3A_1767 : i32 to index
        %get3A_1769 = arith.index_cast %add3A_1766 : i32 to index
        %get3A_1770 = arith.constant 48 : index
        %get3A_1771 = tpu.vector_load %arg12[%get3A_1768, %get3A_1769, %get3A_1770] {strides = array<i32>} : memref<2x80x128xf32, #tpu.memory_space<vmem>>, vector<16xf32>,
        %add3A_1772 = arith.addf %add3A_1706, %get3A_1771 : vector<16xf32>
        %add3A_1773 = arith.constant 60 : i32
        %add3A_1774 = arith.addi %add3A_1773, %scan3A_1740 : i32
        %get3A_1775 = arith.constant 1 : i32
        %get3A_1776 = arith.index_cast %get3A_1775 : i32 to index
        %get3A_1777 = arith.index_cast %add3A_1774 : i32 to index
        %get3A_1778 = arith.constant 64 : index
        %get3A_1779 = tpu.vector_load %arg12[%get3A_1776, %get3A_1777, %get3A_1778] {strides = array<i32>} : memref<2x80x128xf32, #tpu.memory_space<vmem>>, vector<16xf32>,
        %add3A_1780 = arith.addf %add3A_1714, %get3A_1779 : vector<16xf32>
        %add3A_1781 = arith.constant 60 : i32
        %add3A_1782 = arith.addi %add3A_1781, %scan3A_1740 : i32
        %get3A_1783 = arith.constant 1 : i32
        %get3A_1784 = arith.index_cast %get3A_1783 : i32 to index
        %get3A_1785 = arith.index_cast %add3A_1782 : i32 to index
        %get3A_1786 = arith.constant 80 : index
        %get3A_1787 = tpu.vector_load %arg12[%get3A_1784, %get3A_1785, %get3A_1786] {strides = array<i32>} : memref<2x80x128xf32, #tpu.memory_space<vmem>>, vector<16xf32>,
        %add3A_1788 = arith.addf %add3A_1722, %get3A_1787 : vector<16xf32>
        %add3A_1789 = arith.constant 60 : i32
        %add3A_1790 = arith.addi %add3A_1789, %scan3A_1740 : i32
        %get3A_1791 = arith.constant 1 : i32
        %get3A_1792 = arith.index_cast %get3A_1791 : i32 to index
        %get3A_1793 = arith.index_cast %add3A_1790 : i32 to index
        %get3A_1794 = arith.constant 96 : index
        %get3A_1795 = tpu.vector_load %arg12[%get3A_1792, %get3A_1793, %get3A_1794] {strides = array<i32>} : memref<2x80x128xf32, #tpu.memory_space<vmem>>, vector<16xf32>,
        %add3A_1796 = arith.addf %add3A_1730, %get3A_1795 : vector<16xf32>
        %add3A_1797 = arith.constant 60 : i32
        %add3A_1798 = arith.addi %add3A_1797, %scan3A_1740 : i32
        %get3A_1799 = arith.constant 1 : i32
        %get3A_1800 = arith.index_cast %get3A_1799 : i32 to index
        %get3A_1801 = arith.index_cast %add3A_1798 : i32 to index
        %get3A_1802 = arith.constant 112 : index
        %get3A_1803 = tpu.vector_load %arg12[%get3A_1800, %get3A_1801, %get3A_1802] {strides = array<i32>} : memref<2x80x128xf32, #tpu.memory_space<vmem>>, vector<16xf32>,
        %add3A_1804 = arith.addf %add3A_1738, %get3A_1803 : vector<16xf32>
        scf.yield %add3A_1748, %add3A_1756, %add3A_1764, %add3A_1772, %add3A_1780, %add3A_1788, %add3A_1796, %add3A_1804 : vector<16xf32>, vector<16xf32>, vector<16xf32>, vector<16xf32>, vector<16xf32>, vector<16xf32>, vector<16xf32>, vector<16xf32>
      }
      %scan3A_1320 = arith.constant 20 : i32
      %get3A_1321 = arith.index_cast %add3A_1296 : i32 to index
      %get3A_1322 = arith.constant 0 : index
      %get3A_1323 = tpu.vector_load %arg11[%get3A_1321, %get3A_1322] {strides = array<i32>} : memref<128x128xf32, #tpu.memory_space<vmem>>, vector<16xf32>,
      %get3A_1324 = arith.index_cast %add3A_1296 : i32 to index
      %get3A_1325 = arith.constant 16 : index
      %get3A_1326 = tpu.vector_load %arg11[%get3A_1324, %get3A_1325] {strides = array<i32>} : memref<128x128xf32, #tpu.memory_space<vmem>>, vector<16xf32>,
      %get3A_1327 = arith.index_cast %add3A_1296 : i32 to index
      %get3A_1328 = arith.constant 32 : index
      %get3A_1329 = tpu.vector_load %arg11[%get3A_1327, %get3A_1328] {strides = array<i32>} : memref<128x128xf32, #tpu.memory_space<vmem>>, vector<16xf32>,
      %get3A_1330 = arith.index_cast %add3A_1296 : i32 to index
      %get3A_1331 = arith.constant 48 : index
      %get3A_1332 = tpu.vector_load %arg11[%get3A_1330, %get3A_1331] {strides = array<i32>} : memref<128x128xf32, #tpu.memory_space<vmem>>, vector<16xf32>,
      %get3A_1333 = arith.index_cast %add3A_1296 : i32 to index
      %get3A_1334 = arith.constant 64 : index
      %get3A_1335 = tpu.vector_load %arg11[%get3A_1333, %get3A_1334] {strides = array<i32>} : memref<128x128xf32, #tpu.memory_space<vmem>>, vector<16xf32>,
      %get3A_1336 = arith.index_cast %add3A_1296 : i32 to index
      %get3A_1337 = arith.constant 80 : index
      %get3A_1338 = tpu.vector_load %arg11[%get3A_1336, %get3A_1337] {strides = array<i32>} : memref<128x128xf32, #tpu.memory_space<vmem>>, vector<16xf32>,
      %get3A_1339 = arith.index_cast %add3A_1296 : i32 to index
      %get3A_1340 = arith.constant 96 : index
      %get3A_1341 = tpu.vector_load %arg11[%get3A_1339, %get3A_1340] {strides = array<i32>} : memref<128x128xf32, #tpu.memory_space<vmem>>, vector<16xf32>,
      %get3A_1342 = arith.index_cast %add3A_1296 : i32 to index
      %get3A_1343 = arith.constant 112 : index
      %get3A_1344 = tpu.vector_load %arg11[%get3A_1342, %get3A_1343] {strides = array<i32>} : memref<128x128xf32, #tpu.memory_space<vmem>>, vector<16xf32>,
      %mul3A_1345 = arith.mulf %scan3A_1319#0, %get3A_1323 : vector<16xf32>
      %mul3A_1346 = arith.mulf %scan3A_1319#1, %get3A_1326 : vector<16xf32>
      %mul3A_1347 = arith.mulf %scan3A_1319#2, %get3A_1329 : vector<16xf32>
      %mul3A_1348 = arith.mulf %scan3A_1319#3, %get3A_1332 : vector<16xf32>
      %mul3A_1349 = arith.mulf %scan3A_1319#4, %get3A_1335 : vector<16xf32>
      %mul3A_1350 = arith.mulf %scan3A_1319#5, %get3A_1338 : vector<16xf32>
      %mul3A_1351 = arith.mulf %scan3A_1319#6, %get3A_1341 : vector<16xf32>
      %mul3A_1352 = arith.mulf %scan3A_1319#7, %get3A_1344 : vector<16xf32>
      %add3A_1353 = arith.addf %mul3A_1345, %mul3A_1346 : vector<16xf32>
      %add3A_1354 = arith.addf %mul3A_1347, %mul3A_1348 : vector<16xf32>
      %add3A_1355 = arith.addf %mul3A_1349, %mul3A_1350 : vector<16xf32>
      %add3A_1356 = arith.addf %mul3A_1351, %mul3A_1352 : vector<16xf32>
      %add3A_1357 = arith.addf %add3A_1353, %add3A_1354 : vector<16xf32>
      %add3A_1358 = arith.addf %add3A_1355, %add3A_1356 : vector<16xf32>
      %add3A_1359 = arith.addf %add3A_1357, %add3A_1358 : vector<16xf32>
      %swap3A_1360 = arith.index_cast %mul3A_1298 : i32 to index
      %swap3A_1361 = arith.constant 0 : index
      %swap3A_1362 = tpu.vector_load %arg14[%swap3A_1360, %swap3A_1361] {strides = array<i32>} : memref<2688x16xf32, #tpu.memory_space<vmem>>, vector<16xf32>,
      tpu.vector_store %arg14[%swap3A_1360, %swap3A_1361], %add3A_1359 {strides = array<i32>} : memref<2688x16xf32, #tpu.memory_space<vmem>>, vector<16xf32>,
      %neg3A_1363 = arith.constant 0.000000e+00 : f32
      %neg3A_1364 = vector.broadcast %neg3A_1363 : f32 to vector<16xf32>
      %neg3A_1365 = arith.subf %neg3A_1364, %scan3A_1319#0 : vector<16xf32>
      %neg3A_1366 = arith.constant 0.000000e+00 : f32
      %neg3A_1367 = vector.broadcast %neg3A_1366 : f32 to vector<16xf32>
      %neg3A_1368 = arith.subf %neg3A_1367, %scan3A_1319#1 : vector<16xf32>
      %neg3A_1369 = arith.constant 0.000000e+00 : f32
      %neg3A_1370 = vector.broadcast %neg3A_1369 : f32 to vector<16xf32>
      %neg3A_1371 = arith.subf %neg3A_1370, %scan3A_1319#2 : vector<16xf32>
      %neg3A_1372 = arith.constant 0.000000e+00 : f32
      %neg3A_1373 = vector.broadcast %neg3A_1372 : f32 to vector<16xf32>
      %neg3A_1374 = arith.subf %neg3A_1373, %scan3A_1319#3 : vector<16xf32>
      %neg3A_1375 = arith.constant 0.000000e+00 : f32
      %neg3A_1376 = vector.broadcast %neg3A_1375 : f32 to vector<16xf32>
      %neg3A_1377 = arith.subf %neg3A_1376, %scan3A_1319#4 : vector<16xf32>
      %neg3A_1378 = arith.constant 0.000000e+00 : f32
      %neg3A_1379 = vector.broadcast %neg3A_1378 : f32 to vector<16xf32>
      %neg3A_1380 = arith.subf %neg3A_1379, %scan3A_1319#5 : vector<16xf32>
      %neg3A_1381 = arith.constant 0.000000e+00 : f32
      %neg3A_1382 = vector.broadcast %neg3A_1381 : f32 to vector<16xf32>
      %neg3A_1383 = arith.subf %neg3A_1382, %scan3A_1319#6 : vector<16xf32>
      %neg3A_1384 = arith.constant 0.000000e+00 : f32
      %neg3A_1385 = vector.broadcast %neg3A_1384 : f32 to vector<16xf32>
      %neg3A_1386 = arith.subf %neg3A_1385, %scan3A_1319#7 : vector<16xf32>
      %get3A_1387 = arith.constant 1 : i32
      %get3A_1388 = arith.constant 60 : i32
      %get3A_1389 = arith.index_cast %get3A_1387 : i32 to index
      %get3A_1390 = arith.index_cast %get3A_1388 : i32 to index
      %get3A_1391 = arith.constant 0 : index
      %get3A_1392 = tpu.vector_load %arg13[%get3A_1389, %get3A_1390, %get3A_1391] {strides = array<i32>} : memref<2x80x128xf32, #tpu.memory_space<vmem>>, vector<16xf32>,
      %get3A_1393 = arith.constant 1 : i32
      %get3A_1394 = arith.constant 60 : i32
      %get3A_1395 = arith.index_cast %get3A_1393 : i32 to index
      %get3A_1396 = arith.index_cast %get3A_1394 : i32 to index
      %get3A_1397 = arith.constant 16 : index
      %get3A_1398 = tpu.vector_load %arg13[%get3A_1395, %get3A_1396, %get3A_1397] {strides = array<i32>} : memref<2x80x128xf32, #tpu.memory_space<vmem>>, vector<16xf32>,
      %get3A_1399 = arith.constant 1 : i32
      %get3A_1400 = arith.constant 60 : i32
      %get3A_1401 = arith.index_cast %get3A_1399 : i32 to index
      %get3A_1402 = arith.index_cast %get3A_1400 : i32 to index
      %get3A_1403 = arith.constant 32 : index
      %get3A_1404 = tpu.vector_load %arg13[%get3A_1401, %get3A_1402, %get3A_1403] {strides = array<i32>} : memref<2x80x128xf32, #tpu.memory_space<vmem>>, vector<16xf32>,
      %get3A_1405 = arith.constant 1 : i32
      %get3A_1406 = arith.constant 60 : i32
      %get3A_1407 = arith.index_cast %get3A_1405 : i32 to index
      %get3A_1408 = arith.index_cast %get3A_1406 : i32 to index
      %get3A_1409 = arith.constant 48 : index
      %get3A_1410 = tpu.vector_load %arg13[%get3A_1407, %get3A_1408, %get3A_1409] {strides = array<i32>} : memref<2x80x128xf32, #tpu.memory_space<vmem>>, vector<16xf32>,
      %get3A_1411 = arith.constant 1 : i32
      %get3A_1412 = arith.constant 60 : i32
      %get3A_1413 = arith.index_cast %get3A_1411 : i32 to index
      %get3A_1414 = arith.index_cast %get3A_1412 : i32 to index
      %get3A_1415 = arith.constant 64 : index
      %get3A_1416 = tpu.vector_load %arg13[%get3A_1413, %get3A_1414, %get3A_1415] {strides = array<i32>} : memref<2x80x128xf32, #tpu.memory_space<vmem>>, vector<16xf32>,
      %get3A_1417 = arith.constant 1 : i32
      %get3A_1418 = arith.constant 60 : i32
      %get3A_1419 = arith.index_cast %get3A_1417 : i32 to index
      %get3A_1420 = arith.index_cast %get3A_1418 : i32 to index
      %get3A_1421 = arith.constant 80 : index
      %get3A_1422 = tpu.vector_load %arg13[%get3A_1419, %get3A_1420, %get3A_1421] {strides = array<i32>} : memref<2x80x128xf32, #tpu.memory_space<vmem>>, vector<16xf32>,
      %get3A_1423 = arith.constant 1 : i32
      %get3A_1424 = arith.constant 60 : i32
      %get3A_1425 = arith.index_cast %get3A_1423 : i32 to index
      %get3A_1426 = arith.index_cast %get3A_1424 : i32 to index
      %get3A_1427 = arith.constant 96 : index
      %get3A_1428 = tpu.vector_load %arg13[%get3A_1425, %get3A_1426, %get3A_1427] {strides = array<i32>} : memref<2x80x128xf32, #tpu.memory_space<vmem>>, vector<16xf32>,
      %get3A_1429 = arith.constant 1 : i32
      %get3A_1430 = arith.constant 60 : i32
      %get3A_1431 = arith.index_cast %get3A_1429 : i32 to index
      %get3A_1432 = arith.index_cast %get3A_1430 : i32 to index
      %get3A_1433 = arith.constant 112 : index
      %get3A_1434 = tpu.vector_load %arg13[%get3A_1431, %get3A_1432, %get3A_1433] {strides = array<i32>} : memref<2x80x128xf32, #tpu.memory_space<vmem>>, vector<16xf32>,
      %scan3A_1435 = arith.constant 1 : i32
      %scan3A_1436 = arith.constant 19 : i32
      %scan3A_1437 = arith.addi %scan3A_1435, %scan3A_1436 : i32
      %scan3A_1438 = arith.constant 1 : i32
      %scan3A_1439:8 = scf.for %scan3A_1468 = %scan3A_1435 to %scan3A_1437 step %scan3A_1438 iter_args(%scan3A_1469 = %get3A_1392, %scan3A_1470 = %get3A_1398, %scan3A_1471 = %get3A_1404, %scan3A_1472 = %get3A_1410, %scan3A_1473 = %get3A_1416, %scan3A_1474 = %get3A_1422, %scan3A_1475 = %get3A_1428, %scan3A_1476 = %get3A_1434) -> (vector<16xf32>, vector<16xf32>, vector<16xf32>, vector<16xf32>, vector<16xf32>, vector<16xf32>, vector<16xf32>, vector<16xf32>)  : i32 {
        %add3A_1477 = arith.constant 60 : i32
        %add3A_1478 = arith.addi %add3A_1477, %scan3A_1468 : i32
        %get3A_1479 = arith.constant 1 : i32
        %get3A_1480 = arith.index_cast %get3A_1479 : i32 to index
        %get3A_1481 = arith.index_cast %add3A_1478 : i32 to index
        %get3A_1482 = arith.constant 0 : index
        %get3A_1483 = tpu.vector_load %arg13[%get3A_1480, %get3A_1481, %get3A_1482] {strides = array<i32>} : memref<2x80x128xf32, #tpu.memory_space<vmem>>, vector<16xf32>,
        %add3A_1484 = arith.constant 60 : i32
        %add3A_1485 = arith.addi %add3A_1484, %scan3A_1468 : i32
        %get3A_1486 = arith.constant 1 : i32
        %get3A_1487 = arith.index_cast %get3A_1486 : i32 to index
        %get3A_1488 = arith.index_cast %add3A_1485 : i32 to index
        %get3A_1489 = arith.constant 16 : index
        %get3A_1490 = tpu.vector_load %arg13[%get3A_1487, %get3A_1488, %get3A_1489] {strides = array<i32>} : memref<2x80x128xf32, #tpu.memory_space<vmem>>, vector<16xf32>,
        %add3A_1491 = arith.constant 60 : i32
        %add3A_1492 = arith.addi %add3A_1491, %scan3A_1468 : i32
        %get3A_1493 = arith.constant 1 : i32
        %get3A_1494 = arith.index_cast %get3A_1493 : i32 to index
        %get3A_1495 = arith.index_cast %add3A_1492 : i32 to index
        %get3A_1496 = arith.constant 32 : index
        %get3A_1497 = tpu.vector_load %arg13[%get3A_1494, %get3A_1495, %get3A_1496] {strides = array<i32>} : memref<2x80x128xf32, #tpu.memory_space<vmem>>, vector<16xf32>,
        %add3A_1498 = arith.constant 60 : i32
        %add3A_1499 = arith.addi %add3A_1498, %scan3A_1468 : i32
        %get3A_1500 = arith.constant 1 : i32
        %get3A_1501 = arith.index_cast %get3A_1500 : i32 to index
        %get3A_1502 = arith.index_cast %add3A_1499 : i32 to index
        %get3A_1503 = arith.constant 48 : index
        %get3A_1504 = tpu.vector_load %arg13[%get3A_1501, %get3A_1502, %get3A_1503] {strides = array<i32>} : memref<2x80x128xf32, #tpu.memory_space<vmem>>, vector<16xf32>,
        %add3A_1505 = arith.constant 60 : i32
        %add3A_1506 = arith.addi %add3A_1505, %scan3A_1468 : i32
        %get3A_1507 = arith.constant 1 : i32
        %get3A_1508 = arith.index_cast %get3A_1507 : i32 to index
        %get3A_1509 = arith.index_cast %add3A_1506 : i32 to index
        %get3A_1510 = arith.constant 64 : index
        %get3A_1511 = tpu.vector_load %arg13[%get3A_1508, %get3A_1509, %get3A_1510] {strides = array<i32>} : memref<2x80x128xf32, #tpu.memory_space<vmem>>, vector<16xf32>,
        %add3A_1512 = arith.constant 60 : i32
        %add3A_1513 = arith.addi %add3A_1512, %scan3A_1468 : i32
        %get3A_1514 = arith.constant 1 : i32
        %get3A_1515 = arith.index_cast %get3A_1514 : i32 to index
        %get3A_1516 = arith.index_cast %add3A_1513 : i32 to index
        %get3A_1517 = arith.constant 80 : index
        %get3A_1518 = tpu.vector_load %arg13[%get3A_1515, %get3A_1516, %get3A_1517] {strides = array<i32>} : memref<2x80x128xf32, #tpu.memory_space<vmem>>, vector<16xf32>,
        %add3A_1519 = arith.constant 60 : i32
        %add3A_1520 = arith.addi %add3A_1519, %scan3A_1468 : i32
        %get3A_1521 = arith.constant 1 : i32
        %get3A_1522 = arith.index_cast %get3A_1521 : i32 to index
        %get3A_1523 = arith.index_cast %add3A_1520 : i32 to index
        %get3A_1524 = arith.constant 96 : index
        %get3A_1525 = tpu.vector_load %arg13[%get3A_1522, %get3A_1523, %get3A_1524] {strides = array<i32>} : memref<2x80x128xf32, #tpu.memory_space<vmem>>, vector<16xf32>,
        %add3A_1526 = arith.constant 60 : i32
        %add3A_1527 = arith.addi %add3A_1526, %scan3A_1468 : i32
        %get3A_1528 = arith.constant 1 : i32
        %get3A_1529 = arith.index_cast %get3A_1528 : i32 to index
        %get3A_1530 = arith.index_cast %add3A_1527 : i32 to index
        %get3A_1531 = arith.constant 112 : index
        %get3A_1532 = tpu.vector_load %arg13[%get3A_1529, %get3A_1530, %get3A_1531] {strides = array<i32>} : memref<2x80x128xf32, #tpu.memory_space<vmem>>, vector<16xf32>,
        %mul3A_1533 = arith.mulf %neg3A_1365, %scan3A_1469 : vector<16xf32>
        %mul3A_1534 = arith.mulf %neg3A_1368, %scan3A_1470 : vector<16xf32>
        %mul3A_1535 = arith.mulf %neg3A_1371, %scan3A_1471 : vector<16xf32>
        %mul3A_1536 = arith.mulf %neg3A_1374, %scan3A_1472 : vector<16xf32>
        %mul3A_1537 = arith.mulf %neg3A_1377, %scan3A_1473 : vector<16xf32>
        %mul3A_1538 = arith.mulf %neg3A_1380, %scan3A_1474 : vector<16xf32>
        %mul3A_1539 = arith.mulf %neg3A_1383, %scan3A_1475 : vector<16xf32>
        %mul3A_1540 = arith.mulf %neg3A_1386, %scan3A_1476 : vector<16xf32>
        %add3A_1541 = arith.addf %mul3A_1533, %mul3A_1534 : vector<16xf32>
        %add3A_1542 = arith.addf %mul3A_1535, %mul3A_1536 : vector<16xf32>
        %add3A_1543 = arith.addf %mul3A_1537, %mul3A_1538 : vector<16xf32>
        %add3A_1544 = arith.addf %mul3A_1539, %mul3A_1540 : vector<16xf32>
        %add3A_1545 = arith.addf %add3A_1541, %add3A_1542 : vector<16xf32>
        %add3A_1546 = arith.addf %add3A_1543, %add3A_1544 : vector<16xf32>
        %add3A_1547 = arith.addf %add3A_1545, %add3A_1546 : vector<16xf32>
        %add3A_1548 = arith.addi %mul3A_1298, %scan3A_1468 : i32
        %swap3A_1549 = arith.index_cast %add3A_1548 : i32 to index
        %swap3A_1550 = arith.constant 0 : index
        %swap3A_1551 = tpu.vector_load %arg14[%swap3A_1549, %swap3A_1550] {strides = array<i32>} : memref<2688x16xf32, #tpu.memory_space<vmem>>, vector<16xf32>,
        tpu.vector_store %arg14[%swap3A_1549, %swap3A_1550], %add3A_1547 {strides = array<i32>} : memref<2688x16xf32, #tpu.memory_space<vmem>>, vector<16xf32>,
        scf.yield %get3A_1483, %get3A_1490, %get3A_1497, %get3A_1504, %get3A_1511, %get3A_1518, %get3A_1525, %get3A_1532 : vector<16xf32>, vector<16xf32>, vector<16xf32>, vector<16xf32>, vector<16xf32>, vector<16xf32>, vector<16xf32>, vector<16xf32>
      }
      %scan3A_1440 = arith.constant 19 : i32
      %mul3A_1441 = arith.mulf %neg3A_1365, %scan3A_1439#0 : vector<16xf32>
      %mul3A_1442 = arith.mulf %neg3A_1368, %scan3A_1439#1 : vector<16xf32>
      %mul3A_1443 = arith.mulf %neg3A_1371, %scan3A_1439#2 : vector<16xf32>
      %mul3A_1444 = arith.mulf %neg3A_1374, %scan3A_1439#3 : vector<16xf32>
      %mul3A_1445 = arith.mulf %neg3A_1377, %scan3A_1439#4 : vector<16xf32>
      %mul3A_1446 = arith.mulf %neg3A_1380, %scan3A_1439#5 : vector<16xf32>
      %mul3A_1447 = arith.mulf %neg3A_1383, %scan3A_1439#6 : vector<16xf32>
      %mul3A_1448 = arith.mulf %neg3A_1386, %scan3A_1439#7 : vector<16xf32>
      %add3A_1449 = arith.addf %mul3A_1441, %mul3A_1442 : vector<16xf32>
      %add3A_1450 = arith.addf %mul3A_1443, %mul3A_1444 : vector<16xf32>
      %add3A_1451 = arith.addf %mul3A_1445, %mul3A_1446 : vector<16xf32>
      %add3A_1452 = arith.addf %mul3A_1447, %mul3A_1448 : vector<16xf32>
      %add3A_1453 = arith.addf %add3A_1449, %add3A_1450 : vector<16xf32>
      %add3A_1454 = arith.addf %add3A_1451, %add3A_1452 : vector<16xf32>
      %add3A_1455 = arith.addf %add3A_1453, %add3A_1454 : vector<16xf32>
      %add3A_1456 = arith.constant 20 : i32
      %add3A_1457 = arith.addi %mul3A_1298, %add3A_1456 : i32
      %swap3A_1458 = arith.index_cast %add3A_1457 : i32 to index
      %swap3A_1459 = arith.constant 0 : index
      %swap3A_1460 = tpu.vector_load %arg14[%swap3A_1458, %swap3A_1459] {strides = array<i32>} : memref<2688x16xf32, #tpu.memory_space<vmem>>, vector<16xf32>,
      tpu.vector_store %arg14[%swap3A_1458, %swap3A_1459], %add3A_1455 {strides = array<i32>} : memref<2688x16xf32, #tpu.memory_space<vmem>>, vector<16xf32>,
      %add3A_1461 = arith.constant 2 : i32
      %add3A_1462 = arith.addi %add3A_762, %add3A_1461 : i32
      %lt3A_1463 = arith.constant 32 : i32
      %lt3A_1464 = arith.cmpi slt, %add3A_1462, %lt3A_1463 : i32
      %convert_element_type3A_1465 = arith.extui %lt3A_1464 : i1 to i32
      %cond3A_1466 = arith.constant 0 : i32
      %cond3A_1467 = arith.cmpi ne, %convert_element_type3A_1465, %cond3A_1466 : i32
      scf.if %cond3A_1467 {
        %add3A_1468 = arith.constant 2 : i32
        %add3A_1469 = arith.addi %add3A_762, %add3A_1468 : i32
        %mul3A_1470 = arith.constant 4 : i32
        %mul3A_1471 = arith.muli %add3A_1469, %mul3A_1470 : i32
        %mul3A_1472 = arith.constant 20 : i32
        %mul3A_1473 = arith.muli %mul3A_1471, %mul3A_1472 : i32
        %dma_start3A_1474 = arith.constant 1 : i32
        %dma_start3A_1475 = arith.constant 0 : i32
        %dma_start3A_1476 = arith.constant 0 : i32
        %dma_start3A_1477 = tpu.memref_slice %arg12[%dma_start3A_1474, %dma_start3A_1475, %dma_start3A_1476] : memref<2x80x128xf32, #tpu.memory_space<vmem>> -> memref<1x80x128xf32, #tpu.memory_space<vmem>>
        %dma_start3A_1478 = tpu.memref_squeeze %dma_start3A_1477 : memref<1x80x128xf32, #tpu.memory_space<vmem>> -> memref<80x128xf32, #tpu.memory_space<vmem>>
        %dma_start3A_1479 = tpu.memref_slice %arg8[%mul3A_1473] : memref<2560xi32, #tpu.memory_space<vmem>> -> memref<80xi32, #tpu.memory_space<vmem>>
        %dma_start3A_1480 = arith.constant 0 : i32
        %dma_start3A_1481 = arith.constant 0 : i32
        %dma_start3A_1482 = tpu.memref_slice %arg5[%dma_start3A_1480, %dma_start3A_1481] : memref<100000x128xf32, #tpu.memory_space<hbm>> -> memref<100000x128xf32, #tpu.memory_space<hbm>>
        tpu.enqueue_indirect_dma source(%dma_start3A_1482 : memref<100000x128xf32, #tpu.memory_space<hbm>>) target(%dma_start3A_1478 : memref<80x128xf32, #tpu.memory_space<vmem>>) offsets(%dma_start3A_1479 : memref<80xi32, #tpu.memory_space<vmem>>) semaphore(%arg17 : memref<!tpu.dma_semaphore, #tpu.memory_space<semaphore_mem>>)
        %mul3A_1483 = arith.constant 4 : i32
        %mul3A_1484 = arith.muli %add3A_1469, %mul3A_1483 : i32
        %mul3A_1485 = arith.constant 20 : i32
        %mul3A_1486 = arith.muli %mul3A_1484, %mul3A_1485 : i32
        %dma_start3A_1487 = arith.constant 1 : i32
        %dma_start3A_1488 = arith.constant 0 : i32
        %dma_start3A_1489 = arith.constant 0 : i32
        %dma_start3A_1490 = tpu.memref_slice %arg13[%dma_start3A_1487, %dma_start3A_1488, %dma_start3A_1489] : memref<2x80x128xf32, #tpu.memory_space<vmem>> -> memref<1x80x128xf32, #tpu.memory_space<vmem>>
        %dma_start3A_1491 = tpu.memref_squeeze %dma_start3A_1490 : memref<1x80x128xf32, #tpu.memory_space<vmem>> -> memref<80x128xf32, #tpu.memory_space<vmem>>
        %dma_start3A_1492 = tpu.memref_slice %arg9[%mul3A_1486] : memref<2560xi32, #tpu.memory_space<vmem>> -> memref<80xi32, #tpu.memory_space<vmem>>
        %dma_start3A_1493 = arith.constant 0 : i32
        %dma_start3A_1494 = arith.constant 0 : i32
        %dma_start3A_1495 = tpu.memref_slice %arg6[%dma_start3A_1493, %dma_start3A_1494] : memref<100000x128xf32, #tpu.memory_space<hbm>> -> memref<100000x128xf32, #tpu.memory_space<hbm>>
        tpu.enqueue_indirect_dma source(%dma_start3A_1495 : memref<100000x128xf32, #tpu.memory_space<hbm>>) target(%dma_start3A_1491 : memref<80x128xf32, #tpu.memory_space<vmem>>) offsets(%dma_start3A_1492 : memref<80xi32, #tpu.memory_space<vmem>>) semaphore(%arg19 : memref<!tpu.dma_semaphore, #tpu.memory_space<semaphore_mem>>)
      } else {
      }
    }
    %scan3A_55 = arith.constant 16 : i32
    %mul3A_56 = arith.constant 21 : i32
    %mul3A_57 = arith.muli %mul3A_2, %mul3A_56 : i32
    "tpu.region"() ({
      %run_scoped3A = tpu.sem_alloc : memref<!tpu.dma_semaphore, #tpu.memory_space<semaphore_mem>>
      %dma_start3A_58 = arith.constant 0 : i32
      %dma_start3A_59 = tpu.memref_slice %arg7[%mul3A_57, %dma_start3A_58] : memref<86016x16xf32, #tpu.memory_space<hbm>> -> memref<2688x16xf32, #tpu.memory_space<hbm>>
      %dma_start3A_60 = arith.constant 0 : i32
      %dma_start3A_61 = tpu.memref_slice %arg7[%mul3A_57, %dma_start3A_60] : memref<86016x16xf32, #tpu.memory_space<hbm>> -> memref<2688x16xf32, #tpu.memory_space<hbm>>
      tpu.enqueue_dma source(%arg14 : memref<2688x16xf32, #tpu.memory_space<vmem>>) target(%dma_start3A_61 : memref<2688x16xf32, #tpu.memory_space<hbm>>) target_semaphore(%run_scoped3A : memref<!tpu.dma_semaphore, #tpu.memory_space<semaphore_mem>>)
      %dma_wait3A_62 = arith.constant 0 : i32
      %dma_wait3A_63 = tpu.memref_slice %arg7[%mul3A_57, %dma_wait3A_62] : memref<86016x16xf32, #tpu.memory_space<hbm>> -> memref<2688x16xf32, #tpu.memory_space<hbm>>
      %dma_wait3A_64 = arith.constant 0 : i32
      %dma_wait3A_65 = tpu.memref_slice %arg7[%mul3A_57, %dma_wait3A_64] : memref<86016x16xf32, #tpu.memory_space<hbm>> -> memref<2688x16xf32, #tpu.memory_space<hbm>>
      tpu.wait_dma2 semaphore(%run_scoped3A : memref<!tpu.dma_semaphore, #tpu.memory_space<semaphore_mem>>) src(%arg14 : memref<2688x16xf32, #tpu.memory_space<vmem>>) dst(%dma_wait3A_65 : memref<2688x16xf32, #tpu.memory_space<hbm>>)
      tpu.yield
    }) : () -> ()
    return
  }
}

module attributes {stable_mosaic.version = 14 : i64} {
  func.func @_loss_body(%arg0: memref<10752x128xf32, #tpu.memory_space<vmem>>, %arg1: memref<1x1xf32, #tpu.memory_space<smem>>) attributes {dimension_semantics = [], scalar_prefetch = 0 : i64, scratch_operands = 0 : i64, tpu.core_type = #tpu.core_type<tc>} {
    %iota3A = tpu.iota {dimensions = array<i32: 0>} : vector<128x8xi32>
    %iota3A_0 = tpu.iota {dimensions = array<i32: 1>} : vector<128x8xi32>
    %jit3A = arith.constant 16 : i32
    %div3A = vector.broadcast %jit3A : i32 to vector<128x8xi32>
    %div3A_1 = arith.divsi %iota3A, %div3A : vector<128x8xi32>
    %sign3A = arith.constant 0 : i32
    %sign3A_2 = vector.broadcast %sign3A : i32 to vector<128x8xi32>
    %sign3A_3 = arith.cmpi sgt, %iota3A, %sign3A_2 : vector<128x8xi32>
    %sign3A_4 = arith.extui %sign3A_3 : vector<128x8xi1> to vector<128x8xi32>
    %sign3A_5 = arith.constant 0 : i32
    %sign3A_6 = vector.broadcast %sign3A_5 : i32 to vector<128x8xi32>
    %sign3A_7 = arith.cmpi slt, %iota3A, %sign3A_6 : vector<128x8xi32>
    %sign3A_8 = arith.extui %sign3A_7 : vector<128x8xi1> to vector<128x8xi32>
    %sign3A_9 = arith.subi %sign3A_4, %sign3A_8 : vector<128x8xi32>
    %sign3A_10 = arith.constant 0 : i32
    %sign3A_11 = arith.cmpi sgt, %jit3A, %sign3A_10 : i32
    %sign3A_12 = arith.extui %sign3A_11 : i1 to i32
    %sign3A_13 = arith.constant 0 : i32
    %sign3A_14 = arith.cmpi slt, %jit3A, %sign3A_13 : i32
    %sign3A_15 = arith.extui %sign3A_14 : i1 to i32
    %sign3A_16 = arith.subi %sign3A_12, %sign3A_15 : i32
    %ne3A = vector.broadcast %sign3A_16 : i32 to vector<128x8xi32>
    %ne3A_17 = arith.cmpi ne, %sign3A_9, %ne3A : vector<128x8xi32>
    %rem3A = vector.broadcast %jit3A : i32 to vector<128x8xi32>
    %rem3A_18 = arith.remsi %iota3A, %rem3A : vector<128x8xi32>
    %ne3A_19 = arith.constant 0 : i32
    %ne3A_20 = vector.broadcast %ne3A_19 : i32 to vector<128x8xi32>
    %ne3A_21 = arith.cmpi ne, %rem3A_18, %ne3A_20 : vector<128x8xi32>
    %and3A = arith.andi %ne3A_17, %ne3A_21 : vector<128x8xi1>
    %sub3A = arith.constant 1 : i32
    %sub3A_22 = vector.broadcast %sub3A : i32 to vector<128x8xi32>
    %sub3A_23 = arith.subi %div3A_1, %sub3A_22 : vector<128x8xi32>
    %select_n3A = arith.select %and3A, %sub3A_23, %div3A_1 : vector<128x8xi1>, vector<128x8xi32>
    %eq3A = arith.cmpi eq, %select_n3A, %iota3A_0 : vector<128x8xi32>
    %jit3A_24 = arith.constant 5.000000e-02 : f32
    %jit3A_25 = arith.constant 0.000000e+00 : f32
    %broadcast_in_dim3A = vector.broadcast %jit3A_24 : f32 to vector<128x8xf32>
    %broadcast_in_dim3A_26 = vector.broadcast %jit3A_25 : f32 to vector<128x8xf32>
    %select_n3A_27 = arith.select %eq3A, %broadcast_in_dim3A, %broadcast_in_dim3A_26 : vector<128x8xi1>, vector<128x8xf32>
    %get3A = arith.constant 0 : index
    %get3A_28 = arith.constant 0 : index
    %get3A_29 = vector.load %arg0[%get3A, %get3A_28] : memref<10752x128xf32, #tpu.memory_space<vmem>>, vector<10752x128xf32>
    %dot_general3A = arith.constant dense<0.000000e+00> : vector<10752x8xf32>
    %dot_general3A_30 = tpu.matmul %get3A_29, %select_n3A_27, %dot_general3A {dimension_numbers = #tpu.dot_dimension_numbers<[1], [0], [0], [1], [0, 0, 1, 1], [], []>, transpose_lhs_hint = false} : vector<10752x128xf32>, vector<128x8xf32>, vector<10752x8xf32> -> vector<10752x8xf32>
    %min3A = arith.constant 0.000000e+00 : f32
    %min3A_31 = vector.broadcast %min3A : f32 to vector<10752x8xf32>
    %min3A_32 = arith.minimumf %dot_general3A_30, %min3A_31 : vector<10752x8xf32>
    %abs3A = math.absf %dot_general3A_30 : vector<10752x8xf32>
    %neg3A = arith.constant 0.000000e+00 : f32
    %neg3A_33 = vector.broadcast %neg3A : f32 to vector<10752x8xf32>
    %neg3A_34 = arith.subf %neg3A_33, %abs3A : vector<10752x8xf32>
    %exp3A = math.exp %neg3A_34 : vector<10752x8xf32>
    %log1p3A = math.log1p %exp3A : vector<10752x8xf32>
    %sub3A_35 = arith.subf %min3A_32, %log1p3A : vector<10752x8xf32>
    %reduce_sum3A = vector.shape_cast %sub3A_35 : vector<10752x8xf32> to vector<1x10752x8xf32>
    %reduce_sum3A_36 = arith.constant dense<0.000000e+00> : vector<1xf32>
    %reduce_sum3A_37 = vector.multi_reduction <add>, %reduce_sum3A, %reduce_sum3A_36 [1, 2] : vector<1x10752x8xf32> to vector<1xf32>
    %reduce_sum3A_38 = vector.shape_cast %reduce_sum3A_37 : vector<1xf32> to vector<1x1x1xf32>
    %reduce_sum3A_39 = vector.extract %reduce_sum3A_38[0, 0, 0] : f32 from vector<1x1x1xf32>
    %neg3A_40 = arith.constant 0.000000e+00 : f32
    %neg3A_41 = arith.subf %neg3A_40, %reduce_sum3A_39 : f32
    %mul3A = arith.constant 2.44140625E-4 : f32
    %mul3A_42 = arith.mulf %neg3A_41, %mul3A : f32
    %swap3A = arith.constant 0 : index
    %swap3A_43 = arith.constant 0 : index
    %swap3A_44 = memref.load %arg1[%swap3A, %swap3A_43] : memref<1x1xf32, #tpu.memory_space<smem>>
    memref.store %mul3A_42, %arg1[%swap3A, %swap3A_43] : memref<1x1xf32, #tpu.memory_space<smem>>
    return
  }
}

</mosaic_0001>

<sc_bundles>
// kernel: kernel.4.cloned.1.call-start
scs
__scs_entry_jumppad:
0x0: {  	(pc) =	sbr.rel $0x88, $3  }
0x1: {  	(tag) =	ssettag $0x0;
	lr =	simm.s32 $0x1  }
0x2: {  	[smem:$0x3F9C] =	sst lr;
	_ =	strace $0xD0000000  }
0x3: {  	_ = 	snop  }
0x4: {  	_ = 	snop  }
0x5: {  	_ = 	snop  }
0x6: {  	_ = 	snop  }
0x7: {  	_ = 	snop  }
__scs_overlays_trampoline_lowered:
0x8: {  	[smem:$0x3FAB] =	sst s0  }
0x9: {  	[smem:$0x3FAC] =	sst s1  }
0xa: {  	[smem:$0x3FAD] =	sst s2  }
0xb: {  	[smem:$0x3FAE] =	sst s3  }
0xc: {  	[smem:$0x3FAF] =	sst s4  }
0xd: {  	[smem:$0x3FB0] =	sst s5  }
0xe: {  	[smem:$0x3FB1] =	sst s6  }
0xf: {  	[smem:$0x3FB2] =	sst s7  }
0x10: {  	[smem:$0x3FB3] =	sst s8  }
0x11: {  	[smem:$0x3FB4] =	sst s9;
	s0 =	simm.s32 @!p0 $0x0  }
0x12: {  	s1 =	sld [smem:$0x3F9A];
	s0 =	simm.s32 @p0 $0x1  }
0x13: {  	[smem:$0x3FB5] =	sst s0;
	s0 =	simm.s32 @!p1 $0x0  }
0x14: {  	s2 =	sld [smem:$0x3F99];
	s0 =	simm.s32 @p1 $0x1  }
0x15: {  	[smem:$0x3FB6] =	sst s0;
	s0 =	simm.s32 @!p2 $0x0  }
0x16: {  	s3 =	sld [smem:$0x3FDB];
	s0 =	simm.s32 @p2 $0x1  }
0x17: {  	s4 =	simm.s32 $0x1BF5;
	[smem:$0x3FB8] =	sst s0  }
0x18: {  	s0 =	sld [smem:$0x3F9B];
	_ =	swait.ge [sflag:s4], $0x0  }
0x19: {  	s7 =	sld [smem:$0x3F9C]  }
0x1a: {  	s8 =	sadd.s32 $0xFFFFE003, lr  }
0x1b: {  	s9 =	sadd.s32 $0xFFFFFEF7, lr;
	s5 =	simm.s32 $0xFFFFFFFF;
	p2 =	slt.u32 s8, $0xFFFFF086  }
0x1c: {  	p1 =	slt.u32 s9, $0xF7A;
	s5 =	simm.s32 @!p2 $0x0  }
0x1d: {  	s5 =	simm.s32 @p1 $0x1;
	p0 =	seq.s32 s7, s2  }
0x1e: {  	s7 =	smul.u32 @!p0 $0xF7A, s2;
	p2 =	seq.s32 @!p0 s5, $0x0  }
0x1f: {  	s9 =	smul.u32 $0xF7A, s1;
	s8 =	simm.s32 @!p0 $0x1BF5;
	p2 =	por !p2, p0  }
0x20: {  	[sflag:s8] =	ssyncset.s32 @!p0 $0xFFFFF086;
	s6 =	sadd.s32 @!p0 s3, s7;
	s7 =	simm.s32 @!p0 $0x108  }
0x21: {  	s3 =	sadd.s32 s3, s9;
	s6 =	sadd.s32 @!p0 $0x88, s6;
	s7 =	simm.s32 @p2 $0x1082  }
0x22: {  	[simem:s7], [sflag:s8] =	dma.local @!p0 [hbm:s6], $0xF7A  }
0x23: {  	s9 =	sor.u32 $0xD0000000, s2;
	s6 =	simm.s32 $0x108;
	_ =	swait.ge @!p0 [sflag:s8], $0x0  }
0x24: {  	s3 =	sadd.s32 $0x88, s3;
	s6 =	simm.s32 @!p1 $0x1082;
	[sflag:s4] =	ssyncset.s32 $0xFFFFF086  }
0x25: {  	[simem:s6], [sflag:s4] =	dma.local [hbm:s3], $0xF7A  }
0x26: {  	[smem:$0x3F9C] =	sst s1;
	(tag) =	ssettag s2;
	_ =	strace s9  }
0x27: {  	s1 =	sld [smem:$0x3FAC]  }
0x28: {  	s2 =	sld [smem:$0x3FAD]  }
0x29: {  	s4 =	sld [smem:$0x3FAF]  }
0x2a: {  	p0 =	seq.s32 s5, $0x0;
	s5 =	sld [smem:$0x3FB0]  }
0x2b: {  	s6 =	sld [smem:$0x3FB1]  }
0x2c: {  	s7 =	sld [smem:$0x3FB2]  }
0x2d: {  	s3 =	simm.s32 $0x108;
	s8 =	sld [smem:$0x3FB3]  }
0x2e: {  	s3 =	simm.s32 @!p0 $0x1082;
	s9 =	sld [smem:$0x3FB4]  }
0x2f: {  	lr =	sadd.s32 s0, s3;
	s0 =	sld [smem:$0x3FAB]  }
0x30: {  	s3 =	sld [smem:$0x3FAE]  }
0x31: {  	[smem:$0x3FB7] =	sst s10  }
0x32: {  	s10 =	sld [smem:$0x3FB5];
	_ =	sdelay $0x3  }
0x33: {  	p0 =	seq.s32 s10, $0x1;
	s10 =	sld [smem:$0x3FB7];
	_ =	sdelay $0x3  }
0x34: {  	[smem:$0x3FB7] =	sst s10  }
0x35: {  	s10 =	sld [smem:$0x3FB6];
	_ =	sdelay $0x3  }
0x36: {  	p1 =	seq.s32 s10, $0x1;
	s10 =	sld [smem:$0x3FB7];
	_ =	sdelay $0x3  }
0x37: {  	[smem:$0x3FB7] =	sst s10  }
0x38: {  	s10 =	sld [smem:$0x3FB8]  }
0x39: {  	_ = 	snop;
	(pc) =	sbr.ind lr, $3  }
0x3a: {  	_ = 	snop  }
0x3b: {  	_ = 	snop  }
0x3c: {  	p2 =	seq.s32 s10, $0x1;
	s10 =	sld [smem:$0x3FB7]  }
0x3d: {  	_ =	shalt  }
0x3e: {  	_ =	shalt  }
0x3f: {  	_ =	shalt  }
0x40: {  	_ =	shalt  }
0x41: {  	_ =	shalt  }
0x42: {  	_ =	shalt  }
0x43: {  	_ =	shalt  }
0x44: {  	_ =	shalt  }
0x45: {  	_ =	shalt  }
0x46: {  	_ =	shalt  }
0x47: {  	_ =	shalt  }
0x48: {  	_ =	shalt  }
0x49: {  	_ =	shalt  }
0x4a: {  	_ =	shalt  }
0x4b: {  	_ =	shalt  }
0x4c: {  	_ =	shalt  }
0x4d: {  	_ =	shalt  }
0x4e: {  	_ =	shalt  }
0x4f: {  	_ =	shalt  }
0x50: {  	_ =	shalt  }
0x51: {  	_ =	shalt  }
0x52: {  	_ =	shalt  }
0x53: {  	_ =	shalt  }
0x54: {  	_ =	shalt  }
0x55: {  	_ =	shalt  }
0x56: {  	_ =	shalt  }
0x57: {  	_ =	shalt  }
0x58: {  	_ =	shalt  }
0x59: {  	_ =	shalt  }
0x5a: {  	_ =	shalt  }
0x5b: {  	_ =	shalt  }
0x5c: {  	_ =	shalt  }
0x5d: {  	_ =	shalt  }
0x5e: {  	_ =	shalt  }
0x5f: {  	_ =	shalt  }
0x60: {  	_ =	shalt  }
0x61: {  	_ =	shalt  }
0x62: {  	_ =	shalt  }
0x63: {  	_ =	shalt  }
0x64: {  	_ =	shalt  }
0x65: {  	_ =	shalt  }
0x66: {  	_ =	shalt  }
0x67: {  	_ =	shalt  }
0x68: {  	_ =	shalt  }
0x69: {  	_ =	shalt  }
0x6a: {  	_ =	shalt  }
0x6b: {  	_ =	shalt  }
0x6c: {  	_ =	shalt  }
0x6d: {  	_ =	shalt  }
0x6e: {  	_ =	shalt  }
0x6f: {  	_ =	shalt  }
0x70: {  	_ =	shalt  }
0x71: {  	_ =	shalt  }
0x72: {  	_ =	shalt  }
0x73: {  	_ =	shalt  }
0x74: {  	_ =	shalt  }
0x75: {  	_ =	shalt  }
0x76: {  	_ =	shalt  }
0x77: {  	_ =	shalt  }
0x78: {  	_ =	shalt  }
0x79: {  	_ =	shalt  }
0x7a: {  	_ =	shalt  }
0x7b: {  	_ =	shalt  }
0x7c: {  	_ =	shalt  }
0x7d: {  	_ =	shalt  }
0x7e: {  	_ =	shalt  }
0x7f: {  	_ =	shalt  }
0x80: {  	_ =	shalt  }
0x81: {  	_ =	shalt  }
0x82: {  	_ =	shalt  }
0x83: {  	_ =	shalt  }
0x84: {  	_ =	shalt  }
0x85: {  	_ =	shalt  }
0x86: {  	_ =	shalt  }
0x87: {  	_ =	shalt  }
.Lfunc_end0:
.L_simem_size_0:
called_computation_lowered:
.L_overlay_start_0:
0x88: {  	s2 =	sld [smem:$0x3FD9]  }
0x89: {  	s3 =	sld [smem:$0x3FFE];
	_ =	sdelay $0x1  }
0x8a: {  	s1 =	srdreg.scid  }
0x8b: {  	s0 =	sand.u32 $0x1, s1  }
0x8c: {  	s17 =	sshll.u32 s0, $0xA;
	s2 =	sadd.s32 s3, s2  }
0x8d: {  	s2 =	sadd.s32 s2, s17  }
0x8e: {  	[smem:$0x3FC3] =	sst s2  }
0x8f: {  	_ = 	snop  }
0x90: {  	s2 =	sld [smem:$0x3FC9]  }
0x91: {  	s18 =	sld [smem:$0x3FC6]  }
0x92: {  	s4 =	sld [smem:$0x3FC5];
	(tm) =	ssettm $0x1  }
0x93: {  	s5 =	sld [smem:$0x3FFB];
	_ =	sdelay $0x3  }
0x94: {  	_ =	strace s5  }
0x95: {  	s5 =	sld [smem:$0x3FFC];
	_ =	sdelay $0x3  }
0x96: {  	_ =	strace s5  }
0x97: {  	s5 =	sld [smem:$0x3FFD];
	_ =	sdelay $0x3  }
0x98: {  	_ =	strace s5  }
0x99: {  	_ =	strace $0x8FFFFFFF  }
0x9a: {  	s19 =	sld [smem:$0x3FDB];
	_ =	sdelay $0x1  }
0x9b: {  	s6 =	simm.s32 $_scs_section_size  }
0x9c: {  	s7 =	simm.s32 $_size__tile_overlayer_lowered;
	s8 =	simm.s32 $_tile_overlayer_lowered  }
0x9d: {  	s22 =	simm.s32 $0x1BFF;
	s21 =	sshll.u32 s8, $0x1;
	s5 =	sadd.s32 s6, s19  }
0x9e: {  	s9 =	simm.s32 $0x0;
	s20 =	sshll.u32 s7, $0x1;
	s7 =	sadd.s32 s21, s5  }
0x9f: {  	[timem:s9], [sflag:s22] =	dma.local [hbm:s7], s20  }
0xa0: {  	_ =	swait.ge [sflag:s22], s20  }
0xa1: {  	s6 =	ssub.s32 $0x0, s20;
	[sflag:s22] =	ssyncset.done $0x0  }
0xa2: {  	[sflag:s22] =	ssyncadd.s32 s6;
	_ =	sdelay $0x1  }
0xa3: {  	s23 =	simm.s32 $0x1B8B  }
0xa4: {  	_ =	swait.ge [sflag:s23], $0x1  }
0xa5: {  	[sflag:s23] =	ssyncset.done $0x0  }
0xa6: {  	s25 =	simm.s32 $0x1B8E;
	s24 =	sld [smem:$0x3FFE];
	[sflag:s23] =	ssyncadd.s32 $0xFFFFFFFF  }
0xa7: {  	s26 =	simm.s32 $execute0_lowered;
	[smem:$0x3FD2] =	sst s25  }
0xa8: {  	s7 =	sshll.u32 s26, $0x1;
	_ =	strace $0x80000046;
	[dreg:$0x1] =	wrdreg $0xFFFFFFFF  }
0xa9: {  	s28 =	simm.s32 $_size_execute0_lowered;
	s5 =	sadd.s32 s5, s7;
	[dreg:$0x0] =	wrdreg $0x0  }
0xaa: {  	s7 =	sshll.u32 s28, $0x1;
	[dreg:$0x2] =	wrdreg s5  }
0xab: {  	[dreg:$0x3] =	wrdreg s7  }
0xac: {  	[dreg:$0x4] =	wrdreg $0xC0  }
0xad: {  	_ =	task [dreg:s9], $0x5FFFF  }
0xae: {  	[dreg:$0x1] =	wrdreg $0xFFFFFFFF  }
0xaf: {  	[dreg:$0x0] =	wrdreg $0x60  }
0xb0: {  	[dreg:$0x2] =	wrdreg s24  }
0xb1: {  	[dreg:$0x3] =	wrdreg s2  }
0xb2: {  	[dreg:$0x4] =	wrdreg s18  }
0xb3: {  	[dreg:$0x5] =	wrdreg s4  }
0xb4: {  	[dreg:$0x6] =	wrdreg $0x9  }
0xb5: {  	_ =	task.clear_ibuf [dreg:s9], $0x7FFFF;
	_ =	strace $0x90000046  }
0xb6: {  	s29 =	simm.s32 $0x9;
	_ =	strace $0x80000048  }
0xb7: {  	_ =	swait.ge [sflag:s29], $0x1  }
0xb8: {  	[sflag:s29] =	ssyncadd.s32 $0xFFFFFFFF  }
0xb9: {  	_ =	strace $0x90000048  }
0xba: {  	_ =	sfence  }
0xbb: {  	s30 =	sld [smem:$0x0];
	_ =	sdelay $0x2  }
0xbc: {  	s31 =	sshll.u32 s1, $0xD;
	s1 =	sshrl.u32 s1, $0x2  }
0xbd: {  	s3 =	sand.u32 $0x4000, s31;
	s1 =	sadd.s32 s1, s30  }
0xbe: {  	s0 =	sor.u32 s3, s0;
	s1 =	sshll.u32 s1, $0x11  }
0xbf: {  	s0 =	sor.u32 s1, s0  }
0xc0: {  	s0 =	sadd.s32 $0x8F2B, s0  }
0xc1: {  	[sflag:s0] =	ssyncadd.remote.s32 $0x1  }
0xc2: {  	_ =	sfence.sel $0xFFFF  }
0xc3: {  	[dreg:$0x0] =	wrdreg $0xFFFFFFFF;
	(pc) =	sbr.abs _section_cstart, $3  }
0xc4: {  	[dreg:$0x1] =	wrdreg $0xFFFFFFFF  }
0xc5: {  	_ =	task.clear_ibuf [dreg:s9], $0x2FFFF;
	_ =	strace $0x9FFFFFFF  }
0xc6: {  	(tm) =	ssettm $0x7FFFFFFF  }
0xc7: {  	_ =	shalt  }
tec
execute0_lowered:
.L_overlay_start_1:
0x0: {  	(tag) =	ssettag $0x1  }
0x1: {  	s0 =	rddreg [dreg:$0x0]  }
0x2: {  	s1 =	rddreg [dreg:$0x1];
	s3 =	srdreg.scid  }
0x3: {  	s4 =	stileid.u32;
	s2 =	rddreg [dreg:$0x2]  }
0x4: {  	s10 =	simm.s32 $0x6;
	s15 =	simm.s32 $0x50;
	s18 =	simm.s32 $0x7C80  }
0x5: {  	s20 =	simm.s32 $0xCC80;
	s21 =	simm.s32 $0x1;
	s22 =	simm.s32 $0x2  }
0x6: {  	s23 =	simm.s32 $0x4;
	s5 =	sand.u32 $0x1, s3;
	s4 =	sshll.u32 s4, $0x1  }
0x7: {  	s24 =	simm.s32 $0x3;
	s25 =	simm.s32 $0x5;
	s7 =	sor.u32 s5, s4  }
0x8: {  	s28 =	simm.s32 $0x0;
	s3 =	rddreg [dreg:$0x3];
	s6 =	smul.u32 $0x140, s7  }
0x9: {  	s4 =	simm.s32 $0x0;
	s5 =	ssub.s32 $0x2, s5;
	s8 =	smul.u32 $0x1500, s7  }
.Ltmp0:
0xa: {  	[smem:$0x7FF] =	sst s4;
	s9 =	sshrl.u32 s5, $0x1;
	(pc) =	sbr.rel .LBB2_1-.Ltmp0, $4  }
0xb: {  	s7 =	sshll.u32 s7, $0x4;
	_ =	strace $0x80000047;
	s6 =	sadd.s32 s6, s0  }
0xc: {  	s5 =	ssub.s32 s5, s9;
	s7 =	sadd.s32 s1, s7;
	s31 =	sadd.s32 $0x600, s6  }
0xd: {  	s0 =	sadd.s32 s8, s0;
	s6 =	sadd.s32 $0x2E00, s6;
	[dreg:$0x5] =	wrdreg s31  }
0xe: {  	s9 =	smax.u32 s5, $0x1;
	s8 =	sadd.s32 $0x5600, s0;
	[dreg:$0x6] =	wrdreg s6  }
.LBB2_36:
0xf: {  	s28 =	sadd.s32 $0x1, s28  }
0x10: {  	p0 =	sne.s32 s28, s9  }
.Ltmp1:
0x11: {  	s0 =	simm.s32 $0xF480;
	(pc) =	sbr.rel @!p0 .LBB2_37-.Ltmp1, $4  }
0x12: {  	[hbm4b:s8+s4] =	stream.linear.scatter [tilespmem:s0], [sflag:$0x6], $0xA800, $0x38;
	[tilespmem:$0x19C80] =	vst v63  }
0x13: {  	_ =	swait.ge [sflag:s10], $0xA800  }
0x14: {  	[sflag:s10] =	ssyncset.done $0x0  }
0x15: {  	[sflag:s10] =	ssyncadd.s32 $0xFFFF5800  }
.LBB2_1:
0x16: {  	s0 =	rddreg [dreg:$0x5]  }
0x17: {  	[tilespmem:s4], [sflag:$0x6] =	stream.linear.gather [hbm4b:s0+s4], $0xA00, $0x38;
	[tilespmem:$0x19C80] =	vst v63  }
0x18: {  	_ =	swait.ge [sflag:s10], $0xA00  }
0x19: {  	[sflag:s10] =	ssyncset.done $0x0  }
0x1a: {  	s1 =	simm.s32 $0xA00;
	s14 =	rddreg [dreg:$0x6];
	[sflag:s10] =	ssyncadd.s32 $0xFFFFF600  }
0x1b: {  	[tilespmem:s1], [sflag:$0x6] =	stream.linear.gather [hbm4b:s14+s4], $0xA00, $0x38;
	[tilespmem:$0x19C80] =	vst v63  }
0x1c: {  	_ =	swait.ge [sflag:s10], $0xA00  }
0x1d: {  	[sflag:s10] =	ssyncset.done $0x0  }
0x1e: {  	s16 =	simm.s32 $0x1400;
	[sflag:s10] =	ssyncadd.s32 $0xFFFFF600  }
0x1f: {  	[tilespmem:s16], [sflag:$0x6] =	stream.linear.gather [hbm4b:s7+s4], $0x80, $0x38;
	[tilespmem:$0x19C80] =	vst v63  }
0x20: {  	_ =	swait.ge [sflag:s10], $0x80  }
0x21: {  	[sflag:s10] =	ssyncset.done $0x0  }
0x22: {  	s5 =	simm.s32 $0x80;
	s6 =	simm.s32 $0x1480;
	[sflag:s10] =	ssyncadd.s32 $0xFFFFFF80  }
0x23: {  	[tilespmem:s6], [sflag:$0x1] =	stream.indirect.gather [hbm4b:s3+s5], $0x80, s16, s5, $0xb8;
	[tilespmem:$0x19C80] =	vst v63  }
0x24: {  	s17 =	simm.s32 $0x5480  }
0x25: {  	[tilespmem:s17], [sflag:$0x2] =	stream.indirect.gather [hbm4b:s2+s15], $0x80, s4, s15, $0xb8;
	[tilespmem:$0x19C80] =	vst v63  }
0x26: {  	s19 =	simm.s32 $0xA480  }
0x27: {  	[tilespmem:s19], [sflag:$0x4] =	stream.indirect.gather [hbm4b:s3+s15], $0x80, s1, s15, $0xb8;
	[tilespmem:$0x19C80] =	vst v63  }
0x28: {  	s26 =	simm.s32 $0xA50  }
0x29: {  	[tilespmem:s18], [sflag:$0x3] =	stream.indirect.gather [hbm4b:s2+s15], $0x80, s15, s15, $0xb8;
	[tilespmem:$0x19C80] =	vst v63  }
0x2a: {  	s29 =	simm.s32 $0xF5E0;
	s30 =	simm.s32 $0xF730;
	s31 =	simm.s32 $0xF880  }
0x2b: {  	[tilespmem:s20], [sflag:$0x5] =	stream.indirect.gather [hbm4b:s3+s15], $0x80, s26, s15, $0xb8;
	[tilespmem:$0x19C80] =	vst v63  }
0x2c: {  	s13 =	simm.s32 $0xFC70;
	s0 =	simm.s32 $0xFB20;
	_ =	swait.ge [sflag:s21], $0x4000  }
0x2d: {  	s14 =	simm.s32 $0xFDC0;
	s16 =	simm.s32 $0xF480;
	[sflag:s21] =	ssyncset.done $0x0  }
0x2e: {  	s17 =	simm.s32 $0x0;
	s1 =	simm.s32 $0xF9D0;
	[sflag:s21] =	ssyncadd.s32 $0xFFFFC000  }
.LBB2_2:
0x2f: {  	_ =	swait.ge [sflag:s22], $0x2800  }
0x30: {  	[sflag:s22] =	ssyncset.done $0x0  }
0x31: {  	[sflag:s22] =	ssyncadd.s32 $0xFFFFD800  }
0x32: {  	_ =	swait.ge [sflag:s23], $0x2800  }
0x33: {  	[sflag:s23] =	ssyncset.done $0x0  }
0x34: {  	s11 =	simm.s32 $0x55C0;
	[sflag:s23] =	ssyncadd.s32 $0xFFFFD800  }
0x35: {  	v4 =	vld [tilespmem:s11+$0xC0]  }
0x36: {  	v5 =	vld [tilespmem:s11+$0xD0]  }
0x37: {  	v6 =	vld [tilespmem:s11+$0xE0]  }
0x38: {  	v7 =	vld [tilespmem:s11+$0xF0]  }
0x39: {  	v0 =	vld [tilespmem:s11+$0x100]  }
0x3a: {  	v1 =	vld [tilespmem:s11+$0x110]  }
0x3b: {  	v8 =	vld [tilespmem:s11+$0x40]  }
0x3c: {  	v9 =	vld [tilespmem:s11+$0x50]  }
0x3d: {  	v10 =	vld [tilespmem:s11+$0x60]  }
0x3e: {  	v11 =	vld [tilespmem:s11+$0x70]  }
0x3f: {  	v2 =	vld [tilespmem:s11+$0x80]  }
0x40: {  	v3 =	vld [tilespmem:s11+$0x90]  }
0x41: {  	v12 =	vld [tilespmem:s11+$0xFFFFFFC0]  }
0x42: {  	v13 =	vld [tilespmem:s11+$0xFFFFFFD0]  }
0x43: {  	v14 =	vld [tilespmem:s11+$0xFFFFFFE0]  }
0x44: {  	v15 =	vld [tilespmem:s11+$0xFFFFFFF0]  }
0x45: {  	v16 =	vld [tilespmem:s11+$0xFFFFFF40]  }
0x46: {  	v17 =	vld [tilespmem:s11+$0xFFFFFF50]  }
0x47: {  	v18 =	vld [tilespmem:s11+$0xFFFFFEC0]  }
0x48: {  	v19 =	vld [tilespmem:s11+$0xFFFFFED0]  }
0x49: {  	v20 =	vld [tilespmem:s11+$0xFFFFFEE0]  }
0x4a: {  	v21 =	vld [tilespmem:s11+$0xFFFFFEF0]  }
0x4b: {  	v22 =	vld [tilespmem:s11+$0xFFFFFF60]  }
0x4c: {  	v23 =	vld [tilespmem:s11+$0xFFFFFF70]  }
0x4d: {  	v24 =	vimm.f32 $0.0e+00;
	v25 =	vld [tilespmem:s11+$0x0]  }
0x4e: {  	v26 =	vld [tilespmem:s11+$0x10];
	v18 =	vadd.f32 v18, v24;
	v19 =	vadd.f32 v19, v24  }
0x4f: {  	v27 =	vld [tilespmem:s11+$0xFFFFFF80];
	v20 =	vadd.f32 v20, v24;
	v21 =	vadd.f32 v21, v24  }
0x50: {  	v63 =	vld [tilespmem:s11+$0xFFFFFF10];
	v16 =	vadd.f32 v16, v18;
	v17 =	vadd.f32 v17, v19  }
0x51: {  	v18 =	vld [tilespmem:s11+$0xFFFFFF90];
	v20 =	vadd.f32 v22, v20;
	v21 =	vadd.f32 v23, v21  }
0x52: {  	v19 =	vld [tilespmem:s11+$0xFFFFFF00];
	v12 =	vadd.f32 v12, v16;
	v13 =	vadd.f32 v13, v17  }
0x53: {  	v16 =	vld [tilespmem:s11+$0xFFFFFF20];
	v14 =	vadd.f32 v14, v20;
	v15 =	vadd.f32 v15, v21  }
0x54: {  	v17 =	vld [tilespmem:s11+$0xFFFFFF30];
	v8 =	vadd.f32 v8, v12;
	v9 =	vadd.f32 v9, v13  }
0x55: {  	v13 =	vld [tilespmem:s11+$0xFFFFFFA0];
	v10 =	vadd.f32 v10, v14;
	v11 =	vadd.f32 v11, v15  }
0x56: {  	v15 =	vld [tilespmem:s11+$0xFFFFFFB0];
	v12 =	vadd.f32 v63, v24;
	v4 =	vadd.f32 v4, v8  }
0x57: {  	v5 =	vadd.f32 v5, v9;
	v8 =	vld [tilespmem:s11+$0x20];
	v6 =	vadd.f32 v6, v10  }
0x58: {  	v7 =	vadd.f32 v7, v11;
	v10 =	vadd.f32 v19, v24;
	v11 =	vld [tilespmem:s11+$0x30]  }
0x59: {  	v9 =	vld [tilespmem:s11+$0xA0];
	v14 =	vadd.f32 v16, v24;
	v16 =	vadd.f32 v17, v24  }
0x5a: {  	v18 =	vadd.f32 v18, v12;
	v12 =	vld [tilespmem:s11+$0xB0];
	v17 =	vadd.f32 v27, v10  }
0x5b: {  	v10 =	vld [tilespmem:s11+$0x120];
	v14 =	vadd.f32 v13, v14;
	v15 =	vadd.f32 v15, v16  }
0x5c: {  	s19 =	simm.s32 $0x0;
	s26 =	simm.s32 $0x5840;
	v13 =	vld [tilespmem:s11+$0x130];
	v16 =	vadd.f32 v25, v17;
	v17 =	vadd.f32 v26, v18  }
.LBB2_3:
0x5d: {  	v18 =	vld [tilespmem:s26+$0xC0];
	v8 =	vadd.f32 v8, v14;
	v11 =	vadd.f32 v11, v15  }
0x5e: {  	v14 =	vld [tilespmem:s26+$0xD0];
	v2 =	vadd.f32 v2, v16;
	v3 =	vadd.f32 v3, v17  }
0x5f: {  	v15 =	vld [tilespmem:s26+$0xE0];
	v8 =	vadd.f32 v9, v8;
	v9 =	vadd.f32 v12, v11  }
0x60: {  	v11 =	vld [tilespmem:s26+$0xF0];
	v12 =	vadd.f32 v0, v2;
	v16 =	vadd.f32 v1, v3  }
0x61: {  	v0 =	vld [tilespmem:s26+$0x100];
	v10 =	vadd.f32 v10, v8;
	v9 =	vadd.f32 v13, v9  }
0x62: {  	v1 =	vld [tilespmem:s26+$0x110]  }
0x63: {  	v8 =	vld [tilespmem:s26+$0x40]  }
0x64: {  	v13 =	vld [tilespmem:s26+$0x50]  }
0x65: {  	v17 =	vld [tilespmem:s26+$0x60]  }
0x66: {  	v19 =	vld [tilespmem:s26+$0x70]  }
0x67: {  	v2 =	vld [tilespmem:s26+$0x80]  }
0x68: {  	v3 =	vld [tilespmem:s26+$0x90]  }
0x69: {  	v20 =	vld [tilespmem:s26+$0xFFFFFFC0]  }
0x6a: {  	v21 =	vld [tilespmem:s26+$0xFFFFFFD0]  }
0x6b: {  	v22 =	vld [tilespmem:s26+$0xFFFFFFE0]  }
0x6c: {  	v23 =	vld [tilespmem:s26+$0xFFFFFFF0]  }
0x6d: {  	v24 =	vld [tilespmem:s26+$0xFFFFFF40]  }
0x6e: {  	v25 =	vld [tilespmem:s26+$0xFFFFFF50]  }
0x6f: {  	v26 =	vld [tilespmem:s26+$0xFFFFFEC0]  }
0x70: {  	v27 =	vld [tilespmem:s26+$0xFFFFFED0]  }
0x71: {  	v28 =	vld [tilespmem:s26+$0xFFFFFEE0]  }
0x72: {  	v29 =	vld [tilespmem:s26+$0xFFFFFEF0]  }
0x73: {  	v30 =	vld [tilespmem:s26+$0xFFFFFF60]  }
0x74: {  	v31 =	vld [tilespmem:s26+$0xFFFFFF70]  }
0x75: {  	v32 =	vld [tilespmem:s26+$0x0]  }
0x76: {  	v4 =	vadd.f32 v26, v4;
	v5 =	vadd.f32 v27, v5;
	v26 =	vld [tilespmem:s26+$0x10]  }
0x77: {  	v6 =	vadd.f32 v28, v6;
	v7 =	vadd.f32 v29, v7;
	v27 =	vld [tilespmem:s26+$0xFFFFFF80]  }
0x78: {  	v4 =	vadd.f32 v24, v4;
	v5 =	vadd.f32 v25, v5;
	v24 =	vld [tilespmem:s26+$0xFFFFFF90]  }
0x79: {  	v6 =	vadd.f32 v30, v6;
	v25 =	vld [tilespmem:s26+$0xFFFFFF00];
	v7 =	vadd.f32 v31, v7  }
0x7a: {  	v4 =	vadd.f32 v20, v4;
	v5 =	vadd.f32 v21, v5;
	v28 =	vld [tilespmem:s26+$0xFFFFFF10]  }
0x7b: {  	v6 =	vadd.f32 v22, v6;
	v20 =	vld [tilespmem:s26+$0xFFFFFF20];
	v7 =	vadd.f32 v23, v7  }
0x7c: {  	s19 =	sadd.s32 $0x5, s19;
	v4 =	vadd.f32 v8, v4;
	v5 =	vadd.f32 v13, v5;
	v21 =	vld [tilespmem:s26+$0xFFFFFF30]  }
0x7d: {  	p0 =	slt.u32 s19, $0xF;
	v6 =	vadd.f32 v17, v6;
	v13 =	vld [tilespmem:s26+$0xFFFFFFA0];
	v7 =	vadd.f32 v19, v7  }
0x7e: {  	v4 =	vadd.f32 v18, v4;
	v5 =	vadd.f32 v14, v5;
	v17 =	vld [tilespmem:s26+$0xFFFFFFB0]  }
0x7f: {  	v6 =	vadd.f32 v15, v6;
	v8 =	vld [tilespmem:s26+$0x20];
	v7 =	vadd.f32 v11, v7  }
.Ltmp2:
0x80: {  	v12 =	vadd.f32 v25, v12;
	v14 =	vadd.f32 v28, v16;
	v11 =	vld [tilespmem:s26+$0x30];
	(pc) =	sbr.rel @p0 .LBB2_3-.Ltmp2, $4  }
0x81: {  	v10 =	vadd.f32 v20, v10;
	v15 =	vadd.f32 v21, v9;
	v9 =	vld [tilespmem:s26+$0xA0]  }
0x82: {  	v16 =	vadd.f32 v27, v12;
	v18 =	vadd.f32 v24, v14;
	v12 =	vld [tilespmem:s26+$0xB0]  }
0x83: {  	v14 =	vadd.f32 v13, v10;
	v15 =	vadd.f32 v17, v15;
	v10 =	vld [tilespmem:s26+$0x120]  }
0x84: {  	v16 =	vadd.f32 v32, v16;
	v17 =	vadd.f32 v26, v18;
	v13 =	vld [tilespmem:s26+$0x130];
	s26 =	sadd.s32 $0x280, s26  }
0x85: {  	s5 =	sshll.u32 s17, $0xA  }
0x86: {  	s5 =	sand.u32 $0x3FFFFC00, s5  }
0x87: {  	v18 =	vld [tilespmem:s5+$0x1480]  }
0x88: {  	v19 =	vld [tilespmem:s5+$0x1490]  }
0x89: {  	v20 =	vld [tilespmem:s5+$0x14A0]  }
0x8a: {  	v21 =	vld [tilespmem:s5+$0x14B0]  }
0x8b: {  	v22 =	vld [tilespmem:s5+$0x14C0]  }
0x8c: {  	v8 =	vadd.f32 v8, v14;
	v11 =	vadd.f32 v11, v15;
	v14 =	vld [tilespmem:s5+$0x14D0]  }
0x8d: {  	v2 =	vadd.f32 v2, v16;
	v3 =	vadd.f32 v3, v17;
	v15 =	vld [tilespmem:s5+$0x14E0]  }
0x8e: {  	v8 =	vadd.f32 v9, v8;
	v9 =	vadd.f32 v12, v11;
	v11 =	vld [tilespmem:s5+$0x14F0]  }
0x8f: {  	v0 =	vadd.f32 v0, v2;
	v1 =	vadd.f32 v1, v3  }
0x90: {  	v8 =	vadd.f32 v10, v8;
	v2 =	vmul.f32 v18, v4;
	v3 =	vmul.f32 v19, v5  }
0x91: {  	v9 =	vadd.f32 v13, v9;
	v10 =	vmul.f32 v20, v6;
	v12 =	vmul.f32 v21, v7  }
0x92: {  	v13 =	vmul.f32 v22, v0;
	v14 =	vmul.f32 v14, v1  }
0x93: {  	v15 =	vmul.f32 v15, v8;
	v11 =	vmul.f32 v11, v9  }
0x94: {  	v2 =	vadd.f32 v3, v2;
	v3 =	vadd.f32 v12, v10  }
0x95: {  	v10 =	vadd.f32 v14, v13;
	v11 =	vadd.f32 v11, v15;
	_ =	sdelay $0x1  }
0x96: {  	v2 =	vadd.f32 v3, v2;
	v3 =	vadd.f32 v11, v10  }
0x97: {  	s26 =	smul.u32 $0x2A00, s17  }
0x98: {  	v2 =	vadd.f32 v3, v2  }
0x99: {  	s11 =	sshra.s32 s26, $0x2  }
0x9a: {  	[tilespmem:s11+$0xF480] =	vst v2  }
0x9b: {  	v10 =	vld [tilespmem:$0xA480]  }
0x9c: {  	v12 =	vld [tilespmem:$0xA490]  }
0x9d: {  	v13 =	vld [tilespmem:$0xA4A0]  }
0x9e: {  	v14 =	vld [tilespmem:$0xA4B0]  }
0x9f: {  	v15 =	vld [tilespmem:$0xA4C0]  }
0xa0: {  	v16 =	vld [tilespmem:$0xA4D0]  }
0xa1: {  	v3 =	vsub.f32 $0.0e+00, v5;
	v5 =	vsub.f32 $0.0e+00, v7;
	v17 =	vld [tilespmem:$0xA4E0]  }
0xa2: {  	v7 =	vsub.f32 $0.0e+00, v1;
	v2 =	vsub.f32 $0.0e+00, v4;
	v18 =	vld [tilespmem:$0xA4F0]  }
0xa3: {  	v1 =	vsub.f32 $0.0e+00, v8;
	v4 =	vsub.f32 $0.0e+00, v6  }
0xa4: {  	v6 =	vsub.f32 $0.0e+00, v0;
	v11 =	vmul.f32 v10, v2;
	v12 =	vmul.f32 v12, v3  }
0xa5: {  	s26 =	simm.s32 $0xA570;
	v8 =	vsub.f32 $0.0e+00, v9;
	v13 =	vmul.f32 v13, v4;
	v14 =	vmul.f32 v14, v5  }
0xa6: {  	v9 =	vld [tilespmem:s26+$0xFFFFFF90];
	v15 =	vmul.f32 v15, v6;
	v16 =	vmul.f32 v16, v7  }
0xa7: {  	s19 =	simm.s32 $0x40;
	s12 =	simm.s32 $0x80;
	v0 =	vmov s16;
	v10 =	vld [tilespmem:s26+$0xFFFFFFA0];
	v17 =	vmul.f32 v17, v1;
	v18 =	vmul.f32 v18, v8  }
.LBB2_5:
0xa8: {  	p0 =	sne.s32 s12, $0x4C0;
	v19 =	vld [tilespmem:s26+$0xFFFFFFB0];
	v11 =	vadd.f32 v12, v11;
	v12 =	vadd.f32 v14, v13  }
0xa9: {  	v13 =	vadd.f32 v16, v15;
	v14 =	vld [tilespmem:s26+$0xFFFFFFC0];
	v15 =	vadd.f32 v18, v17  }
0xaa: {  	v16 =	vld [tilespmem:s26+$0xFFFFFFD0]  }
0xab: {  	v11 =	vadd.f32 v12, v11;
	v17 =	vld [tilespmem:s26+$0xFFFFFFE0];
	v12 =	vadd.f32 v15, v13  }
0xac: {  	v18 =	vld [tilespmem:s26+$0xFFFFFFF0]  }
0xad: {  	v20 =	vld [tilespmem:s26+$0x0];
	v13 =	vadd.f32 v12, v11  }
.Ltmp3:
0xae: {  	s5 =	sshra.s32 s19, $0x2;
	s19 =	smov.u32 s12;
	(pc) =	sbr.rel @p0 .LBB2_5-.Ltmp3, $4  }
0xaf: {  	v11 =	vmul.f32 v9, v2;
	v12 =	vmul.f32 v10, v3;
	[tilespmem:v0+s5+$0x0 ss:$0x1] =	vst.idx.msk $0xffff, v13  }
0xb0: {  	s26 =	sadd.s32 $0x80, s26;
	v14 =	vmul.f32 v14, v5;
	v13 =	vmul.f32 v19, v4  }
0xb1: {  	v15 =	vmul.f32 v16, v6;
	v16 =	vmul.f32 v17, v7;
	v9 =	vld [tilespmem:s26+$0xFFFFFF90]  }
0xb2: {  	s12 =	sadd.s32 $0x40, s12;
	v17 =	vmul.f32 v18, v1;
	v10 =	vld [tilespmem:s26+$0xFFFFFFA0];
	v18 =	vmul.f32 v20, v8  }
0xb3: {  	v19 =	vld [tilespmem:s26+$0xFFFFFFB0]  }
0xb4: {  	v20 =	vld [tilespmem:s26+$0xFFFFFFC0]  }
0xb5: {  	v21 =	vld [tilespmem:s26+$0xFFFFFFD0]  }
0xb6: {  	v22 =	vld [tilespmem:s26+$0xFFFFFFE0]  }
0xb7: {  	v23 =	vld [tilespmem:s26+$0xFFFFFFF0]  }
0xb8: {  	v24 =	vld [tilespmem:s26+$0x0];
	_ =	sdelay $0x1  }
0xb9: {  	v11 =	vadd.f32 v12, v11;
	v2 =	vmul.f32 v9, v2;
	v3 =	vmul.f32 v10, v3  }
0xba: {  	v12 =	vadd.f32 v18, v17;
	v4 =	vmul.f32 v19, v4;
	v5 =	vmul.f32 v20, v5  }
0xbb: {  	v9 =	vadd.f32 v14, v13;
	v6 =	vmul.f32 v21, v6;
	v7 =	vmul.f32 v22, v7  }
0xbc: {  	v10 =	vadd.f32 v16, v15;
	v1 =	vmul.f32 v23, v1;
	v8 =	vmul.f32 v24, v8  }
0xbd: {  	v2 =	vadd.f32 v3, v2;
	v3 =	vadd.f32 v5, v4  }
0xbe: {  	v4 =	vadd.f32 v7, v6;
	v1 =	vadd.f32 v8, v1  }
0xbf: {  	v5 =	vadd.f32 v9, v11;
	v6 =	vadd.f32 v12, v10  }
0xc0: {  	v2 =	vadd.f32 v3, v2;
	v1 =	vadd.f32 v1, v4  }
0xc1: {  	v3 =	vadd.f32 v6, v5  }
0xc2: {  	s5 =	sshra.s32 s19, $0x2;
	v1 =	vadd.f32 v1, v2  }
0xc3: {  	[tilespmem:v0+s5+$0x0 ss:$0x1] =	vst.idx.msk $0xffff, v3  }
0xc4: {  	s26 =	simm.s32 $0x60F0;
	[tilespmem:s11+$0xF5C0] =	vst v1  }
0xc5: {  	v4 =	vld [tilespmem:s26+$0xFFFFFF90]  }
0xc6: {  	v5 =	vld [tilespmem:s26+$0xFFFFFFA0]  }
0xc7: {  	v6 =	vld [tilespmem:s26+$0xFFFFFFB0]  }
0xc8: {  	v7 =	vld [tilespmem:s26+$0xFFFFFFC0]  }
0xc9: {  	v0 =	vld [tilespmem:s26+$0xFFFFFFD0]  }
0xca: {  	v1 =	vld [tilespmem:s26+$0xFFFFFFE0]  }
0xcb: {  	v8 =	vld [tilespmem:s26+$0xFFFFFF10]  }
0xcc: {  	v9 =	vld [tilespmem:s26+$0xFFFFFF20]  }
0xcd: {  	v10 =	vld [tilespmem:s26+$0xFFFFFF30]  }
0xce: {  	v11 =	vld [tilespmem:s26+$0xFFFFFF40]  }
0xcf: {  	v2 =	vld [tilespmem:s26+$0xFFFFFF50]  }
0xd0: {  	v3 =	vld [tilespmem:s26+$0xFFFFFF60]  }
0xd1: {  	v12 =	vld [tilespmem:s26+$0xFFFFFE90]  }
0xd2: {  	v13 =	vld [tilespmem:s26+$0xFFFFFEA0]  }
0xd3: {  	v14 =	vld [tilespmem:s26+$0xFFFFFEB0]  }
0xd4: {  	v15 =	vld [tilespmem:s26+$0xFFFFFEC0]  }
0xd5: {  	v16 =	vld [tilespmem:s26+$0xFFFFFE10]  }
0xd6: {  	v17 =	vld [tilespmem:s26+$0xFFFFFE20]  }
0xd7: {  	v18 =	vld [tilespmem:s26+$0xFFFFFD90]  }
0xd8: {  	v19 =	vld [tilespmem:s26+$0xFFFFFDA0]  }
0xd9: {  	v58 =	vld [tilespmem:s26+$0xFFFFFDB0]  }
0xda: {  	v59 =	vld [tilespmem:s26+$0xFFFFFDC0]  }
0xdb: {  	v60 =	vld [tilespmem:s26+$0xFFFFFE30]  }
0xdc: {  	v61 =	vld [tilespmem:s26+$0xFFFFFE40]  }
0xdd: {  	v62 =	vimm.f32 $0.0e+00;
	v25 =	vld [tilespmem:s26+$0xFFFFFED0]  }
0xde: {  	v26 =	vld [tilespmem:s26+$0xFFFFFEE0];
	v18 =	vadd.f32 v18, v62;
	v19 =	vadd.f32 v19, v62  }
0xdf: {  	v27 =	vld [tilespmem:s26+$0xFFFFFE50];
	v20 =	vadd.f32 v58, v62;
	v21 =	vadd.f32 v59, v62  }
0xe0: {  	v63 =	vld [tilespmem:s26+$0xFFFFFDE0];
	v16 =	vadd.f32 v16, v18;
	v17 =	vadd.f32 v17, v19  }
0xe1: {  	v18 =	vld [tilespmem:s26+$0xFFFFFE60];
	v20 =	vadd.f32 v60, v20;
	v21 =	vadd.f32 v61, v21  }
0xe2: {  	v19 =	vld [tilespmem:s26+$0xFFFFFDD0];
	v12 =	vadd.f32 v12, v16;
	v13 =	vadd.f32 v13, v17  }
0xe3: {  	v16 =	vld [tilespmem:s26+$0xFFFFFDF0];
	v14 =	vadd.f32 v14, v20;
	v15 =	vadd.f32 v15, v21  }
0xe4: {  	v17 =	vld [tilespmem:s26+$0xFFFFFE00];
	v8 =	vadd.f32 v8, v12;
	v9 =	vadd.f32 v9, v13  }
0xe5: {  	v13 =	vld [tilespmem:s26+$0xFFFFFE70];
	v10 =	vadd.f32 v10, v14;
	v11 =	vadd.f32 v11, v15  }
0xe6: {  	v15 =	vld [tilespmem:s26+$0xFFFFFE80];
	v12 =	vadd.f32 v63, v62;
	v4 =	vadd.f32 v4, v8  }
0xe7: {  	v5 =	vadd.f32 v5, v9;
	v8 =	vld [tilespmem:s26+$0xFFFFFEF0];
	v6 =	vadd.f32 v6, v10  }
0xe8: {  	v7 =	vadd.f32 v7, v11;
	v10 =	vadd.f32 v19, v62;
	v11 =	vld [tilespmem:s26+$0xFFFFFF00]  }
0xe9: {  	v9 =	vld [tilespmem:s26+$0xFFFFFF70];
	v14 =	vadd.f32 v16, v62;
	v16 =	vadd.f32 v17, v62  }
0xea: {  	v18 =	vadd.f32 v18, v12;
	v12 =	vld [tilespmem:s26+$0xFFFFFF80];
	v17 =	vadd.f32 v27, v10  }
0xeb: {  	v10 =	vld [tilespmem:s26+$0xFFFFFFF0];
	v14 =	vadd.f32 v13, v14;
	v15 =	vadd.f32 v15, v16  }
0xec: {  	s19 =	simm.s32 $0x0;
	v13 =	vld [tilespmem:s26+$0x0];
	s26 =	simm.s32 $0x6370;
	v16 =	vadd.f32 v25, v17;
	v17 =	vadd.f32 v26, v18  }
.LBB2_7:
0xed: {  	v18 =	vld [tilespmem:s26+$0xFFFFFF90];
	v8 =	vadd.f32 v8, v14;
	v11 =	vadd.f32 v11, v15  }
0xee: {  	v14 =	vld [tilespmem:s26+$0xFFFFFFA0];
	v2 =	vadd.f32 v2, v16;
	v3 =	vadd.f32 v3, v17  }
0xef: {  	v15 =	vld [tilespmem:s26+$0xFFFFFFB0];
	v8 =	vadd.f32 v9, v8;
	v9 =	vadd.f32 v12, v11  }
0xf0: {  	v11 =	vld [tilespmem:s26+$0xFFFFFFC0];
	v12 =	vadd.f32 v0, v2;
	v16 =	vadd.f32 v1, v3  }
0xf1: {  	v0 =	vld [tilespmem:s26+$0xFFFFFFD0];
	v10 =	vadd.f32 v10, v8;
	v9 =	vadd.f32 v13, v9  }
0xf2: {  	v1 =	vld [tilespmem:s26+$0xFFFFFFE0]  }
0xf3: {  	v8 =	vld [tilespmem:s26+$0xFFFFFF10]  }
0xf4: {  	v13 =	vld [tilespmem:s26+$0xFFFFFF20]  }
0xf5: {  	v17 =	vld [tilespmem:s26+$0xFFFFFF30]  }
0xf6: {  	v19 =	vld [tilespmem:s26+$0xFFFFFF40]  }
0xf7: {  	v2 =	vld [tilespmem:s26+$0xFFFFFF50]  }
0xf8: {  	v3 =	vld [tilespmem:s26+$0xFFFFFF60]  }
0xf9: {  	v20 =	vld [tilespmem:s26+$0xFFFFFE90]  }
0xfa: {  	v21 =	vld [tilespmem:s26+$0xFFFFFEA0]  }
0xfb: {  	v22 =	vld [tilespmem:s26+$0xFFFFFEB0]  }
0xfc: {  	v23 =	vld [tilespmem:s26+$0xFFFFFEC0]  }
0xfd: {  	v24 =	vld [tilespmem:s26+$0xFFFFFE10]  }
0xfe: {  	v25 =	vld [tilespmem:s26+$0xFFFFFE20]  }
0xff: {  	v26 =	vld [tilespmem:s26+$0xFFFFFD90]  }
0x100: {  	v27 =	vld [tilespmem:s26+$0xFFFFFDA0]  }
0x101: {  	v28 =	vld [tilespmem:s26+$0xFFFFFDB0]  }
0x102: {  	v29 =	vld [tilespmem:s26+$0xFFFFFDC0]  }
0x103: {  	v30 =	vld [tilespmem:s26+$0xFFFFFE30]  }
0x104: {  	v31 =	vld [tilespmem:s26+$0xFFFFFE40]  }
0x105: {  	v32 =	vld [tilespmem:s26+$0xFFFFFED0]  }
0x106: {  	v4 =	vadd.f32 v26, v4;
	v5 =	vadd.f32 v27, v5;
	v26 =	vld [tilespmem:s26+$0xFFFFFEE0]  }
0x107: {  	v6 =	vadd.f32 v28, v6;
	v7 =	vadd.f32 v29, v7;
	v27 =	vld [tilespmem:s26+$0xFFFFFE50]  }
0x108: {  	v4 =	vadd.f32 v24, v4;
	v5 =	vadd.f32 v25, v5;
	v24 =	vld [tilespmem:s26+$0xFFFFFE60]  }
0x109: {  	v6 =	vadd.f32 v30, v6;
	v25 =	vld [tilespmem:s26+$0xFFFFFDD0];
	v7 =	vadd.f32 v31, v7  }
0x10a: {  	v4 =	vadd.f32 v20, v4;
	v5 =	vadd.f32 v21, v5;
	v28 =	vld [tilespmem:s26+$0xFFFFFDE0]  }
0x10b: {  	v6 =	vadd.f32 v22, v6;
	v20 =	vld [tilespmem:s26+$0xFFFFFDF0];
	v7 =	vadd.f32 v23, v7  }
0x10c: {  	s19 =	sadd.s32 $0x5, s19;
	v4 =	vadd.f32 v8, v4;
	v5 =	vadd.f32 v13, v5;
	v21 =	vld [tilespmem:s26+$0xFFFFFE00]  }
0x10d: {  	p0 =	slt.u32 s19, $0xF;
	v6 =	vadd.f32 v17, v6;
	v13 =	vld [tilespmem:s26+$0xFFFFFE70];
	v7 =	vadd.f32 v19, v7  }
0x10e: {  	v4 =	vadd.f32 v18, v4;
	v5 =	vadd.f32 v14, v5;
	v17 =	vld [tilespmem:s26+$0xFFFFFE80]  }
0x10f: {  	v6 =	vadd.f32 v15, v6;
	v8 =	vld [tilespmem:s26+$0xFFFFFEF0];
	v7 =	vadd.f32 v11, v7  }
.Ltmp4:
0x110: {  	v12 =	vadd.f32 v25, v12;
	v14 =	vadd.f32 v28, v16;
	v11 =	vld [tilespmem:s26+$0xFFFFFF00];
	(pc) =	sbr.rel @p0 .LBB2_7-.Ltmp4, $4  }
0x111: {  	v10 =	vadd.f32 v20, v10;
	v15 =	vadd.f32 v21, v9;
	v9 =	vld [tilespmem:s26+$0xFFFFFF70]  }
0x112: {  	v16 =	vadd.f32 v27, v12;
	v18 =	vadd.f32 v24, v14;
	v12 =	vld [tilespmem:s26+$0xFFFFFF80]  }
0x113: {  	v14 =	vadd.f32 v13, v10;
	v15 =	vadd.f32 v17, v15;
	v10 =	vld [tilespmem:s26+$0xFFFFFFF0]  }
0x114: {  	v16 =	vadd.f32 v32, v16;
	v17 =	vadd.f32 v26, v18;
	v13 =	vld [tilespmem:s26+$0x0];
	s26 =	sadd.s32 $0x280, s26  }
0x115: {  	s19 =	sshll.u32 s17, $0x3  }
0x116: {  	s5 =	sor.u32 $0x1, s19  }
0x117: {  	s11 =	sshll.u32 s5, $0x7  }
0x118: {  	s11 =	sand.u32 $0x3FFFFC80, s11  }
0x119: {  	v18 =	vld [tilespmem:s11+$0x1480]  }
0x11a: {  	v19 =	vld [tilespmem:s11+$0x1490]  }
0x11b: {  	v20 =	vld [tilespmem:s11+$0x14A0]  }
0x11c: {  	v21 =	vld [tilespmem:s11+$0x14B0]  }
0x11d: {  	v22 =	vld [tilespmem:s11+$0x14C0]  }
0x11e: {  	v8 =	vadd.f32 v8, v14;
	v11 =	vadd.f32 v11, v15;
	v14 =	vld [tilespmem:s11+$0x14D0]  }
0x11f: {  	v2 =	vadd.f32 v2, v16;
	v3 =	vadd.f32 v3, v17;
	v15 =	vld [tilespmem:s11+$0x14E0]  }
0x120: {  	v8 =	vadd.f32 v9, v8;
	v9 =	vadd.f32 v12, v11;
	v11 =	vld [tilespmem:s11+$0x14F0]  }
0x121: {  	v0 =	vadd.f32 v0, v2;
	v1 =	vadd.f32 v1, v3  }
0x122: {  	v8 =	vadd.f32 v10, v8;
	v2 =	vmul.f32 v18, v4;
	v3 =	vmul.f32 v19, v5  }
0x123: {  	v9 =	vadd.f32 v13, v9;
	v10 =	vmul.f32 v20, v6;
	v12 =	vmul.f32 v21, v7  }
0x124: {  	v13 =	vmul.f32 v22, v0;
	v14 =	vmul.f32 v14, v1  }
0x125: {  	v15 =	vmul.f32 v15, v8;
	v11 =	vmul.f32 v11, v9  }
0x126: {  	v2 =	vadd.f32 v3, v2;
	v3 =	vadd.f32 v12, v10  }
0x127: {  	v10 =	vadd.f32 v14, v13;
	v11 =	vadd.f32 v11, v15;
	_ =	sdelay $0x1  }
0x128: {  	v2 =	vadd.f32 v3, v2;
	v3 =	vadd.f32 v11, v10  }
0x129: {  	s5 =	smul.u32 $0x540, s5  }
0x12a: {  	v2 =	vadd.f32 v3, v2  }
0x12b: {  	s11 =	sshra.s32 s5, $0x2  }
0x12c: {  	[tilespmem:s11+$0xF480] =	vst v2  }
0x12d: {  	v10 =	vld [tilespmem:$0xAE80]  }
0x12e: {  	v12 =	vld [tilespmem:$0xAE90]  }
0x12f: {  	v13 =	vld [tilespmem:$0xAEA0]  }
0x130: {  	v14 =	vld [tilespmem:$0xAEB0]  }
0x131: {  	v15 =	vld [tilespmem:$0xAEC0]  }
0x132: {  	v16 =	vld [tilespmem:$0xAED0]  }
0x133: {  	v3 =	vsub.f32 $0.0e+00, v5;
	v5 =	vsub.f32 $0.0e+00, v7;
	v17 =	vld [tilespmem:$0xAEE0]  }
0x134: {  	v7 =	vsub.f32 $0.0e+00, v1;
	v2 =	vsub.f32 $0.0e+00, v4;
	v18 =	vld [tilespmem:$0xAEF0]  }
0x135: {  	v1 =	vsub.f32 $0.0e+00, v8;
	v4 =	vsub.f32 $0.0e+00, v6  }
0x136: {  	v6 =	vsub.f32 $0.0e+00, v0;
	v11 =	vmul.f32 v10, v2;
	v12 =	vmul.f32 v12, v3  }
0x137: {  	s12 =	simm.s32 $0xAF70;
	v8 =	vsub.f32 $0.0e+00, v9;
	v13 =	vmul.f32 v13, v4;
	v14 =	vmul.f32 v14, v5  }
0x138: {  	v9 =	vld [tilespmem:s12+$0xFFFFFF90];
	v15 =	vmul.f32 v15, v6;
	v16 =	vmul.f32 v16, v7  }
0x139: {  	s26 =	simm.s32 $0x0;
	s5 =	simm.s32 $0x40;
	v0 =	vmov s29;
	v10 =	vld [tilespmem:s12+$0xFFFFFFA0];
	v17 =	vmul.f32 v17, v1;
	v18 =	vmul.f32 v18, v8  }
.LBB2_9:
0x13a: {  	p0 =	sne.s32 s5, $0x480;
	v19 =	vld [tilespmem:s12+$0xFFFFFFB0];
	v11 =	vadd.f32 v12, v11;
	v12 =	vadd.f32 v14, v13  }
0x13b: {  	v13 =	vadd.f32 v16, v15;
	v14 =	vld [tilespmem:s12+$0xFFFFFFC0];
	v15 =	vadd.f32 v18, v17  }
0x13c: {  	v16 =	vld [tilespmem:s12+$0xFFFFFFD0]  }
0x13d: {  	v11 =	vadd.f32 v12, v11;
	v17 =	vld [tilespmem:s12+$0xFFFFFFE0];
	v12 =	vadd.f32 v15, v13  }
0x13e: {  	v18 =	vld [tilespmem:s12+$0xFFFFFFF0]  }
0x13f: {  	v20 =	vld [tilespmem:s12+$0x0];
	v13 =	vadd.f32 v12, v11  }
.Ltmp5:
0x140: {  	s6 =	sshra.s32 s26, $0x2;
	s26 =	smov.u32 s5;
	(pc) =	sbr.rel @p0 .LBB2_9-.Ltmp5, $4  }
0x141: {  	v11 =	vmul.f32 v9, v2;
	v12 =	vmul.f32 v10, v3;
	[tilespmem:v0+s6+$0x0 ss:$0x1] =	vst.idx.msk $0xffff, v13  }
0x142: {  	s12 =	sadd.s32 $0x80, s12;
	v14 =	vmul.f32 v14, v5;
	v13 =	vmul.f32 v19, v4  }
0x143: {  	v15 =	vmul.f32 v16, v6;
	v16 =	vmul.f32 v17, v7;
	v9 =	vld [tilespmem:s12+$0xFFFFFF90]  }
0x144: {  	s5 =	sadd.s32 $0x40, s5;
	v17 =	vmul.f32 v18, v1;
	v10 =	vld [tilespmem:s12+$0xFFFFFFA0];
	v18 =	vmul.f32 v20, v8  }
0x145: {  	v19 =	vld [tilespmem:s12+$0xFFFFFFB0]  }
0x146: {  	v20 =	vld [tilespmem:s12+$0xFFFFFFC0]  }
0x147: {  	v21 =	vld [tilespmem:s12+$0xFFFFFFD0]  }
0x148: {  	v22 =	vld [tilespmem:s12+$0xFFFFFFE0]  }
0x149: {  	v23 =	vld [tilespmem:s12+$0xFFFFFFF0]  }
0x14a: {  	v24 =	vld [tilespmem:s12+$0x0];
	_ =	sdelay $0x1  }
0x14b: {  	v11 =	vadd.f32 v12, v11;
	v2 =	vmul.f32 v9, v2;
	v3 =	vmul.f32 v10, v3  }
0x14c: {  	v12 =	vadd.f32 v18, v17;
	v4 =	vmul.f32 v19, v4;
	v5 =	vmul.f32 v20, v5  }
0x14d: {  	v9 =	vadd.f32 v14, v13;
	v6 =	vmul.f32 v21, v6;
	v7 =	vmul.f32 v22, v7  }
0x14e: {  	v10 =	vadd.f32 v16, v15;
	v1 =	vmul.f32 v23, v1;
	v8 =	vmul.f32 v24, v8  }
0x14f: {  	v2 =	vadd.f32 v3, v2;
	v3 =	vadd.f32 v5, v4  }
0x150: {  	v4 =	vadd.f32 v7, v6;
	v1 =	vadd.f32 v8, v1  }
0x151: {  	v5 =	vadd.f32 v9, v11;
	v6 =	vadd.f32 v12, v10  }
0x152: {  	v2 =	vadd.f32 v3, v2;
	v1 =	vadd.f32 v1, v4  }
0x153: {  	v3 =	vadd.f32 v6, v5  }
0x154: {  	s5 =	sshra.s32 s26, $0x2;
	v1 =	vadd.f32 v1, v2  }
0x155: {  	[tilespmem:v0+s5+$0x0 ss:$0x1] =	vst.idx.msk $0xffff, v3  }
0x156: {  	s12 =	simm.s32 $0x6AF0;
	[tilespmem:s11+$0xF5C0] =	vst v1  }
0x157: {  	v4 =	vld [tilespmem:s12+$0xFFFFFF90]  }
0x158: {  	v5 =	vld [tilespmem:s12+$0xFFFFFFA0]  }
0x159: {  	v6 =	vld [tilespmem:s12+$0xFFFFFFB0]  }
0x15a: {  	v7 =	vld [tilespmem:s12+$0xFFFFFFC0]  }
0x15b: {  	v0 =	vld [tilespmem:s12+$0xFFFFFFD0]  }
0x15c: {  	v1 =	vld [tilespmem:s12+$0xFFFFFFE0]  }
0x15d: {  	v8 =	vld [tilespmem:s12+$0xFFFFFF10]  }
0x15e: {  	v9 =	vld [tilespmem:s12+$0xFFFFFF20]  }
0x15f: {  	v10 =	vld [tilespmem:s12+$0xFFFFFF30]  }
0x160: {  	v11 =	vld [tilespmem:s12+$0xFFFFFF40]  }
0x161: {  	v2 =	vld [tilespmem:s12+$0xFFFFFF50]  }
0x162: {  	v3 =	vld [tilespmem:s12+$0xFFFFFF60]  }
0x163: {  	v12 =	vld [tilespmem:s12+$0xFFFFFE90]  }
0x164: {  	v13 =	vld [tilespmem:s12+$0xFFFFFEA0]  }
0x165: {  	v14 =	vld [tilespmem:s12+$0xFFFFFEB0]  }
0x166: {  	v15 =	vld [tilespmem:s12+$0xFFFFFEC0]  }
0x167: {  	v16 =	vld [tilespmem:s12+$0xFFFFFE10]  }
0x168: {  	v17 =	vld [tilespmem:s12+$0xFFFFFE20]  }
0x169: {  	v18 =	vld [tilespmem:s12+$0xFFFFFD90]  }
0x16a: {  	v19 =	vld [tilespmem:s12+$0xFFFFFDA0]  }
0x16b: {  	v58 =	vld [tilespmem:s12+$0xFFFFFDB0]  }
0x16c: {  	v59 =	vld [tilespmem:s12+$0xFFFFFDC0]  }
0x16d: {  	v60 =	vld [tilespmem:s12+$0xFFFFFE30]  }
0x16e: {  	v61 =	vld [tilespmem:s12+$0xFFFFFE40]  }
0x16f: {  	v62 =	vimm.f32 $0.0e+00;
	v25 =	vld [tilespmem:s12+$0xFFFFFED0]  }
0x170: {  	v26 =	vld [tilespmem:s12+$0xFFFFFEE0];
	v18 =	vadd.f32 v18, v62;
	v19 =	vadd.f32 v19, v62  }
0x171: {  	v27 =	vld [tilespmem:s12+$0xFFFFFE50];
	v20 =	vadd.f32 v58, v62;
	v21 =	vadd.f32 v59, v62  }
0x172: {  	v63 =	vld [tilespmem:s12+$0xFFFFFDE0];
	v16 =	vadd.f32 v16, v18;
	v17 =	vadd.f32 v17, v19  }
0x173: {  	v18 =	vld [tilespmem:s12+$0xFFFFFE60];
	v20 =	vadd.f32 v60, v20;
	v21 =	vadd.f32 v61, v21  }
0x174: {  	v19 =	vld [tilespmem:s12+$0xFFFFFDD0];
	v12 =	vadd.f32 v12, v16;
	v13 =	vadd.f32 v13, v17  }
0x175: {  	v16 =	vld [tilespmem:s12+$0xFFFFFDF0];
	v14 =	vadd.f32 v14, v20;
	v15 =	vadd.f32 v15, v21  }
0x176: {  	v17 =	vld [tilespmem:s12+$0xFFFFFE00];
	v8 =	vadd.f32 v8, v12;
	v9 =	vadd.f32 v9, v13  }
0x177: {  	v13 =	vld [tilespmem:s12+$0xFFFFFE70];
	v10 =	vadd.f32 v10, v14;
	v11 =	vadd.f32 v11, v15  }
0x178: {  	v15 =	vld [tilespmem:s12+$0xFFFFFE80];
	v12 =	vadd.f32 v63, v62;
	v4 =	vadd.f32 v4, v8  }
0x179: {  	v5 =	vadd.f32 v5, v9;
	v8 =	vld [tilespmem:s12+$0xFFFFFEF0];
	v6 =	vadd.f32 v6, v10  }
0x17a: {  	v7 =	vadd.f32 v7, v11;
	v10 =	vadd.f32 v19, v62;
	v11 =	vld [tilespmem:s12+$0xFFFFFF00]  }
0x17b: {  	v9 =	vld [tilespmem:s12+$0xFFFFFF70];
	v14 =	vadd.f32 v16, v62;
	v16 =	vadd.f32 v17, v62  }
0x17c: {  	v18 =	vadd.f32 v18, v12;
	v12 =	vld [tilespmem:s12+$0xFFFFFF80];
	v17 =	vadd.f32 v27, v10  }
0x17d: {  	v10 =	vld [tilespmem:s12+$0xFFFFFFF0];
	v14 =	vadd.f32 v13, v14;
	v15 =	vadd.f32 v15, v16  }
0x17e: {  	s26 =	simm.s32 $0x0;
	s11 =	simm.s32 $0x6D70;
	v13 =	vld [tilespmem:s12+$0x0];
	v16 =	vadd.f32 v25, v17;
	v17 =	vadd.f32 v26, v18  }
.LBB2_11:
0x17f: {  	v18 =	vld [tilespmem:s11+$0xFFFFFF90];
	v8 =	vadd.f32 v8, v14;
	v11 =	vadd.f32 v11, v15  }
0x180: {  	v14 =	vld [tilespmem:s11+$0xFFFFFFA0];
	v2 =	vadd.f32 v2, v16;
	v3 =	vadd.f32 v3, v17  }
0x181: {  	v15 =	vld [tilespmem:s11+$0xFFFFFFB0];
	v8 =	vadd.f32 v9, v8;
	v9 =	vadd.f32 v12, v11  }
0x182: {  	v11 =	vld [tilespmem:s11+$0xFFFFFFC0];
	v12 =	vadd.f32 v0, v2;
	v16 =	vadd.f32 v1, v3  }
0x183: {  	v0 =	vld [tilespmem:s11+$0xFFFFFFD0];
	v10 =	vadd.f32 v10, v8;
	v9 =	vadd.f32 v13, v9  }
0x184: {  	v1 =	vld [tilespmem:s11+$0xFFFFFFE0]  }
0x185: {  	v8 =	vld [tilespmem:s11+$0xFFFFFF10]  }
0x186: {  	v13 =	vld [tilespmem:s11+$0xFFFFFF20]  }
0x187: {  	v17 =	vld [tilespmem:s11+$0xFFFFFF30]  }
0x188: {  	v19 =	vld [tilespmem:s11+$0xFFFFFF40]  }
0x189: {  	v2 =	vld [tilespmem:s11+$0xFFFFFF50]  }
0x18a: {  	v3 =	vld [tilespmem:s11+$0xFFFFFF60]  }
0x18b: {  	v20 =	vld [tilespmem:s11+$0xFFFFFE90]  }
0x18c: {  	v21 =	vld [tilespmem:s11+$0xFFFFFEA0]  }
0x18d: {  	v22 =	vld [tilespmem:s11+$0xFFFFFEB0]  }
0x18e: {  	v23 =	vld [tilespmem:s11+$0xFFFFFEC0]  }
0x18f: {  	v24 =	vld [tilespmem:s11+$0xFFFFFE10]  }
0x190: {  	v25 =	vld [tilespmem:s11+$0xFFFFFE20]  }
0x191: {  	v26 =	vld [tilespmem:s11+$0xFFFFFD90]  }
0x192: {  	v27 =	vld [tilespmem:s11+$0xFFFFFDA0]  }
0x193: {  	v28 =	vld [tilespmem:s11+$0xFFFFFDB0]  }
0x194: {  	v29 =	vld [tilespmem:s11+$0xFFFFFDC0]  }
0x195: {  	v30 =	vld [tilespmem:s11+$0xFFFFFE30]  }
0x196: {  	v31 =	vld [tilespmem:s11+$0xFFFFFE40]  }
0x197: {  	v32 =	vld [tilespmem:s11+$0xFFFFFED0]  }
0x198: {  	v4 =	vadd.f32 v26, v4;
	v5 =	vadd.f32 v27, v5;
	v26 =	vld [tilespmem:s11+$0xFFFFFEE0]  }
0x199: {  	v6 =	vadd.f32 v28, v6;
	v7 =	vadd.f32 v29, v7;
	v27 =	vld [tilespmem:s11+$0xFFFFFE50]  }
0x19a: {  	v4 =	vadd.f32 v24, v4;
	v5 =	vadd.f32 v25, v5;
	v24 =	vld [tilespmem:s11+$0xFFFFFE60]  }
0x19b: {  	v6 =	vadd.f32 v30, v6;
	v25 =	vld [tilespmem:s11+$0xFFFFFDD0];
	v7 =	vadd.f32 v31, v7  }
0x19c: {  	v4 =	vadd.f32 v20, v4;
	v5 =	vadd.f32 v21, v5;
	v28 =	vld [tilespmem:s11+$0xFFFFFDE0]  }
0x19d: {  	v6 =	vadd.f32 v22, v6;
	v20 =	vld [tilespmem:s11+$0xFFFFFDF0];
	v7 =	vadd.f32 v23, v7  }
0x19e: {  	s26 =	sadd.s32 $0x5, s26;
	v4 =	vadd.f32 v8, v4;
	v5 =	vadd.f32 v13, v5;
	v21 =	vld [tilespmem:s11+$0xFFFFFE00]  }
0x19f: {  	p0 =	slt.u32 s26, $0xF;
	v6 =	vadd.f32 v17, v6;
	v13 =	vld [tilespmem:s11+$0xFFFFFE70];
	v7 =	vadd.f32 v19, v7  }
0x1a0: {  	v4 =	vadd.f32 v18, v4;
	v5 =	vadd.f32 v14, v5;
	v17 =	vld [tilespmem:s11+$0xFFFFFE80]  }
0x1a1: {  	v6 =	vadd.f32 v15, v6;
	v8 =	vld [tilespmem:s11+$0xFFFFFEF0];
	v7 =	vadd.f32 v11, v7  }
.Ltmp6:
0x1a2: {  	v12 =	vadd.f32 v25, v12;
	v14 =	vadd.f32 v28, v16;
	v11 =	vld [tilespmem:s11+$0xFFFFFF00];
	(pc) =	sbr.rel @p0 .LBB2_11-.Ltmp6, $4  }
0x1a3: {  	v10 =	vadd.f32 v20, v10;
	v15 =	vadd.f32 v21, v9;
	v9 =	vld [tilespmem:s11+$0xFFFFFF70]  }
0x1a4: {  	v16 =	vadd.f32 v27, v12;
	v18 =	vadd.f32 v24, v14;
	v12 =	vld [tilespmem:s11+$0xFFFFFF80]  }
0x1a5: {  	v14 =	vadd.f32 v13, v10;
	v15 =	vadd.f32 v17, v15;
	v10 =	vld [tilespmem:s11+$0xFFFFFFF0]  }
0x1a6: {  	v16 =	vadd.f32 v32, v16;
	v17 =	vadd.f32 v26, v18;
	v13 =	vld [tilespmem:s11+$0x0];
	s11 =	sadd.s32 $0x280, s11  }
0x1a7: {  	s5 =	sor.u32 $0x2, s19  }
0x1a8: {  	s6 =	sshll.u32 s5, $0x7  }
0x1a9: {  	s6 =	sand.u32 $0x3FFFFF80, s6  }
0x1aa: {  	v18 =	vld [tilespmem:s6+$0x1480]  }
0x1ab: {  	v19 =	vld [tilespmem:s6+$0x1490]  }
0x1ac: {  	v20 =	vld [tilespmem:s6+$0x14A0]  }
0x1ad: {  	v21 =	vld [tilespmem:s6+$0x14B0]  }
0x1ae: {  	v22 =	vld [tilespmem:s6+$0x14C0]  }
0x1af: {  	v8 =	vadd.f32 v8, v14;
	v11 =	vadd.f32 v11, v15;
	v14 =	vld [tilespmem:s6+$0x14D0]  }
0x1b0: {  	v2 =	vadd.f32 v2, v16;
	v3 =	vadd.f32 v3, v17;
	v15 =	vld [tilespmem:s6+$0x14E0]  }
0x1b1: {  	v8 =	vadd.f32 v9, v8;
	v9 =	vadd.f32 v12, v11;
	v11 =	vld [tilespmem:s6+$0x14F0]  }
0x1b2: {  	v0 =	vadd.f32 v0, v2;
	v1 =	vadd.f32 v1, v3  }
0x1b3: {  	v8 =	vadd.f32 v10, v8;
	v2 =	vmul.f32 v18, v4;
	v3 =	vmul.f32 v19, v5  }
0x1b4: {  	v9 =	vadd.f32 v13, v9;
	v10 =	vmul.f32 v20, v6;
	v12 =	vmul.f32 v21, v7  }
0x1b5: {  	v13 =	vmul.f32 v22, v0;
	v14 =	vmul.f32 v14, v1  }
0x1b6: {  	v15 =	vmul.f32 v15, v8;
	v11 =	vmul.f32 v11, v9  }
0x1b7: {  	v2 =	vadd.f32 v3, v2;
	v3 =	vadd.f32 v12, v10  }
0x1b8: {  	v10 =	vadd.f32 v14, v13;
	v11 =	vadd.f32 v11, v15;
	_ =	sdelay $0x1  }
0x1b9: {  	v2 =	vadd.f32 v3, v2;
	v3 =	vadd.f32 v11, v10  }
0x1ba: {  	s5 =	smul.u32 $0x540, s5  }
0x1bb: {  	v2 =	vadd.f32 v3, v2  }
0x1bc: {  	s11 =	sshra.s32 s5, $0x2  }
0x1bd: {  	[tilespmem:s11+$0xF480] =	vst v2  }
0x1be: {  	v10 =	vld [tilespmem:$0xB880]  }
0x1bf: {  	v12 =	vld [tilespmem:$0xB890]  }
0x1c0: {  	v13 =	vld [tilespmem:$0xB8A0]  }
0x1c1: {  	v14 =	vld [tilespmem:$0xB8B0]  }
0x1c2: {  	v15 =	vld [tilespmem:$0xB8C0]  }
0x1c3: {  	v16 =	vld [tilespmem:$0xB8D0]  }
0x1c4: {  	v3 =	vsub.f32 $0.0e+00, v5;
	v5 =	vsub.f32 $0.0e+00, v7;
	v17 =	vld [tilespmem:$0xB8E0]  }
0x1c5: {  	v7 =	vsub.f32 $0.0e+00, v1;
	v2 =	vsub.f32 $0.0e+00, v4;
	v18 =	vld [tilespmem:$0xB8F0]  }
0x1c6: {  	v1 =	vsub.f32 $0.0e+00, v8;
	v4 =	vsub.f32 $0.0e+00, v6  }
0x1c7: {  	v6 =	vsub.f32 $0.0e+00, v0;
	v11 =	vmul.f32 v10, v2;
	v12 =	vmul.f32 v12, v3  }
0x1c8: {  	s12 =	simm.s32 $0xB970;
	v8 =	vsub.f32 $0.0e+00, v9;
	v13 =	vmul.f32 v13, v4;
	v14 =	vmul.f32 v14, v5  }
0x1c9: {  	v9 =	vld [tilespmem:s12+$0xFFFFFF90];
	v15 =	vmul.f32 v15, v6;
	v16 =	vmul.f32 v16, v7  }
0x1ca: {  	s26 =	simm.s32 $0x0;
	s5 =	simm.s32 $0x40;
	v0 =	vmov s30;
	v10 =	vld [tilespmem:s12+$0xFFFFFFA0];
	v17 =	vmul.f32 v17, v1;
	v18 =	vmul.f32 v18, v8  }
.LBB2_13:
0x1cb: {  	p0 =	sne.s32 s5, $0x480;
	v19 =	vld [tilespmem:s12+$0xFFFFFFB0];
	v11 =	vadd.f32 v12, v11;
	v12 =	vadd.f32 v14, v13  }
0x1cc: {  	v13 =	vadd.f32 v16, v15;
	v14 =	vld [tilespmem:s12+$0xFFFFFFC0];
	v15 =	vadd.f32 v18, v17  }
0x1cd: {  	v16 =	vld [tilespmem:s12+$0xFFFFFFD0]  }
0x1ce: {  	v11 =	vadd.f32 v12, v11;
	v17 =	vld [tilespmem:s12+$0xFFFFFFE0];
	v12 =	vadd.f32 v15, v13  }
0x1cf: {  	v18 =	vld [tilespmem:s12+$0xFFFFFFF0]  }
0x1d0: {  	v20 =	vld [tilespmem:s12+$0x0];
	v13 =	vadd.f32 v12, v11  }
.Ltmp7:
0x1d1: {  	s6 =	sshra.s32 s26, $0x2;
	s26 =	smov.u32 s5;
	(pc) =	sbr.rel @p0 .LBB2_13-.Ltmp7, $4  }
0x1d2: {  	v11 =	vmul.f32 v9, v2;
	v12 =	vmul.f32 v10, v3;
	[tilespmem:v0+s6+$0x0 ss:$0x1] =	vst.idx.msk $0xffff, v13  }
0x1d3: {  	s12 =	sadd.s32 $0x80, s12;
	v14 =	vmul.f32 v14, v5;
	v13 =	vmul.f32 v19, v4  }
0x1d4: {  	v15 =	vmul.f32 v16, v6;
	v16 =	vmul.f32 v17, v7;
	v9 =	vld [tilespmem:s12+$0xFFFFFF90]  }
0x1d5: {  	s5 =	sadd.s32 $0x40, s5;
	v17 =	vmul.f32 v18, v1;
	v10 =	vld [tilespmem:s12+$0xFFFFFFA0];
	v18 =	vmul.f32 v20, v8  }
0x1d6: {  	v19 =	vld [tilespmem:s12+$0xFFFFFFB0]  }
0x1d7: {  	v20 =	vld [tilespmem:s12+$0xFFFFFFC0]  }
0x1d8: {  	v21 =	vld [tilespmem:s12+$0xFFFFFFD0]  }
0x1d9: {  	v22 =	vld [tilespmem:s12+$0xFFFFFFE0]  }
0x1da: {  	v23 =	vld [tilespmem:s12+$0xFFFFFFF0]  }
0x1db: {  	v24 =	vld [tilespmem:s12+$0x0];
	_ =	sdelay $0x1  }
0x1dc: {  	v11 =	vadd.f32 v12, v11;
	v2 =	vmul.f32 v9, v2;
	v3 =	vmul.f32 v10, v3  }
0x1dd: {  	v12 =	vadd.f32 v18, v17;
	v4 =	vmul.f32 v19, v4;
	v5 =	vmul.f32 v20, v5  }
0x1de: {  	v9 =	vadd.f32 v14, v13;
	v6 =	vmul.f32 v21, v6;
	v7 =	vmul.f32 v22, v7  }
0x1df: {  	v10 =	vadd.f32 v16, v15;
	v1 =	vmul.f32 v23, v1;
	v8 =	vmul.f32 v24, v8  }
0x1e0: {  	v2 =	vadd.f32 v3, v2;
	v3 =	vadd.f32 v5, v4  }
0x1e1: {  	v4 =	vadd.f32 v7, v6;
	v1 =	vadd.f32 v8, v1  }
0x1e2: {  	v5 =	vadd.f32 v9, v11;
	v6 =	vadd.f32 v12, v10  }
0x1e3: {  	v2 =	vadd.f32 v3, v2;
	v1 =	vadd.f32 v1, v4  }
0x1e4: {  	v3 =	vadd.f32 v6, v5  }
0x1e5: {  	s5 =	sshra.s32 s26, $0x2;
	v1 =	vadd.f32 v1, v2  }
0x1e6: {  	[tilespmem:v0+s5+$0x0 ss:$0x1] =	vst.idx.msk $0xffff, v3  }
0x1e7: {  	s12 =	simm.s32 $0x74F0;
	[tilespmem:s11+$0xF5C0] =	vst v1  }
0x1e8: {  	v4 =	vld [tilespmem:s12+$0xFFFFFF90]  }
0x1e9: {  	v5 =	vld [tilespmem:s12+$0xFFFFFFA0]  }
0x1ea: {  	v6 =	vld [tilespmem:s12+$0xFFFFFFB0]  }
0x1eb: {  	v7 =	vld [tilespmem:s12+$0xFFFFFFC0]  }
0x1ec: {  	v0 =	vld [tilespmem:s12+$0xFFFFFFD0]  }
0x1ed: {  	v1 =	vld [tilespmem:s12+$0xFFFFFFE0]  }
0x1ee: {  	v8 =	vld [tilespmem:s12+$0xFFFFFF10]  }
0x1ef: {  	v9 =	vld [tilespmem:s12+$0xFFFFFF20]  }
0x1f0: {  	v10 =	vld [tilespmem:s12+$0xFFFFFF30]  }
0x1f1: {  	v11 =	vld [tilespmem:s12+$0xFFFFFF40]  }
0x1f2: {  	v2 =	vld [tilespmem:s12+$0xFFFFFF50]  }
0x1f3: {  	v3 =	vld [tilespmem:s12+$0xFFFFFF60]  }
0x1f4: {  	v12 =	vld [tilespmem:s12+$0xFFFFFE90]  }
0x1f5: {  	v13 =	vld [tilespmem:s12+$0xFFFFFEA0]  }
0x1f6: {  	v14 =	vld [tilespmem:s12+$0xFFFFFEB0]  }
0x1f7: {  	v15 =	vld [tilespmem:s12+$0xFFFFFEC0]  }
0x1f8: {  	v16 =	vld [tilespmem:s12+$0xFFFFFE10]  }
0x1f9: {  	v17 =	vld [tilespmem:s12+$0xFFFFFE20]  }
0x1fa: {  	v18 =	vld [tilespmem:s12+$0xFFFFFD90]  }
0x1fb: {  	v19 =	vld [tilespmem:s12+$0xFFFFFDA0]  }
0x1fc: {  	v58 =	vld [tilespmem:s12+$0xFFFFFDB0]  }
0x1fd: {  	v59 =	vld [tilespmem:s12+$0xFFFFFDC0]  }
0x1fe: {  	v60 =	vld [tilespmem:s12+$0xFFFFFE30]  }
0x1ff: {  	v61 =	vld [tilespmem:s12+$0xFFFFFE40]  }
0x200: {  	v62 =	vimm.f32 $0.0e+00;
	v25 =	vld [tilespmem:s12+$0xFFFFFED0]  }
0x201: {  	v26 =	vld [tilespmem:s12+$0xFFFFFEE0];
	v18 =	vadd.f32 v18, v62;
	v19 =	vadd.f32 v19, v62  }
0x202: {  	v27 =	vld [tilespmem:s12+$0xFFFFFE50];
	v20 =	vadd.f32 v58, v62;
	v21 =	vadd.f32 v59, v62  }
0x203: {  	v63 =	vld [tilespmem:s12+$0xFFFFFDE0];
	v16 =	vadd.f32 v16, v18;
	v17 =	vadd.f32 v17, v19  }
0x204: {  	v18 =	vld [tilespmem:s12+$0xFFFFFE60];
	v20 =	vadd.f32 v60, v20;
	v21 =	vadd.f32 v61, v21  }
0x205: {  	v19 =	vld [tilespmem:s12+$0xFFFFFDD0];
	v12 =	vadd.f32 v12, v16;
	v13 =	vadd.f32 v13, v17  }
0x206: {  	v16 =	vld [tilespmem:s12+$0xFFFFFDF0];
	v14 =	vadd.f32 v14, v20;
	v15 =	vadd.f32 v15, v21  }
0x207: {  	v17 =	vld [tilespmem:s12+$0xFFFFFE00];
	v8 =	vadd.f32 v8, v12;
	v9 =	vadd.f32 v9, v13  }
0x208: {  	v13 =	vld [tilespmem:s12+$0xFFFFFE70];
	v10 =	vadd.f32 v10, v14;
	v11 =	vadd.f32 v11, v15  }
0x209: {  	v15 =	vld [tilespmem:s12+$0xFFFFFE80];
	v12 =	vadd.f32 v63, v62;
	v4 =	vadd.f32 v4, v8  }
0x20a: {  	v5 =	vadd.f32 v5, v9;
	v8 =	vld [tilespmem:s12+$0xFFFFFEF0];
	v6 =	vadd.f32 v6, v10  }
0x20b: {  	v7 =	vadd.f32 v7, v11;
	v10 =	vadd.f32 v19, v62;
	v11 =	vld [tilespmem:s12+$0xFFFFFF00]  }
0x20c: {  	v9 =	vld [tilespmem:s12+$0xFFFFFF70];
	v14 =	vadd.f32 v16, v62;
	v16 =	vadd.f32 v17, v62  }
0x20d: {  	v18 =	vadd.f32 v18, v12;
	v12 =	vld [tilespmem:s12+$0xFFFFFF80];
	v17 =	vadd.f32 v27, v10  }
0x20e: {  	v10 =	vld [tilespmem:s12+$0xFFFFFFF0];
	v14 =	vadd.f32 v13, v14;
	v15 =	vadd.f32 v15, v16  }
0x20f: {  	s26 =	simm.s32 $0x0;
	s11 =	simm.s32 $0x7770;
	v13 =	vld [tilespmem:s12+$0x0];
	v16 =	vadd.f32 v25, v17;
	v17 =	vadd.f32 v26, v18  }
.LBB2_15:
0x210: {  	v18 =	vld [tilespmem:s11+$0xFFFFFF90];
	v8 =	vadd.f32 v8, v14;
	v11 =	vadd.f32 v11, v15  }
0x211: {  	v14 =	vld [tilespmem:s11+$0xFFFFFFA0];
	v2 =	vadd.f32 v2, v16;
	v3 =	vadd.f32 v3, v17  }
0x212: {  	v15 =	vld [tilespmem:s11+$0xFFFFFFB0];
	v8 =	vadd.f32 v9, v8;
	v9 =	vadd.f32 v12, v11  }
0x213: {  	v11 =	vld [tilespmem:s11+$0xFFFFFFC0];
	v12 =	vadd.f32 v0, v2;
	v16 =	vadd.f32 v1, v3  }
0x214: {  	v0 =	vld [tilespmem:s11+$0xFFFFFFD0];
	v10 =	vadd.f32 v10, v8;
	v9 =	vadd.f32 v13, v9  }
0x215: {  	v1 =	vld [tilespmem:s11+$0xFFFFFFE0]  }
0x216: {  	v8 =	vld [tilespmem:s11+$0xFFFFFF10]  }
0x217: {  	v13 =	vld [tilespmem:s11+$0xFFFFFF20]  }
0x218: {  	v17 =	vld [tilespmem:s11+$0xFFFFFF30]  }
0x219: {  	v19 =	vld [tilespmem:s11+$0xFFFFFF40]  }
0x21a: {  	v2 =	vld [tilespmem:s11+$0xFFFFFF50]  }
0x21b: {  	v3 =	vld [tilespmem:s11+$0xFFFFFF60]  }
0x21c: {  	v20 =	vld [tilespmem:s11+$0xFFFFFE90]  }
0x21d: {  	v21 =	vld [tilespmem:s11+$0xFFFFFEA0]  }
0x21e: {  	v22 =	vld [tilespmem:s11+$0xFFFFFEB0]  }
0x21f: {  	v23 =	vld [tilespmem:s11+$0xFFFFFEC0]  }
0x220: {  	v24 =	vld [tilespmem:s11+$0xFFFFFE10]  }
0x221: {  	v25 =	vld [tilespmem:s11+$0xFFFFFE20]  }
0x222: {  	v26 =	vld [tilespmem:s11+$0xFFFFFD90]  }
0x223: {  	v27 =	vld [tilespmem:s11+$0xFFFFFDA0]  }
0x224: {  	v28 =	vld [tilespmem:s11+$0xFFFFFDB0]  }
0x225: {  	v29 =	vld [tilespmem:s11+$0xFFFFFDC0]  }
0x226: {  	v30 =	vld [tilespmem:s11+$0xFFFFFE30]  }
0x227: {  	v31 =	vld [tilespmem:s11+$0xFFFFFE40]  }
0x228: {  	v32 =	vld [tilespmem:s11+$0xFFFFFED0]  }
0x229: {  	v4 =	vadd.f32 v26, v4;
	v5 =	vadd.f32 v27, v5;
	v26 =	vld [tilespmem:s11+$0xFFFFFEE0]  }
0x22a: {  	v6 =	vadd.f32 v28, v6;
	v7 =	vadd.f32 v29, v7;
	v27 =	vld [tilespmem:s11+$0xFFFFFE50]  }
0x22b: {  	v4 =	vadd.f32 v24, v4;
	v5 =	vadd.f32 v25, v5;
	v24 =	vld [tilespmem:s11+$0xFFFFFE60]  }
0x22c: {  	v6 =	vadd.f32 v30, v6;
	v25 =	vld [tilespmem:s11+$0xFFFFFDD0];
	v7 =	vadd.f32 v31, v7  }
0x22d: {  	v4 =	vadd.f32 v20, v4;
	v5 =	vadd.f32 v21, v5;
	v28 =	vld [tilespmem:s11+$0xFFFFFDE0]  }
0x22e: {  	v6 =	vadd.f32 v22, v6;
	v20 =	vld [tilespmem:s11+$0xFFFFFDF0];
	v7 =	vadd.f32 v23, v7  }
0x22f: {  	s26 =	sadd.s32 $0x5, s26;
	v4 =	vadd.f32 v8, v4;
	v5 =	vadd.f32 v13, v5;
	v21 =	vld [tilespmem:s11+$0xFFFFFE00]  }
0x230: {  	p0 =	slt.u32 s26, $0xF;
	v6 =	vadd.f32 v17, v6;
	v13 =	vld [tilespmem:s11+$0xFFFFFE70];
	v7 =	vadd.f32 v19, v7  }
0x231: {  	v4 =	vadd.f32 v18, v4;
	v5 =	vadd.f32 v14, v5;
	v17 =	vld [tilespmem:s11+$0xFFFFFE80]  }
0x232: {  	v6 =	vadd.f32 v15, v6;
	v8 =	vld [tilespmem:s11+$0xFFFFFEF0];
	v7 =	vadd.f32 v11, v7  }
.Ltmp8:
0x233: {  	v12 =	vadd.f32 v25, v12;
	v14 =	vadd.f32 v28, v16;
	v11 =	vld [tilespmem:s11+$0xFFFFFF00];
	(pc) =	sbr.rel @p0 .LBB2_15-.Ltmp8, $4  }
0x234: {  	v10 =	vadd.f32 v20, v10;
	v15 =	vadd.f32 v21, v9;
	v9 =	vld [tilespmem:s11+$0xFFFFFF70]  }
0x235: {  	v16 =	vadd.f32 v27, v12;
	v18 =	vadd.f32 v24, v14;
	v12 =	vld [tilespmem:s11+$0xFFFFFF80]  }
0x236: {  	v14 =	vadd.f32 v13, v10;
	v15 =	vadd.f32 v17, v15;
	v10 =	vld [tilespmem:s11+$0xFFFFFFF0]  }
0x237: {  	v16 =	vadd.f32 v32, v16;
	v17 =	vadd.f32 v26, v18;
	v13 =	vld [tilespmem:s11+$0x0];
	s11 =	sadd.s32 $0x280, s11  }
0x238: {  	s5 =	sor.u32 $0x3, s19  }
0x239: {  	s6 =	sshll.u32 s5, $0x7  }
0x23a: {  	s6 =	sand.u32 $0x3FFFFF80, s6  }
0x23b: {  	v18 =	vld [tilespmem:s6+$0x1480]  }
0x23c: {  	v19 =	vld [tilespmem:s6+$0x1490]  }
0x23d: {  	v20 =	vld [tilespmem:s6+$0x14A0]  }
0x23e: {  	v21 =	vld [tilespmem:s6+$0x14B0]  }
0x23f: {  	v22 =	vld [tilespmem:s6+$0x14C0]  }
0x240: {  	v8 =	vadd.f32 v8, v14;
	v11 =	vadd.f32 v11, v15;
	v14 =	vld [tilespmem:s6+$0x14D0]  }
0x241: {  	v2 =	vadd.f32 v2, v16;
	v3 =	vadd.f32 v3, v17;
	v15 =	vld [tilespmem:s6+$0x14E0]  }
0x242: {  	v8 =	vadd.f32 v9, v8;
	v9 =	vadd.f32 v12, v11;
	v11 =	vld [tilespmem:s6+$0x14F0]  }
0x243: {  	v0 =	vadd.f32 v0, v2;
	v1 =	vadd.f32 v1, v3  }
0x244: {  	v8 =	vadd.f32 v10, v8;
	v2 =	vmul.f32 v18, v4;
	v3 =	vmul.f32 v19, v5  }
0x245: {  	v9 =	vadd.f32 v13, v9;
	v10 =	vmul.f32 v20, v6;
	v12 =	vmul.f32 v21, v7  }
0x246: {  	v13 =	vmul.f32 v22, v0;
	v14 =	vmul.f32 v14, v1  }
0x247: {  	v15 =	vmul.f32 v15, v8;
	v11 =	vmul.f32 v11, v9  }
0x248: {  	v2 =	vadd.f32 v3, v2;
	v3 =	vadd.f32 v12, v10  }
0x249: {  	v10 =	vadd.f32 v14, v13;
	v11 =	vadd.f32 v11, v15;
	_ =	sdelay $0x1  }
0x24a: {  	v2 =	vadd.f32 v3, v2;
	v3 =	vadd.f32 v11, v10  }
0x24b: {  	s5 =	smul.u32 $0x540, s5  }
0x24c: {  	v2 =	vadd.f32 v3, v2  }
0x24d: {  	s11 =	sshra.s32 s5, $0x2  }
0x24e: {  	[tilespmem:s11+$0xF480] =	vst v2  }
0x24f: {  	v10 =	vld [tilespmem:$0xC280]  }
0x250: {  	v12 =	vld [tilespmem:$0xC290]  }
0x251: {  	v13 =	vld [tilespmem:$0xC2A0]  }
0x252: {  	v14 =	vld [tilespmem:$0xC2B0]  }
0x253: {  	v15 =	vld [tilespmem:$0xC2C0]  }
0x254: {  	v16 =	vld [tilespmem:$0xC2D0]  }
0x255: {  	v3 =	vsub.f32 $0.0e+00, v5;
	v5 =	vsub.f32 $0.0e+00, v7;
	v17 =	vld [tilespmem:$0xC2E0]  }
0x256: {  	v7 =	vsub.f32 $0.0e+00, v1;
	v2 =	vsub.f32 $0.0e+00, v4;
	v18 =	vld [tilespmem:$0xC2F0]  }
0x257: {  	v1 =	vsub.f32 $0.0e+00, v8;
	v4 =	vsub.f32 $0.0e+00, v6  }
0x258: {  	v6 =	vsub.f32 $0.0e+00, v0;
	v11 =	vmul.f32 v10, v2;
	v12 =	vmul.f32 v12, v3  }
0x259: {  	s12 =	simm.s32 $0xC370;
	v8 =	vsub.f32 $0.0e+00, v9;
	v13 =	vmul.f32 v13, v4;
	v14 =	vmul.f32 v14, v5  }
0x25a: {  	v9 =	vld [tilespmem:s12+$0xFFFFFF90];
	v15 =	vmul.f32 v15, v6;
	v16 =	vmul.f32 v16, v7  }
0x25b: {  	s19 =	simm.s32 $0x0;
	s5 =	simm.s32 $0x40;
	v0 =	vmov s31;
	v10 =	vld [tilespmem:s12+$0xFFFFFFA0];
	v17 =	vmul.f32 v17, v1;
	v18 =	vmul.f32 v18, v8  }
.LBB2_17:
0x25c: {  	p0 =	sne.s32 s5, $0x480;
	v19 =	vld [tilespmem:s12+$0xFFFFFFB0];
	v11 =	vadd.f32 v12, v11;
	v12 =	vadd.f32 v14, v13  }
0x25d: {  	v13 =	vadd.f32 v16, v15;
	v14 =	vld [tilespmem:s12+$0xFFFFFFC0];
	v15 =	vadd.f32 v18, v17  }
0x25e: {  	v16 =	vld [tilespmem:s12+$0xFFFFFFD0]  }
0x25f: {  	v11 =	vadd.f32 v12, v11;
	v17 =	vld [tilespmem:s12+$0xFFFFFFE0];
	v12 =	vadd.f32 v15, v13  }
0x260: {  	v18 =	vld [tilespmem:s12+$0xFFFFFFF0]  }
0x261: {  	v20 =	vld [tilespmem:s12+$0x0];
	v13 =	vadd.f32 v12, v11  }
.Ltmp9:
0x262: {  	s6 =	sshra.s32 s19, $0x2;
	s19 =	smov.u32 s5;
	(pc) =	sbr.rel @p0 .LBB2_17-.Ltmp9, $4  }
0x263: {  	v11 =	vmul.f32 v9, v2;
	v12 =	vmul.f32 v10, v3;
	[tilespmem:v0+s6+$0x0 ss:$0x1] =	vst.idx.msk $0xffff, v13  }
0x264: {  	s12 =	sadd.s32 $0x80, s12;
	v14 =	vmul.f32 v14, v5;
	v13 =	vmul.f32 v19, v4  }
0x265: {  	v15 =	vmul.f32 v16, v6;
	v16 =	vmul.f32 v17, v7;
	v9 =	vld [tilespmem:s12+$0xFFFFFF90]  }
0x266: {  	s5 =	sadd.s32 $0x40, s5;
	v17 =	vmul.f32 v18, v1;
	v10 =	vld [tilespmem:s12+$0xFFFFFFA0];
	v18 =	vmul.f32 v20, v8  }
0x267: {  	v19 =	vld [tilespmem:s12+$0xFFFFFFB0]  }
0x268: {  	v20 =	vld [tilespmem:s12+$0xFFFFFFC0]  }
0x269: {  	v21 =	vld [tilespmem:s12+$0xFFFFFFD0]  }
0x26a: {  	v22 =	vld [tilespmem:s12+$0xFFFFFFE0]  }
0x26b: {  	v23 =	vld [tilespmem:s12+$0xFFFFFFF0]  }
0x26c: {  	v24 =	vld [tilespmem:s12+$0x0];
	_ =	sdelay $0x1  }
0x26d: {  	v11 =	vadd.f32 v12, v11;
	v2 =	vmul.f32 v9, v2;
	v3 =	vmul.f32 v10, v3  }
0x26e: {  	v12 =	vadd.f32 v18, v17;
	v4 =	vmul.f32 v19, v4;
	v5 =	vmul.f32 v20, v5  }
0x26f: {  	v9 =	vadd.f32 v14, v13;
	v6 =	vmul.f32 v21, v6;
	v7 =	vmul.f32 v22, v7  }
0x270: {  	v10 =	vadd.f32 v16, v15;
	v1 =	vmul.f32 v23, v1;
	v8 =	vmul.f32 v24, v8  }
0x271: {  	v2 =	vadd.f32 v3, v2;
	v3 =	vadd.f32 v5, v4  }
0x272: {  	v4 =	vadd.f32 v7, v6;
	v1 =	vadd.f32 v8, v1  }
0x273: {  	v5 =	vadd.f32 v9, v11;
	v6 =	vadd.f32 v12, v10  }
0x274: {  	v2 =	vadd.f32 v3, v2;
	v1 =	vadd.f32 v1, v4  }
0x275: {  	p0 =	seq.s32 s17, $0xF;
	v3 =	vadd.f32 v6, v5  }
0x276: {  	s5 =	sshra.s32 s19, $0x2;
	s6 =	smul.u32 @!p0 $0xA0, s17;
	v1 =	vadd.f32 v1, v2  }
0x277: {  	[tilespmem:v0+s5+$0x0 ss:$0x1] =	vst.idx.msk $0xffff, v3  }
0x278: {  	s12 =	simm.s32 @!p0 $0x5480;
	s5 =	sadd.s32 @!p0 $0xA0, s6;
	[tilespmem:s11+$0xF5C0] =	vst v1;
	s11 =	simm.s32 @!p0 $0x50  }
0x279: {  	[tilespmem:s12], [sflag:$0x2] =	stream.indirect.gather @!p0 [hbm4b:s2+s11], $0x80, s5, s11, $0xb8;
	[tilespmem:$0x19C80] =	vst v63  }
0x27a: {  	s5 =	sadd.s32 @!p0 $0xAA0, s6;
	s6 =	simm.s32 @!p0 $0xA480  }
0x27b: {  	[tilespmem:s6], [sflag:$0x4] =	stream.indirect.gather @!p0 [hbm4b:s3+s11], $0x80, s5, s11, $0xb8;
	[tilespmem:$0x19C80] =	vst v63  }
0x27c: {  	_ =	swait.ge [sflag:s24], $0x2800  }
0x27d: {  	[sflag:s24] =	ssyncset.done $0x0  }
0x27e: {  	[sflag:s24] =	ssyncadd.s32 $0xFFFFD800  }
0x27f: {  	_ =	swait.ge [sflag:s25], $0x2800  }
0x280: {  	[sflag:s25] =	ssyncset.done $0x0  }
0x281: {  	s12 =	simm.s32 $0x7EF0;
	[sflag:s25] =	ssyncadd.s32 $0xFFFFD800  }
0x282: {  	v4 =	vld [tilespmem:s12+$0xFFFFFF90]  }
0x283: {  	v5 =	vld [tilespmem:s12+$0xFFFFFFA0]  }
0x284: {  	v6 =	vld [tilespmem:s12+$0xFFFFFFB0]  }
0x285: {  	v7 =	vld [tilespmem:s12+$0xFFFFFFC0]  }
0x286: {  	v0 =	vld [tilespmem:s12+$0xFFFFFFD0]  }
0x287: {  	v1 =	vld [tilespmem:s12+$0xFFFFFFE0]  }
0x288: {  	v8 =	vld [tilespmem:s12+$0xFFFFFF10]  }
0x289: {  	v9 =	vld [tilespmem:s12+$0xFFFFFF20]  }
0x28a: {  	v10 =	vld [tilespmem:s12+$0xFFFFFF30]  }
0x28b: {  	v11 =	vld [tilespmem:s12+$0xFFFFFF40]  }
0x28c: {  	v2 =	vld [tilespmem:s12+$0xFFFFFF50]  }
0x28d: {  	v3 =	vld [tilespmem:s12+$0xFFFFFF60]  }
0x28e: {  	v12 =	vld [tilespmem:s12+$0xFFFFFE90]  }
0x28f: {  	v13 =	vld [tilespmem:s12+$0xFFFFFEA0]  }
0x290: {  	v14 =	vld [tilespmem:s12+$0xFFFFFEB0]  }
0x291: {  	v15 =	vld [tilespmem:s12+$0xFFFFFEC0]  }
0x292: {  	v16 =	vld [tilespmem:s12+$0xFFFFFE10]  }
0x293: {  	v17 =	vld [tilespmem:s12+$0xFFFFFE20]  }
0x294: {  	v18 =	vld [tilespmem:s12+$0xFFFFFD90]  }
0x295: {  	v19 =	vld [tilespmem:s12+$0xFFFFFDA0]  }
0x296: {  	v58 =	vld [tilespmem:s12+$0xFFFFFDB0]  }
0x297: {  	v59 =	vld [tilespmem:s12+$0xFFFFFDC0]  }
0x298: {  	v60 =	vld [tilespmem:s12+$0xFFFFFE30]  }
0x299: {  	v61 =	vld [tilespmem:s12+$0xFFFFFE40]  }
0x29a: {  	v62 =	vimm.f32 $0.0e+00;
	v25 =	vld [tilespmem:s12+$0xFFFFFED0]  }
0x29b: {  	v26 =	vld [tilespmem:s12+$0xFFFFFEE0];
	v18 =	vadd.f32 v18, v62;
	v19 =	vadd.f32 v19, v62  }
0x29c: {  	v27 =	vld [tilespmem:s12+$0xFFFFFE50];
	v20 =	vadd.f32 v58, v62;
	v21 =	vadd.f32 v59, v62  }
0x29d: {  	v63 =	vld [tilespmem:s12+$0xFFFFFDE0];
	v16 =	vadd.f32 v16, v18;
	v17 =	vadd.f32 v17, v19  }
0x29e: {  	v18 =	vld [tilespmem:s12+$0xFFFFFE60];
	v20 =	vadd.f32 v60, v20;
	v21 =	vadd.f32 v61, v21  }
0x29f: {  	v19 =	vld [tilespmem:s12+$0xFFFFFDD0];
	v12 =	vadd.f32 v12, v16;
	v13 =	vadd.f32 v13, v17  }
0x2a0: {  	v16 =	vld [tilespmem:s12+$0xFFFFFDF0];
	v14 =	vadd.f32 v14, v20;
	v15 =	vadd.f32 v15, v21  }
0x2a1: {  	v17 =	vld [tilespmem:s12+$0xFFFFFE00];
	v8 =	vadd.f32 v8, v12;
	v9 =	vadd.f32 v9, v13  }
0x2a2: {  	v13 =	vld [tilespmem:s12+$0xFFFFFE70];
	v10 =	vadd.f32 v10, v14;
	v11 =	vadd.f32 v11, v15  }
0x2a3: {  	v15 =	vld [tilespmem:s12+$0xFFFFFE80];
	v12 =	vadd.f32 v63, v62;
	v4 =	vadd.f32 v4, v8  }
0x2a4: {  	v5 =	vadd.f32 v5, v9;
	v8 =	vld [tilespmem:s12+$0xFFFFFEF0];
	v6 =	vadd.f32 v6, v10  }
0x2a5: {  	v7 =	vadd.f32 v7, v11;
	v10 =	vadd.f32 v19, v62;
	v11 =	vld [tilespmem:s12+$0xFFFFFF00]  }
0x2a6: {  	v9 =	vld [tilespmem:s12+$0xFFFFFF70];
	v14 =	vadd.f32 v16, v62;
	v16 =	vadd.f32 v17, v62  }
0x2a7: {  	v18 =	vadd.f32 v18, v12;
	v12 =	vld [tilespmem:s12+$0xFFFFFF80];
	v17 =	vadd.f32 v27, v10  }
0x2a8: {  	v10 =	vld [tilespmem:s12+$0xFFFFFFF0];
	v14 =	vadd.f32 v13, v14;
	v15 =	vadd.f32 v15, v16  }
0x2a9: {  	s19 =	sshll.u32 s17, $0x1;
	s26 =	simm.s32 $0x0;
	s11 =	simm.s32 $0x8170;
	v13 =	vld [tilespmem:s12+$0x0];
	v16 =	vadd.f32 v25, v17;
	v17 =	vadd.f32 v26, v18  }
.LBB2_19:
0x2aa: {  	v18 =	vld [tilespmem:s11+$0xFFFFFF90];
	v8 =	vadd.f32 v8, v14;
	v11 =	vadd.f32 v11, v15  }
0x2ab: {  	v14 =	vld [tilespmem:s11+$0xFFFFFFA0];
	v2 =	vadd.f32 v2, v16;
	v3 =	vadd.f32 v3, v17  }
0x2ac: {  	v15 =	vld [tilespmem:s11+$0xFFFFFFB0];
	v8 =	vadd.f32 v9, v8;
	v9 =	vadd.f32 v12, v11  }
0x2ad: {  	v11 =	vld [tilespmem:s11+$0xFFFFFFC0];
	v12 =	vadd.f32 v0, v2;
	v16 =	vadd.f32 v1, v3  }
0x2ae: {  	v0 =	vld [tilespmem:s11+$0xFFFFFFD0];
	v10 =	vadd.f32 v10, v8;
	v9 =	vadd.f32 v13, v9  }
0x2af: {  	v1 =	vld [tilespmem:s11+$0xFFFFFFE0]  }
0x2b0: {  	v8 =	vld [tilespmem:s11+$0xFFFFFF10]  }
0x2b1: {  	v13 =	vld [tilespmem:s11+$0xFFFFFF20]  }
0x2b2: {  	v17 =	vld [tilespmem:s11+$0xFFFFFF30]  }
0x2b3: {  	v19 =	vld [tilespmem:s11+$0xFFFFFF40]  }
0x2b4: {  	v2 =	vld [tilespmem:s11+$0xFFFFFF50]  }
0x2b5: {  	v3 =	vld [tilespmem:s11+$0xFFFFFF60]  }
0x2b6: {  	v20 =	vld [tilespmem:s11+$0xFFFFFE90]  }
0x2b7: {  	v21 =	vld [tilespmem:s11+$0xFFFFFEA0]  }
0x2b8: {  	v22 =	vld [tilespmem:s11+$0xFFFFFEB0]  }
0x2b9: {  	v23 =	vld [tilespmem:s11+$0xFFFFFEC0]  }
0x2ba: {  	v24 =	vld [tilespmem:s11+$0xFFFFFE10]  }
0x2bb: {  	v25 =	vld [tilespmem:s11+$0xFFFFFE20]  }
0x2bc: {  	v26 =	vld [tilespmem:s11+$0xFFFFFD90]  }
0x2bd: {  	v27 =	vld [tilespmem:s11+$0xFFFFFDA0]  }
0x2be: {  	v28 =	vld [tilespmem:s11+$0xFFFFFDB0]  }
0x2bf: {  	v29 =	vld [tilespmem:s11+$0xFFFFFDC0]  }
0x2c0: {  	v30 =	vld [tilespmem:s11+$0xFFFFFE30]  }
0x2c1: {  	v31 =	vld [tilespmem:s11+$0xFFFFFE40]  }
0x2c2: {  	v32 =	vld [tilespmem:s11+$0xFFFFFED0]  }
0x2c3: {  	v4 =	vadd.f32 v26, v4;
	v5 =	vadd.f32 v27, v5;
	v26 =	vld [tilespmem:s11+$0xFFFFFEE0]  }
0x2c4: {  	v6 =	vadd.f32 v28, v6;
	v7 =	vadd.f32 v29, v7;
	v27 =	vld [tilespmem:s11+$0xFFFFFE50]  }
0x2c5: {  	v4 =	vadd.f32 v24, v4;
	v5 =	vadd.f32 v25, v5;
	v24 =	vld [tilespmem:s11+$0xFFFFFE60]  }
0x2c6: {  	v6 =	vadd.f32 v30, v6;
	v25 =	vld [tilespmem:s11+$0xFFFFFDD0];
	v7 =	vadd.f32 v31, v7  }
0x2c7: {  	v4 =	vadd.f32 v20, v4;
	v5 =	vadd.f32 v21, v5;
	v28 =	vld [tilespmem:s11+$0xFFFFFDE0]  }
0x2c8: {  	v6 =	vadd.f32 v22, v6;
	v20 =	vld [tilespmem:s11+$0xFFFFFDF0];
	v7 =	vadd.f32 v23, v7  }
0x2c9: {  	s26 =	sadd.s32 $0x5, s26;
	v4 =	vadd.f32 v8, v4;
	v5 =	vadd.f32 v13, v5;
	v21 =	vld [tilespmem:s11+$0xFFFFFE00]  }
0x2ca: {  	p1 =	slt.u32 s26, $0xF;
	v6 =	vadd.f32 v17, v6;
	v13 =	vld [tilespmem:s11+$0xFFFFFE70];
	v7 =	vadd.f32 v19, v7  }
0x2cb: {  	v4 =	vadd.f32 v18, v4;
	v5 =	vadd.f32 v14, v5;
	v17 =	vld [tilespmem:s11+$0xFFFFFE80]  }
0x2cc: {  	v6 =	vadd.f32 v15, v6;
	v8 =	vld [tilespmem:s11+$0xFFFFFEF0];
	v7 =	vadd.f32 v11, v7  }
.Ltmp10:
0x2cd: {  	v12 =	vadd.f32 v25, v12;
	v14 =	vadd.f32 v28, v16;
	v11 =	vld [tilespmem:s11+$0xFFFFFF00];
	(pc) =	sbr.rel @p1 .LBB2_19-.Ltmp10, $4  }
0x2ce: {  	v10 =	vadd.f32 v20, v10;
	v15 =	vadd.f32 v21, v9;
	v9 =	vld [tilespmem:s11+$0xFFFFFF70]  }
0x2cf: {  	v16 =	vadd.f32 v27, v12;
	v18 =	vadd.f32 v24, v14;
	v12 =	vld [tilespmem:s11+$0xFFFFFF80]  }
0x2d0: {  	v14 =	vadd.f32 v13, v10;
	v15 =	vadd.f32 v17, v15;
	v10 =	vld [tilespmem:s11+$0xFFFFFFF0]  }
0x2d1: {  	v16 =	vadd.f32 v32, v16;
	v17 =	vadd.f32 v26, v18;
	v13 =	vld [tilespmem:s11+$0x0];
	s11 =	sadd.s32 $0x280, s11  }
0x2d2: {  	s19 =	sor.u32 $0x1, s19  }
0x2d3: {  	s5 =	sshll.u32 s19, $0x9  }
0x2d4: {  	s5 =	sand.u32 $0x3FFFFE00, s5  }
0x2d5: {  	v18 =	vld [tilespmem:s5+$0x1480]  }
0x2d6: {  	v19 =	vld [tilespmem:s5+$0x1490]  }
0x2d7: {  	v20 =	vld [tilespmem:s5+$0x14A0]  }
0x2d8: {  	v21 =	vld [tilespmem:s5+$0x14B0]  }
0x2d9: {  	v22 =	vld [tilespmem:s5+$0x14C0]  }
0x2da: {  	v8 =	vadd.f32 v8, v14;
	v11 =	vadd.f32 v11, v15;
	v14 =	vld [tilespmem:s5+$0x14D0]  }
0x2db: {  	v2 =	vadd.f32 v2, v16;
	v3 =	vadd.f32 v3, v17;
	v15 =	vld [tilespmem:s5+$0x14E0]  }
0x2dc: {  	v8 =	vadd.f32 v9, v8;
	v9 =	vadd.f32 v12, v11;
	v11 =	vld [tilespmem:s5+$0x14F0]  }
0x2dd: {  	v0 =	vadd.f32 v0, v2;
	v1 =	vadd.f32 v1, v3  }
0x2de: {  	v8 =	vadd.f32 v10, v8;
	v2 =	vmul.f32 v18, v4;
	v3 =	vmul.f32 v19, v5  }
0x2df: {  	v9 =	vadd.f32 v13, v9;
	v10 =	vmul.f32 v20, v6;
	v12 =	vmul.f32 v21, v7  }
0x2e0: {  	v13 =	vmul.f32 v22, v0;
	v14 =	vmul.f32 v14, v1  }
0x2e1: {  	v15 =	vmul.f32 v15, v8;
	v11 =	vmul.f32 v11, v9  }
0x2e2: {  	v2 =	vadd.f32 v3, v2;
	v3 =	vadd.f32 v12, v10  }
0x2e3: {  	v10 =	vadd.f32 v14, v13;
	v11 =	vadd.f32 v11, v15;
	_ =	sdelay $0x1  }
0x2e4: {  	v2 =	vadd.f32 v3, v2;
	v3 =	vadd.f32 v11, v10  }
0x2e5: {  	s26 =	smul.u32 $0x1500, s19  }
0x2e6: {  	v2 =	vadd.f32 v3, v2  }
0x2e7: {  	s11 =	sshra.s32 s26, $0x2  }
0x2e8: {  	[tilespmem:s11+$0xF480] =	vst v2  }
0x2e9: {  	v10 =	vld [tilespmem:$0xCC80]  }
0x2ea: {  	v12 =	vld [tilespmem:$0xCC90]  }
0x2eb: {  	v13 =	vld [tilespmem:$0xCCA0]  }
0x2ec: {  	v14 =	vld [tilespmem:$0xCCB0]  }
0x2ed: {  	v15 =	vld [tilespmem:$0xCCC0]  }
0x2ee: {  	v16 =	vld [tilespmem:$0xCCD0]  }
0x2ef: {  	v3 =	vsub.f32 $0.0e+00, v5;
	v5 =	vsub.f32 $0.0e+00, v7;
	v17 =	vld [tilespmem:$0xCCE0]  }
0x2f0: {  	v7 =	vsub.f32 $0.0e+00, v1;
	v2 =	vsub.f32 $0.0e+00, v4;
	v18 =	vld [tilespmem:$0xCCF0]  }
0x2f1: {  	v1 =	vsub.f32 $0.0e+00, v8;
	v4 =	vsub.f32 $0.0e+00, v6  }
0x2f2: {  	v6 =	vsub.f32 $0.0e+00, v0;
	v11 =	vmul.f32 v10, v2;
	v12 =	vmul.f32 v12, v3  }
0x2f3: {  	s12 =	simm.s32 $0xCD70;
	v8 =	vsub.f32 $0.0e+00, v9;
	v13 =	vmul.f32 v13, v4;
	v14 =	vmul.f32 v14, v5  }
0x2f4: {  	v9 =	vld [tilespmem:s12+$0xFFFFFF90];
	v15 =	vmul.f32 v15, v6;
	v16 =	vmul.f32 v16, v7  }
0x2f5: {  	s26 =	simm.s32 $0x0;
	s5 =	simm.s32 $0x40;
	v0 =	vmov s1;
	v10 =	vld [tilespmem:s12+$0xFFFFFFA0];
	v17 =	vmul.f32 v17, v1;
	v18 =	vmul.f32 v18, v8  }
.LBB2_21:
0x2f6: {  	p1 =	sne.s32 s5, $0x480;
	v19 =	vld [tilespmem:s12+$0xFFFFFFB0];
	v11 =	vadd.f32 v12, v11;
	v12 =	vadd.f32 v14, v13  }
0x2f7: {  	v13 =	vadd.f32 v16, v15;
	v14 =	vld [tilespmem:s12+$0xFFFFFFC0];
	v15 =	vadd.f32 v18, v17  }
0x2f8: {  	v16 =	vld [tilespmem:s12+$0xFFFFFFD0]  }
0x2f9: {  	v11 =	vadd.f32 v12, v11;
	v17 =	vld [tilespmem:s12+$0xFFFFFFE0];
	v12 =	vadd.f32 v15, v13  }
0x2fa: {  	v18 =	vld [tilespmem:s12+$0xFFFFFFF0]  }
0x2fb: {  	v20 =	vld [tilespmem:s12+$0x0];
	v13 =	vadd.f32 v12, v11  }
.Ltmp11:
0x2fc: {  	s6 =	sshra.s32 s26, $0x2;
	s26 =	smov.u32 s5;
	(pc) =	sbr.rel @p1 .LBB2_21-.Ltmp11, $4  }
0x2fd: {  	v11 =	vmul.f32 v9, v2;
	v12 =	vmul.f32 v10, v3;
	[tilespmem:v0+s6+$0x0 ss:$0x1] =	vst.idx.msk $0xffff, v13  }
0x2fe: {  	s12 =	sadd.s32 $0x80, s12;
	v14 =	vmul.f32 v14, v5;
	v13 =	vmul.f32 v19, v4  }
0x2ff: {  	v15 =	vmul.f32 v16, v6;
	v16 =	vmul.f32 v17, v7;
	v9 =	vld [tilespmem:s12+$0xFFFFFF90]  }
0x300: {  	s5 =	sadd.s32 $0x40, s5;
	v17 =	vmul.f32 v18, v1;
	v10 =	vld [tilespmem:s12+$0xFFFFFFA0];
	v18 =	vmul.f32 v20, v8  }
0x301: {  	v19 =	vld [tilespmem:s12+$0xFFFFFFB0]  }
0x302: {  	v20 =	vld [tilespmem:s12+$0xFFFFFFC0]  }
0x303: {  	v21 =	vld [tilespmem:s12+$0xFFFFFFD0]  }
0x304: {  	v22 =	vld [tilespmem:s12+$0xFFFFFFE0]  }
0x305: {  	v23 =	vld [tilespmem:s12+$0xFFFFFFF0]  }
0x306: {  	v24 =	vld [tilespmem:s12+$0x0];
	_ =	sdelay $0x1  }
0x307: {  	v11 =	vadd.f32 v12, v11;
	v2 =	vmul.f32 v9, v2;
	v3 =	vmul.f32 v10, v3  }
0x308: {  	v12 =	vadd.f32 v18, v17;
	v4 =	vmul.f32 v19, v4;
	v5 =	vmul.f32 v20, v5  }
0x309: {  	v9 =	vadd.f32 v14, v13;
	v6 =	vmul.f32 v21, v6;
	v7 =	vmul.f32 v22, v7  }
0x30a: {  	v10 =	vadd.f32 v16, v15;
	v1 =	vmul.f32 v23, v1;
	v8 =	vmul.f32 v24, v8  }
0x30b: {  	v2 =	vadd.f32 v3, v2;
	v3 =	vadd.f32 v5, v4  }
0x30c: {  	v4 =	vadd.f32 v7, v6;
	v1 =	vadd.f32 v8, v1  }
0x30d: {  	v5 =	vadd.f32 v9, v11;
	v6 =	vadd.f32 v12, v10  }
0x30e: {  	v2 =	vadd.f32 v3, v2;
	v1 =	vadd.f32 v1, v4  }
0x30f: {  	v3 =	vadd.f32 v6, v5  }
0x310: {  	s5 =	sshra.s32 s26, $0x2;
	v1 =	vadd.f32 v1, v2  }
0x311: {  	[tilespmem:v0+s5+$0x0 ss:$0x1] =	vst.idx.msk $0xffff, v3  }
0x312: {  	s12 =	simm.s32 $0x88F0;
	[tilespmem:s11+$0xF5C0] =	vst v1  }
0x313: {  	v4 =	vld [tilespmem:s12+$0xFFFFFF90]  }
0x314: {  	v5 =	vld [tilespmem:s12+$0xFFFFFFA0]  }
0x315: {  	v6 =	vld [tilespmem:s12+$0xFFFFFFB0]  }
0x316: {  	v7 =	vld [tilespmem:s12+$0xFFFFFFC0]  }
0x317: {  	v0 =	vld [tilespmem:s12+$0xFFFFFFD0]  }
0x318: {  	v1 =	vld [tilespmem:s12+$0xFFFFFFE0]  }
0x319: {  	v8 =	vld [tilespmem:s12+$0xFFFFFF10]  }
0x31a: {  	v9 =	vld [tilespmem:s12+$0xFFFFFF20]  }
0x31b: {  	v10 =	vld [tilespmem:s12+$0xFFFFFF30]  }
0x31c: {  	v11 =	vld [tilespmem:s12+$0xFFFFFF40]  }
0x31d: {  	v2 =	vld [tilespmem:s12+$0xFFFFFF50]  }
0x31e: {  	v3 =	vld [tilespmem:s12+$0xFFFFFF60]  }
0x31f: {  	v12 =	vld [tilespmem:s12+$0xFFFFFE90]  }
0x320: {  	v13 =	vld [tilespmem:s12+$0xFFFFFEA0]  }
0x321: {  	v14 =	vld [tilespmem:s12+$0xFFFFFEB0]  }
0x322: {  	v15 =	vld [tilespmem:s12+$0xFFFFFEC0]  }
0x323: {  	v16 =	vld [tilespmem:s12+$0xFFFFFE10]  }
0x324: {  	v17 =	vld [tilespmem:s12+$0xFFFFFE20]  }
0x325: {  	v18 =	vld [tilespmem:s12+$0xFFFFFD90]  }
0x326: {  	v19 =	vld [tilespmem:s12+$0xFFFFFDA0]  }
0x327: {  	v58 =	vld [tilespmem:s12+$0xFFFFFDB0]  }
0x328: {  	v59 =	vld [tilespmem:s12+$0xFFFFFDC0]  }
0x329: {  	v60 =	vld [tilespmem:s12+$0xFFFFFE30]  }
0x32a: {  	v61 =	vld [tilespmem:s12+$0xFFFFFE40]  }
0x32b: {  	v62 =	vimm.f32 $0.0e+00;
	v25 =	vld [tilespmem:s12+$0xFFFFFED0]  }
0x32c: {  	v26 =	vld [tilespmem:s12+$0xFFFFFEE0];
	v18 =	vadd.f32 v18, v62;
	v19 =	vadd.f32 v19, v62  }
0x32d: {  	v27 =	vld [tilespmem:s12+$0xFFFFFE50];
	v20 =	vadd.f32 v58, v62;
	v21 =	vadd.f32 v59, v62  }
0x32e: {  	v63 =	vld [tilespmem:s12+$0xFFFFFDE0];
	v16 =	vadd.f32 v16, v18;
	v17 =	vadd.f32 v17, v19  }
0x32f: {  	v18 =	vld [tilespmem:s12+$0xFFFFFE60];
	v20 =	vadd.f32 v60, v20;
	v21 =	vadd.f32 v61, v21  }
0x330: {  	v19 =	vld [tilespmem:s12+$0xFFFFFDD0];
	v12 =	vadd.f32 v12, v16;
	v13 =	vadd.f32 v13, v17  }
0x331: {  	v16 =	vld [tilespmem:s12+$0xFFFFFDF0];
	v14 =	vadd.f32 v14, v20;
	v15 =	vadd.f32 v15, v21  }
0x332: {  	v17 =	vld [tilespmem:s12+$0xFFFFFE00];
	v8 =	vadd.f32 v8, v12;
	v9 =	vadd.f32 v9, v13  }
0x333: {  	v13 =	vld [tilespmem:s12+$0xFFFFFE70];
	v10 =	vadd.f32 v10, v14;
	v11 =	vadd.f32 v11, v15  }
0x334: {  	v15 =	vld [tilespmem:s12+$0xFFFFFE80];
	v12 =	vadd.f32 v63, v62;
	v4 =	vadd.f32 v4, v8  }
0x335: {  	v5 =	vadd.f32 v5, v9;
	v8 =	vld [tilespmem:s12+$0xFFFFFEF0];
	v6 =	vadd.f32 v6, v10  }
0x336: {  	v7 =	vadd.f32 v7, v11;
	v10 =	vadd.f32 v19, v62;
	v11 =	vld [tilespmem:s12+$0xFFFFFF00]  }
0x337: {  	v9 =	vld [tilespmem:s12+$0xFFFFFF70];
	v14 =	vadd.f32 v16, v62;
	v16 =	vadd.f32 v17, v62  }
0x338: {  	v18 =	vadd.f32 v18, v12;
	v12 =	vld [tilespmem:s12+$0xFFFFFF80];
	v17 =	vadd.f32 v27, v10  }
0x339: {  	v10 =	vld [tilespmem:s12+$0xFFFFFFF0];
	v14 =	vadd.f32 v13, v14;
	v15 =	vadd.f32 v15, v16  }
0x33a: {  	s26 =	simm.s32 $0x0;
	s11 =	simm.s32 $0x8B70;
	v13 =	vld [tilespmem:s12+$0x0];
	v16 =	vadd.f32 v25, v17;
	v17 =	vadd.f32 v26, v18  }
.LBB2_23:
0x33b: {  	v18 =	vld [tilespmem:s11+$0xFFFFFF90];
	v8 =	vadd.f32 v8, v14;
	v11 =	vadd.f32 v11, v15  }
0x33c: {  	v14 =	vld [tilespmem:s11+$0xFFFFFFA0];
	v2 =	vadd.f32 v2, v16;
	v3 =	vadd.f32 v3, v17  }
0x33d: {  	v15 =	vld [tilespmem:s11+$0xFFFFFFB0];
	v8 =	vadd.f32 v9, v8;
	v9 =	vadd.f32 v12, v11  }
0x33e: {  	v11 =	vld [tilespmem:s11+$0xFFFFFFC0];
	v12 =	vadd.f32 v0, v2;
	v16 =	vadd.f32 v1, v3  }
0x33f: {  	v0 =	vld [tilespmem:s11+$0xFFFFFFD0];
	v10 =	vadd.f32 v10, v8;
	v9 =	vadd.f32 v13, v9  }
0x340: {  	v1 =	vld [tilespmem:s11+$0xFFFFFFE0]  }
0x341: {  	v8 =	vld [tilespmem:s11+$0xFFFFFF10]  }
0x342: {  	v13 =	vld [tilespmem:s11+$0xFFFFFF20]  }
0x343: {  	v17 =	vld [tilespmem:s11+$0xFFFFFF30]  }
0x344: {  	v19 =	vld [tilespmem:s11+$0xFFFFFF40]  }
0x345: {  	v2 =	vld [tilespmem:s11+$0xFFFFFF50]  }
0x346: {  	v3 =	vld [tilespmem:s11+$0xFFFFFF60]  }
0x347: {  	v20 =	vld [tilespmem:s11+$0xFFFFFE90]  }
0x348: {  	v21 =	vld [tilespmem:s11+$0xFFFFFEA0]  }
0x349: {  	v22 =	vld [tilespmem:s11+$0xFFFFFEB0]  }
0x34a: {  	v23 =	vld [tilespmem:s11+$0xFFFFFEC0]  }
0x34b: {  	v24 =	vld [tilespmem:s11+$0xFFFFFE10]  }
0x34c: {  	v25 =	vld [tilespmem:s11+$0xFFFFFE20]  }
0x34d: {  	v26 =	vld [tilespmem:s11+$0xFFFFFD90]  }
0x34e: {  	v27 =	vld [tilespmem:s11+$0xFFFFFDA0]  }
0x34f: {  	v28 =	vld [tilespmem:s11+$0xFFFFFDB0]  }
0x350: {  	v29 =	vld [tilespmem:s11+$0xFFFFFDC0]  }
0x351: {  	v30 =	vld [tilespmem:s11+$0xFFFFFE30]  }
0x352: {  	v31 =	vld [tilespmem:s11+$0xFFFFFE40]  }
0x353: {  	v32 =	vld [tilespmem:s11+$0xFFFFFED0]  }
0x354: {  	v4 =	vadd.f32 v26, v4;
	v5 =	vadd.f32 v27, v5;
	v26 =	vld [tilespmem:s11+$0xFFFFFEE0]  }
0x355: {  	v6 =	vadd.f32 v28, v6;
	v7 =	vadd.f32 v29, v7;
	v27 =	vld [tilespmem:s11+$0xFFFFFE50]  }
0x356: {  	v4 =	vadd.f32 v24, v4;
	v5 =	vadd.f32 v25, v5;
	v24 =	vld [tilespmem:s11+$0xFFFFFE60]  }
0x357: {  	v6 =	vadd.f32 v30, v6;
	v25 =	vld [tilespmem:s11+$0xFFFFFDD0];
	v7 =	vadd.f32 v31, v7  }
0x358: {  	v4 =	vadd.f32 v20, v4;
	v5 =	vadd.f32 v21, v5;
	v28 =	vld [tilespmem:s11+$0xFFFFFDE0]  }
0x359: {  	v6 =	vadd.f32 v22, v6;
	v20 =	vld [tilespmem:s11+$0xFFFFFDF0];
	v7 =	vadd.f32 v23, v7  }
0x35a: {  	s26 =	sadd.s32 $0x5, s26;
	v4 =	vadd.f32 v8, v4;
	v5 =	vadd.f32 v13, v5;
	v21 =	vld [tilespmem:s11+$0xFFFFFE00]  }
0x35b: {  	p1 =	slt.u32 s26, $0xF;
	v6 =	vadd.f32 v17, v6;
	v13 =	vld [tilespmem:s11+$0xFFFFFE70];
	v7 =	vadd.f32 v19, v7  }
0x35c: {  	v4 =	vadd.f32 v18, v4;
	v5 =	vadd.f32 v14, v5;
	v17 =	vld [tilespmem:s11+$0xFFFFFE80]  }
0x35d: {  	v6 =	vadd.f32 v15, v6;
	v8 =	vld [tilespmem:s11+$0xFFFFFEF0];
	v7 =	vadd.f32 v11, v7  }
.Ltmp12:
0x35e: {  	v12 =	vadd.f32 v25, v12;
	v14 =	vadd.f32 v28, v16;
	v11 =	vld [tilespmem:s11+$0xFFFFFF00];
	(pc) =	sbr.rel @p1 .LBB2_23-.Ltmp12, $4  }
0x35f: {  	v10 =	vadd.f32 v20, v10;
	v15 =	vadd.f32 v21, v9;
	v9 =	vld [tilespmem:s11+$0xFFFFFF70]  }
0x360: {  	v16 =	vadd.f32 v27, v12;
	v18 =	vadd.f32 v24, v14;
	v12 =	vld [tilespmem:s11+$0xFFFFFF80]  }
0x361: {  	v14 =	vadd.f32 v13, v10;
	v15 =	vadd.f32 v17, v15;
	v10 =	vld [tilespmem:s11+$0xFFFFFFF0]  }
0x362: {  	v16 =	vadd.f32 v32, v16;
	v17 =	vadd.f32 v26, v18;
	v13 =	vld [tilespmem:s11+$0x0];
	s11 =	sadd.s32 $0x280, s11  }
0x363: {  	s19 =	sshll.u32 s19, $0x2  }
0x364: {  	s5 =	sor.u32 $0x1, s19  }
0x365: {  	s6 =	sshll.u32 s5, $0x7  }
0x366: {  	s6 =	sand.u32 $0x3FFFFE80, s6  }
0x367: {  	v18 =	vld [tilespmem:s6+$0x1480]  }
0x368: {  	v19 =	vld [tilespmem:s6+$0x1490]  }
0x369: {  	v20 =	vld [tilespmem:s6+$0x14A0]  }
0x36a: {  	v21 =	vld [tilespmem:s6+$0x14B0]  }
0x36b: {  	v22 =	vld [tilespmem:s6+$0x14C0]  }
0x36c: {  	v8 =	vadd.f32 v8, v14;
	v11 =	vadd.f32 v11, v15;
	v14 =	vld [tilespmem:s6+$0x14D0]  }
0x36d: {  	v2 =	vadd.f32 v2, v16;
	v3 =	vadd.f32 v3, v17;
	v15 =	vld [tilespmem:s6+$0x14E0]  }
0x36e: {  	v8 =	vadd.f32 v9, v8;
	v9 =	vadd.f32 v12, v11;
	v11 =	vld [tilespmem:s6+$0x14F0]  }
0x36f: {  	v0 =	vadd.f32 v0, v2;
	v1 =	vadd.f32 v1, v3  }
0x370: {  	v8 =	vadd.f32 v10, v8;
	v2 =	vmul.f32 v18, v4;
	v3 =	vmul.f32 v19, v5  }
0x371: {  	v9 =	vadd.f32 v13, v9;
	v10 =	vmul.f32 v20, v6;
	v12 =	vmul.f32 v21, v7  }
0x372: {  	v13 =	vmul.f32 v22, v0;
	v14 =	vmul.f32 v14, v1  }
0x373: {  	v15 =	vmul.f32 v15, v8;
	v11 =	vmul.f32 v11, v9  }
0x374: {  	v2 =	vadd.f32 v3, v2;
	v3 =	vadd.f32 v12, v10  }
0x375: {  	v10 =	vadd.f32 v14, v13;
	v11 =	vadd.f32 v11, v15;
	_ =	sdelay $0x1  }
0x376: {  	v2 =	vadd.f32 v3, v2;
	v3 =	vadd.f32 v11, v10  }
0x377: {  	s5 =	smul.u32 $0x540, s5  }
0x378: {  	v2 =	vadd.f32 v3, v2  }
0x379: {  	s11 =	sshra.s32 s5, $0x2  }
0x37a: {  	[tilespmem:s11+$0xF480] =	vst v2  }
0x37b: {  	v10 =	vld [tilespmem:$0xD680]  }
0x37c: {  	v12 =	vld [tilespmem:$0xD690]  }
0x37d: {  	v13 =	vld [tilespmem:$0xD6A0]  }
0x37e: {  	v14 =	vld [tilespmem:$0xD6B0]  }
0x37f: {  	v15 =	vld [tilespmem:$0xD6C0]  }
0x380: {  	v16 =	vld [tilespmem:$0xD6D0]  }
0x381: {  	v3 =	vsub.f32 $0.0e+00, v5;
	v5 =	vsub.f32 $0.0e+00, v7;
	v17 =	vld [tilespmem:$0xD6E0]  }
0x382: {  	v7 =	vsub.f32 $0.0e+00, v1;
	v2 =	vsub.f32 $0.0e+00, v4;
	v18 =	vld [tilespmem:$0xD6F0]  }
0x383: {  	v1 =	vsub.f32 $0.0e+00, v8;
	v4 =	vsub.f32 $0.0e+00, v6  }
0x384: {  	v6 =	vsub.f32 $0.0e+00, v0;
	v11 =	vmul.f32 v10, v2;
	v12 =	vmul.f32 v12, v3  }
0x385: {  	s12 =	simm.s32 $0xD770;
	v8 =	vsub.f32 $0.0e+00, v9;
	v13 =	vmul.f32 v13, v4;
	v14 =	vmul.f32 v14, v5  }
0x386: {  	v9 =	vld [tilespmem:s12+$0xFFFFFF90];
	v15 =	vmul.f32 v15, v6;
	v16 =	vmul.f32 v16, v7  }
0x387: {  	s26 =	simm.s32 $0x0;
	s5 =	simm.s32 $0x40;
	v0 =	vmov s0;
	v10 =	vld [tilespmem:s12+$0xFFFFFFA0];
	v17 =	vmul.f32 v17, v1;
	v18 =	vmul.f32 v18, v8  }
.LBB2_25:
0x388: {  	p1 =	sne.s32 s5, $0x480;
	v19 =	vld [tilespmem:s12+$0xFFFFFFB0];
	v11 =	vadd.f32 v12, v11;
	v12 =	vadd.f32 v14, v13  }
0x389: {  	v13 =	vadd.f32 v16, v15;
	v14 =	vld [tilespmem:s12+$0xFFFFFFC0];
	v15 =	vadd.f32 v18, v17  }
0x38a: {  	v16 =	vld [tilespmem:s12+$0xFFFFFFD0]  }
0x38b: {  	v11 =	vadd.f32 v12, v11;
	v17 =	vld [tilespmem:s12+$0xFFFFFFE0];
	v12 =	vadd.f32 v15, v13  }
0x38c: {  	v18 =	vld [tilespmem:s12+$0xFFFFFFF0]  }
0x38d: {  	v20 =	vld [tilespmem:s12+$0x0];
	v13 =	vadd.f32 v12, v11  }
.Ltmp13:
0x38e: {  	s6 =	sshra.s32 s26, $0x2;
	s26 =	smov.u32 s5;
	(pc) =	sbr.rel @p1 .LBB2_25-.Ltmp13, $4  }
0x38f: {  	v11 =	vmul.f32 v9, v2;
	v12 =	vmul.f32 v10, v3;
	[tilespmem:v0+s6+$0x0 ss:$0x1] =	vst.idx.msk $0xffff, v13  }
0x390: {  	s12 =	sadd.s32 $0x80, s12;
	v14 =	vmul.f32 v14, v5;
	v13 =	vmul.f32 v19, v4  }
0x391: {  	v15 =	vmul.f32 v16, v6;
	v16 =	vmul.f32 v17, v7;
	v9 =	vld [tilespmem:s12+$0xFFFFFF90]  }
0x392: {  	s5 =	sadd.s32 $0x40, s5;
	v17 =	vmul.f32 v18, v1;
	v10 =	vld [tilespmem:s12+$0xFFFFFFA0];
	v18 =	vmul.f32 v20, v8  }
0x393: {  	v19 =	vld [tilespmem:s12+$0xFFFFFFB0]  }
0x394: {  	v20 =	vld [tilespmem:s12+$0xFFFFFFC0]  }
0x395: {  	v21 =	vld [tilespmem:s12+$0xFFFFFFD0]  }
0x396: {  	v22 =	vld [tilespmem:s12+$0xFFFFFFE0]  }
0x397: {  	v23 =	vld [tilespmem:s12+$0xFFFFFFF0]  }
0x398: {  	v24 =	vld [tilespmem:s12+$0x0];
	_ =	sdelay $0x1  }
0x399: {  	v11 =	vadd.f32 v12, v11;
	v2 =	vmul.f32 v9, v2;
	v3 =	vmul.f32 v10, v3  }
0x39a: {  	v12 =	vadd.f32 v18, v17;
	v4 =	vmul.f32 v19, v4;
	v5 =	vmul.f32 v20, v5  }
0x39b: {  	v9 =	vadd.f32 v14, v13;
	v6 =	vmul.f32 v21, v6;
	v7 =	vmul.f32 v22, v7  }
0x39c: {  	v10 =	vadd.f32 v16, v15;
	v1 =	vmul.f32 v23, v1;
	v8 =	vmul.f32 v24, v8  }
0x39d: {  	v2 =	vadd.f32 v3, v2;
	v3 =	vadd.f32 v5, v4  }
0x39e: {  	v4 =	vadd.f32 v7, v6;
	v1 =	vadd.f32 v8, v1  }
0x39f: {  	v5 =	vadd.f32 v9, v11;
	v6 =	vadd.f32 v12, v10  }
0x3a0: {  	v2 =	vadd.f32 v3, v2;
	v1 =	vadd.f32 v1, v4  }
0x3a1: {  	v3 =	vadd.f32 v6, v5  }
0x3a2: {  	s5 =	sshra.s32 s26, $0x2;
	v1 =	vadd.f32 v1, v2  }
0x3a3: {  	[tilespmem:v0+s5+$0x0 ss:$0x1] =	vst.idx.msk $0xffff, v3  }
0x3a4: {  	s12 =	simm.s32 $0x92F0;
	[tilespmem:s11+$0xF5C0] =	vst v1  }
0x3a5: {  	v4 =	vld [tilespmem:s12+$0xFFFFFF90]  }
0x3a6: {  	v5 =	vld [tilespmem:s12+$0xFFFFFFA0]  }
0x3a7: {  	v6 =	vld [tilespmem:s12+$0xFFFFFFB0]  }
0x3a8: {  	v7 =	vld [tilespmem:s12+$0xFFFFFFC0]  }
0x3a9: {  	v0 =	vld [tilespmem:s12+$0xFFFFFFD0]  }
0x3aa: {  	v1 =	vld [tilespmem:s12+$0xFFFFFFE0]  }
0x3ab: {  	v8 =	vld [tilespmem:s12+$0xFFFFFF10]  }
0x3ac: {  	v9 =	vld [tilespmem:s12+$0xFFFFFF20]  }
0x3ad: {  	v10 =	vld [tilespmem:s12+$0xFFFFFF30]  }
0x3ae: {  	v11 =	vld [tilespmem:s12+$0xFFFFFF40]  }
0x3af: {  	v2 =	vld [tilespmem:s12+$0xFFFFFF50]  }
0x3b0: {  	v3 =	vld [tilespmem:s12+$0xFFFFFF60]  }
0x3b1: {  	v12 =	vld [tilespmem:s12+$0xFFFFFE90]  }
0x3b2: {  	v13 =	vld [tilespmem:s12+$0xFFFFFEA0]  }
0x3b3: {  	v14 =	vld [tilespmem:s12+$0xFFFFFEB0]  }
0x3b4: {  	v15 =	vld [tilespmem:s12+$0xFFFFFEC0]  }
0x3b5: {  	v16 =	vld [tilespmem:s12+$0xFFFFFE10]  }
0x3b6: {  	v17 =	vld [tilespmem:s12+$0xFFFFFE20]  }
0x3b7: {  	v18 =	vld [tilespmem:s12+$0xFFFFFD90]  }
0x3b8: {  	v19 =	vld [tilespmem:s12+$0xFFFFFDA0]  }
0x3b9: {  	v58 =	vld [tilespmem:s12+$0xFFFFFDB0]  }
0x3ba: {  	v59 =	vld [tilespmem:s12+$0xFFFFFDC0]  }
0x3bb: {  	v60 =	vld [tilespmem:s12+$0xFFFFFE30]  }
0x3bc: {  	v61 =	vld [tilespmem:s12+$0xFFFFFE40]  }
0x3bd: {  	v62 =	vimm.f32 $0.0e+00;
	v25 =	vld [tilespmem:s12+$0xFFFFFED0]  }
0x3be: {  	v26 =	vld [tilespmem:s12+$0xFFFFFEE0];
	v18 =	vadd.f32 v18, v62;
	v19 =	vadd.f32 v19, v62  }
0x3bf: {  	v27 =	vld [tilespmem:s12+$0xFFFFFE50];
	v20 =	vadd.f32 v58, v62;
	v21 =	vadd.f32 v59, v62  }
0x3c0: {  	v63 =	vld [tilespmem:s12+$0xFFFFFDE0];
	v16 =	vadd.f32 v16, v18;
	v17 =	vadd.f32 v17, v19  }
0x3c1: {  	v18 =	vld [tilespmem:s12+$0xFFFFFE60];
	v20 =	vadd.f32 v60, v20;
	v21 =	vadd.f32 v61, v21  }
0x3c2: {  	v19 =	vld [tilespmem:s12+$0xFFFFFDD0];
	v12 =	vadd.f32 v12, v16;
	v13 =	vadd.f32 v13, v17  }
0x3c3: {  	v16 =	vld [tilespmem:s12+$0xFFFFFDF0];
	v14 =	vadd.f32 v14, v20;
	v15 =	vadd.f32 v15, v21  }
0x3c4: {  	v17 =	vld [tilespmem:s12+$0xFFFFFE00];
	v8 =	vadd.f32 v8, v12;
	v9 =	vadd.f32 v9, v13  }
0x3c5: {  	v13 =	vld [tilespmem:s12+$0xFFFFFE70];
	v10 =	vadd.f32 v10, v14;
	v11 =	vadd.f32 v11, v15  }
0x3c6: {  	v15 =	vld [tilespmem:s12+$0xFFFFFE80];
	v12 =	vadd.f32 v63, v62;
	v4 =	vadd.f32 v4, v8  }
0x3c7: {  	v5 =	vadd.f32 v5, v9;
	v8 =	vld [tilespmem:s12+$0xFFFFFEF0];
	v6 =	vadd.f32 v6, v10  }
0x3c8: {  	v7 =	vadd.f32 v7, v11;
	v10 =	vadd.f32 v19, v62;
	v11 =	vld [tilespmem:s12+$0xFFFFFF00]  }
0x3c9: {  	v9 =	vld [tilespmem:s12+$0xFFFFFF70];
	v14 =	vadd.f32 v16, v62;
	v16 =	vadd.f32 v17, v62  }
0x3ca: {  	v18 =	vadd.f32 v18, v12;
	v12 =	vld [tilespmem:s12+$0xFFFFFF80];
	v17 =	vadd.f32 v27, v10  }
0x3cb: {  	v10 =	vld [tilespmem:s12+$0xFFFFFFF0];
	v14 =	vadd.f32 v13, v14;
	v15 =	vadd.f32 v15, v16  }
0x3cc: {  	s26 =	simm.s32 $0x0;
	s11 =	simm.s32 $0x9570;
	v13 =	vld [tilespmem:s12+$0x0];
	v16 =	vadd.f32 v25, v17;
	v17 =	vadd.f32 v26, v18  }
.LBB2_27:
0x3cd: {  	v18 =	vld [tilespmem:s11+$0xFFFFFF90];
	v8 =	vadd.f32 v8, v14;
	v11 =	vadd.f32 v11, v15  }
0x3ce: {  	v14 =	vld [tilespmem:s11+$0xFFFFFFA0];
	v2 =	vadd.f32 v2, v16;
	v3 =	vadd.f32 v3, v17  }
0x3cf: {  	v15 =	vld [tilespmem:s11+$0xFFFFFFB0];
	v8 =	vadd.f32 v9, v8;
	v9 =	vadd.f32 v12, v11  }
0x3d0: {  	v11 =	vld [tilespmem:s11+$0xFFFFFFC0];
	v12 =	vadd.f32 v0, v2;
	v16 =	vadd.f32 v1, v3  }
0x3d1: {  	v0 =	vld [tilespmem:s11+$0xFFFFFFD0];
	v10 =	vadd.f32 v10, v8;
	v9 =	vadd.f32 v13, v9  }
0x3d2: {  	v1 =	vld [tilespmem:s11+$0xFFFFFFE0]  }
0x3d3: {  	v8 =	vld [tilespmem:s11+$0xFFFFFF10]  }
0x3d4: {  	v13 =	vld [tilespmem:s11+$0xFFFFFF20]  }
0x3d5: {  	v17 =	vld [tilespmem:s11+$0xFFFFFF30]  }
0x3d6: {  	v19 =	vld [tilespmem:s11+$0xFFFFFF40]  }
0x3d7: {  	v2 =	vld [tilespmem:s11+$0xFFFFFF50]  }
0x3d8: {  	v3 =	vld [tilespmem:s11+$0xFFFFFF60]  }
0x3d9: {  	v20 =	vld [tilespmem:s11+$0xFFFFFE90]  }
0x3da: {  	v21 =	vld [tilespmem:s11+$0xFFFFFEA0]  }
0x3db: {  	v22 =	vld [tilespmem:s11+$0xFFFFFEB0]  }
0x3dc: {  	v23 =	vld [tilespmem:s11+$0xFFFFFEC0]  }
0x3dd: {  	v24 =	vld [tilespmem:s11+$0xFFFFFE10]  }
0x3de: {  	v25 =	vld [tilespmem:s11+$0xFFFFFE20]  }
0x3df: {  	v26 =	vld [tilespmem:s11+$0xFFFFFD90]  }
0x3e0: {  	v27 =	vld [tilespmem:s11+$0xFFFFFDA0]  }
0x3e1: {  	v28 =	vld [tilespmem:s11+$0xFFFFFDB0]  }
0x3e2: {  	v29 =	vld [tilespmem:s11+$0xFFFFFDC0]  }
0x3e3: {  	v30 =	vld [tilespmem:s11+$0xFFFFFE30]  }
0x3e4: {  	v31 =	vld [tilespmem:s11+$0xFFFFFE40]  }
0x3e5: {  	v32 =	vld [tilespmem:s11+$0xFFFFFED0]  }
0x3e6: {  	v4 =	vadd.f32 v26, v4;
	v5 =	vadd.f32 v27, v5;
	v26 =	vld [tilespmem:s11+$0xFFFFFEE0]  }
0x3e7: {  	v6 =	vadd.f32 v28, v6;
	v7 =	vadd.f32 v29, v7;
	v27 =	vld [tilespmem:s11+$0xFFFFFE50]  }
0x3e8: {  	v4 =	vadd.f32 v24, v4;
	v5 =	vadd.f32 v25, v5;
	v24 =	vld [tilespmem:s11+$0xFFFFFE60]  }
0x3e9: {  	v6 =	vadd.f32 v30, v6;
	v25 =	vld [tilespmem:s11+$0xFFFFFDD0];
	v7 =	vadd.f32 v31, v7  }
0x3ea: {  	v4 =	vadd.f32 v20, v4;
	v5 =	vadd.f32 v21, v5;
	v28 =	vld [tilespmem:s11+$0xFFFFFDE0]  }
0x3eb: {  	v6 =	vadd.f32 v22, v6;
	v20 =	vld [tilespmem:s11+$0xFFFFFDF0];
	v7 =	vadd.f32 v23, v7  }
0x3ec: {  	s26 =	sadd.s32 $0x5, s26;
	v4 =	vadd.f32 v8, v4;
	v5 =	vadd.f32 v13, v5;
	v21 =	vld [tilespmem:s11+$0xFFFFFE00]  }
0x3ed: {  	p1 =	slt.u32 s26, $0xF;
	v6 =	vadd.f32 v17, v6;
	v13 =	vld [tilespmem:s11+$0xFFFFFE70];
	v7 =	vadd.f32 v19, v7  }
0x3ee: {  	v4 =	vadd.f32 v18, v4;
	v5 =	vadd.f32 v14, v5;
	v17 =	vld [tilespmem:s11+$0xFFFFFE80]  }
0x3ef: {  	v6 =	vadd.f32 v15, v6;
	v8 =	vld [tilespmem:s11+$0xFFFFFEF0];
	v7 =	vadd.f32 v11, v7  }
.Ltmp14:
0x3f0: {  	v12 =	vadd.f32 v25, v12;
	v14 =	vadd.f32 v28, v16;
	v11 =	vld [tilespmem:s11+$0xFFFFFF00];
	(pc) =	sbr.rel @p1 .LBB2_27-.Ltmp14, $4  }
0x3f1: {  	v10 =	vadd.f32 v20, v10;
	v15 =	vadd.f32 v21, v9;
	v9 =	vld [tilespmem:s11+$0xFFFFFF70]  }
0x3f2: {  	v16 =	vadd.f32 v27, v12;
	v18 =	vadd.f32 v24, v14;
	v12 =	vld [tilespmem:s11+$0xFFFFFF80]  }
0x3f3: {  	v14 =	vadd.f32 v13, v10;
	v15 =	vadd.f32 v17, v15;
	v10 =	vld [tilespmem:s11+$0xFFFFFFF0]  }
0x3f4: {  	v16 =	vadd.f32 v32, v16;
	v17 =	vadd.f32 v26, v18;
	v13 =	vld [tilespmem:s11+$0x0];
	s11 =	sadd.s32 $0x280, s11  }
0x3f5: {  	s5 =	sor.u32 $0x2, s19  }
0x3f6: {  	s6 =	sshll.u32 s5, $0x7  }
0x3f7: {  	s6 =	sand.u32 $0x3FFFFF80, s6  }
0x3f8: {  	v18 =	vld [tilespmem:s6+$0x1480]  }
0x3f9: {  	v19 =	vld [tilespmem:s6+$0x1490]  }
0x3fa: {  	v20 =	vld [tilespmem:s6+$0x14A0]  }
0x3fb: {  	v21 =	vld [tilespmem:s6+$0x14B0]  }
0x3fc: {  	v22 =	vld [tilespmem:s6+$0x14C0]  }
0x3fd: {  	v8 =	vadd.f32 v8, v14;
	v11 =	vadd.f32 v11, v15;
	v14 =	vld [tilespmem:s6+$0x14D0]  }
0x3fe: {  	v2 =	vadd.f32 v2, v16;
	v3 =	vadd.f32 v3, v17;
	v15 =	vld [tilespmem:s6+$0x14E0]  }
0x3ff: {  	v8 =	vadd.f32 v9, v8;
	v9 =	vadd.f32 v12, v11;
	v11 =	vld [tilespmem:s6+$0x14F0]  }
0x400: {  	v0 =	vadd.f32 v0, v2;
	v1 =	vadd.f32 v1, v3  }
0x401: {  	v8 =	vadd.f32 v10, v8;
	v2 =	vmul.f32 v18, v4;
	v3 =	vmul.f32 v19, v5  }
0x402: {  	v9 =	vadd.f32 v13, v9;
	v10 =	vmul.f32 v20, v6;
	v12 =	vmul.f32 v21, v7  }
0x403: {  	v13 =	vmul.f32 v22, v0;
	v14 =	vmul.f32 v14, v1  }
0x404: {  	v15 =	vmul.f32 v15, v8;
	v11 =	vmul.f32 v11, v9  }
0x405: {  	v2 =	vadd.f32 v3, v2;
	v3 =	vadd.f32 v12, v10  }
0x406: {  	v10 =	vadd.f32 v14, v13;
	v11 =	vadd.f32 v11, v15;
	_ =	sdelay $0x1  }
0x407: {  	v2 =	vadd.f32 v3, v2;
	v3 =	vadd.f32 v11, v10  }
0x408: {  	s5 =	smul.u32 $0x540, s5  }
0x409: {  	v2 =	vadd.f32 v3, v2  }
0x40a: {  	s11 =	sshra.s32 s5, $0x2  }
0x40b: {  	[tilespmem:s11+$0xF480] =	vst v2  }
0x40c: {  	v10 =	vld [tilespmem:$0xE080]  }
0x40d: {  	v12 =	vld [tilespmem:$0xE090]  }
0x40e: {  	v13 =	vld [tilespmem:$0xE0A0]  }
0x40f: {  	v14 =	vld [tilespmem:$0xE0B0]  }
0x410: {  	v15 =	vld [tilespmem:$0xE0C0]  }
0x411: {  	v16 =	vld [tilespmem:$0xE0D0]  }
0x412: {  	v3 =	vsub.f32 $0.0e+00, v5;
	v5 =	vsub.f32 $0.0e+00, v7;
	v17 =	vld [tilespmem:$0xE0E0]  }
0x413: {  	v7 =	vsub.f32 $0.0e+00, v1;
	v2 =	vsub.f32 $0.0e+00, v4;
	v18 =	vld [tilespmem:$0xE0F0]  }
0x414: {  	v1 =	vsub.f32 $0.0e+00, v8;
	v4 =	vsub.f32 $0.0e+00, v6  }
0x415: {  	v6 =	vsub.f32 $0.0e+00, v0;
	v11 =	vmul.f32 v10, v2;
	v12 =	vmul.f32 v12, v3  }
0x416: {  	s12 =	simm.s32 $0xE170;
	v8 =	vsub.f32 $0.0e+00, v9;
	v13 =	vmul.f32 v13, v4;
	v14 =	vmul.f32 v14, v5  }
0x417: {  	v9 =	vld [tilespmem:s12+$0xFFFFFF90];
	v15 =	vmul.f32 v15, v6;
	v16 =	vmul.f32 v16, v7  }
0x418: {  	s26 =	simm.s32 $0x0;
	s5 =	simm.s32 $0x40;
	v0 =	vmov s13;
	v10 =	vld [tilespmem:s12+$0xFFFFFFA0];
	v17 =	vmul.f32 v17, v1;
	v18 =	vmul.f32 v18, v8  }
.LBB2_29:
0x419: {  	p1 =	sne.s32 s5, $0x480;
	v19 =	vld [tilespmem:s12+$0xFFFFFFB0];
	v11 =	vadd.f32 v12, v11;
	v12 =	vadd.f32 v14, v13  }
0x41a: {  	v13 =	vadd.f32 v16, v15;
	v14 =	vld [tilespmem:s12+$0xFFFFFFC0];
	v15 =	vadd.f32 v18, v17  }
0x41b: {  	v16 =	vld [tilespmem:s12+$0xFFFFFFD0]  }
0x41c: {  	v11 =	vadd.f32 v12, v11;
	v17 =	vld [tilespmem:s12+$0xFFFFFFE0];
	v12 =	vadd.f32 v15, v13  }
0x41d: {  	v18 =	vld [tilespmem:s12+$0xFFFFFFF0]  }
0x41e: {  	v20 =	vld [tilespmem:s12+$0x0];
	v13 =	vadd.f32 v12, v11  }
.Ltmp15:
0x41f: {  	s6 =	sshra.s32 s26, $0x2;
	s26 =	smov.u32 s5;
	(pc) =	sbr.rel @p1 .LBB2_29-.Ltmp15, $4  }
0x420: {  	v11 =	vmul.f32 v9, v2;
	v12 =	vmul.f32 v10, v3;
	[tilespmem:v0+s6+$0x0 ss:$0x1] =	vst.idx.msk $0xffff, v13  }
0x421: {  	s12 =	sadd.s32 $0x80, s12;
	v14 =	vmul.f32 v14, v5;
	v13 =	vmul.f32 v19, v4  }
0x422: {  	v15 =	vmul.f32 v16, v6;
	v16 =	vmul.f32 v17, v7;
	v9 =	vld [tilespmem:s12+$0xFFFFFF90]  }
0x423: {  	s5 =	sadd.s32 $0x40, s5;
	v17 =	vmul.f32 v18, v1;
	v10 =	vld [tilespmem:s12+$0xFFFFFFA0];
	v18 =	vmul.f32 v20, v8  }
0x424: {  	v19 =	vld [tilespmem:s12+$0xFFFFFFB0]  }
0x425: {  	v20 =	vld [tilespmem:s12+$0xFFFFFFC0]  }
0x426: {  	v21 =	vld [tilespmem:s12+$0xFFFFFFD0]  }
0x427: {  	v22 =	vld [tilespmem:s12+$0xFFFFFFE0]  }
0x428: {  	v23 =	vld [tilespmem:s12+$0xFFFFFFF0]  }
0x429: {  	v24 =	vld [tilespmem:s12+$0x0];
	_ =	sdelay $0x1  }
0x42a: {  	v11 =	vadd.f32 v12, v11;
	v2 =	vmul.f32 v9, v2;
	v3 =	vmul.f32 v10, v3  }
0x42b: {  	v12 =	vadd.f32 v18, v17;
	v4 =	vmul.f32 v19, v4;
	v5 =	vmul.f32 v20, v5  }
0x42c: {  	v9 =	vadd.f32 v14, v13;
	v6 =	vmul.f32 v21, v6;
	v7 =	vmul.f32 v22, v7  }
0x42d: {  	v10 =	vadd.f32 v16, v15;
	v1 =	vmul.f32 v23, v1;
	v8 =	vmul.f32 v24, v8  }
0x42e: {  	v2 =	vadd.f32 v3, v2;
	v3 =	vadd.f32 v5, v4  }
0x42f: {  	v4 =	vadd.f32 v7, v6;
	v1 =	vadd.f32 v8, v1  }
0x430: {  	v5 =	vadd.f32 v9, v11;
	v6 =	vadd.f32 v12, v10  }
0x431: {  	v2 =	vadd.f32 v3, v2;
	v1 =	vadd.f32 v1, v4  }
0x432: {  	v3 =	vadd.f32 v6, v5  }
0x433: {  	s5 =	sshra.s32 s26, $0x2;
	v1 =	vadd.f32 v1, v2  }
0x434: {  	[tilespmem:v0+s5+$0x0 ss:$0x1] =	vst.idx.msk $0xffff, v3  }
0x435: {  	s12 =	simm.s32 $0x9A80;
	[tilespmem:s11+$0xF5C0] =	vst v1  }
0x436: {  	v4 =	vld [tilespmem:s12+$0x200]  }
0x437: {  	v5 =	vld [tilespmem:s12+$0x210]  }
0x438: {  	v6 =	vld [tilespmem:s12+$0x220]  }
0x439: {  	v7 =	vld [tilespmem:s12+$0x230]  }
0x43a: {  	v0 =	vld [tilespmem:s12+$0x240]  }
0x43b: {  	v1 =	vld [tilespmem:s12+$0x250]  }
0x43c: {  	v8 =	vld [tilespmem:s12+$0x180]  }
0x43d: {  	v9 =	vld [tilespmem:s12+$0x190]  }
0x43e: {  	v10 =	vld [tilespmem:s12+$0x1A0]  }
0x43f: {  	v11 =	vld [tilespmem:s12+$0x1B0]  }
0x440: {  	v2 =	vld [tilespmem:s12+$0x1C0]  }
0x441: {  	v3 =	vld [tilespmem:s12+$0x1D0]  }
0x442: {  	v12 =	vld [tilespmem:s12+$0x100]  }
0x443: {  	v13 =	vld [tilespmem:s12+$0x110]  }
0x444: {  	v14 =	vld [tilespmem:s12+$0x120]  }
0x445: {  	v15 =	vld [tilespmem:s12+$0x130]  }
0x446: {  	v16 =	vld [tilespmem:s12+$0x80]  }
0x447: {  	v17 =	vld [tilespmem:s12+$0x90]  }
0x448: {  	v18 =	vld [tilespmem:s12+$0x0]  }
0x449: {  	v19 =	vld [tilespmem:s12+$0x10]  }
0x44a: {  	v58 =	vld [tilespmem:s12+$0x20]  }
0x44b: {  	v59 =	vld [tilespmem:s12+$0x30]  }
0x44c: {  	v60 =	vld [tilespmem:s12+$0xA0]  }
0x44d: {  	v61 =	vld [tilespmem:s12+$0xB0]  }
0x44e: {  	v62 =	vimm.f32 $0.0e+00;
	v25 =	vld [tilespmem:s12+$0x140]  }
0x44f: {  	v26 =	vld [tilespmem:s12+$0x150];
	v18 =	vadd.f32 v18, v62;
	v19 =	vadd.f32 v19, v62  }
0x450: {  	v27 =	vld [tilespmem:s12+$0xC0];
	v20 =	vadd.f32 v58, v62;
	v21 =	vadd.f32 v59, v62  }
0x451: {  	v63 =	vld [tilespmem:s12+$0x50];
	v16 =	vadd.f32 v16, v18;
	v17 =	vadd.f32 v17, v19  }
0x452: {  	v18 =	vld [tilespmem:s12+$0xD0];
	v20 =	vadd.f32 v60, v20;
	v21 =	vadd.f32 v61, v21  }
0x453: {  	v19 =	vld [tilespmem:s12+$0x40];
	v12 =	vadd.f32 v12, v16;
	v13 =	vadd.f32 v13, v17  }
0x454: {  	v16 =	vld [tilespmem:s12+$0x60];
	v14 =	vadd.f32 v14, v20;
	v15 =	vadd.f32 v15, v21  }
0x455: {  	v17 =	vld [tilespmem:s12+$0x70];
	v8 =	vadd.f32 v8, v12;
	v9 =	vadd.f32 v9, v13  }
0x456: {  	v13 =	vld [tilespmem:s12+$0xE0];
	v10 =	vadd.f32 v10, v14;
	v11 =	vadd.f32 v11, v15  }
0x457: {  	v15 =	vld [tilespmem:s12+$0xF0];
	v12 =	vadd.f32 v63, v62;
	v4 =	vadd.f32 v4, v8  }
0x458: {  	v5 =	vadd.f32 v5, v9;
	v8 =	vld [tilespmem:s12+$0x160];
	v6 =	vadd.f32 v6, v10  }
0x459: {  	v7 =	vadd.f32 v7, v11;
	v10 =	vadd.f32 v19, v62;
	v11 =	vld [tilespmem:s12+$0x170]  }
0x45a: {  	v9 =	vld [tilespmem:s12+$0x1E0];
	v14 =	vadd.f32 v16, v62;
	v16 =	vadd.f32 v17, v62  }
0x45b: {  	v18 =	vadd.f32 v18, v12;
	v12 =	vld [tilespmem:s12+$0x1F0];
	v17 =	vadd.f32 v27, v10  }
0x45c: {  	v10 =	vld [tilespmem:s12+$0x260];
	v14 =	vadd.f32 v13, v14;
	v15 =	vadd.f32 v15, v16  }
0x45d: {  	s26 =	simm.s32 $0x0;
	s11 =	simm.s32 $0x9D00;
	v13 =	vld [tilespmem:s12+$0x270];
	v16 =	vadd.f32 v25, v17;
	v17 =	vadd.f32 v26, v18  }
.LBB2_31:
0x45e: {  	v18 =	vld [tilespmem:s11+$0x200];
	v8 =	vadd.f32 v8, v14;
	v11 =	vadd.f32 v11, v15  }
0x45f: {  	v14 =	vld [tilespmem:s11+$0x210];
	v2 =	vadd.f32 v2, v16;
	v3 =	vadd.f32 v3, v17  }
0x460: {  	v15 =	vld [tilespmem:s11+$0x220];
	v8 =	vadd.f32 v9, v8;
	v9 =	vadd.f32 v12, v11  }
0x461: {  	v11 =	vld [tilespmem:s11+$0x230];
	v12 =	vadd.f32 v0, v2;
	v16 =	vadd.f32 v1, v3  }
0x462: {  	v0 =	vld [tilespmem:s11+$0x240];
	v10 =	vadd.f32 v10, v8;
	v9 =	vadd.f32 v13, v9  }
0x463: {  	v1 =	vld [tilespmem:s11+$0x250]  }
0x464: {  	v8 =	vld [tilespmem:s11+$0x180]  }
0x465: {  	v13 =	vld [tilespmem:s11+$0x190]  }
0x466: {  	v17 =	vld [tilespmem:s11+$0x1A0]  }
0x467: {  	v19 =	vld [tilespmem:s11+$0x1B0]  }
0x468: {  	v2 =	vld [tilespmem:s11+$0x1C0]  }
0x469: {  	v3 =	vld [tilespmem:s11+$0x1D0]  }
0x46a: {  	v20 =	vld [tilespmem:s11+$0x100]  }
0x46b: {  	v21 =	vld [tilespmem:s11+$0x110]  }
0x46c: {  	v22 =	vld [tilespmem:s11+$0x120]  }
0x46d: {  	v23 =	vld [tilespmem:s11+$0x130]  }
0x46e: {  	v24 =	vld [tilespmem:s11+$0x80]  }
0x46f: {  	v25 =	vld [tilespmem:s11+$0x90]  }
0x470: {  	v26 =	vld [tilespmem:s11+$0x0]  }
0x471: {  	v27 =	vld [tilespmem:s11+$0x10]  }
0x472: {  	v28 =	vld [tilespmem:s11+$0x20]  }
0x473: {  	v29 =	vld [tilespmem:s11+$0x30]  }
0x474: {  	v30 =	vld [tilespmem:s11+$0xA0]  }
0x475: {  	v31 =	vld [tilespmem:s11+$0xB0]  }
0x476: {  	v32 =	vld [tilespmem:s11+$0x140]  }
0x477: {  	v4 =	vadd.f32 v26, v4;
	v5 =	vadd.f32 v27, v5;
	v26 =	vld [tilespmem:s11+$0x150]  }
0x478: {  	v6 =	vadd.f32 v28, v6;
	v7 =	vadd.f32 v29, v7;
	v27 =	vld [tilespmem:s11+$0xC0]  }
0x479: {  	v4 =	vadd.f32 v24, v4;
	v5 =	vadd.f32 v25, v5;
	v24 =	vld [tilespmem:s11+$0xD0]  }
0x47a: {  	v6 =	vadd.f32 v30, v6;
	v25 =	vld [tilespmem:s11+$0x40];
	v7 =	vadd.f32 v31, v7  }
0x47b: {  	v4 =	vadd.f32 v20, v4;
	v5 =	vadd.f32 v21, v5;
	v28 =	vld [tilespmem:s11+$0x50]  }
0x47c: {  	v6 =	vadd.f32 v22, v6;
	v20 =	vld [tilespmem:s11+$0x60];
	v7 =	vadd.f32 v23, v7  }
0x47d: {  	s26 =	sadd.s32 $0x5, s26;
	v4 =	vadd.f32 v8, v4;
	v5 =	vadd.f32 v13, v5;
	v21 =	vld [tilespmem:s11+$0x70]  }
0x47e: {  	p1 =	slt.u32 s26, $0xF;
	v6 =	vadd.f32 v17, v6;
	v13 =	vld [tilespmem:s11+$0xE0];
	v7 =	vadd.f32 v19, v7  }
0x47f: {  	v4 =	vadd.f32 v18, v4;
	v5 =	vadd.f32 v14, v5;
	v17 =	vld [tilespmem:s11+$0xF0]  }
0x480: {  	v6 =	vadd.f32 v15, v6;
	v8 =	vld [tilespmem:s11+$0x160];
	v7 =	vadd.f32 v11, v7  }
.Ltmp16:
0x481: {  	v12 =	vadd.f32 v25, v12;
	v14 =	vadd.f32 v28, v16;
	v11 =	vld [tilespmem:s11+$0x170];
	(pc) =	sbr.rel @p1 .LBB2_31-.Ltmp16, $4  }
0x482: {  	v10 =	vadd.f32 v20, v10;
	v15 =	vadd.f32 v21, v9;
	v9 =	vld [tilespmem:s11+$0x1E0]  }
0x483: {  	v16 =	vadd.f32 v27, v12;
	v18 =	vadd.f32 v24, v14;
	v12 =	vld [tilespmem:s11+$0x1F0]  }
0x484: {  	v14 =	vadd.f32 v13, v10;
	v15 =	vadd.f32 v17, v15;
	v10 =	vld [tilespmem:s11+$0x260]  }
0x485: {  	v16 =	vadd.f32 v32, v16;
	v17 =	vadd.f32 v26, v18;
	v13 =	vld [tilespmem:s11+$0x270];
	s11 =	sadd.s32 $0x280, s11  }
0x486: {  	s5 =	sor.u32 $0x3, s19  }
0x487: {  	s6 =	sshll.u32 s5, $0x7  }
0x488: {  	s6 =	sand.u32 $0x3FFFFF80, s6  }
0x489: {  	v18 =	vld [tilespmem:s6+$0x1480]  }
0x48a: {  	v19 =	vld [tilespmem:s6+$0x1490]  }
0x48b: {  	v20 =	vld [tilespmem:s6+$0x14A0]  }
0x48c: {  	v21 =	vld [tilespmem:s6+$0x14B0]  }
0x48d: {  	v22 =	vld [tilespmem:s6+$0x14C0]  }
0x48e: {  	v8 =	vadd.f32 v8, v14;
	v11 =	vadd.f32 v11, v15;
	v14 =	vld [tilespmem:s6+$0x14D0]  }
0x48f: {  	v2 =	vadd.f32 v2, v16;
	v3 =	vadd.f32 v3, v17;
	v15 =	vld [tilespmem:s6+$0x14E0]  }
0x490: {  	v8 =	vadd.f32 v9, v8;
	v9 =	vadd.f32 v12, v11;
	v11 =	vld [tilespmem:s6+$0x14F0]  }
0x491: {  	v0 =	vadd.f32 v0, v2;
	v12 =	vadd.f32 v1, v3  }
0x492: {  	v8 =	vadd.f32 v10, v8;
	v1 =	vmul.f32 v18, v4;
	v2 =	vmul.f32 v19, v5  }
0x493: {  	v9 =	vadd.f32 v13, v9;
	v3 =	vmul.f32 v20, v6;
	v10 =	vmul.f32 v21, v7  }
0x494: {  	v13 =	vmul.f32 v22, v0;
	v14 =	vmul.f32 v14, v12  }
0x495: {  	v15 =	vmul.f32 v15, v8;
	v11 =	vmul.f32 v11, v9  }
0x496: {  	v1 =	vadd.f32 v2, v1;
	v2 =	vadd.f32 v10, v3  }
0x497: {  	v3 =	vadd.f32 v14, v13;
	v10 =	vadd.f32 v11, v15;
	_ =	sdelay $0x1  }
0x498: {  	v1 =	vadd.f32 v2, v1;
	v2 =	vadd.f32 v10, v3  }
0x499: {  	s5 =	smul.u32 $0x540, s5  }
0x49a: {  	v1 =	vadd.f32 v2, v1  }
0x49b: {  	s19 =	sshra.s32 s5, $0x2  }
0x49c: {  	[tilespmem:s19+$0xF480] =	vst v1  }
0x49d: {  	v10 =	vld [tilespmem:$0xEA80]  }
0x49e: {  	v11 =	vld [tilespmem:$0xEA90]  }
0x49f: {  	v13 =	vld [tilespmem:$0xEAA0]  }
0x4a0: {  	v14 =	vld [tilespmem:$0xEAB0]  }
0x4a1: {  	v15 =	vld [tilespmem:$0xEAC0]  }
0x4a2: {  	v16 =	vld [tilespmem:$0xEAD0]  }
0x4a3: {  	v3 =	vsub.f32 $0.0e+00, v6;
	v6 =	vsub.f32 $0.0e+00, v12;
	v17 =	vld [tilespmem:$0xEAE0]  }
0x4a4: {  	v2 =	vsub.f32 $0.0e+00, v5;
	v1 =	vsub.f32 $0.0e+00, v4;
	v18 =	vld [tilespmem:$0xEAF0]  }
0x4a5: {  	v5 =	vsub.f32 $0.0e+00, v0;
	v4 =	vsub.f32 $0.0e+00, v7  }
0x4a6: {  	s26 =	simm.s32 $0x0;
	v0 =	vsub.f32 $0.0e+00, v8;
	v8 =	vmul.f32 v10, v1;
	v10 =	vmul.f32 v11, v2  }
0x4a7: {  	v7 =	vsub.f32 $0.0e+00, v9;
	v12 =	vld [tilespmem:s26+$0xEB00];
	v9 =	vmul.f32 v13, v3;
	v11 =	vmul.f32 v14, v4  }
0x4a8: {  	v19 =	vld [tilespmem:s26+$0xEB30];
	v13 =	vmul.f32 v15, v5;
	v14 =	vmul.f32 v16, v6  }
0x4a9: {  	v63 =	vld [tilespmem:s26+$0xEB70];
	v16 =	vmul.f32 v17, v0;
	v17 =	vmul.f32 v18, v7  }
0x4aa: {  	v15 =	vld [tilespmem:s26+$0xEB10];
	v8 =	vadd.f32 v10, v8;
	v9 =	vadd.f32 v11, v9  }
0x4ab: {  	v18 =	vld [tilespmem:s26+$0xEB20];
	v10 =	vadd.f32 v14, v13;
	v11 =	vadd.f32 v17, v16  }
0x4ac: {  	v13 =	vld [tilespmem:s26+$0xEB40]  }
0x4ad: {  	v16 =	vld [tilespmem:s26+$0xEB50];
	v8 =	vadd.f32 v9, v8;
	v9 =	vadd.f32 v11, v10  }
0x4ae: {  	v17 =	vld [tilespmem:s26+$0xEB60]  }
0x4af: {  	v8 =	vadd.f32 v9, v8  }
0x4b0: {  	v14 =	vmul.f32 v19, v4;
	v10 =	vmul.f32 v12, v1  }
0x4b1: {  	s12 =	simm.s32 $0x80;
	v11 =	vmul.f32 v15, v2;
	v12 =	vmul.f32 v18, v3;
	[tilespmem:s14+$0x0] =	vst v8  }
0x4b2: {  	v13 =	vmul.f32 v13, v5;
	v15 =	vmul.f32 v16, v6;
	v8 =	vld [tilespmem:s12+$0xEB00]  }
0x4b3: {  	s11 =	smov.u32 s14;
	s5 =	simm.s32 $0x400;
	v16 =	vmul.f32 v17, v0;
	v17 =	vmul.f32 v63, v7;
	v9 =	vld [tilespmem:s12+$0xEB10]  }
.LBB2_33:
0x4b4: {  	p1 =	sne.s32 s5, $0x2400;
	v18 =	vld [tilespmem:s12+$0xEB20];
	v10 =	vadd.f32 v11, v10;
	v11 =	vadd.f32 v14, v12  }
0x4b5: {  	v12 =	vadd.f32 v15, v13;
	v14 =	vld [tilespmem:s12+$0xEB30];
	v13 =	vadd.f32 v17, v16  }
0x4b6: {  	v15 =	vld [tilespmem:s12+$0xEB40]  }
0x4b7: {  	v10 =	vadd.f32 v11, v10;
	v16 =	vld [tilespmem:s12+$0xEB50];
	v11 =	vadd.f32 v13, v12  }
0x4b8: {  	v17 =	vld [tilespmem:s12+$0xEB60]  }
0x4b9: {  	v19 =	vld [tilespmem:s12+$0xEB70];
	v12 =	vadd.f32 v11, v10  }
.Ltmp17:
0x4ba: {  	s11 =	sadd.s32 $0x10, s11;
	(pc) =	sbr.rel @p1 .LBB2_33-.Ltmp17, $4  }
0x4bb: {  	v10 =	vmul.f32 v8, v1;
	v11 =	vmul.f32 v9, v2;
	[tilespmem:s11+$0x0] =	vst v12  }
0x4bc: {  	s12 =	sshra.s32 s5, $0x2;
	v14 =	vmul.f32 v14, v4;
	v12 =	vmul.f32 v18, v3  }
0x4bd: {  	v13 =	vmul.f32 v15, v5;
	v15 =	vmul.f32 v16, v6;
	v8 =	vld [tilespmem:s12+$0xEB00]  }
0x4be: {  	s5 =	sadd.s32 $0x200, s5;
	v16 =	vmul.f32 v17, v0;
	v9 =	vld [tilespmem:s12+$0xEB10];
	v17 =	vmul.f32 v19, v7  }
0x4bf: {  	v18 =	vld [tilespmem:s12+$0xEB20]  }
0x4c0: {  	v19 =	vld [tilespmem:s12+$0xEB30]  }
0x4c1: {  	v20 =	vld [tilespmem:s12+$0xEB40]  }
0x4c2: {  	v21 =	vld [tilespmem:s12+$0xEB50]  }
0x4c3: {  	v22 =	vld [tilespmem:s12+$0xEB60]  }
0x4c4: {  	v23 =	vld [tilespmem:s12+$0xEB70];
	_ =	sdelay $0x1  }
0x4c5: {  	v10 =	vadd.f32 v11, v10;
	v1 =	vmul.f32 v8, v1;
	v2 =	vmul.f32 v9, v2  }
0x4c6: {  	v56 =	vadd.f32 v14, v12;
	v3 =	vmul.f32 v18, v3;
	v4 =	vmul.f32 v19, v4  }
0x4c7: {  	v57 =	vadd.f32 v15, v13;
	v5 =	vmul.f32 v20, v5;
	v6 =	vmul.f32 v21, v6  }
0x4c8: {  	v58 =	vadd.f32 v17, v16;
	v0 =	vmul.f32 v22, v0;
	v7 =	vmul.f32 v23, v7  }
0x4c9: {  	v1 =	vadd.f32 v2, v1;
	v59 =	vadd.f32 v4, v3  }
0x4ca: {  	v60 =	vadd.f32 v6, v5;
	v0 =	vadd.f32 v7, v0  }
0x4cb: {  	v61 =	vadd.f32 v56, v10;
	v62 =	vadd.f32 v58, v57  }
.Ltmp18:
0x4cc: {  	v1 =	vadd.f32 v59, v1;
	v0 =	vadd.f32 v0, v60;
	(pc) =	sbr.rel @p0 .LBB2_36-.Ltmp18, $4  }
0x4cd: {  	v63 =	vadd.f32 v62, v61  }
0x4ce: {  	s5 =	sadd.s32 $0x10, s11;
	v0 =	vadd.f32 v0, v1  }
0x4cf: {  	[tilespmem:s5+$0x0] =	vst v63  }
0x4d0: {  	[tilespmem:s19+$0xF5C0] =	vst v0  }
0x4d1: {  	s5 =	smul.u32 $0xA0, s17  }
0x4d2: {  	s17 =	sadd.s32 $0x1, s17;
	s16 =	sadd.s32 $0xA80, s16;
	s29 =	sadd.s32 $0xA80, s29  }
.Ltmp19:
0x4d3: {  	s30 =	sadd.s32 $0xA80, s30;
	s31 =	sadd.s32 $0xA80, s31;
	(pc) =	sbr.rel .LBB2_2-.Ltmp19, $4  }
0x4d4: {  	s1 =	sadd.s32 $0xA80, s1;
	s0 =	sadd.s32 $0xA80, s0;
	s6 =	sadd.s32 $0xF0, s5  }
0x4d5: {  	[tilespmem:s18], [sflag:$0x3] =	stream.indirect.gather [hbm4b:s2+s15], $0x80, s6, s15, $0xb8;
	[tilespmem:$0x19C80] =	vst v63  }
0x4d6: {  	s13 =	sadd.s32 $0xA80, s13;
	s14 =	sadd.s32 $0xA80, s14;
	s5 =	sadd.s32 $0xAF0, s5  }
0x4d7: {  	[tilespmem:s20], [sflag:$0x5] =	stream.indirect.gather [hbm4b:s3+s15], $0x80, s5, s15, $0xb8;
	[tilespmem:$0x19C80] =	vst v63  }
.LBB2_37:
0x4d8: {  	_ =	sfence.sel $0x180000  }
0x4d9: {  	[bflag:$0x0] =	sbarrier.arrive $0xFFFF  }
0x4da: {  	_ =	strace $0x90000047  }
0x4db: {  	s0 =	stileid.u32;
	[bflag:$0x2] =	sbarrier.arrive $0xFFFF  }
0x4dc: {  	p0 =	sne.s32 s0, $0x0;
	s0 =	rddreg [dreg:$0x4]  }
0x4dd: {  	s0 =	sadd.s32 @!p0 $0x100000, s0  }
0x4de: {  	[sflag:s0] =	ssyncadd.tile.s32 @!p0 $0x1;
	_ =	shalt  }
.Lfunc_end2:
_tile_overlayer_lowered:
.L_overlay_start_2:
0x4df: {  	(tag) =	ssettag $0x2  }
0x4e0: {  	s0 =	rddreg [dreg:$0x0];
	s2 =	stileid.u32  }
0x4e1: {  	s1 =	rddreg [dreg:$0x1];
	p0 =	sne.s32 s2, $0x0  }
0x4e2: {  	s3 =	rddreg [dreg:$0x2];
	[bflag:$0x3] =	sbarrier.arrive $0xFFFF;
	s2 =	simm.s32 @!p0 $0x1C06  }
0x4e3: {  	[timem:s3], [sflag:s2] =	dma.local @!p0 [hbm:s0], s1  }
0x4e4: {  	s0 =	simm.s32 @!p0 $0x6  }
0x4e5: {  	_ =	swait.ge @!p0 [sflag:s0], s1  }
0x4e6: {  	s1 =	ssub.s32 @!p0 $0x0, s1;
	[sflag:s0] =	ssyncset.done @!p0 $0x0  }
0x4e7: {  	[sflag:s0] =	ssyncadd.s32 @!p0 s1  }
0x4e8: {  	[bflag:$0x3] =	sbarrier.arrive $0xFFFF  }
0x4e9: {  	_ =	shalt  }

</sc_bundles>
